<compile_context>
chip_gen: v7x
topology: tpu7x:2x2x1
jax: 0.10.2.dev20260603
libtpu: 0.0.44.dev20260713+nightly
codegen_flags: <defaults>
</compile_context>

<pallas_src>
import functools

import jax
import jax.numpy as jnp
from jax import lax
from jax.experimental import pallas as pl
from jax.experimental.pallas import tpu as pltpu
from jax.experimental.pallas import tpu_sc as plsc

N = 10000
E = 160000
D = 256
OUT = 2
HF = 128
NP = 10240
TILES = 16
TPE = E // TILES
CH = 125
NCH = TPE // CH
GC = 40
NG = NCH // GC
NSL = NP // TILES
NP2 = 10112
SPT = NP2 // TILES
ZR = 24

_MESH = plsc.VectorSubcoreMesh(
    core_axis_name="c", subcore_axis_name="s", num_cores=2, num_subcores=16)


@functools.partial(
    pl.kernel,
    out_type=jax.ShapeDtypeStruct((2, NP), jnp.float32),
    mesh=_MESH,
    scratch_types=[
        pltpu.VMEM((TPE,), jnp.int32),
        pltpu.VMEM((NP,), jnp.float32),
        pltpu.VMEM((TILES, NSL), jnp.float32),
        pltpu.VMEM((NSL,), jnp.float32),
        pltpu.VMEM_SHARED((TILES, NP), jnp.float32),
    ],
    compiler_params=pltpu.CompilerParams(needs_layout_passes=False),
)
def _sc_degrees(ei_hbm, deg_hbm, idx_v, cnt_v, tmp_v, acc_v, shared):
    c = lax.axis_index("c")
    s = lax.axis_index("s")
    pltpu.sync_copy(ei_hbm.at[c * TILES + s], idx_v)
    z16 = jnp.zeros((16,), jnp.float32)

    def zbody(j, carry):
        for u in range(8):
            cnt_v[pl.ds(j * 128 + u * 16, 16)] = z16
        return carry
    lax.fori_loop(0, NP // 128, zbody, 0)

    ones = jnp.ones((16,), jnp.float32)

    def abody(j, carry):
        idx = idx_v[pl.ds(j * 16, 16)]
        plsc.addupdate_scatter(cnt_v, [idx], ones)
        return carry
    lax.fori_loop(0, TPE // 16, abody, 0)

    pltpu.sync_copy(cnt_v, shared.at[s])
    plsc.subcore_barrier()
    for r in range(TILES):
        pltpu.sync_copy(shared.at[r, pl.ds(s * NSL, NSL)], tmp_v.at[r])

    def rbody(j, carry):
        v = tmp_v[0, pl.ds(j * 16, 16)]
        for r in range(1, TILES):
            v = v + tmp_v[r, pl.ds(j * 16, 16)]
        acc_v[pl.ds(j * 16, 16)] = v
        return carry
    lax.fori_loop(0, NSL // 16, rbody, 0)
    pltpu.sync_copy(acc_v, deg_hbm.at[c, pl.ds(s * NSL, NSL)])


@functools.partial(
    pl.kernel,
    out_type=jax.ShapeDtypeStruct((2 * NP2, HF), jnp.float32),
    mesh=_MESH,
    scratch_types=[
        pltpu.VMEM((GC, CH), jnp.int32),
        pltpu.VMEM((GC, CH), jnp.int32),
        pltpu.VMEM((2, CH, HF), jnp.float32),
        pltpu.VMEM((ZR, HF), jnp.float32),
        pltpu.VMEM_SHARED((NP2, HF), jnp.float32),
        pltpu.SemaphoreType.DMA((2,)),
        pltpu.SemaphoreType.DMA,
    ],
    compiler_params=pltpu.CompilerParams(needs_layout_passes=False),
)
def _sc_spmm(h_hbm, src_hbm, dst_hbm, agg_hbm, src_m, dst_m, buf, zbuf,
             agg_sh, gsem, zsem):
    c = lax.axis_index("c")
    s = lax.axis_index("s")

    z16 = jnp.zeros((16,), jnp.float32)
    for r in range(ZR):
        for k in range(HF // 16):
            zbuf[r, pl.ds(k * 16, 16)] = z16

    nz = SPT // ZR

    def zc(j, carry):
        pltpu.async_copy(zbuf, agg_sh.at[pl.ds(s * SPT + j * ZR, ZR)], zsem)

        @pl.when(j >= 4)
        def _():
            pltpu.make_async_copy(
                zbuf, agg_sh.at[pl.ds(s * SPT, ZR)], zsem).wait()
        return carry
    lax.fori_loop(0, nz, zc, 0)
    ztail = agg_sh.at[pl.ds(s * SPT + nz * ZR, SPT - nz * ZR)]
    pltpu.async_copy(zbuf.at[pl.ds(0, SPT - nz * ZR)], ztail, zsem)

    pltpu.sync_copy(src_hbm.at[(c * TILES + s) * NG], src_m)
    pltpu.sync_copy(dst_hbm.at[s * NG], dst_m)
    pltpu.async_copy(h_hbm.at[src_m.at[0]], buf.at[0], gsem.at[0])

    for _ in range(4):
        pltpu.make_async_copy(zbuf, agg_sh.at[pl.ds(s * SPT, ZR)],
                              zsem).wait()
    pltpu.make_async_copy(zbuf.at[pl.ds(0, SPT - nz * ZR)], ztail,
                          zsem).wait()
    plsc.subcore_barrier()

    for g in range(NG):
        if g > 0:
            pltpu.sync_copy(src_hbm.at[(c * TILES + s) * NG + g], src_m)
            pltpu.sync_copy(dst_hbm.at[s * NG + g], dst_m)
            pltpu.async_copy(h_hbm.at[src_m.at[0]], buf.at[0], gsem.at[0])

        def body(j, carry):
            p = lax.rem(j, 2)
            q = lax.rem(j + 1, 2)
            pltpu.async_copy(h_hbm.at[src_m.at[j]], buf.at[p], gsem.at[p])
            pltpu.make_async_copy(
                h_hbm.at[src_m.at[j - 1]], buf.at[q], gsem.at[q]).wait()
            pltpu.sync_copy(buf.at[q], agg_sh.at[dst_m.at[j - 1]], add=True)
            return carry
        lax.fori_loop(1, GC, body, 0)

        lp = (GC - 1) % 2
        pltpu.make_async_copy(
            h_hbm.at[src_m.at[GC - 1]], buf.at[lp], gsem.at[lp]).wait()
        pltpu.sync_copy(buf.at[lp], agg_sh.at[dst_m.at[GC - 1]], add=True)

    plsc.subcore_barrier()
    pltpu.sync_copy(agg_sh.at[pl.ds(s * SPT, SPT)],
                    agg_hbm.at[pl.ds(c * NP2 + s * SPT, SPT)])


BN = 2000
GRID = N // BN


def _tc1_body(x_ref, w_ref, dg_ref, out_ref):
    r = lax.rsqrt(jnp.maximum(dg_ref[...], 1.0))
    y = jnp.dot(x_ref[...].astype(jnp.bfloat16),
                w_ref[...].astype(jnp.bfloat16),
                preferred_element_type=jnp.float32)
    y = y * r
    out_ref[0] = y[:, :HF]
    out_ref[1] = y[:, HF:]


_tc1 = pl.pallas_call(
    _tc1_body,
    grid=(GRID,),
    in_specs=[
        pl.BlockSpec((BN, D), lambda i: (i, 0)),
        pl.BlockSpec((D, D), lambda i: (0, 0)),
        pl.BlockSpec((BN, 1), lambda i: (i, 0)),
    ],
    out_specs=pl.BlockSpec((2, BN, HF), lambda i: (0, i, 0)),
    out_shape=jax.ShapeDtypeStruct((2, NP2, HF), jnp.float32),
)


def _tc2_body(a_ref, din_ref, dout_ref, w_ref, b_ref, out_ref):
    rin = lax.rsqrt(jnp.maximum(din_ref[...], 1.0))
    rout = lax.rsqrt(jnp.maximum(dout_ref[...], 1.0))
    a = jnp.concatenate([a_ref[0], a_ref[1]], axis=1)
    h = jnp.maximum(a * rin + b_ref[...], 0.0)
    y = jnp.dot(h.astype(jnp.bfloat16), w_ref[...].astype(jnp.bfloat16),
                preferred_element_type=jnp.float32) * rout
    out_ref[0] = y[:, :HF]
    out_ref[1] = y[:, HF:]


_tc2 = pl.pallas_call(
    _tc2_body,
    grid=(GRID,),
    in_specs=[
        pl.BlockSpec((2, BN, HF), lambda i: (0, i, 0)),
        pl.BlockSpec((BN, 1), lambda i: (i, 0)),
        pl.BlockSpec((BN, 1), lambda i: (i, 0)),
        pl.BlockSpec((D, D), lambda i: (0, 0)),
        pl.BlockSpec((1, D), lambda i: (0, 0)),
    ],
    out_specs=pl.BlockSpec((2, BN, HF), lambda i: (0, i, 0)),
    out_shape=jax.ShapeDtypeStruct((2, NP2, HF), jnp.float32),
)


def _tc3_body(a_ref, din_ref, b_ref, wr_ref, br_ref, out_ref, acc_ref):
    i = pl.program_id(0)

    @pl.when(i == 0)
    def _():
        acc_ref[...] = jnp.zeros_like(acc_ref)

    rin = lax.rsqrt(jnp.maximum(din_ref[...], 1.0))
    a = jnp.concatenate([a_ref[0], a_ref[1]], axis=1)
    h = jnp.maximum(a * rin + b_ref[...], 0.0)
    acc_ref[...] += jnp.sum(h, axis=0, keepdims=True)

    @pl.when(i == GRID - 1)
    def _():
        out_ref[...] = jnp.dot(
            acc_ref[...] * (1.0 / N), wr_ref[...],
            preferred_element_type=jnp.float32) + br_ref[...]


_tc3 = pl.pallas_call(
    _tc3_body,
    grid=(GRID,),
    in_specs=[
        pl.BlockSpec((2, BN, HF), lambda i: (0, i, 0)),
        pl.BlockSpec((BN, 1), lambda i: (i, 0)),
        pl.BlockSpec((1, D), lambda i: (0, 0)),
        pl.BlockSpec((D, OUT), lambda i: (0, 0)),
        pl.BlockSpec((1, OUT), lambda i: (0, 0)),
    ],
    out_specs=pl.BlockSpec((1, OUT), lambda i: (0, 0)),
    out_shape=jax.ShapeDtypeStruct((1, OUT), jnp.float32),
    scratch_shapes=[pltpu.VMEM((1, D), jnp.float32)],
)


def kernel(x, edge_index, W1, b1, W2, b2, Wr, br):
    ei32 = edge_index.reshape(2 * TILES, TPE)
    deg = _sc_degrees(ei32)
    deg_out_col = deg[0, :N].reshape(N, 1)
    deg_in_col = deg[1, :N].reshape(N, 1)

    src = edge_index[0]
    src3 = jnp.stack([src, src + NP2]).reshape(2 * TILES * NG, GC, CH)
    dst3 = edge_index[1].reshape(TILES * NG, GC, CH)

    t1 = _tc1(x, W1, deg_out_col)
    agg1 = _sc_spmm(t1.reshape(2 * NP2, HF), src3, dst3)
    t2 = _tc2(agg1.reshape(2, NP2, HF), deg_in_col, deg_out_col,
              W2, b1.reshape(1, D))
    agg2 = _sc_spmm(t2.reshape(2 * NP2, HF), src3, dst3)
    return _tc3(agg2.reshape(2, NP2, HF), deg_in_col,
                b2.reshape(1, D), Wr, br.reshape(1, OUT))

# --- scband reference (transcript-rebuilt; emitter-appended) ---
"""Pipeline reference for scband-gcnclassifier-19997367730795 (READ-ONLY COPY).

The authoritative reference and input builder live on the scoring server;
editing this copy changes nothing except your own understanding.
"""

import jax, jax.numpy as jnp
import numpy as np

N = 10000
E = 160000
D = 256
H = 256
OUT = 2


def setup_inputs(seed: int = 0) -> dict:
    key = jax.random.key(seed)
    ks = jax.random.split(key, 9)
    x = jax.random.normal(ks[0], (N, D), dtype=jnp.float32)
    edge_index = jax.random.randint(ks[1], (2, E), 0, N, dtype=jnp.int32)
    W1 = jax.random.normal(ks[2], (D, H), dtype=jnp.float32) * (1.0 / np.sqrt(D))
    b1 = jnp.zeros((H,), dtype=jnp.float32)
    W2 = jax.random.normal(ks[3], (H, H), dtype=jnp.float32) * (1.0 / np.sqrt(H))
    b2 = jnp.zeros((H,), dtype=jnp.float32)
    Wr = jax.random.normal(ks[4], (H, OUT), dtype=jnp.float32) * (1.0 / np.sqrt(H))
    br = jnp.zeros((OUT,), dtype=jnp.float32)
    return {"x": x, "edge_index": edge_index, "W1": W1, "b1": b1, "W2": W2, "b2": b2, "Wr": Wr, "br": br}


def _gcn_conv(x, edge_index, W, b):
    # DGL GraphConv with norm='both', allow_zero_in_degree=True:
    # h = D_in^{-1/2} * A^T * (D_out^{-1/2} * x) @ W + b, degrees clamped to min 1
    src = edge_index[0]
    dst = edge_index[1]
    ones = jnp.ones((src.shape[0],), dtype=x.dtype)
    deg_out = jnp.clip(jax.ops.segment_sum(ones, src, num_segments=N), 1.0)
    deg_in = jnp.clip(jax.ops.segment_sum(ones, dst, num_segments=N), 1.0)
    h = x * (deg_out ** -0.5)[:, None]
    msg = jnp.take(h, src, axis=0)
    agg = jax.ops.segment_sum(msg, dst, num_segments=N)
    agg = agg * (deg_in ** -0.5)[:, None]
    return agg @ W + b


def reference(x, edge_index, W1, b1, W2, b2, Wr, br):
    h = jax.nn.relu(_gcn_conv(x, edge_index, W1, b1))
    h = jax.nn.relu(_gcn_conv(h, edge_index, W2, b2))
    hg = jnp.mean(h, axis=0, keepdims=True)
    return hg @ Wr + br

if __name__ == "__main__":
    import jax
    _d = setup_inputs()
    print(jax.jit(kernel)(*tuple(_d.values())))

</pallas_src>

<mosaic_0001>
#map = affine_map<(d0, d1) -> (0, 0)>
module attributes {stable_mosaic.version = 14 : i64} {
  func.func @_sc_degrees(%arg0: i32, %arg1: i32, %arg2: memref<32x10000xi32, #tpu.memory_space<hbm>>, %arg3: memref<2x10240xf32, #tpu.memory_space<hbm>>, %arg4: memref<10000xi32, #tpu.memory_space<vmem>>, %arg5: memref<10240xf32, #tpu.memory_space<vmem>>, %arg6: memref<16x640xf32, #tpu.memory_space<vmem>>, %arg7: memref<640xf32, #tpu.memory_space<vmem>>, %arg8: memref<16x10240xf32, #tpu.memory_space<vmem_shared>>) attributes {dimension_semantics = [#tpu.dimension_semantics<core_parallel>, #tpu.dimension_semantics<subcore_parallel>], iteration_bounds = array<i64: 2, 16>, scalar_prefetch = 0 : i64, scratch_operands = 5 : i64, tpu.core_type = #tpu.core_type<sc_vector_subcore>, window_params = [{transform_indices = #map}, {transform_indices = #map}]} {
    %mul3A = arith.constant 16 : i32
    %mul3A_0 = arith.muli %arg0, %mul3A : i32
    %add3A = arith.addi %mul3A_0, %arg1 : i32
    "tpu.region"() ({
      %run_scoped3A_86 = tpu.sem_alloc : memref<!tpu.dma_semaphore, #tpu.memory_space<semaphore_mem>>
      %dma_start3A = arith.constant 0 : i32
      %dma_start3A_87 = tpu.memref_slice %arg2[%add3A, %dma_start3A] : memref<32x10000xi32, #tpu.memory_space<hbm>> -> memref<1x10000xi32, #tpu.memory_space<hbm>>
      %dma_start3A_88 = tpu.memref_squeeze %dma_start3A_87 : memref<1x10000xi32, #tpu.memory_space<hbm>> -> memref<10000xi32, #tpu.memory_space<hbm>>
      %dma_start3A_89 = arith.constant 0 : i32
      %dma_start3A_90 = tpu.memref_slice %arg2[%add3A, %dma_start3A_89] : memref<32x10000xi32, #tpu.memory_space<hbm>> -> memref<1x10000xi32, #tpu.memory_space<hbm>>
      %dma_start3A_91 = tpu.memref_squeeze %dma_start3A_90 : memref<1x10000xi32, #tpu.memory_space<hbm>> -> memref<10000xi32, #tpu.memory_space<hbm>>
      tpu.enqueue_dma source(%dma_start3A_91 : memref<10000xi32, #tpu.memory_space<hbm>>) target(%arg4 : memref<10000xi32, #tpu.memory_space<vmem>>) target_semaphore(%run_scoped3A_86 : memref<!tpu.dma_semaphore, #tpu.memory_space<semaphore_mem>>)
      %dma_wait3A = arith.constant 0 : i32
      %dma_wait3A_92 = tpu.memref_slice %arg2[%add3A, %dma_wait3A] : memref<32x10000xi32, #tpu.memory_space<hbm>> -> memref<1x10000xi32, #tpu.memory_space<hbm>>
      %dma_wait3A_93 = tpu.memref_squeeze %dma_wait3A_92 : memref<1x10000xi32, #tpu.memory_space<hbm>> -> memref<10000xi32, #tpu.memory_space<hbm>>
      %dma_wait3A_94 = arith.constant 0 : i32
      %dma_wait3A_95 = tpu.memref_slice %arg2[%add3A, %dma_wait3A_94] : memref<32x10000xi32, #tpu.memory_space<hbm>> -> memref<1x10000xi32, #tpu.memory_space<hbm>>
      %dma_wait3A_96 = tpu.memref_squeeze %dma_wait3A_95 : memref<1x10000xi32, #tpu.memory_space<hbm>> -> memref<10000xi32, #tpu.memory_space<hbm>>
      tpu.wait_dma2 semaphore(%run_scoped3A_86 : memref<!tpu.dma_semaphore, #tpu.memory_space<semaphore_mem>>) src(%dma_wait3A_96 : memref<10000xi32, #tpu.memory_space<hbm>>) dst(%arg4 : memref<10000xi32, #tpu.memory_space<vmem>>)
      tpu.yield
    }) : () -> ()
    %broadcast_in_dim3A = arith.constant 0.000000e+00 : f32
    %broadcast_in_dim3A_1 = vector.broadcast %broadcast_in_dim3A : f32 to vector<16xf32>
    %scan3A = arith.constant 0 : i32
    %scan3A_2 = arith.constant 0 : i32
    %scan3A_3 = arith.constant 80 : i32
    %scan3A_4 = arith.addi %scan3A_2, %scan3A_3 : i32
    %scan3A_5 = arith.constant 1 : i32
    scf.for %scan3A_86 = %scan3A_2 to %scan3A_4 step %scan3A_5  : i32 {
      %mul3A_87 = arith.constant 128 : i32
      %mul3A_88 = arith.muli %scan3A_86, %mul3A_87 : i32
      %add3A_89 = arith.constant 0 : i32
      %add3A_90 = arith.addi %mul3A_88, %add3A_89 : i32
      %swap3A = arith.index_cast %add3A_90 : i32 to index
      %swap3A_91 = tpu.vector_load %arg5[%swap3A] {strides = array<i32>} : memref<10240xf32, #tpu.memory_space<vmem>>, vector<16xf32>,
      tpu.vector_store %arg5[%swap3A], %broadcast_in_dim3A_1 {strides = array<i32>} : memref<10240xf32, #tpu.memory_space<vmem>>, vector<16xf32>,
      %mul3A_92 = arith.constant 128 : i32
      %mul3A_93 = arith.muli %scan3A_86, %mul3A_92 : i32
      %add3A_94 = arith.constant 16 : i32
      %add3A_95 = arith.addi %mul3A_93, %add3A_94 : i32
      %swap3A_96 = arith.index_cast %add3A_95 : i32 to index
      %swap3A_97 = tpu.vector_load %arg5[%swap3A_96] {strides = array<i32>} : memref<10240xf32, #tpu.memory_space<vmem>>, vector<16xf32>,
      tpu.vector_store %arg5[%swap3A_96], %broadcast_in_dim3A_1 {strides = array<i32>} : memref<10240xf32, #tpu.memory_space<vmem>>, vector<16xf32>,
      %mul3A_98 = arith.constant 128 : i32
      %mul3A_99 = arith.muli %scan3A_86, %mul3A_98 : i32
      %add3A_100 = arith.constant 32 : i32
      %add3A_101 = arith.addi %mul3A_99, %add3A_100 : i32
      %swap3A_102 = arith.index_cast %add3A_101 : i32 to index
      %swap3A_103 = tpu.vector_load %arg5[%swap3A_102] {strides = array<i32>} : memref<10240xf32, #tpu.memory_space<vmem>>, vector<16xf32>,
      tpu.vector_store %arg5[%swap3A_102], %broadcast_in_dim3A_1 {strides = array<i32>} : memref<10240xf32, #tpu.memory_space<vmem>>, vector<16xf32>,
      %mul3A_104 = arith.constant 128 : i32
      %mul3A_105 = arith.muli %scan3A_86, %mul3A_104 : i32
      %add3A_106 = arith.constant 48 : i32
      %add3A_107 = arith.addi %mul3A_105, %add3A_106 : i32
      %swap3A_108 = arith.index_cast %add3A_107 : i32 to index
      %swap3A_109 = tpu.vector_load %arg5[%swap3A_108] {strides = array<i32>} : memref<10240xf32, #tpu.memory_space<vmem>>, vector<16xf32>,
      tpu.vector_store %arg5[%swap3A_108], %broadcast_in_dim3A_1 {strides = array<i32>} : memref<10240xf32, #tpu.memory_space<vmem>>, vector<16xf32>,
      %mul3A_110 = arith.constant 128 : i32
      %mul3A_111 = arith.muli %scan3A_86, %mul3A_110 : i32
      %add3A_112 = arith.constant 64 : i32
      %add3A_113 = arith.addi %mul3A_111, %add3A_112 : i32
      %swap3A_114 = arith.index_cast %add3A_113 : i32 to index
      %swap3A_115 = tpu.vector_load %arg5[%swap3A_114] {strides = array<i32>} : memref<10240xf32, #tpu.memory_space<vmem>>, vector<16xf32>,
      tpu.vector_store %arg5[%swap3A_114], %broadcast_in_dim3A_1 {strides = array<i32>} : memref<10240xf32, #tpu.memory_space<vmem>>, vector<16xf32>,
      %mul3A_116 = arith.constant 128 : i32
      %mul3A_117 = arith.muli %scan3A_86, %mul3A_116 : i32
      %add3A_118 = arith.constant 80 : i32
      %add3A_119 = arith.addi %mul3A_117, %add3A_118 : i32
      %swap3A_120 = arith.index_cast %add3A_119 : i32 to index
      %swap3A_121 = tpu.vector_load %arg5[%swap3A_120] {strides = array<i32>} : memref<10240xf32, #tpu.memory_space<vmem>>, vector<16xf32>,
      tpu.vector_store %arg5[%swap3A_120], %broadcast_in_dim3A_1 {strides = array<i32>} : memref<10240xf32, #tpu.memory_space<vmem>>, vector<16xf32>,
      %mul3A_122 = arith.constant 128 : i32
      %mul3A_123 = arith.muli %scan3A_86, %mul3A_122 : i32
      %add3A_124 = arith.constant 96 : i32
      %add3A_125 = arith.addi %mul3A_123, %add3A_124 : i32
      %swap3A_126 = arith.index_cast %add3A_125 : i32 to index
      %swap3A_127 = tpu.vector_load %arg5[%swap3A_126] {strides = array<i32>} : memref<10240xf32, #tpu.memory_space<vmem>>, vector<16xf32>,
      tpu.vector_store %arg5[%swap3A_126], %broadcast_in_dim3A_1 {strides = array<i32>} : memref<10240xf32, #tpu.memory_space<vmem>>, vector<16xf32>,
      %mul3A_128 = arith.constant 128 : i32
      %mul3A_129 = arith.muli %scan3A_86, %mul3A_128 : i32
      %add3A_130 = arith.constant 112 : i32
      %add3A_131 = arith.addi %mul3A_129, %add3A_130 : i32
      %swap3A_132 = arith.index_cast %add3A_131 : i32 to index
      %swap3A_133 = tpu.vector_load %arg5[%swap3A_132] {strides = array<i32>} : memref<10240xf32, #tpu.memory_space<vmem>>, vector<16xf32>,
      tpu.vector_store %arg5[%swap3A_132], %broadcast_in_dim3A_1 {strides = array<i32>} : memref<10240xf32, #tpu.memory_space<vmem>>, vector<16xf32>,
    }
    %scan3A_6 = arith.constant 80 : i32
    %broadcast_in_dim3A_7 = arith.constant 1.000000e+00 : f32
    %broadcast_in_dim3A_8 = vector.broadcast %broadcast_in_dim3A_7 : f32 to vector<16xf32>
    %scan3A_9 = arith.constant 0 : i32
    %scan3A_10 = arith.constant 0 : i32
    %scan3A_11 = arith.constant 625 : i32
    %scan3A_12 = arith.addi %scan3A_10, %scan3A_11 : i32
    %scan3A_13 = arith.constant 1 : i32
    scf.for %scan3A_86 = %scan3A_10 to %scan3A_12 step %scan3A_13  : i32 {
      %mul3A_87 = arith.constant 16 : i32
      %mul3A_88 = arith.muli %scan3A_86, %mul3A_87 : i32
      %get3A = arith.index_cast %mul3A_88 : i32 to index
      %get3A_89 = tpu.vector_load %arg4[%get3A] {strides = array<i32>} : memref<10000xi32, #tpu.memory_space<vmem>>, vector<16xi32>,
      tpu.vector_store_idx %arg5[%get3A_89], %broadcast_in_dim3A_8 {add = true} : memref<10240xf32, #tpu.memory_space<vmem>>[vector<16xi32>], vector<16xf32>,
    }
    %scan3A_14 = arith.constant 625 : i32
    "tpu.region"() ({
      %run_scoped3A_86 = tpu.sem_alloc : memref<!tpu.dma_semaphore, #tpu.memory_space<semaphore_mem>>
      %dma_start3A = arith.constant 0 : i32
      %dma_start3A_87 = tpu.memref_slice %arg8[%arg1, %dma_start3A] : memref<16x10240xf32, #tpu.memory_space<vmem_shared>> -> memref<1x10240xf32, #tpu.memory_space<vmem_shared>>
      %dma_start3A_88 = tpu.memref_squeeze %dma_start3A_87 : memref<1x10240xf32, #tpu.memory_space<vmem_shared>> -> memref<10240xf32, #tpu.memory_space<vmem_shared>>
      %dma_start3A_89 = arith.constant 0 : i32
      %dma_start3A_90 = tpu.memref_slice %arg8[%arg1, %dma_start3A_89] : memref<16x10240xf32, #tpu.memory_space<vmem_shared>> -> memref<1x10240xf32, #tpu.memory_space<vmem_shared>>
      %dma_start3A_91 = tpu.memref_squeeze %dma_start3A_90 : memref<1x10240xf32, #tpu.memory_space<vmem_shared>> -> memref<10240xf32, #tpu.memory_space<vmem_shared>>
      tpu.enqueue_dma source(%arg5 : memref<10240xf32, #tpu.memory_space<vmem>>) target(%dma_start3A_91 : memref<10240xf32, #tpu.memory_space<vmem_shared>>) target_semaphore(%run_scoped3A_86 : memref<!tpu.dma_semaphore, #tpu.memory_space<semaphore_mem>>)
      %dma_wait3A = arith.constant 0 : i32
      %dma_wait3A_92 = tpu.memref_slice %arg8[%arg1, %dma_wait3A] : memref<16x10240xf32, #tpu.memory_space<vmem_shared>> -> memref<1x10240xf32, #tpu.memory_space<vmem_shared>>
      %dma_wait3A_93 = tpu.memref_squeeze %dma_wait3A_92 : memref<1x10240xf32, #tpu.memory_space<vmem_shared>> -> memref<10240xf32, #tpu.memory_space<vmem_shared>>
      %dma_wait3A_94 = arith.constant 0 : i32
      %dma_wait3A_95 = tpu.memref_slice %arg8[%arg1, %dma_wait3A_94] : memref<16x10240xf32, #tpu.memory_space<vmem_shared>> -> memref<1x10240xf32, #tpu.memory_space<vmem_shared>>
      %dma_wait3A_96 = tpu.memref_squeeze %dma_wait3A_95 : memref<1x10240xf32, #tpu.memory_space<vmem_shared>> -> memref<10240xf32, #tpu.memory_space<vmem_shared>>
      tpu.wait_dma2 semaphore(%run_scoped3A_86 : memref<!tpu.dma_semaphore, #tpu.memory_space<semaphore_mem>>) src(%arg5 : memref<10240xf32, #tpu.memory_space<vmem>>) dst(%dma_wait3A_96 : memref<10240xf32, #tpu.memory_space<vmem_shared>>)
      tpu.yield
    }) : () -> ()
    %barrier3A = arith.constant 0 : index
    tpu.barrier barrier_id(%barrier3A)
    %mul3A_15 = arith.constant 640 : i32
    %mul3A_16 = arith.muli %arg1, %mul3A_15 : i32
    %run_scoped3A = arith.constant 0 : i32
    %run_scoped3A_17 = arith.constant 0 : i32
    "tpu.region"() ({
      %run_scoped3A_86 = tpu.sem_alloc : memref<!tpu.dma_semaphore, #tpu.memory_space<semaphore_mem>>
      %dma_start3A = arith.constant 0 : i32
      %dma_start3A_87 = tpu.memref_slice %arg6[%run_scoped3A_17, %dma_start3A] : memref<16x640xf32, #tpu.memory_space<vmem>> -> memref<1x640xf32, #tpu.memory_space<vmem>>
      %dma_start3A_88 = tpu.memref_squeeze %dma_start3A_87 : memref<1x640xf32, #tpu.memory_space<vmem>> -> memref<640xf32, #tpu.memory_space<vmem>>
      %dma_start3A_89 = tpu.memref_slice %arg8[%run_scoped3A, %mul3A_16] : memref<16x10240xf32, #tpu.memory_space<vmem_shared>> -> memref<1x640xf32, #tpu.memory_space<vmem_shared>>
      %dma_start3A_90 = tpu.memref_squeeze %dma_start3A_89 : memref<1x640xf32, #tpu.memory_space<vmem_shared>> -> memref<640xf32, #tpu.memory_space<vmem_shared>>
      %dma_start3A_91 = arith.constant 0 : i32
      %dma_start3A_92 = tpu.memref_slice %arg6[%run_scoped3A_17, %dma_start3A_91] : memref<16x640xf32, #tpu.memory_space<vmem>> -> memref<1x640xf32, #tpu.memory_space<vmem>>
      %dma_start3A_93 = tpu.memref_squeeze %dma_start3A_92 : memref<1x640xf32, #tpu.memory_space<vmem>> -> memref<640xf32, #tpu.memory_space<vmem>>
      %dma_start3A_94 = tpu.memref_slice %arg8[%run_scoped3A, %mul3A_16] : memref<16x10240xf32, #tpu.memory_space<vmem_shared>> -> memref<1x640xf32, #tpu.memory_space<vmem_shared>>
      %dma_start3A_95 = tpu.memref_squeeze %dma_start3A_94 : memref<1x640xf32, #tpu.memory_space<vmem_shared>> -> memref<640xf32, #tpu.memory_space<vmem_shared>>
      tpu.enqueue_dma source(%dma_start3A_95 : memref<640xf32, #tpu.memory_space<vmem_shared>>) target(%dma_start3A_93 : memref<640xf32, #tpu.memory_space<vmem>>) target_semaphore(%run_scoped3A_86 : memref<!tpu.dma_semaphore, #tpu.memory_space<semaphore_mem>>)
      %dma_wait3A = arith.constant 0 : i32
      %dma_wait3A_96 = tpu.memref_slice %arg6[%run_scoped3A_17, %dma_wait3A] : memref<16x640xf32, #tpu.memory_space<vmem>> -> memref<1x640xf32, #tpu.memory_space<vmem>>
      %dma_wait3A_97 = tpu.memref_squeeze %dma_wait3A_96 : memref<1x640xf32, #tpu.memory_space<vmem>> -> memref<640xf32, #tpu.memory_space<vmem>>
      %dma_wait3A_98 = tpu.memref_slice %arg8[%run_scoped3A, %mul3A_16] : memref<16x10240xf32, #tpu.memory_space<vmem_shared>> -> memref<1x640xf32, #tpu.memory_space<vmem_shared>>
      %dma_wait3A_99 = tpu.memref_squeeze %dma_wait3A_98 : memref<1x640xf32, #tpu.memory_space<vmem_shared>> -> memref<640xf32, #tpu.memory_space<vmem_shared>>
      %dma_wait3A_100 = arith.constant 0 : i32
      %dma_wait3A_101 = tpu.memref_slice %arg6[%run_scoped3A_17, %dma_wait3A_100] : memref<16x640xf32, #tpu.memory_space<vmem>> -> memref<1x640xf32, #tpu.memory_space<vmem>>
      %dma_wait3A_102 = tpu.memref_squeeze %dma_wait3A_101 : memref<1x640xf32, #tpu.memory_space<vmem>> -> memref<640xf32, #tpu.memory_space<vmem>>
      %dma_wait3A_103 = tpu.memref_slice %arg8[%run_scoped3A, %mul3A_16] : memref<16x10240xf32, #tpu.memory_space<vmem_shared>> -> memref<1x640xf32, #tpu.memory_space<vmem_shared>>
      %dma_wait3A_104 = tpu.memref_squeeze %dma_wait3A_103 : memref<1x640xf32, #tpu.memory_space<vmem_shared>> -> memref<640xf32, #tpu.memory_space<vmem_shared>>
      tpu.wait_dma2 semaphore(%run_scoped3A_86 : memref<!tpu.dma_semaphore, #tpu.memory_space<semaphore_mem>>) src(%dma_wait3A_104 : memref<640xf32, #tpu.memory_space<vmem_shared>>) dst(%dma_wait3A_102 : memref<640xf32, #tpu.memory_space<vmem>>)
      tpu.yield
    }) : () -> ()
    %mul3A_18 = arith.constant 640 : i32
    %mul3A_19 = arith.muli %arg1, %mul3A_18 : i32
    %run_scoped3A_20 = arith.constant 1 : i32
    %run_scoped3A_21 = arith.constant 1 : i32
    "tpu.region"() ({
      %run_scoped3A_86 = tpu.sem_alloc : memref<!tpu.dma_semaphore, #tpu.memory_space<semaphore_mem>>
      %dma_start3A = arith.constant 0 : i32
      %dma_start3A_87 = tpu.memref_slice %arg6[%run_scoped3A_21, %dma_start3A] : memref<16x640xf32, #tpu.memory_space<vmem>> -> memref<1x640xf32, #tpu.memory_space<vmem>>
      %dma_start3A_88 = tpu.memref_squeeze %dma_start3A_87 : memref<1x640xf32, #tpu.memory_space<vmem>> -> memref<640xf32, #tpu.memory_space<vmem>>
      %dma_start3A_89 = tpu.memref_slice %arg8[%run_scoped3A_20, %mul3A_19] : memref<16x10240xf32, #tpu.memory_space<vmem_shared>> -> memref<1x640xf32, #tpu.memory_space<vmem_shared>>
      %dma_start3A_90 = tpu.memref_squeeze %dma_start3A_89 : memref<1x640xf32, #tpu.memory_space<vmem_shared>> -> memref<640xf32, #tpu.memory_space<vmem_shared>>
      %dma_start3A_91 = arith.constant 0 : i32
      %dma_start3A_92 = tpu.memref_slice %arg6[%run_scoped3A_21, %dma_start3A_91] : memref<16x640xf32, #tpu.memory_space<vmem>> -> memref<1x640xf32, #tpu.memory_space<vmem>>
      %dma_start3A_93 = tpu.memref_squeeze %dma_start3A_92 : memref<1x640xf32, #tpu.memory_space<vmem>> -> memref<640xf32, #tpu.memory_space<vmem>>
      %dma_start3A_94 = tpu.memref_slice %arg8[%run_scoped3A_20, %mul3A_19] : memref<16x10240xf32, #tpu.memory_space<vmem_shared>> -> memref<1x640xf32, #tpu.memory_space<vmem_shared>>
      %dma_start3A_95 = tpu.memref_squeeze %dma_start3A_94 : memref<1x640xf32, #tpu.memory_space<vmem_shared>> -> memref<640xf32, #tpu.memory_space<vmem_shared>>
      tpu.enqueue_dma source(%dma_start3A_95 : memref<640xf32, #tpu.memory_space<vmem_shared>>) target(%dma_start3A_93 : memref<640xf32, #tpu.memory_space<vmem>>) target_semaphore(%run_scoped3A_86 : memref<!tpu.dma_semaphore, #tpu.memory_space<semaphore_mem>>)
      %dma_wait3A = arith.constant 0 : i32
      %dma_wait3A_96 = tpu.memref_slice %arg6[%run_scoped3A_21, %dma_wait3A] : memref<16x640xf32, #tpu.memory_space<vmem>> -> memref<1x640xf32, #tpu.memory_space<vmem>>
      %dma_wait3A_97 = tpu.memref_squeeze %dma_wait3A_96 : memref<1x640xf32, #tpu.memory_space<vmem>> -> memref<640xf32, #tpu.memory_space<vmem>>
      %dma_wait3A_98 = tpu.memref_slice %arg8[%run_scoped3A_20, %mul3A_19] : memref<16x10240xf32, #tpu.memory_space<vmem_shared>> -> memref<1x640xf32, #tpu.memory_space<vmem_shared>>
      %dma_wait3A_99 = tpu.memref_squeeze %dma_wait3A_98 : memref<1x640xf32, #tpu.memory_space<vmem_shared>> -> memref<640xf32, #tpu.memory_space<vmem_shared>>
      %dma_wait3A_100 = arith.constant 0 : i32
      %dma_wait3A_101 = tpu.memref_slice %arg6[%run_scoped3A_21, %dma_wait3A_100] : memref<16x640xf32, #tpu.memory_space<vmem>> -> memref<1x640xf32, #tpu.memory_space<vmem>>
      %dma_wait3A_102 = tpu.memref_squeeze %dma_wait3A_101 : memref<1x640xf32, #tpu.memory_space<vmem>> -> memref<640xf32, #tpu.memory_space<vmem>>
      %dma_wait3A_103 = tpu.memref_slice %arg8[%run_scoped3A_20, %mul3A_19] : memref<16x10240xf32, #tpu.memory_space<vmem_shared>> -> memref<1x640xf32, #tpu.memory_space<vmem_shared>>
      %dma_wait3A_104 = tpu.memref_squeeze %dma_wait3A_103 : memref<1x640xf32, #tpu.memory_space<vmem_shared>> -> memref<640xf32, #tpu.memory_space<vmem_shared>>
      tpu.wait_dma2 semaphore(%run_scoped3A_86 : memref<!tpu.dma_semaphore, #tpu.memory_space<semaphore_mem>>) src(%dma_wait3A_104 : memref<640xf32, #tpu.memory_space<vmem_shared>>) dst(%dma_wait3A_102 : memref<640xf32, #tpu.memory_space<vmem>>)
      tpu.yield
    }) : () -> ()
    %mul3A_22 = arith.constant 640 : i32
    %mul3A_23 = arith.muli %arg1, %mul3A_22 : i32
    %run_scoped3A_24 = arith.constant 2 : i32
    %run_scoped3A_25 = arith.constant 2 : i32
    "tpu.region"() ({
      %run_scoped3A_86 = tpu.sem_alloc : memref<!tpu.dma_semaphore, #tpu.memory_space<semaphore_mem>>
      %dma_start3A = arith.constant 0 : i32
      %dma_start3A_87 = tpu.memref_slice %arg6[%run_scoped3A_25, %dma_start3A] : memref<16x640xf32, #tpu.memory_space<vmem>> -> memref<1x640xf32, #tpu.memory_space<vmem>>
      %dma_start3A_88 = tpu.memref_squeeze %dma_start3A_87 : memref<1x640xf32, #tpu.memory_space<vmem>> -> memref<640xf32, #tpu.memory_space<vmem>>
      %dma_start3A_89 = tpu.memref_slice %arg8[%run_scoped3A_24, %mul3A_23] : memref<16x10240xf32, #tpu.memory_space<vmem_shared>> -> memref<1x640xf32, #tpu.memory_space<vmem_shared>>
      %dma_start3A_90 = tpu.memref_squeeze %dma_start3A_89 : memref<1x640xf32, #tpu.memory_space<vmem_shared>> -> memref<640xf32, #tpu.memory_space<vmem_shared>>
      %dma_start3A_91 = arith.constant 0 : i32
      %dma_start3A_92 = tpu.memref_slice %arg6[%run_scoped3A_25, %dma_start3A_91] : memref<16x640xf32, #tpu.memory_space<vmem>> -> memref<1x640xf32, #tpu.memory_space<vmem>>
      %dma_start3A_93 = tpu.memref_squeeze %dma_start3A_92 : memref<1x640xf32, #tpu.memory_space<vmem>> -> memref<640xf32, #tpu.memory_space<vmem>>
      %dma_start3A_94 = tpu.memref_slice %arg8[%run_scoped3A_24, %mul3A_23] : memref<16x10240xf32, #tpu.memory_space<vmem_shared>> -> memref<1x640xf32, #tpu.memory_space<vmem_shared>>
      %dma_start3A_95 = tpu.memref_squeeze %dma_start3A_94 : memref<1x640xf32, #tpu.memory_space<vmem_shared>> -> memref<640xf32, #tpu.memory_space<vmem_shared>>
      tpu.enqueue_dma source(%dma_start3A_95 : memref<640xf32, #tpu.memory_space<vmem_shared>>) target(%dma_start3A_93 : memref<640xf32, #tpu.memory_space<vmem>>) target_semaphore(%run_scoped3A_86 : memref<!tpu.dma_semaphore, #tpu.memory_space<semaphore_mem>>)
      %dma_wait3A = arith.constant 0 : i32
      %dma_wait3A_96 = tpu.memref_slice %arg6[%run_scoped3A_25, %dma_wait3A] : memref<16x640xf32, #tpu.memory_space<vmem>> -> memref<1x640xf32, #tpu.memory_space<vmem>>
      %dma_wait3A_97 = tpu.memref_squeeze %dma_wait3A_96 : memref<1x640xf32, #tpu.memory_space<vmem>> -> memref<640xf32, #tpu.memory_space<vmem>>
      %dma_wait3A_98 = tpu.memref_slice %arg8[%run_scoped3A_24, %mul3A_23] : memref<16x10240xf32, #tpu.memory_space<vmem_shared>> -> memref<1x640xf32, #tpu.memory_space<vmem_shared>>
      %dma_wait3A_99 = tpu.memref_squeeze %dma_wait3A_98 : memref<1x640xf32, #tpu.memory_space<vmem_shared>> -> memref<640xf32, #tpu.memory_space<vmem_shared>>
      %dma_wait3A_100 = arith.constant 0 : i32
      %dma_wait3A_101 = tpu.memref_slice %arg6[%run_scoped3A_25, %dma_wait3A_100] : memref<16x640xf32, #tpu.memory_space<vmem>> -> memref<1x640xf32, #tpu.memory_space<vmem>>
      %dma_wait3A_102 = tpu.memref_squeeze %dma_wait3A_101 : memref<1x640xf32, #tpu.memory_space<vmem>> -> memref<640xf32, #tpu.memory_space<vmem>>
      %dma_wait3A_103 = tpu.memref_slice %arg8[%run_scoped3A_24, %mul3A_23] : memref<16x10240xf32, #tpu.memory_space<vmem_shared>> -> memref<1x640xf32, #tpu.memory_space<vmem_shared>>
      %dma_wait3A_104 = tpu.memref_squeeze %dma_wait3A_103 : memref<1x640xf32, #tpu.memory_space<vmem_shared>> -> memref<640xf32, #tpu.memory_space<vmem_shared>>
      tpu.wait_dma2 semaphore(%run_scoped3A_86 : memref<!tpu.dma_semaphore, #tpu.memory_space<semaphore_mem>>) src(%dma_wait3A_104 : memref<640xf32, #tpu.memory_space<vmem_shared>>) dst(%dma_wait3A_102 : memref<640xf32, #tpu.memory_space<vmem>>)
      tpu.yield
    }) : () -> ()
    %mul3A_26 = arith.constant 640 : i32
    %mul3A_27 = arith.muli %arg1, %mul3A_26 : i32
    %run_scoped3A_28 = arith.constant 3 : i32
    %run_scoped3A_29 = arith.constant 3 : i32
    "tpu.region"() ({
      %run_scoped3A_86 = tpu.sem_alloc : memref<!tpu.dma_semaphore, #tpu.memory_space<semaphore_mem>>
      %dma_start3A = arith.constant 0 : i32
      %dma_start3A_87 = tpu.memref_slice %arg6[%run_scoped3A_29, %dma_start3A] : memref<16x640xf32, #tpu.memory_space<vmem>> -> memref<1x640xf32, #tpu.memory_space<vmem>>
      %dma_start3A_88 = tpu.memref_squeeze %dma_start3A_87 : memref<1x640xf32, #tpu.memory_space<vmem>> -> memref<640xf32, #tpu.memory_space<vmem>>
      %dma_start3A_89 = tpu.memref_slice %arg8[%run_scoped3A_28, %mul3A_27] : memref<16x10240xf32, #tpu.memory_space<vmem_shared>> -> memref<1x640xf32, #tpu.memory_space<vmem_shared>>
      %dma_start3A_90 = tpu.memref_squeeze %dma_start3A_89 : memref<1x640xf32, #tpu.memory_space<vmem_shared>> -> memref<640xf32, #tpu.memory_space<vmem_shared>>
      %dma_start3A_91 = arith.constant 0 : i32
      %dma_start3A_92 = tpu.memref_slice %arg6[%run_scoped3A_29, %dma_start3A_91] : memref<16x640xf32, #tpu.memory_space<vmem>> -> memref<1x640xf32, #tpu.memory_space<vmem>>
      %dma_start3A_93 = tpu.memref_squeeze %dma_start3A_92 : memref<1x640xf32, #tpu.memory_space<vmem>> -> memref<640xf32, #tpu.memory_space<vmem>>
      %dma_start3A_94 = tpu.memref_slice %arg8[%run_scoped3A_28, %mul3A_27] : memref<16x10240xf32, #tpu.memory_space<vmem_shared>> -> memref<1x640xf32, #tpu.memory_space<vmem_shared>>
      %dma_start3A_95 = tpu.memref_squeeze %dma_start3A_94 : memref<1x640xf32, #tpu.memory_space<vmem_shared>> -> memref<640xf32, #tpu.memory_space<vmem_shared>>
      tpu.enqueue_dma source(%dma_start3A_95 : memref<640xf32, #tpu.memory_space<vmem_shared>>) target(%dma_start3A_93 : memref<640xf32, #tpu.memory_space<vmem>>) target_semaphore(%run_scoped3A_86 : memref<!tpu.dma_semaphore, #tpu.memory_space<semaphore_mem>>)
      %dma_wait3A = arith.constant 0 : i32
      %dma_wait3A_96 = tpu.memref_slice %arg6[%run_scoped3A_29, %dma_wait3A] : memref<16x640xf32, #tpu.memory_space<vmem>> -> memref<1x640xf32, #tpu.memory_space<vmem>>
      %dma_wait3A_97 = tpu.memref_squeeze %dma_wait3A_96 : memref<1x640xf32, #tpu.memory_space<vmem>> -> memref<640xf32, #tpu.memory_space<vmem>>
      %dma_wait3A_98 = tpu.memref_slice %arg8[%run_scoped3A_28, %mul3A_27] : memref<16x10240xf32, #tpu.memory_space<vmem_shared>> -> memref<1x640xf32, #tpu.memory_space<vmem_shared>>
      %dma_wait3A_99 = tpu.memref_squeeze %dma_wait3A_98 : memref<1x640xf32, #tpu.memory_space<vmem_shared>> -> memref<640xf32, #tpu.memory_space<vmem_shared>>
      %dma_wait3A_100 = arith.constant 0 : i32
      %dma_wait3A_101 = tpu.memref_slice %arg6[%run_scoped3A_29, %dma_wait3A_100] : memref<16x640xf32, #tpu.memory_space<vmem>> -> memref<1x640xf32, #tpu.memory_space<vmem>>
      %dma_wait3A_102 = tpu.memref_squeeze %dma_wait3A_101 : memref<1x640xf32, #tpu.memory_space<vmem>> -> memref<640xf32, #tpu.memory_space<vmem>>
      %dma_wait3A_103 = tpu.memref_slice %arg8[%run_scoped3A_28, %mul3A_27] : memref<16x10240xf32, #tpu.memory_space<vmem_shared>> -> memref<1x640xf32, #tpu.memory_space<vmem_shared>>
      %dma_wait3A_104 = tpu.memref_squeeze %dma_wait3A_103 : memref<1x640xf32, #tpu.memory_space<vmem_shared>> -> memref<640xf32, #tpu.memory_space<vmem_shared>>
      tpu.wait_dma2 semaphore(%run_scoped3A_86 : memref<!tpu.dma_semaphore, #tpu.memory_space<semaphore_mem>>) src(%dma_wait3A_104 : memref<640xf32, #tpu.memory_space<vmem_shared>>) dst(%dma_wait3A_102 : memref<640xf32, #tpu.memory_space<vmem>>)
      tpu.yield
    }) : () -> ()
    %mul3A_30 = arith.constant 640 : i32
    %mul3A_31 = arith.muli %arg1, %mul3A_30 : i32
    %run_scoped3A_32 = arith.constant 4 : i32
    %run_scoped3A_33 = arith.constant 4 : i32
    "tpu.region"() ({
      %run_scoped3A_86 = tpu.sem_alloc : memref<!tpu.dma_semaphore, #tpu.memory_space<semaphore_mem>>
      %dma_start3A = arith.constant 0 : i32
      %dma_start3A_87 = tpu.memref_slice %arg6[%run_scoped3A_33, %dma_start3A] : memref<16x640xf32, #tpu.memory_space<vmem>> -> memref<1x640xf32, #tpu.memory_space<vmem>>
      %dma_start3A_88 = tpu.memref_squeeze %dma_start3A_87 : memref<1x640xf32, #tpu.memory_space<vmem>> -> memref<640xf32, #tpu.memory_space<vmem>>
      %dma_start3A_89 = tpu.memref_slice %arg8[%run_scoped3A_32, %mul3A_31] : memref<16x10240xf32, #tpu.memory_space<vmem_shared>> -> memref<1x640xf32, #tpu.memory_space<vmem_shared>>
      %dma_start3A_90 = tpu.memref_squeeze %dma_start3A_89 : memref<1x640xf32, #tpu.memory_space<vmem_shared>> -> memref<640xf32, #tpu.memory_space<vmem_shared>>
      %dma_start3A_91 = arith.constant 0 : i32
      %dma_start3A_92 = tpu.memref_slice %arg6[%run_scoped3A_33, %dma_start3A_91] : memref<16x640xf32, #tpu.memory_space<vmem>> -> memref<1x640xf32, #tpu.memory_space<vmem>>
      %dma_start3A_93 = tpu.memref_squeeze %dma_start3A_92 : memref<1x640xf32, #tpu.memory_space<vmem>> -> memref<640xf32, #tpu.memory_space<vmem>>
      %dma_start3A_94 = tpu.memref_slice %arg8[%run_scoped3A_32, %mul3A_31] : memref<16x10240xf32, #tpu.memory_space<vmem_shared>> -> memref<1x640xf32, #tpu.memory_space<vmem_shared>>
      %dma_start3A_95 = tpu.memref_squeeze %dma_start3A_94 : memref<1x640xf32, #tpu.memory_space<vmem_shared>> -> memref<640xf32, #tpu.memory_space<vmem_shared>>
      tpu.enqueue_dma source(%dma_start3A_95 : memref<640xf32, #tpu.memory_space<vmem_shared>>) target(%dma_start3A_93 : memref<640xf32, #tpu.memory_space<vmem>>) target_semaphore(%run_scoped3A_86 : memref<!tpu.dma_semaphore, #tpu.memory_space<semaphore_mem>>)
      %dma_wait3A = arith.constant 0 : i32
      %dma_wait3A_96 = tpu.memref_slice %arg6[%run_scoped3A_33, %dma_wait3A] : memref<16x640xf32, #tpu.memory_space<vmem>> -> memref<1x640xf32, #tpu.memory_space<vmem>>
      %dma_wait3A_97 = tpu.memref_squeeze %dma_wait3A_96 : memref<1x640xf32, #tpu.memory_space<vmem>> -> memref<640xf32, #tpu.memory_space<vmem>>
      %dma_wait3A_98 = tpu.memref_slice %arg8[%run_scoped3A_32, %mul3A_31] : memref<16x10240xf32, #tpu.memory_space<vmem_shared>> -> memref<1x640xf32, #tpu.memory_space<vmem_shared>>
      %dma_wait3A_99 = tpu.memref_squeeze %dma_wait3A_98 : memref<1x640xf32, #tpu.memory_space<vmem_shared>> -> memref<640xf32, #tpu.memory_space<vmem_shared>>
      %dma_wait3A_100 = arith.constant 0 : i32
      %dma_wait3A_101 = tpu.memref_slice %arg6[%run_scoped3A_33, %dma_wait3A_100] : memref<16x640xf32, #tpu.memory_space<vmem>> -> memref<1x640xf32, #tpu.memory_space<vmem>>
      %dma_wait3A_102 = tpu.memref_squeeze %dma_wait3A_101 : memref<1x640xf32, #tpu.memory_space<vmem>> -> memref<640xf32, #tpu.memory_space<vmem>>
      %dma_wait3A_103 = tpu.memref_slice %arg8[%run_scoped3A_32, %mul3A_31] : memref<16x10240xf32, #tpu.memory_space<vmem_shared>> -> memref<1x640xf32, #tpu.memory_space<vmem_shared>>
      %dma_wait3A_104 = tpu.memref_squeeze %dma_wait3A_103 : memref<1x640xf32, #tpu.memory_space<vmem_shared>> -> memref<640xf32, #tpu.memory_space<vmem_shared>>
      tpu.wait_dma2 semaphore(%run_scoped3A_86 : memref<!tpu.dma_semaphore, #tpu.memory_space<semaphore_mem>>) src(%dma_wait3A_104 : memref<640xf32, #tpu.memory_space<vmem_shared>>) dst(%dma_wait3A_102 : memref<640xf32, #tpu.memory_space<vmem>>)
      tpu.yield
    }) : () -> ()
    %mul3A_34 = arith.constant 640 : i32
    %mul3A_35 = arith.muli %arg1, %mul3A_34 : i32
    %run_scoped3A_36 = arith.constant 5 : i32
    %run_scoped3A_37 = arith.constant 5 : i32
    "tpu.region"() ({
      %run_scoped3A_86 = tpu.sem_alloc : memref<!tpu.dma_semaphore, #tpu.memory_space<semaphore_mem>>
      %dma_start3A = arith.constant 0 : i32
      %dma_start3A_87 = tpu.memref_slice %arg6[%run_scoped3A_37, %dma_start3A] : memref<16x640xf32, #tpu.memory_space<vmem>> -> memref<1x640xf32, #tpu.memory_space<vmem>>
      %dma_start3A_88 = tpu.memref_squeeze %dma_start3A_87 : memref<1x640xf32, #tpu.memory_space<vmem>> -> memref<640xf32, #tpu.memory_space<vmem>>
      %dma_start3A_89 = tpu.memref_slice %arg8[%run_scoped3A_36, %mul3A_35] : memref<16x10240xf32, #tpu.memory_space<vmem_shared>> -> memref<1x640xf32, #tpu.memory_space<vmem_shared>>
      %dma_start3A_90 = tpu.memref_squeeze %dma_start3A_89 : memref<1x640xf32, #tpu.memory_space<vmem_shared>> -> memref<640xf32, #tpu.memory_space<vmem_shared>>
      %dma_start3A_91 = arith.constant 0 : i32
      %dma_start3A_92 = tpu.memref_slice %arg6[%run_scoped3A_37, %dma_start3A_91] : memref<16x640xf32, #tpu.memory_space<vmem>> -> memref<1x640xf32, #tpu.memory_space<vmem>>
      %dma_start3A_93 = tpu.memref_squeeze %dma_start3A_92 : memref<1x640xf32, #tpu.memory_space<vmem>> -> memref<640xf32, #tpu.memory_space<vmem>>
      %dma_start3A_94 = tpu.memref_slice %arg8[%run_scoped3A_36, %mul3A_35] : memref<16x10240xf32, #tpu.memory_space<vmem_shared>> -> memref<1x640xf32, #tpu.memory_space<vmem_shared>>
      %dma_start3A_95 = tpu.memref_squeeze %dma_start3A_94 : memref<1x640xf32, #tpu.memory_space<vmem_shared>> -> memref<640xf32, #tpu.memory_space<vmem_shared>>
      tpu.enqueue_dma source(%dma_start3A_95 : memref<640xf32, #tpu.memory_space<vmem_shared>>) target(%dma_start3A_93 : memref<640xf32, #tpu.memory_space<vmem>>) target_semaphore(%run_scoped3A_86 : memref<!tpu.dma_semaphore, #tpu.memory_space<semaphore_mem>>)
      %dma_wait3A = arith.constant 0 : i32
      %dma_wait3A_96 = tpu.memref_slice %arg6[%run_scoped3A_37, %dma_wait3A] : memref<16x640xf32, #tpu.memory_space<vmem>> -> memref<1x640xf32, #tpu.memory_space<vmem>>
      %dma_wait3A_97 = tpu.memref_squeeze %dma_wait3A_96 : memref<1x640xf32, #tpu.memory_space<vmem>> -> memref<640xf32, #tpu.memory_space<vmem>>
      %dma_wait3A_98 = tpu.memref_slice %arg8[%run_scoped3A_36, %mul3A_35] : memref<16x10240xf32, #tpu.memory_space<vmem_shared>> -> memref<1x640xf32, #tpu.memory_space<vmem_shared>>
      %dma_wait3A_99 = tpu.memref_squeeze %dma_wait3A_98 : memref<1x640xf32, #tpu.memory_space<vmem_shared>> -> memref<640xf32, #tpu.memory_space<vmem_shared>>
      %dma_wait3A_100 = arith.constant 0 : i32
      %dma_wait3A_101 = tpu.memref_slice %arg6[%run_scoped3A_37, %dma_wait3A_100] : memref<16x640xf32, #tpu.memory_space<vmem>> -> memref<1x640xf32, #tpu.memory_space<vmem>>
      %dma_wait3A_102 = tpu.memref_squeeze %dma_wait3A_101 : memref<1x640xf32, #tpu.memory_space<vmem>> -> memref<640xf32, #tpu.memory_space<vmem>>
      %dma_wait3A_103 = tpu.memref_slice %arg8[%run_scoped3A_36, %mul3A_35] : memref<16x10240xf32, #tpu.memory_space<vmem_shared>> -> memref<1x640xf32, #tpu.memory_space<vmem_shared>>
      %dma_wait3A_104 = tpu.memref_squeeze %dma_wait3A_103 : memref<1x640xf32, #tpu.memory_space<vmem_shared>> -> memref<640xf32, #tpu.memory_space<vmem_shared>>
      tpu.wait_dma2 semaphore(%run_scoped3A_86 : memref<!tpu.dma_semaphore, #tpu.memory_space<semaphore_mem>>) src(%dma_wait3A_104 : memref<640xf32, #tpu.memory_space<vmem_shared>>) dst(%dma_wait3A_102 : memref<640xf32, #tpu.memory_space<vmem>>)
      tpu.yield
    }) : () -> ()
    %mul3A_38 = arith.constant 640 : i32
    %mul3A_39 = arith.muli %arg1, %mul3A_38 : i32
    %run_scoped3A_40 = arith.constant 6 : i32
    %run_scoped3A_41 = arith.constant 6 : i32
    "tpu.region"() ({
      %run_scoped3A_86 = tpu.sem_alloc : memref<!tpu.dma_semaphore, #tpu.memory_space<semaphore_mem>>
      %dma_start3A = arith.constant 0 : i32
      %dma_start3A_87 = tpu.memref_slice %arg6[%run_scoped3A_41, %dma_start3A] : memref<16x640xf32, #tpu.memory_space<vmem>> -> memref<1x640xf32, #tpu.memory_space<vmem>>
      %dma_start3A_88 = tpu.memref_squeeze %dma_start3A_87 : memref<1x640xf32, #tpu.memory_space<vmem>> -> memref<640xf32, #tpu.memory_space<vmem>>
      %dma_start3A_89 = tpu.memref_slice %arg8[%run_scoped3A_40, %mul3A_39] : memref<16x10240xf32, #tpu.memory_space<vmem_shared>> -> memref<1x640xf32, #tpu.memory_space<vmem_shared>>
      %dma_start3A_90 = tpu.memref_squeeze %dma_start3A_89 : memref<1x640xf32, #tpu.memory_space<vmem_shared>> -> memref<640xf32, #tpu.memory_space<vmem_shared>>
      %dma_start3A_91 = arith.constant 0 : i32
      %dma_start3A_92 = tpu.memref_slice %arg6[%run_scoped3A_41, %dma_start3A_91] : memref<16x640xf32, #tpu.memory_space<vmem>> -> memref<1x640xf32, #tpu.memory_space<vmem>>
      %dma_start3A_93 = tpu.memref_squeeze %dma_start3A_92 : memref<1x640xf32, #tpu.memory_space<vmem>> -> memref<640xf32, #tpu.memory_space<vmem>>
      %dma_start3A_94 = tpu.memref_slice %arg8[%run_scoped3A_40, %mul3A_39] : memref<16x10240xf32, #tpu.memory_space<vmem_shared>> -> memref<1x640xf32, #tpu.memory_space<vmem_shared>>
      %dma_start3A_95 = tpu.memref_squeeze %dma_start3A_94 : memref<1x640xf32, #tpu.memory_space<vmem_shared>> -> memref<640xf32, #tpu.memory_space<vmem_shared>>
      tpu.enqueue_dma source(%dma_start3A_95 : memref<640xf32, #tpu.memory_space<vmem_shared>>) target(%dma_start3A_93 : memref<640xf32, #tpu.memory_space<vmem>>) target_semaphore(%run_scoped3A_86 : memref<!tpu.dma_semaphore, #tpu.memory_space<semaphore_mem>>)
      %dma_wait3A = arith.constant 0 : i32
      %dma_wait3A_96 = tpu.memref_slice %arg6[%run_scoped3A_41, %dma_wait3A] : memref<16x640xf32, #tpu.memory_space<vmem>> -> memref<1x640xf32, #tpu.memory_space<vmem>>
      %dma_wait3A_97 = tpu.memref_squeeze %dma_wait3A_96 : memref<1x640xf32, #tpu.memory_space<vmem>> -> memref<640xf32, #tpu.memory_space<vmem>>
      %dma_wait3A_98 = tpu.memref_slice %arg8[%run_scoped3A_40, %mul3A_39] : memref<16x10240xf32, #tpu.memory_space<vmem_shared>> -> memref<1x640xf32, #tpu.memory_space<vmem_shared>>
      %dma_wait3A_99 = tpu.memref_squeeze %dma_wait3A_98 : memref<1x640xf32, #tpu.memory_space<vmem_shared>> -> memref<640xf32, #tpu.memory_space<vmem_shared>>
      %dma_wait3A_100 = arith.constant 0 : i32
      %dma_wait3A_101 = tpu.memref_slice %arg6[%run_scoped3A_41, %dma_wait3A_100] : memref<16x640xf32, #tpu.memory_space<vmem>> -> memref<1x640xf32, #tpu.memory_space<vmem>>
      %dma_wait3A_102 = tpu.memref_squeeze %dma_wait3A_101 : memref<1x640xf32, #tpu.memory_space<vmem>> -> memref<640xf32, #tpu.memory_space<vmem>>
      %dma_wait3A_103 = tpu.memref_slice %arg8[%run_scoped3A_40, %mul3A_39] : memref<16x10240xf32, #tpu.memory_space<vmem_shared>> -> memref<1x640xf32, #tpu.memory_space<vmem_shared>>
      %dma_wait3A_104 = tpu.memref_squeeze %dma_wait3A_103 : memref<1x640xf32, #tpu.memory_space<vmem_shared>> -> memref<640xf32, #tpu.memory_space<vmem_shared>>
      tpu.wait_dma2 semaphore(%run_scoped3A_86 : memref<!tpu.dma_semaphore, #tpu.memory_space<semaphore_mem>>) src(%dma_wait3A_104 : memref<640xf32, #tpu.memory_space<vmem_shared>>) dst(%dma_wait3A_102 : memref<640xf32, #tpu.memory_space<vmem>>)
      tpu.yield
    }) : () -> ()
    %mul3A_42 = arith.constant 640 : i32
    %mul3A_43 = arith.muli %arg1, %mul3A_42 : i32
    %run_scoped3A_44 = arith.constant 7 : i32
    %run_scoped3A_45 = arith.constant 7 : i32
    "tpu.region"() ({
      %run_scoped3A_86 = tpu.sem_alloc : memref<!tpu.dma_semaphore, #tpu.memory_space<semaphore_mem>>
      %dma_start3A = arith.constant 0 : i32
      %dma_start3A_87 = tpu.memref_slice %arg6[%run_scoped3A_45, %dma_start3A] : memref<16x640xf32, #tpu.memory_space<vmem>> -> memref<1x640xf32, #tpu.memory_space<vmem>>
      %dma_start3A_88 = tpu.memref_squeeze %dma_start3A_87 : memref<1x640xf32, #tpu.memory_space<vmem>> -> memref<640xf32, #tpu.memory_space<vmem>>
      %dma_start3A_89 = tpu.memref_slice %arg8[%run_scoped3A_44, %mul3A_43] : memref<16x10240xf32, #tpu.memory_space<vmem_shared>> -> memref<1x640xf32, #tpu.memory_space<vmem_shared>>
      %dma_start3A_90 = tpu.memref_squeeze %dma_start3A_89 : memref<1x640xf32, #tpu.memory_space<vmem_shared>> -> memref<640xf32, #tpu.memory_space<vmem_shared>>
      %dma_start3A_91 = arith.constant 0 : i32
      %dma_start3A_92 = tpu.memref_slice %arg6[%run_scoped3A_45, %dma_start3A_91] : memref<16x640xf32, #tpu.memory_space<vmem>> -> memref<1x640xf32, #tpu.memory_space<vmem>>
      %dma_start3A_93 = tpu.memref_squeeze %dma_start3A_92 : memref<1x640xf32, #tpu.memory_space<vmem>> -> memref<640xf32, #tpu.memory_space<vmem>>
      %dma_start3A_94 = tpu.memref_slice %arg8[%run_scoped3A_44, %mul3A_43] : memref<16x10240xf32, #tpu.memory_space<vmem_shared>> -> memref<1x640xf32, #tpu.memory_space<vmem_shared>>
      %dma_start3A_95 = tpu.memref_squeeze %dma_start3A_94 : memref<1x640xf32, #tpu.memory_space<vmem_shared>> -> memref<640xf32, #tpu.memory_space<vmem_shared>>
      tpu.enqueue_dma source(%dma_start3A_95 : memref<640xf32, #tpu.memory_space<vmem_shared>>) target(%dma_start3A_93 : memref<640xf32, #tpu.memory_space<vmem>>) target_semaphore(%run_scoped3A_86 : memref<!tpu.dma_semaphore, #tpu.memory_space<semaphore_mem>>)
      %dma_wait3A = arith.constant 0 : i32
      %dma_wait3A_96 = tpu.memref_slice %arg6[%run_scoped3A_45, %dma_wait3A] : memref<16x640xf32, #tpu.memory_space<vmem>> -> memref<1x640xf32, #tpu.memory_space<vmem>>
      %dma_wait3A_97 = tpu.memref_squeeze %dma_wait3A_96 : memref<1x640xf32, #tpu.memory_space<vmem>> -> memref<640xf32, #tpu.memory_space<vmem>>
      %dma_wait3A_98 = tpu.memref_slice %arg8[%run_scoped3A_44, %mul3A_43] : memref<16x10240xf32, #tpu.memory_space<vmem_shared>> -> memref<1x640xf32, #tpu.memory_space<vmem_shared>>
      %dma_wait3A_99 = tpu.memref_squeeze %dma_wait3A_98 : memref<1x640xf32, #tpu.memory_space<vmem_shared>> -> memref<640xf32, #tpu.memory_space<vmem_shared>>
      %dma_wait3A_100 = arith.constant 0 : i32
      %dma_wait3A_101 = tpu.memref_slice %arg6[%run_scoped3A_45, %dma_wait3A_100] : memref<16x640xf32, #tpu.memory_space<vmem>> -> memref<1x640xf32, #tpu.memory_space<vmem>>
      %dma_wait3A_102 = tpu.memref_squeeze %dma_wait3A_101 : memref<1x640xf32, #tpu.memory_space<vmem>> -> memref<640xf32, #tpu.memory_space<vmem>>
      %dma_wait3A_103 = tpu.memref_slice %arg8[%run_scoped3A_44, %mul3A_43] : memref<16x10240xf32, #tpu.memory_space<vmem_shared>> -> memref<1x640xf32, #tpu.memory_space<vmem_shared>>
      %dma_wait3A_104 = tpu.memref_squeeze %dma_wait3A_103 : memref<1x640xf32, #tpu.memory_space<vmem_shared>> -> memref<640xf32, #tpu.memory_space<vmem_shared>>
      tpu.wait_dma2 semaphore(%run_scoped3A_86 : memref<!tpu.dma_semaphore, #tpu.memory_space<semaphore_mem>>) src(%dma_wait3A_104 : memref<640xf32, #tpu.memory_space<vmem_shared>>) dst(%dma_wait3A_102 : memref<640xf32, #tpu.memory_space<vmem>>)
      tpu.yield
    }) : () -> ()
    %mul3A_46 = arith.constant 640 : i32
    %mul3A_47 = arith.muli %arg1, %mul3A_46 : i32
    %run_scoped3A_48 = arith.constant 8 : i32
    %run_scoped3A_49 = arith.constant 8 : i32
    "tpu.region"() ({
      %run_scoped3A_86 = tpu.sem_alloc : memref<!tpu.dma_semaphore, #tpu.memory_space<semaphore_mem>>
      %dma_start3A = arith.constant 0 : i32
      %dma_start3A_87 = tpu.memref_slice %arg6[%run_scoped3A_49, %dma_start3A] : memref<16x640xf32, #tpu.memory_space<vmem>> -> memref<1x640xf32, #tpu.memory_space<vmem>>
      %dma_start3A_88 = tpu.memref_squeeze %dma_start3A_87 : memref<1x640xf32, #tpu.memory_space<vmem>> -> memref<640xf32, #tpu.memory_space<vmem>>
      %dma_start3A_89 = tpu.memref_slice %arg8[%run_scoped3A_48, %mul3A_47] : memref<16x10240xf32, #tpu.memory_space<vmem_shared>> -> memref<1x640xf32, #tpu.memory_space<vmem_shared>>
      %dma_start3A_90 = tpu.memref_squeeze %dma_start3A_89 : memref<1x640xf32, #tpu.memory_space<vmem_shared>> -> memref<640xf32, #tpu.memory_space<vmem_shared>>
      %dma_start3A_91 = arith.constant 0 : i32
      %dma_start3A_92 = tpu.memref_slice %arg6[%run_scoped3A_49, %dma_start3A_91] : memref<16x640xf32, #tpu.memory_space<vmem>> -> memref<1x640xf32, #tpu.memory_space<vmem>>
      %dma_start3A_93 = tpu.memref_squeeze %dma_start3A_92 : memref<1x640xf32, #tpu.memory_space<vmem>> -> memref<640xf32, #tpu.memory_space<vmem>>
      %dma_start3A_94 = tpu.memref_slice %arg8[%run_scoped3A_48, %mul3A_47] : memref<16x10240xf32, #tpu.memory_space<vmem_shared>> -> memref<1x640xf32, #tpu.memory_space<vmem_shared>>
      %dma_start3A_95 = tpu.memref_squeeze %dma_start3A_94 : memref<1x640xf32, #tpu.memory_space<vmem_shared>> -> memref<640xf32, #tpu.memory_space<vmem_shared>>
      tpu.enqueue_dma source(%dma_start3A_95 : memref<640xf32, #tpu.memory_space<vmem_shared>>) target(%dma_start3A_93 : memref<640xf32, #tpu.memory_space<vmem>>) target_semaphore(%run_scoped3A_86 : memref<!tpu.dma_semaphore, #tpu.memory_space<semaphore_mem>>)
      %dma_wait3A = arith.constant 0 : i32
      %dma_wait3A_96 = tpu.memref_slice %arg6[%run_scoped3A_49, %dma_wait3A] : memref<16x640xf32, #tpu.memory_space<vmem>> -> memref<1x640xf32, #tpu.memory_space<vmem>>
      %dma_wait3A_97 = tpu.memref_squeeze %dma_wait3A_96 : memref<1x640xf32, #tpu.memory_space<vmem>> -> memref<640xf32, #tpu.memory_space<vmem>>
      %dma_wait3A_98 = tpu.memref_slice %arg8[%run_scoped3A_48, %mul3A_47] : memref<16x10240xf32, #tpu.memory_space<vmem_shared>> -> memref<1x640xf32, #tpu.memory_space<vmem_shared>>
      %dma_wait3A_99 = tpu.memref_squeeze %dma_wait3A_98 : memref<1x640xf32, #tpu.memory_space<vmem_shared>> -> memref<640xf32, #tpu.memory_space<vmem_shared>>
      %dma_wait3A_100 = arith.constant 0 : i32
      %dma_wait3A_101 = tpu.memref_slice %arg6[%run_scoped3A_49, %dma_wait3A_100] : memref<16x640xf32, #tpu.memory_space<vmem>> -> memref<1x640xf32, #tpu.memory_space<vmem>>
      %dma_wait3A_102 = tpu.memref_squeeze %dma_wait3A_101 : memref<1x640xf32, #tpu.memory_space<vmem>> -> memref<640xf32, #tpu.memory_space<vmem>>
      %dma_wait3A_103 = tpu.memref_slice %arg8[%run_scoped3A_48, %mul3A_47] : memref<16x10240xf32, #tpu.memory_space<vmem_shared>> -> memref<1x640xf32, #tpu.memory_space<vmem_shared>>
      %dma_wait3A_104 = tpu.memref_squeeze %dma_wait3A_103 : memref<1x640xf32, #tpu.memory_space<vmem_shared>> -> memref<640xf32, #tpu.memory_space<vmem_shared>>
      tpu.wait_dma2 semaphore(%run_scoped3A_86 : memref<!tpu.dma_semaphore, #tpu.memory_space<semaphore_mem>>) src(%dma_wait3A_104 : memref<640xf32, #tpu.memory_space<vmem_shared>>) dst(%dma_wait3A_102 : memref<640xf32, #tpu.memory_space<vmem>>)
      tpu.yield
    }) : () -> ()
    %mul3A_50 = arith.constant 640 : i32
    %mul3A_51 = arith.muli %arg1, %mul3A_50 : i32
    %run_scoped3A_52 = arith.constant 9 : i32
    %run_scoped3A_53 = arith.constant 9 : i32
    "tpu.region"() ({
      %run_scoped3A_86 = tpu.sem_alloc : memref<!tpu.dma_semaphore, #tpu.memory_space<semaphore_mem>>
      %dma_start3A = arith.constant 0 : i32
      %dma_start3A_87 = tpu.memref_slice %arg6[%run_scoped3A_53, %dma_start3A] : memref<16x640xf32, #tpu.memory_space<vmem>> -> memref<1x640xf32, #tpu.memory_space<vmem>>
      %dma_start3A_88 = tpu.memref_squeeze %dma_start3A_87 : memref<1x640xf32, #tpu.memory_space<vmem>> -> memref<640xf32, #tpu.memory_space<vmem>>
      %dma_start3A_89 = tpu.memref_slice %arg8[%run_scoped3A_52, %mul3A_51] : memref<16x10240xf32, #tpu.memory_space<vmem_shared>> -> memref<1x640xf32, #tpu.memory_space<vmem_shared>>
      %dma_start3A_90 = tpu.memref_squeeze %dma_start3A_89 : memref<1x640xf32, #tpu.memory_space<vmem_shared>> -> memref<640xf32, #tpu.memory_space<vmem_shared>>
      %dma_start3A_91 = arith.constant 0 : i32
      %dma_start3A_92 = tpu.memref_slice %arg6[%run_scoped3A_53, %dma_start3A_91] : memref<16x640xf32, #tpu.memory_space<vmem>> -> memref<1x640xf32, #tpu.memory_space<vmem>>
      %dma_start3A_93 = tpu.memref_squeeze %dma_start3A_92 : memref<1x640xf32, #tpu.memory_space<vmem>> -> memref<640xf32, #tpu.memory_space<vmem>>
      %dma_start3A_94 = tpu.memref_slice %arg8[%run_scoped3A_52, %mul3A_51] : memref<16x10240xf32, #tpu.memory_space<vmem_shared>> -> memref<1x640xf32, #tpu.memory_space<vmem_shared>>
      %dma_start3A_95 = tpu.memref_squeeze %dma_start3A_94 : memref<1x640xf32, #tpu.memory_space<vmem_shared>> -> memref<640xf32, #tpu.memory_space<vmem_shared>>
      tpu.enqueue_dma source(%dma_start3A_95 : memref<640xf32, #tpu.memory_space<vmem_shared>>) target(%dma_start3A_93 : memref<640xf32, #tpu.memory_space<vmem>>) target_semaphore(%run_scoped3A_86 : memref<!tpu.dma_semaphore, #tpu.memory_space<semaphore_mem>>)
      %dma_wait3A = arith.constant 0 : i32
      %dma_wait3A_96 = tpu.memref_slice %arg6[%run_scoped3A_53, %dma_wait3A] : memref<16x640xf32, #tpu.memory_space<vmem>> -> memref<1x640xf32, #tpu.memory_space<vmem>>
      %dma_wait3A_97 = tpu.memref_squeeze %dma_wait3A_96 : memref<1x640xf32, #tpu.memory_space<vmem>> -> memref<640xf32, #tpu.memory_space<vmem>>
      %dma_wait3A_98 = tpu.memref_slice %arg8[%run_scoped3A_52, %mul3A_51] : memref<16x10240xf32, #tpu.memory_space<vmem_shared>> -> memref<1x640xf32, #tpu.memory_space<vmem_shared>>
      %dma_wait3A_99 = tpu.memref_squeeze %dma_wait3A_98 : memref<1x640xf32, #tpu.memory_space<vmem_shared>> -> memref<640xf32, #tpu.memory_space<vmem_shared>>
      %dma_wait3A_100 = arith.constant 0 : i32
      %dma_wait3A_101 = tpu.memref_slice %arg6[%run_scoped3A_53, %dma_wait3A_100] : memref<16x640xf32, #tpu.memory_space<vmem>> -> memref<1x640xf32, #tpu.memory_space<vmem>>
      %dma_wait3A_102 = tpu.memref_squeeze %dma_wait3A_101 : memref<1x640xf32, #tpu.memory_space<vmem>> -> memref<640xf32, #tpu.memory_space<vmem>>
      %dma_wait3A_103 = tpu.memref_slice %arg8[%run_scoped3A_52, %mul3A_51] : memref<16x10240xf32, #tpu.memory_space<vmem_shared>> -> memref<1x640xf32, #tpu.memory_space<vmem_shared>>
      %dma_wait3A_104 = tpu.memref_squeeze %dma_wait3A_103 : memref<1x640xf32, #tpu.memory_space<vmem_shared>> -> memref<640xf32, #tpu.memory_space<vmem_shared>>
      tpu.wait_dma2 semaphore(%run_scoped3A_86 : memref<!tpu.dma_semaphore, #tpu.memory_space<semaphore_mem>>) src(%dma_wait3A_104 : memref<640xf32, #tpu.memory_space<vmem_shared>>) dst(%dma_wait3A_102 : memref<640xf32, #tpu.memory_space<vmem>>)
      tpu.yield
    }) : () -> ()
    %mul3A_54 = arith.constant 640 : i32
    %mul3A_55 = arith.muli %arg1, %mul3A_54 : i32
    %run_scoped3A_56 = arith.constant 10 : i32
    %run_scoped3A_57 = arith.constant 10 : i32
    "tpu.region"() ({
      %run_scoped3A_86 = tpu.sem_alloc : memref<!tpu.dma_semaphore, #tpu.memory_space<semaphore_mem>>
      %dma_start3A = arith.constant 0 : i32
      %dma_start3A_87 = tpu.memref_slice %arg6[%run_scoped3A_57, %dma_start3A] : memref<16x640xf32, #tpu.memory_space<vmem>> -> memref<1x640xf32, #tpu.memory_space<vmem>>
      %dma_start3A_88 = tpu.memref_squeeze %dma_start3A_87 : memref<1x640xf32, #tpu.memory_space<vmem>> -> memref<640xf32, #tpu.memory_space<vmem>>
      %dma_start3A_89 = tpu.memref_slice %arg8[%run_scoped3A_56, %mul3A_55] : memref<16x10240xf32, #tpu.memory_space<vmem_shared>> -> memref<1x640xf32, #tpu.memory_space<vmem_shared>>
      %dma_start3A_90 = tpu.memref_squeeze %dma_start3A_89 : memref<1x640xf32, #tpu.memory_space<vmem_shared>> -> memref<640xf32, #tpu.memory_space<vmem_shared>>
      %dma_start3A_91 = arith.constant 0 : i32
      %dma_start3A_92 = tpu.memref_slice %arg6[%run_scoped3A_57, %dma_start3A_91] : memref<16x640xf32, #tpu.memory_space<vmem>> -> memref<1x640xf32, #tpu.memory_space<vmem>>
      %dma_start3A_93 = tpu.memref_squeeze %dma_start3A_92 : memref<1x640xf32, #tpu.memory_space<vmem>> -> memref<640xf32, #tpu.memory_space<vmem>>
      %dma_start3A_94 = tpu.memref_slice %arg8[%run_scoped3A_56, %mul3A_55] : memref<16x10240xf32, #tpu.memory_space<vmem_shared>> -> memref<1x640xf32, #tpu.memory_space<vmem_shared>>
      %dma_start3A_95 = tpu.memref_squeeze %dma_start3A_94 : memref<1x640xf32, #tpu.memory_space<vmem_shared>> -> memref<640xf32, #tpu.memory_space<vmem_shared>>
      tpu.enqueue_dma source(%dma_start3A_95 : memref<640xf32, #tpu.memory_space<vmem_shared>>) target(%dma_start3A_93 : memref<640xf32, #tpu.memory_space<vmem>>) target_semaphore(%run_scoped3A_86 : memref<!tpu.dma_semaphore, #tpu.memory_space<semaphore_mem>>)
      %dma_wait3A = arith.constant 0 : i32
      %dma_wait3A_96 = tpu.memref_slice %arg6[%run_scoped3A_57, %dma_wait3A] : memref<16x640xf32, #tpu.memory_space<vmem>> -> memref<1x640xf32, #tpu.memory_space<vmem>>
      %dma_wait3A_97 = tpu.memref_squeeze %dma_wait3A_96 : memref<1x640xf32, #tpu.memory_space<vmem>> -> memref<640xf32, #tpu.memory_space<vmem>>
      %dma_wait3A_98 = tpu.memref_slice %arg8[%run_scoped3A_56, %mul3A_55] : memref<16x10240xf32, #tpu.memory_space<vmem_shared>> -> memref<1x640xf32, #tpu.memory_space<vmem_shared>>
      %dma_wait3A_99 = tpu.memref_squeeze %dma_wait3A_98 : memref<1x640xf32, #tpu.memory_space<vmem_shared>> -> memref<640xf32, #tpu.memory_space<vmem_shared>>
      %dma_wait3A_100 = arith.constant 0 : i32
      %dma_wait3A_101 = tpu.memref_slice %arg6[%run_scoped3A_57, %dma_wait3A_100] : memref<16x640xf32, #tpu.memory_space<vmem>> -> memref<1x640xf32, #tpu.memory_space<vmem>>
      %dma_wait3A_102 = tpu.memref_squeeze %dma_wait3A_101 : memref<1x640xf32, #tpu.memory_space<vmem>> -> memref<640xf32, #tpu.memory_space<vmem>>
      %dma_wait3A_103 = tpu.memref_slice %arg8[%run_scoped3A_56, %mul3A_55] : memref<16x10240xf32, #tpu.memory_space<vmem_shared>> -> memref<1x640xf32, #tpu.memory_space<vmem_shared>>
      %dma_wait3A_104 = tpu.memref_squeeze %dma_wait3A_103 : memref<1x640xf32, #tpu.memory_space<vmem_shared>> -> memref<640xf32, #tpu.memory_space<vmem_shared>>
      tpu.wait_dma2 semaphore(%run_scoped3A_86 : memref<!tpu.dma_semaphore, #tpu.memory_space<semaphore_mem>>) src(%dma_wait3A_104 : memref<640xf32, #tpu.memory_space<vmem_shared>>) dst(%dma_wait3A_102 : memref<640xf32, #tpu.memory_space<vmem>>)
      tpu.yield
    }) : () -> ()
    %mul3A_58 = arith.constant 640 : i32
    %mul3A_59 = arith.muli %arg1, %mul3A_58 : i32
    %run_scoped3A_60 = arith.constant 11 : i32
    %run_scoped3A_61 = arith.constant 11 : i32
    "tpu.region"() ({
      %run_scoped3A_86 = tpu.sem_alloc : memref<!tpu.dma_semaphore, #tpu.memory_space<semaphore_mem>>
      %dma_start3A = arith.constant 0 : i32
      %dma_start3A_87 = tpu.memref_slice %arg6[%run_scoped3A_61, %dma_start3A] : memref<16x640xf32, #tpu.memory_space<vmem>> -> memref<1x640xf32, #tpu.memory_space<vmem>>
      %dma_start3A_88 = tpu.memref_squeeze %dma_start3A_87 : memref<1x640xf32, #tpu.memory_space<vmem>> -> memref<640xf32, #tpu.memory_space<vmem>>
      %dma_start3A_89 = tpu.memref_slice %arg8[%run_scoped3A_60, %mul3A_59] : memref<16x10240xf32, #tpu.memory_space<vmem_shared>> -> memref<1x640xf32, #tpu.memory_space<vmem_shared>>
      %dma_start3A_90 = tpu.memref_squeeze %dma_start3A_89 : memref<1x640xf32, #tpu.memory_space<vmem_shared>> -> memref<640xf32, #tpu.memory_space<vmem_shared>>
      %dma_start3A_91 = arith.constant 0 : i32
      %dma_start3A_92 = tpu.memref_slice %arg6[%run_scoped3A_61, %dma_start3A_91] : memref<16x640xf32, #tpu.memory_space<vmem>> -> memref<1x640xf32, #tpu.memory_space<vmem>>
      %dma_start3A_93 = tpu.memref_squeeze %dma_start3A_92 : memref<1x640xf32, #tpu.memory_space<vmem>> -> memref<640xf32, #tpu.memory_space<vmem>>
      %dma_start3A_94 = tpu.memref_slice %arg8[%run_scoped3A_60, %mul3A_59] : memref<16x10240xf32, #tpu.memory_space<vmem_shared>> -> memref<1x640xf32, #tpu.memory_space<vmem_shared>>
      %dma_start3A_95 = tpu.memref_squeeze %dma_start3A_94 : memref<1x640xf32, #tpu.memory_space<vmem_shared>> -> memref<640xf32, #tpu.memory_space<vmem_shared>>
      tpu.enqueue_dma source(%dma_start3A_95 : memref<640xf32, #tpu.memory_space<vmem_shared>>) target(%dma_start3A_93 : memref<640xf32, #tpu.memory_space<vmem>>) target_semaphore(%run_scoped3A_86 : memref<!tpu.dma_semaphore, #tpu.memory_space<semaphore_mem>>)
      %dma_wait3A = arith.constant 0 : i32
      %dma_wait3A_96 = tpu.memref_slice %arg6[%run_scoped3A_61, %dma_wait3A] : memref<16x640xf32, #tpu.memory_space<vmem>> -> memref<1x640xf32, #tpu.memory_space<vmem>>
      %dma_wait3A_97 = tpu.memref_squeeze %dma_wait3A_96 : memref<1x640xf32, #tpu.memory_space<vmem>> -> memref<640xf32, #tpu.memory_space<vmem>>
      %dma_wait3A_98 = tpu.memref_slice %arg8[%run_scoped3A_60, %mul3A_59] : memref<16x10240xf32, #tpu.memory_space<vmem_shared>> -> memref<1x640xf32, #tpu.memory_space<vmem_shared>>
      %dma_wait3A_99 = tpu.memref_squeeze %dma_wait3A_98 : memref<1x640xf32, #tpu.memory_space<vmem_shared>> -> memref<640xf32, #tpu.memory_space<vmem_shared>>
      %dma_wait3A_100 = arith.constant 0 : i32
      %dma_wait3A_101 = tpu.memref_slice %arg6[%run_scoped3A_61, %dma_wait3A_100] : memref<16x640xf32, #tpu.memory_space<vmem>> -> memref<1x640xf32, #tpu.memory_space<vmem>>
      %dma_wait3A_102 = tpu.memref_squeeze %dma_wait3A_101 : memref<1x640xf32, #tpu.memory_space<vmem>> -> memref<640xf32, #tpu.memory_space<vmem>>
      %dma_wait3A_103 = tpu.memref_slice %arg8[%run_scoped3A_60, %mul3A_59] : memref<16x10240xf32, #tpu.memory_space<vmem_shared>> -> memref<1x640xf32, #tpu.memory_space<vmem_shared>>
      %dma_wait3A_104 = tpu.memref_squeeze %dma_wait3A_103 : memref<1x640xf32, #tpu.memory_space<vmem_shared>> -> memref<640xf32, #tpu.memory_space<vmem_shared>>
      tpu.wait_dma2 semaphore(%run_scoped3A_86 : memref<!tpu.dma_semaphore, #tpu.memory_space<semaphore_mem>>) src(%dma_wait3A_104 : memref<640xf32, #tpu.memory_space<vmem_shared>>) dst(%dma_wait3A_102 : memref<640xf32, #tpu.memory_space<vmem>>)
      tpu.yield
    }) : () -> ()
    %mul3A_62 = arith.constant 640 : i32
    %mul3A_63 = arith.muli %arg1, %mul3A_62 : i32
    %run_scoped3A_64 = arith.constant 12 : i32
    %run_scoped3A_65 = arith.constant 12 : i32
    "tpu.region"() ({
      %run_scoped3A_86 = tpu.sem_alloc : memref<!tpu.dma_semaphore, #tpu.memory_space<semaphore_mem>>
      %dma_start3A = arith.constant 0 : i32
      %dma_start3A_87 = tpu.memref_slice %arg6[%run_scoped3A_65, %dma_start3A] : memref<16x640xf32, #tpu.memory_space<vmem>> -> memref<1x640xf32, #tpu.memory_space<vmem>>
      %dma_start3A_88 = tpu.memref_squeeze %dma_start3A_87 : memref<1x640xf32, #tpu.memory_space<vmem>> -> memref<640xf32, #tpu.memory_space<vmem>>
      %dma_start3A_89 = tpu.memref_slice %arg8[%run_scoped3A_64, %mul3A_63] : memref<16x10240xf32, #tpu.memory_space<vmem_shared>> -> memref<1x640xf32, #tpu.memory_space<vmem_shared>>
      %dma_start3A_90 = tpu.memref_squeeze %dma_start3A_89 : memref<1x640xf32, #tpu.memory_space<vmem_shared>> -> memref<640xf32, #tpu.memory_space<vmem_shared>>
      %dma_start3A_91 = arith.constant 0 : i32
      %dma_start3A_92 = tpu.memref_slice %arg6[%run_scoped3A_65, %dma_start3A_91] : memref<16x640xf32, #tpu.memory_space<vmem>> -> memref<1x640xf32, #tpu.memory_space<vmem>>
      %dma_start3A_93 = tpu.memref_squeeze %dma_start3A_92 : memref<1x640xf32, #tpu.memory_space<vmem>> -> memref<640xf32, #tpu.memory_space<vmem>>
      %dma_start3A_94 = tpu.memref_slice %arg8[%run_scoped3A_64, %mul3A_63] : memref<16x10240xf32, #tpu.memory_space<vmem_shared>> -> memref<1x640xf32, #tpu.memory_space<vmem_shared>>
      %dma_start3A_95 = tpu.memref_squeeze %dma_start3A_94 : memref<1x640xf32, #tpu.memory_space<vmem_shared>> -> memref<640xf32, #tpu.memory_space<vmem_shared>>
      tpu.enqueue_dma source(%dma_start3A_95 : memref<640xf32, #tpu.memory_space<vmem_shared>>) target(%dma_start3A_93 : memref<640xf32, #tpu.memory_space<vmem>>) target_semaphore(%run_scoped3A_86 : memref<!tpu.dma_semaphore, #tpu.memory_space<semaphore_mem>>)
      %dma_wait3A = arith.constant 0 : i32
      %dma_wait3A_96 = tpu.memref_slice %arg6[%run_scoped3A_65, %dma_wait3A] : memref<16x640xf32, #tpu.memory_space<vmem>> -> memref<1x640xf32, #tpu.memory_space<vmem>>
      %dma_wait3A_97 = tpu.memref_squeeze %dma_wait3A_96 : memref<1x640xf32, #tpu.memory_space<vmem>> -> memref<640xf32, #tpu.memory_space<vmem>>
      %dma_wait3A_98 = tpu.memref_slice %arg8[%run_scoped3A_64, %mul3A_63] : memref<16x10240xf32, #tpu.memory_space<vmem_shared>> -> memref<1x640xf32, #tpu.memory_space<vmem_shared>>
      %dma_wait3A_99 = tpu.memref_squeeze %dma_wait3A_98 : memref<1x640xf32, #tpu.memory_space<vmem_shared>> -> memref<640xf32, #tpu.memory_space<vmem_shared>>
      %dma_wait3A_100 = arith.constant 0 : i32
      %dma_wait3A_101 = tpu.memref_slice %arg6[%run_scoped3A_65, %dma_wait3A_100] : memref<16x640xf32, #tpu.memory_space<vmem>> -> memref<1x640xf32, #tpu.memory_space<vmem>>
      %dma_wait3A_102 = tpu.memref_squeeze %dma_wait3A_101 : memref<1x640xf32, #tpu.memory_space<vmem>> -> memref<640xf32, #tpu.memory_space<vmem>>
      %dma_wait3A_103 = tpu.memref_slice %arg8[%run_scoped3A_64, %mul3A_63] : memref<16x10240xf32, #tpu.memory_space<vmem_shared>> -> memref<1x640xf32, #tpu.memory_space<vmem_shared>>
      %dma_wait3A_104 = tpu.memref_squeeze %dma_wait3A_103 : memref<1x640xf32, #tpu.memory_space<vmem_shared>> -> memref<640xf32, #tpu.memory_space<vmem_shared>>
      tpu.wait_dma2 semaphore(%run_scoped3A_86 : memref<!tpu.dma_semaphore, #tpu.memory_space<semaphore_mem>>) src(%dma_wait3A_104 : memref<640xf32, #tpu.memory_space<vmem_shared>>) dst(%dma_wait3A_102 : memref<640xf32, #tpu.memory_space<vmem>>)
      tpu.yield
    }) : () -> ()
    %mul3A_66 = arith.constant 640 : i32
    %mul3A_67 = arith.muli %arg1, %mul3A_66 : i32
    %run_scoped3A_68 = arith.constant 13 : i32
    %run_scoped3A_69 = arith.constant 13 : i32
    "tpu.region"() ({
      %run_scoped3A_86 = tpu.sem_alloc : memref<!tpu.dma_semaphore, #tpu.memory_space<semaphore_mem>>
      %dma_start3A = arith.constant 0 : i32
      %dma_start3A_87 = tpu.memref_slice %arg6[%run_scoped3A_69, %dma_start3A] : memref<16x640xf32, #tpu.memory_space<vmem>> -> memref<1x640xf32, #tpu.memory_space<vmem>>
      %dma_start3A_88 = tpu.memref_squeeze %dma_start3A_87 : memref<1x640xf32, #tpu.memory_space<vmem>> -> memref<640xf32, #tpu.memory_space<vmem>>
      %dma_start3A_89 = tpu.memref_slice %arg8[%run_scoped3A_68, %mul3A_67] : memref<16x10240xf32, #tpu.memory_space<vmem_shared>> -> memref<1x640xf32, #tpu.memory_space<vmem_shared>>
      %dma_start3A_90 = tpu.memref_squeeze %dma_start3A_89 : memref<1x640xf32, #tpu.memory_space<vmem_shared>> -> memref<640xf32, #tpu.memory_space<vmem_shared>>
      %dma_start3A_91 = arith.constant 0 : i32
      %dma_start3A_92 = tpu.memref_slice %arg6[%run_scoped3A_69, %dma_start3A_91] : memref<16x640xf32, #tpu.memory_space<vmem>> -> memref<1x640xf32, #tpu.memory_space<vmem>>
      %dma_start3A_93 = tpu.memref_squeeze %dma_start3A_92 : memref<1x640xf32, #tpu.memory_space<vmem>> -> memref<640xf32, #tpu.memory_space<vmem>>
      %dma_start3A_94 = tpu.memref_slice %arg8[%run_scoped3A_68, %mul3A_67] : memref<16x10240xf32, #tpu.memory_space<vmem_shared>> -> memref<1x640xf32, #tpu.memory_space<vmem_shared>>
      %dma_start3A_95 = tpu.memref_squeeze %dma_start3A_94 : memref<1x640xf32, #tpu.memory_space<vmem_shared>> -> memref<640xf32, #tpu.memory_space<vmem_shared>>
      tpu.enqueue_dma source(%dma_start3A_95 : memref<640xf32, #tpu.memory_space<vmem_shared>>) target(%dma_start3A_93 : memref<640xf32, #tpu.memory_space<vmem>>) target_semaphore(%run_scoped3A_86 : memref<!tpu.dma_semaphore, #tpu.memory_space<semaphore_mem>>)
      %dma_wait3A = arith.constant 0 : i32
      %dma_wait3A_96 = tpu.memref_slice %arg6[%run_scoped3A_69, %dma_wait3A] : memref<16x640xf32, #tpu.memory_space<vmem>> -> memref<1x640xf32, #tpu.memory_space<vmem>>
      %dma_wait3A_97 = tpu.memref_squeeze %dma_wait3A_96 : memref<1x640xf32, #tpu.memory_space<vmem>> -> memref<640xf32, #tpu.memory_space<vmem>>
      %dma_wait3A_98 = tpu.memref_slice %arg8[%run_scoped3A_68, %mul3A_67] : memref<16x10240xf32, #tpu.memory_space<vmem_shared>> -> memref<1x640xf32, #tpu.memory_space<vmem_shared>>
      %dma_wait3A_99 = tpu.memref_squeeze %dma_wait3A_98 : memref<1x640xf32, #tpu.memory_space<vmem_shared>> -> memref<640xf32, #tpu.memory_space<vmem_shared>>
      %dma_wait3A_100 = arith.constant 0 : i32
      %dma_wait3A_101 = tpu.memref_slice %arg6[%run_scoped3A_69, %dma_wait3A_100] : memref<16x640xf32, #tpu.memory_space<vmem>> -> memref<1x640xf32, #tpu.memory_space<vmem>>
      %dma_wait3A_102 = tpu.memref_squeeze %dma_wait3A_101 : memref<1x640xf32, #tpu.memory_space<vmem>> -> memref<640xf32, #tpu.memory_space<vmem>>
      %dma_wait3A_103 = tpu.memref_slice %arg8[%run_scoped3A_68, %mul3A_67] : memref<16x10240xf32, #tpu.memory_space<vmem_shared>> -> memref<1x640xf32, #tpu.memory_space<vmem_shared>>
      %dma_wait3A_104 = tpu.memref_squeeze %dma_wait3A_103 : memref<1x640xf32, #tpu.memory_space<vmem_shared>> -> memref<640xf32, #tpu.memory_space<vmem_shared>>
      tpu.wait_dma2 semaphore(%run_scoped3A_86 : memref<!tpu.dma_semaphore, #tpu.memory_space<semaphore_mem>>) src(%dma_wait3A_104 : memref<640xf32, #tpu.memory_space<vmem_shared>>) dst(%dma_wait3A_102 : memref<640xf32, #tpu.memory_space<vmem>>)
      tpu.yield
    }) : () -> ()
    %mul3A_70 = arith.constant 640 : i32
    %mul3A_71 = arith.muli %arg1, %mul3A_70 : i32
    %run_scoped3A_72 = arith.constant 14 : i32
    %run_scoped3A_73 = arith.constant 14 : i32
    "tpu.region"() ({
      %run_scoped3A_86 = tpu.sem_alloc : memref<!tpu.dma_semaphore, #tpu.memory_space<semaphore_mem>>
      %dma_start3A = arith.constant 0 : i32
      %dma_start3A_87 = tpu.memref_slice %arg6[%run_scoped3A_73, %dma_start3A] : memref<16x640xf32, #tpu.memory_space<vmem>> -> memref<1x640xf32, #tpu.memory_space<vmem>>
      %dma_start3A_88 = tpu.memref_squeeze %dma_start3A_87 : memref<1x640xf32, #tpu.memory_space<vmem>> -> memref<640xf32, #tpu.memory_space<vmem>>
      %dma_start3A_89 = tpu.memref_slice %arg8[%run_scoped3A_72, %mul3A_71] : memref<16x10240xf32, #tpu.memory_space<vmem_shared>> -> memref<1x640xf32, #tpu.memory_space<vmem_shared>>
      %dma_start3A_90 = tpu.memref_squeeze %dma_start3A_89 : memref<1x640xf32, #tpu.memory_space<vmem_shared>> -> memref<640xf32, #tpu.memory_space<vmem_shared>>
      %dma_start3A_91 = arith.constant 0 : i32
      %dma_start3A_92 = tpu.memref_slice %arg6[%run_scoped3A_73, %dma_start3A_91] : memref<16x640xf32, #tpu.memory_space<vmem>> -> memref<1x640xf32, #tpu.memory_space<vmem>>
      %dma_start3A_93 = tpu.memref_squeeze %dma_start3A_92 : memref<1x640xf32, #tpu.memory_space<vmem>> -> memref<640xf32, #tpu.memory_space<vmem>>
      %dma_start3A_94 = tpu.memref_slice %arg8[%run_scoped3A_72, %mul3A_71] : memref<16x10240xf32, #tpu.memory_space<vmem_shared>> -> memref<1x640xf32, #tpu.memory_space<vmem_shared>>
      %dma_start3A_95 = tpu.memref_squeeze %dma_start3A_94 : memref<1x640xf32, #tpu.memory_space<vmem_shared>> -> memref<640xf32, #tpu.memory_space<vmem_shared>>
      tpu.enqueue_dma source(%dma_start3A_95 : memref<640xf32, #tpu.memory_space<vmem_shared>>) target(%dma_start3A_93 : memref<640xf32, #tpu.memory_space<vmem>>) target_semaphore(%run_scoped3A_86 : memref<!tpu.dma_semaphore, #tpu.memory_space<semaphore_mem>>)
      %dma_wait3A = arith.constant 0 : i32
      %dma_wait3A_96 = tpu.memref_slice %arg6[%run_scoped3A_73, %dma_wait3A] : memref<16x640xf32, #tpu.memory_space<vmem>> -> memref<1x640xf32, #tpu.memory_space<vmem>>
      %dma_wait3A_97 = tpu.memref_squeeze %dma_wait3A_96 : memref<1x640xf32, #tpu.memory_space<vmem>> -> memref<640xf32, #tpu.memory_space<vmem>>
      %dma_wait3A_98 = tpu.memref_slice %arg8[%run_scoped3A_72, %mul3A_71] : memref<16x10240xf32, #tpu.memory_space<vmem_shared>> -> memref<1x640xf32, #tpu.memory_space<vmem_shared>>
      %dma_wait3A_99 = tpu.memref_squeeze %dma_wait3A_98 : memref<1x640xf32, #tpu.memory_space<vmem_shared>> -> memref<640xf32, #tpu.memory_space<vmem_shared>>
      %dma_wait3A_100 = arith.constant 0 : i32
      %dma_wait3A_101 = tpu.memref_slice %arg6[%run_scoped3A_73, %dma_wait3A_100] : memref<16x640xf32, #tpu.memory_space<vmem>> -> memref<1x640xf32, #tpu.memory_space<vmem>>
      %dma_wait3A_102 = tpu.memref_squeeze %dma_wait3A_101 : memref<1x640xf32, #tpu.memory_space<vmem>> -> memref<640xf32, #tpu.memory_space<vmem>>
      %dma_wait3A_103 = tpu.memref_slice %arg8[%run_scoped3A_72, %mul3A_71] : memref<16x10240xf32, #tpu.memory_space<vmem_shared>> -> memref<1x640xf32, #tpu.memory_space<vmem_shared>>
      %dma_wait3A_104 = tpu.memref_squeeze %dma_wait3A_103 : memref<1x640xf32, #tpu.memory_space<vmem_shared>> -> memref<640xf32, #tpu.memory_space<vmem_shared>>
      tpu.wait_dma2 semaphore(%run_scoped3A_86 : memref<!tpu.dma_semaphore, #tpu.memory_space<semaphore_mem>>) src(%dma_wait3A_104 : memref<640xf32, #tpu.memory_space<vmem_shared>>) dst(%dma_wait3A_102 : memref<640xf32, #tpu.memory_space<vmem>>)
      tpu.yield
    }) : () -> ()
    %mul3A_74 = arith.constant 640 : i32
    %mul3A_75 = arith.muli %arg1, %mul3A_74 : i32
    %run_scoped3A_76 = arith.constant 15 : i32
    %run_scoped3A_77 = arith.constant 15 : i32
    "tpu.region"() ({
      %run_scoped3A_86 = tpu.sem_alloc : memref<!tpu.dma_semaphore, #tpu.memory_space<semaphore_mem>>
      %dma_start3A = arith.constant 0 : i32
      %dma_start3A_87 = tpu.memref_slice %arg6[%run_scoped3A_77, %dma_start3A] : memref<16x640xf32, #tpu.memory_space<vmem>> -> memref<1x640xf32, #tpu.memory_space<vmem>>
      %dma_start3A_88 = tpu.memref_squeeze %dma_start3A_87 : memref<1x640xf32, #tpu.memory_space<vmem>> -> memref<640xf32, #tpu.memory_space<vmem>>
      %dma_start3A_89 = tpu.memref_slice %arg8[%run_scoped3A_76, %mul3A_75] : memref<16x10240xf32, #tpu.memory_space<vmem_shared>> -> memref<1x640xf32, #tpu.memory_space<vmem_shared>>
      %dma_start3A_90 = tpu.memref_squeeze %dma_start3A_89 : memref<1x640xf32, #tpu.memory_space<vmem_shared>> -> memref<640xf32, #tpu.memory_space<vmem_shared>>
      %dma_start3A_91 = arith.constant 0 : i32
      %dma_start3A_92 = tpu.memref_slice %arg6[%run_scoped3A_77, %dma_start3A_91] : memref<16x640xf32, #tpu.memory_space<vmem>> -> memref<1x640xf32, #tpu.memory_space<vmem>>
      %dma_start3A_93 = tpu.memref_squeeze %dma_start3A_92 : memref<1x640xf32, #tpu.memory_space<vmem>> -> memref<640xf32, #tpu.memory_space<vmem>>
      %dma_start3A_94 = tpu.memref_slice %arg8[%run_scoped3A_76, %mul3A_75] : memref<16x10240xf32, #tpu.memory_space<vmem_shared>> -> memref<1x640xf32, #tpu.memory_space<vmem_shared>>
      %dma_start3A_95 = tpu.memref_squeeze %dma_start3A_94 : memref<1x640xf32, #tpu.memory_space<vmem_shared>> -> memref<640xf32, #tpu.memory_space<vmem_shared>>
      tpu.enqueue_dma source(%dma_start3A_95 : memref<640xf32, #tpu.memory_space<vmem_shared>>) target(%dma_start3A_93 : memref<640xf32, #tpu.memory_space<vmem>>) target_semaphore(%run_scoped3A_86 : memref<!tpu.dma_semaphore, #tpu.memory_space<semaphore_mem>>)
      %dma_wait3A = arith.constant 0 : i32
      %dma_wait3A_96 = tpu.memref_slice %arg6[%run_scoped3A_77, %dma_wait3A] : memref<16x640xf32, #tpu.memory_space<vmem>> -> memref<1x640xf32, #tpu.memory_space<vmem>>
      %dma_wait3A_97 = tpu.memref_squeeze %dma_wait3A_96 : memref<1x640xf32, #tpu.memory_space<vmem>> -> memref<640xf32, #tpu.memory_space<vmem>>
      %dma_wait3A_98 = tpu.memref_slice %arg8[%run_scoped3A_76, %mul3A_75] : memref<16x10240xf32, #tpu.memory_space<vmem_shared>> -> memref<1x640xf32, #tpu.memory_space<vmem_shared>>
      %dma_wait3A_99 = tpu.memref_squeeze %dma_wait3A_98 : memref<1x640xf32, #tpu.memory_space<vmem_shared>> -> memref<640xf32, #tpu.memory_space<vmem_shared>>
      %dma_wait3A_100 = arith.constant 0 : i32
      %dma_wait3A_101 = tpu.memref_slice %arg6[%run_scoped3A_77, %dma_wait3A_100] : memref<16x640xf32, #tpu.memory_space<vmem>> -> memref<1x640xf32, #tpu.memory_space<vmem>>
      %dma_wait3A_102 = tpu.memref_squeeze %dma_wait3A_101 : memref<1x640xf32, #tpu.memory_space<vmem>> -> memref<640xf32, #tpu.memory_space<vmem>>
      %dma_wait3A_103 = tpu.memref_slice %arg8[%run_scoped3A_76, %mul3A_75] : memref<16x10240xf32, #tpu.memory_space<vmem_shared>> -> memref<1x640xf32, #tpu.memory_space<vmem_shared>>
      %dma_wait3A_104 = tpu.memref_squeeze %dma_wait3A_103 : memref<1x640xf32, #tpu.memory_space<vmem_shared>> -> memref<640xf32, #tpu.memory_space<vmem_shared>>
      tpu.wait_dma2 semaphore(%run_scoped3A_86 : memref<!tpu.dma_semaphore, #tpu.memory_space<semaphore_mem>>) src(%dma_wait3A_104 : memref<640xf32, #tpu.memory_space<vmem_shared>>) dst(%dma_wait3A_102 : memref<640xf32, #tpu.memory_space<vmem>>)
      tpu.yield
    }) : () -> ()
    %scan3A_78 = arith.constant 0 : i32
    %scan3A_79 = arith.constant 0 : i32
    %scan3A_80 = arith.constant 40 : i32
    %scan3A_81 = arith.addi %scan3A_79, %scan3A_80 : i32
    %scan3A_82 = arith.constant 1 : i32
    scf.for %scan3A_86 = %scan3A_79 to %scan3A_81 step %scan3A_82  : i32 {
      %mul3A_87 = arith.constant 16 : i32
      %mul3A_88 = arith.muli %scan3A_86, %mul3A_87 : i32
      %get3A = arith.constant 0 : i32
      %get3A_89 = arith.index_cast %get3A : i32 to index
      %get3A_90 = arith.index_cast %mul3A_88 : i32 to index
      %get3A_91 = tpu.vector_load %arg6[%get3A_89, %get3A_90] {strides = array<i32>} : memref<16x640xf32, #tpu.memory_space<vmem>>, vector<16xf32>,
      %mul3A_92 = arith.constant 16 : i32
      %mul3A_93 = arith.muli %scan3A_86, %mul3A_92 : i32
      %get3A_94 = arith.constant 1 : i32
      %get3A_95 = arith.index_cast %get3A_94 : i32 to index
      %get3A_96 = arith.index_cast %mul3A_93 : i32 to index
      %get3A_97 = tpu.vector_load %arg6[%get3A_95, %get3A_96] {strides = array<i32>} : memref<16x640xf32, #tpu.memory_space<vmem>>, vector<16xf32>,
      %add3A_98 = arith.addf %get3A_91, %get3A_97 : vector<16xf32>
      %mul3A_99 = arith.constant 16 : i32
      %mul3A_100 = arith.muli %scan3A_86, %mul3A_99 : i32
      %get3A_101 = arith.constant 2 : i32
      %get3A_102 = arith.index_cast %get3A_101 : i32 to index
      %get3A_103 = arith.index_cast %mul3A_100 : i32 to index
      %get3A_104 = tpu.vector_load %arg6[%get3A_102, %get3A_103] {strides = array<i32>} : memref<16x640xf32, #tpu.memory_space<vmem>>, vector<16xf32>,
      %add3A_105 = arith.addf %add3A_98, %get3A_104 : vector<16xf32>
      %mul3A_106 = arith.constant 16 : i32
      %mul3A_107 = arith.muli %scan3A_86, %mul3A_106 : i32
      %get3A_108 = arith.constant 3 : i32
      %get3A_109 = arith.index_cast %get3A_108 : i32 to index
      %get3A_110 = arith.index_cast %mul3A_107 : i32 to index
      %get3A_111 = tpu.vector_load %arg6[%get3A_109, %get3A_110] {strides = array<i32>} : memref<16x640xf32, #tpu.memory_space<vmem>>, vector<16xf32>,
      %add3A_112 = arith.addf %add3A_105, %get3A_111 : vector<16xf32>
      %mul3A_113 = arith.constant 16 : i32
      %mul3A_114 = arith.muli %scan3A_86, %mul3A_113 : i32
      %get3A_115 = arith.constant 4 : i32
      %get3A_116 = arith.index_cast %get3A_115 : i32 to index
      %get3A_117 = arith.index_cast %mul3A_114 : i32 to index
      %get3A_118 = tpu.vector_load %arg6[%get3A_116, %get3A_117] {strides = array<i32>} : memref<16x640xf32, #tpu.memory_space<vmem>>, vector<16xf32>,
      %add3A_119 = arith.addf %add3A_112, %get3A_118 : vector<16xf32>
      %mul3A_120 = arith.constant 16 : i32
      %mul3A_121 = arith.muli %scan3A_86, %mul3A_120 : i32
      %get3A_122 = arith.constant 5 : i32
      %get3A_123 = arith.index_cast %get3A_122 : i32 to index
      %get3A_124 = arith.index_cast %mul3A_121 : i32 to index
      %get3A_125 = tpu.vector_load %arg6[%get3A_123, %get3A_124] {strides = array<i32>} : memref<16x640xf32, #tpu.memory_space<vmem>>, vector<16xf32>,
      %add3A_126 = arith.addf %add3A_119, %get3A_125 : vector<16xf32>
      %mul3A_127 = arith.constant 16 : i32
      %mul3A_128 = arith.muli %scan3A_86, %mul3A_127 : i32
      %get3A_129 = arith.constant 6 : i32
      %get3A_130 = arith.index_cast %get3A_129 : i32 to index
      %get3A_131 = arith.index_cast %mul3A_128 : i32 to index
      %get3A_132 = tpu.vector_load %arg6[%get3A_130, %get3A_131] {strides = array<i32>} : memref<16x640xf32, #tpu.memory_space<vmem>>, vector<16xf32>,
      %add3A_133 = arith.addf %add3A_126, %get3A_132 : vector<16xf32>
      %mul3A_134 = arith.constant 16 : i32
      %mul3A_135 = arith.muli %scan3A_86, %mul3A_134 : i32
      %get3A_136 = arith.constant 7 : i32
      %get3A_137 = arith.index_cast %get3A_136 : i32 to index
      %get3A_138 = arith.index_cast %mul3A_135 : i32 to index
      %get3A_139 = tpu.vector_load %arg6[%get3A_137, %get3A_138] {strides = array<i32>} : memref<16x640xf32, #tpu.memory_space<vmem>>, vector<16xf32>,
      %add3A_140 = arith.addf %add3A_133, %get3A_139 : vector<16xf32>
      %mul3A_141 = arith.constant 16 : i32
      %mul3A_142 = arith.muli %scan3A_86, %mul3A_141 : i32
      %get3A_143 = arith.constant 8 : i32
      %get3A_144 = arith.index_cast %get3A_143 : i32 to index
      %get3A_145 = arith.index_cast %mul3A_142 : i32 to index
      %get3A_146 = tpu.vector_load %arg6[%get3A_144, %get3A_145] {strides = array<i32>} : memref<16x640xf32, #tpu.memory_space<vmem>>, vector<16xf32>,
      %add3A_147 = arith.addf %add3A_140, %get3A_146 : vector<16xf32>
      %mul3A_148 = arith.constant 16 : i32
      %mul3A_149 = arith.muli %scan3A_86, %mul3A_148 : i32
      %get3A_150 = arith.constant 9 : i32
      %get3A_151 = arith.index_cast %get3A_150 : i32 to index
      %get3A_152 = arith.index_cast %mul3A_149 : i32 to index
      %get3A_153 = tpu.vector_load %arg6[%get3A_151, %get3A_152] {strides = array<i32>} : memref<16x640xf32, #tpu.memory_space<vmem>>, vector<16xf32>,
      %add3A_154 = arith.addf %add3A_147, %get3A_153 : vector<16xf32>
      %mul3A_155 = arith.constant 16 : i32
      %mul3A_156 = arith.muli %scan3A_86, %mul3A_155 : i32
      %get3A_157 = arith.constant 10 : i32
      %get3A_158 = arith.index_cast %get3A_157 : i32 to index
      %get3A_159 = arith.index_cast %mul3A_156 : i32 to index
      %get3A_160 = tpu.vector_load %arg6[%get3A_158, %get3A_159] {strides = array<i32>} : memref<16x640xf32, #tpu.memory_space<vmem>>, vector<16xf32>,
      %add3A_161 = arith.addf %add3A_154, %get3A_160 : vector<16xf32>
      %mul3A_162 = arith.constant 16 : i32
      %mul3A_163 = arith.muli %scan3A_86, %mul3A_162 : i32
      %get3A_164 = arith.constant 11 : i32
      %get3A_165 = arith.index_cast %get3A_164 : i32 to index
      %get3A_166 = arith.index_cast %mul3A_163 : i32 to index
      %get3A_167 = tpu.vector_load %arg6[%get3A_165, %get3A_166] {strides = array<i32>} : memref<16x640xf32, #tpu.memory_space<vmem>>, vector<16xf32>,
      %add3A_168 = arith.addf %add3A_161, %get3A_167 : vector<16xf32>
      %mul3A_169 = arith.constant 16 : i32
      %mul3A_170 = arith.muli %scan3A_86, %mul3A_169 : i32
      %get3A_171 = arith.constant 12 : i32
      %get3A_172 = arith.index_cast %get3A_171 : i32 to index
      %get3A_173 = arith.index_cast %mul3A_170 : i32 to index
      %get3A_174 = tpu.vector_load %arg6[%get3A_172, %get3A_173] {strides = array<i32>} : memref<16x640xf32, #tpu.memory_space<vmem>>, vector<16xf32>,
      %add3A_175 = arith.addf %add3A_168, %get3A_174 : vector<16xf32>
      %mul3A_176 = arith.constant 16 : i32
      %mul3A_177 = arith.muli %scan3A_86, %mul3A_176 : i32
      %get3A_178 = arith.constant 13 : i32
      %get3A_179 = arith.index_cast %get3A_178 : i32 to index
      %get3A_180 = arith.index_cast %mul3A_177 : i32 to index
      %get3A_181 = tpu.vector_load %arg6[%get3A_179, %get3A_180] {strides = array<i32>} : memref<16x640xf32, #tpu.memory_space<vmem>>, vector<16xf32>,
      %add3A_182 = arith.addf %add3A_175, %get3A_181 : vector<16xf32>
      %mul3A_183 = arith.constant 16 : i32
      %mul3A_184 = arith.muli %scan3A_86, %mul3A_183 : i32
      %get3A_185 = arith.constant 14 : i32
      %get3A_186 = arith.index_cast %get3A_185 : i32 to index
      %get3A_187 = arith.index_cast %mul3A_184 : i32 to index
      %get3A_188 = tpu.vector_load %arg6[%get3A_186, %get3A_187] {strides = array<i32>} : memref<16x640xf32, #tpu.memory_space<vmem>>, vector<16xf32>,
      %add3A_189 = arith.addf %add3A_182, %get3A_188 : vector<16xf32>
      %mul3A_190 = arith.constant 16 : i32
      %mul3A_191 = arith.muli %scan3A_86, %mul3A_190 : i32
      %get3A_192 = arith.constant 15 : i32
      %get3A_193 = arith.index_cast %get3A_192 : i32 to index
      %get3A_194 = arith.index_cast %mul3A_191 : i32 to index
      %get3A_195 = tpu.vector_load %arg6[%get3A_193, %get3A_194] {strides = array<i32>} : memref<16x640xf32, #tpu.memory_space<vmem>>, vector<16xf32>,
      %add3A_196 = arith.addf %add3A_189, %get3A_195 : vector<16xf32>
      %mul3A_197 = arith.constant 16 : i32
      %mul3A_198 = arith.muli %scan3A_86, %mul3A_197 : i32
      %swap3A = arith.index_cast %mul3A_198 : i32 to index
      %swap3A_199 = tpu.vector_load %arg7[%swap3A] {strides = array<i32>} : memref<640xf32, #tpu.memory_space<vmem>>, vector<16xf32>,
      tpu.vector_store %arg7[%swap3A], %add3A_196 {strides = array<i32>} : memref<640xf32, #tpu.memory_space<vmem>>, vector<16xf32>,
    }
    %scan3A_83 = arith.constant 40 : i32
    %mul3A_84 = arith.constant 640 : i32
    %mul3A_85 = arith.muli %arg1, %mul3A_84 : i32
    "tpu.region"() ({
      %run_scoped3A_86 = tpu.sem_alloc : memref<!tpu.dma_semaphore, #tpu.memory_space<semaphore_mem>>
      %dma_start3A = tpu.memref_slice %arg3[%arg0, %mul3A_85] : memref<2x10240xf32, #tpu.memory_space<hbm>> -> memref<1x640xf32, #tpu.memory_space<hbm>>
      %dma_start3A_87 = tpu.memref_squeeze %dma_start3A : memref<1x640xf32, #tpu.memory_space<hbm>> -> memref<640xf32, #tpu.memory_space<hbm>>
      %dma_start3A_88 = tpu.memref_slice %arg3[%arg0, %mul3A_85] : memref<2x10240xf32, #tpu.memory_space<hbm>> -> memref<1x640xf32, #tpu.memory_space<hbm>>
      %dma_start3A_89 = tpu.memref_squeeze %dma_start3A_88 : memref<1x640xf32, #tpu.memory_space<hbm>> -> memref<640xf32, #tpu.memory_space<hbm>>
      tpu.enqueue_dma source(%arg7 : memref<640xf32, #tpu.memory_space<vmem>>) target(%dma_start3A_89 : memref<640xf32, #tpu.memory_space<hbm>>) target_semaphore(%run_scoped3A_86 : memref<!tpu.dma_semaphore, #tpu.memory_space<semaphore_mem>>)
      %dma_wait3A = tpu.memref_slice %arg3[%arg0, %mul3A_85] : memref<2x10240xf32, #tpu.memory_space<hbm>> -> memref<1x640xf32, #tpu.memory_space<hbm>>
      %dma_wait3A_90 = tpu.memref_squeeze %dma_wait3A : memref<1x640xf32, #tpu.memory_space<hbm>> -> memref<640xf32, #tpu.memory_space<hbm>>
      %dma_wait3A_91 = tpu.memref_slice %arg3[%arg0, %mul3A_85] : memref<2x10240xf32, #tpu.memory_space<hbm>> -> memref<1x640xf32, #tpu.memory_space<hbm>>
      %dma_wait3A_92 = tpu.memref_squeeze %dma_wait3A_91 : memref<1x640xf32, #tpu.memory_space<hbm>> -> memref<640xf32, #tpu.memory_space<hbm>>
      tpu.wait_dma2 semaphore(%run_scoped3A_86 : memref<!tpu.dma_semaphore, #tpu.memory_space<semaphore_mem>>) src(%arg7 : memref<640xf32, #tpu.memory_space<vmem>>) dst(%dma_wait3A_92 : memref<640xf32, #tpu.memory_space<hbm>>)
      tpu.yield
    }) : () -> ()
    return
  }
}

#map = affine_map<(d0, d1) -> (0, 0)>
#map1 = affine_map<(d0, d1) -> (0, 0, 0)>
module attributes {stable_mosaic.version = 14 : i64} {
  func.func @_sc_spmm(%arg0: i32, %arg1: i32, %arg2: memref<20224x128xf32, #tpu.memory_space<hbm>>, %arg3: memref<64x40x125xi32, #tpu.memory_space<hbm>>, %arg4: memref<32x40x125xi32, #tpu.memory_space<hbm>>, %arg5: memref<20224x128xf32, #tpu.memory_space<hbm>>, %arg6: memref<40x125xi32, #tpu.memory_space<vmem>>, %arg7: memref<40x125xi32, #tpu.memory_space<vmem>>, %arg8: memref<2x125x128xf32, #tpu.memory_space<vmem>>, %arg9: memref<24x128xf32, #tpu.memory_space<vmem>>, %arg10: memref<10112x128xf32, #tpu.memory_space<vmem_shared>>, %arg11: memref<2x!tpu.dma_semaphore, #tpu.memory_space<semaphore_mem>>, %arg12: memref<!tpu.dma_semaphore, #tpu.memory_space<semaphore_mem>>) attributes {dimension_semantics = [#tpu.dimension_semantics<core_parallel>, #tpu.dimension_semantics<subcore_parallel>], iteration_bounds = array<i64: 2, 16>, scalar_prefetch = 0 : i64, scratch_operands = 7 : i64, tpu.core_type = #tpu.core_type<sc_vector_subcore>, window_params = [{transform_indices = #map}, {transform_indices = #map1}, {transform_indices = #map1}, {transform_indices = #map}]} {
    %broadcast_in_dim3A = arith.constant 0.000000e+00 : f32
    %broadcast_in_dim3A_0 = vector.broadcast %broadcast_in_dim3A : f32 to vector<16xf32>
    %swap3A = arith.constant 0 : i32
    %swap3A_1 = arith.index_cast %swap3A : i32 to index
    %swap3A_2 = arith.constant 0 : index
    %swap3A_3 = tpu.vector_load %arg9[%swap3A_1, %swap3A_2] {strides = array<i32>} : memref<24x128xf32, #tpu.memory_space<vmem>>, vector<16xf32>,
    tpu.vector_store %arg9[%swap3A_1, %swap3A_2], %broadcast_in_dim3A_0 {strides = array<i32>} : memref<24x128xf32, #tpu.memory_space<vmem>>, vector<16xf32>,
    %swap3A_4 = arith.constant 0 : i32
    %swap3A_5 = arith.index_cast %swap3A_4 : i32 to index
    %swap3A_6 = arith.constant 16 : index
    %swap3A_7 = tpu.vector_load %arg9[%swap3A_5, %swap3A_6] {strides = array<i32>} : memref<24x128xf32, #tpu.memory_space<vmem>>, vector<16xf32>,
    tpu.vector_store %arg9[%swap3A_5, %swap3A_6], %broadcast_in_dim3A_0 {strides = array<i32>} : memref<24x128xf32, #tpu.memory_space<vmem>>, vector<16xf32>,
    %swap3A_8 = arith.constant 0 : i32
    %swap3A_9 = arith.index_cast %swap3A_8 : i32 to index
    %swap3A_10 = arith.constant 32 : index
    %swap3A_11 = tpu.vector_load %arg9[%swap3A_9, %swap3A_10] {strides = array<i32>} : memref<24x128xf32, #tpu.memory_space<vmem>>, vector<16xf32>,
    tpu.vector_store %arg9[%swap3A_9, %swap3A_10], %broadcast_in_dim3A_0 {strides = array<i32>} : memref<24x128xf32, #tpu.memory_space<vmem>>, vector<16xf32>,
    %swap3A_12 = arith.constant 0 : i32
    %swap3A_13 = arith.index_cast %swap3A_12 : i32 to index
    %swap3A_14 = arith.constant 48 : index
    %swap3A_15 = tpu.vector_load %arg9[%swap3A_13, %swap3A_14] {strides = array<i32>} : memref<24x128xf32, #tpu.memory_space<vmem>>, vector<16xf32>,
    tpu.vector_store %arg9[%swap3A_13, %swap3A_14], %broadcast_in_dim3A_0 {strides = array<i32>} : memref<24x128xf32, #tpu.memory_space<vmem>>, vector<16xf32>,
    %swap3A_16 = arith.constant 0 : i32
    %swap3A_17 = arith.index_cast %swap3A_16 : i32 to index
    %swap3A_18 = arith.constant 64 : index
    %swap3A_19 = tpu.vector_load %arg9[%swap3A_17, %swap3A_18] {strides = array<i32>} : memref<24x128xf32, #tpu.memory_space<vmem>>, vector<16xf32>,
    tpu.vector_store %arg9[%swap3A_17, %swap3A_18], %broadcast_in_dim3A_0 {strides = array<i32>} : memref<24x128xf32, #tpu.memory_space<vmem>>, vector<16xf32>,
    %swap3A_20 = arith.constant 0 : i32
    %swap3A_21 = arith.index_cast %swap3A_20 : i32 to index
    %swap3A_22 = arith.constant 80 : index
    %swap3A_23 = tpu.vector_load %arg9[%swap3A_21, %swap3A_22] {strides = array<i32>} : memref<24x128xf32, #tpu.memory_space<vmem>>, vector<16xf32>,
    tpu.vector_store %arg9[%swap3A_21, %swap3A_22], %broadcast_in_dim3A_0 {strides = array<i32>} : memref<24x128xf32, #tpu.memory_space<vmem>>, vector<16xf32>,
    %swap3A_24 = arith.constant 0 : i32
    %swap3A_25 = arith.index_cast %swap3A_24 : i32 to index
    %swap3A_26 = arith.constant 96 : index
    %swap3A_27 = tpu.vector_load %arg9[%swap3A_25, %swap3A_26] {strides = array<i32>} : memref<24x128xf32, #tpu.memory_space<vmem>>, vector<16xf32>,
    tpu.vector_store %arg9[%swap3A_25, %swap3A_26], %broadcast_in_dim3A_0 {strides = array<i32>} : memref<24x128xf32, #tpu.memory_space<vmem>>, vector<16xf32>,
    %swap3A_28 = arith.constant 0 : i32
    %swap3A_29 = arith.index_cast %swap3A_28 : i32 to index
    %swap3A_30 = arith.constant 112 : index
    %swap3A_31 = tpu.vector_load %arg9[%swap3A_29, %swap3A_30] {strides = array<i32>} : memref<24x128xf32, #tpu.memory_space<vmem>>, vector<16xf32>,
    tpu.vector_store %arg9[%swap3A_29, %swap3A_30], %broadcast_in_dim3A_0 {strides = array<i32>} : memref<24x128xf32, #tpu.memory_space<vmem>>, vector<16xf32>,
    %swap3A_32 = arith.constant 1 : i32
    %swap3A_33 = arith.index_cast %swap3A_32 : i32 to index
    %swap3A_34 = arith.constant 0 : index
    %swap3A_35 = tpu.vector_load %arg9[%swap3A_33, %swap3A_34] {strides = array<i32>} : memref<24x128xf32, #tpu.memory_space<vmem>>, vector<16xf32>,
    tpu.vector_store %arg9[%swap3A_33, %swap3A_34], %broadcast_in_dim3A_0 {strides = array<i32>} : memref<24x128xf32, #tpu.memory_space<vmem>>, vector<16xf32>,
    %swap3A_36 = arith.constant 1 : i32
    %swap3A_37 = arith.index_cast %swap3A_36 : i32 to index
    %swap3A_38 = arith.constant 16 : index
    %swap3A_39 = tpu.vector_load %arg9[%swap3A_37, %swap3A_38] {strides = array<i32>} : memref<24x128xf32, #tpu.memory_space<vmem>>, vector<16xf32>,
    tpu.vector_store %arg9[%swap3A_37, %swap3A_38], %broadcast_in_dim3A_0 {strides = array<i32>} : memref<24x128xf32, #tpu.memory_space<vmem>>, vector<16xf32>,
    %swap3A_40 = arith.constant 1 : i32
    %swap3A_41 = arith.index_cast %swap3A_40 : i32 to index
    %swap3A_42 = arith.constant 32 : index
    %swap3A_43 = tpu.vector_load %arg9[%swap3A_41, %swap3A_42] {strides = array<i32>} : memref<24x128xf32, #tpu.memory_space<vmem>>, vector<16xf32>,
    tpu.vector_store %arg9[%swap3A_41, %swap3A_42], %broadcast_in_dim3A_0 {strides = array<i32>} : memref<24x128xf32, #tpu.memory_space<vmem>>, vector<16xf32>,
    %swap3A_44 = arith.constant 1 : i32
    %swap3A_45 = arith.index_cast %swap3A_44 : i32 to index
    %swap3A_46 = arith.constant 48 : index
    %swap3A_47 = tpu.vector_load %arg9[%swap3A_45, %swap3A_46] {strides = array<i32>} : memref<24x128xf32, #tpu.memory_space<vmem>>, vector<16xf32>,
    tpu.vector_store %arg9[%swap3A_45, %swap3A_46], %broadcast_in_dim3A_0 {strides = array<i32>} : memref<24x128xf32, #tpu.memory_space<vmem>>, vector<16xf32>,
    %swap3A_48 = arith.constant 1 : i32
    %swap3A_49 = arith.index_cast %swap3A_48 : i32 to index
    %swap3A_50 = arith.constant 64 : index
    %swap3A_51 = tpu.vector_load %arg9[%swap3A_49, %swap3A_50] {strides = array<i32>} : memref<24x128xf32, #tpu.memory_space<vmem>>, vector<16xf32>,
    tpu.vector_store %arg9[%swap3A_49, %swap3A_50], %broadcast_in_dim3A_0 {strides = array<i32>} : memref<24x128xf32, #tpu.memory_space<vmem>>, vector<16xf32>,
    %swap3A_52 = arith.constant 1 : i32
    %swap3A_53 = arith.index_cast %swap3A_52 : i32 to index
    %swap3A_54 = arith.constant 80 : index
    %swap3A_55 = tpu.vector_load %arg9[%swap3A_53, %swap3A_54] {strides = array<i32>} : memref<24x128xf32, #tpu.memory_space<vmem>>, vector<16xf32>,
    tpu.vector_store %arg9[%swap3A_53, %swap3A_54], %broadcast_in_dim3A_0 {strides = array<i32>} : memref<24x128xf32, #tpu.memory_space<vmem>>, vector<16xf32>,
    %swap3A_56 = arith.constant 1 : i32
    %swap3A_57 = arith.index_cast %swap3A_56 : i32 to index
    %swap3A_58 = arith.constant 96 : index
    %swap3A_59 = tpu.vector_load %arg9[%swap3A_57, %swap3A_58] {strides = array<i32>} : memref<24x128xf32, #tpu.memory_space<vmem>>, vector<16xf32>,
    tpu.vector_store %arg9[%swap3A_57, %swap3A_58], %broadcast_in_dim3A_0 {strides = array<i32>} : memref<24x128xf32, #tpu.memory_space<vmem>>, vector<16xf32>,
    %swap3A_60 = arith.constant 1 : i32
    %swap3A_61 = arith.index_cast %swap3A_60 : i32 to index
    %swap3A_62 = arith.constant 112 : index
    %swap3A_63 = tpu.vector_load %arg9[%swap3A_61, %swap3A_62] {strides = array<i32>} : memref<24x128xf32, #tpu.memory_space<vmem>>, vector<16xf32>,
    tpu.vector_store %arg9[%swap3A_61, %swap3A_62], %broadcast_in_dim3A_0 {strides = array<i32>} : memref<24x128xf32, #tpu.memory_space<vmem>>, vector<16xf32>,
    %swap3A_64 = arith.constant 2 : i32
    %swap3A_65 = arith.index_cast %swap3A_64 : i32 to index
    %swap3A_66 = arith.constant 0 : index
    %swap3A_67 = tpu.vector_load %arg9[%swap3A_65, %swap3A_66] {strides = array<i32>} : memref<24x128xf32, #tpu.memory_space<vmem>>, vector<16xf32>,
    tpu.vector_store %arg9[%swap3A_65, %swap3A_66], %broadcast_in_dim3A_0 {strides = array<i32>} : memref<24x128xf32, #tpu.memory_space<vmem>>, vector<16xf32>,
    %swap3A_68 = arith.constant 2 : i32
    %swap3A_69 = arith.index_cast %swap3A_68 : i32 to index
    %swap3A_70 = arith.constant 16 : index
    %swap3A_71 = tpu.vector_load %arg9[%swap3A_69, %swap3A_70] {strides = array<i32>} : memref<24x128xf32, #tpu.memory_space<vmem>>, vector<16xf32>,
    tpu.vector_store %arg9[%swap3A_69, %swap3A_70], %broadcast_in_dim3A_0 {strides = array<i32>} : memref<24x128xf32, #tpu.memory_space<vmem>>, vector<16xf32>,
    %swap3A_72 = arith.constant 2 : i32
    %swap3A_73 = arith.index_cast %swap3A_72 : i32 to index
    %swap3A_74 = arith.constant 32 : index
    %swap3A_75 = tpu.vector_load %arg9[%swap3A_73, %swap3A_74] {strides = array<i32>} : memref<24x128xf32, #tpu.memory_space<vmem>>, vector<16xf32>,
    tpu.vector_store %arg9[%swap3A_73, %swap3A_74], %broadcast_in_dim3A_0 {strides = array<i32>} : memref<24x128xf32, #tpu.memory_space<vmem>>, vector<16xf32>,
    %swap3A_76 = arith.constant 2 : i32
    %swap3A_77 = arith.index_cast %swap3A_76 : i32 to index
    %swap3A_78 = arith.constant 48 : index
    %swap3A_79 = tpu.vector_load %arg9[%swap3A_77, %swap3A_78] {strides = array<i32>} : memref<24x128xf32, #tpu.memory_space<vmem>>, vector<16xf32>,
    tpu.vector_store %arg9[%swap3A_77, %swap3A_78], %broadcast_in_dim3A_0 {strides = array<i32>} : memref<24x128xf32, #tpu.memory_space<vmem>>, vector<16xf32>,
    %swap3A_80 = arith.constant 2 : i32
    %swap3A_81 = arith.index_cast %swap3A_80 : i32 to index
    %swap3A_82 = arith.constant 64 : index
    %swap3A_83 = tpu.vector_load %arg9[%swap3A_81, %swap3A_82] {strides = array<i32>} : memref<24x128xf32, #tpu.memory_space<vmem>>, vector<16xf32>,
    tpu.vector_store %arg9[%swap3A_81, %swap3A_82], %broadcast_in_dim3A_0 {strides = array<i32>} : memref<24x128xf32, #tpu.memory_space<vmem>>, vector<16xf32>,
    %swap3A_84 = arith.constant 2 : i32
    %swap3A_85 = arith.index_cast %swap3A_84 : i32 to index
    %swap3A_86 = arith.constant 80 : index
    %swap3A_87 = tpu.vector_load %arg9[%swap3A_85, %swap3A_86] {strides = array<i32>} : memref<24x128xf32, #tpu.memory_space<vmem>>, vector<16xf32>,
    tpu.vector_store %arg9[%swap3A_85, %swap3A_86], %broadcast_in_dim3A_0 {strides = array<i32>} : memref<24x128xf32, #tpu.memory_space<vmem>>, vector<16xf32>,
    %swap3A_88 = arith.constant 2 : i32
    %swap3A_89 = arith.index_cast %swap3A_88 : i32 to index
    %swap3A_90 = arith.constant 96 : index
    %swap3A_91 = tpu.vector_load %arg9[%swap3A_89, %swap3A_90] {strides = array<i32>} : memref<24x128xf32, #tpu.memory_space<vmem>>, vector<16xf32>,
    tpu.vector_store %arg9[%swap3A_89, %swap3A_90], %broadcast_in_dim3A_0 {strides = array<i32>} : memref<24x128xf32, #tpu.memory_space<vmem>>, vector<16xf32>,
    %swap3A_92 = arith.constant 2 : i32
    %swap3A_93 = arith.index_cast %swap3A_92 : i32 to index
    %swap3A_94 = arith.constant 112 : index
    %swap3A_95 = tpu.vector_load %arg9[%swap3A_93, %swap3A_94] {strides = array<i32>} : memref<24x128xf32, #tpu.memory_space<vmem>>, vector<16xf32>,
    tpu.vector_store %arg9[%swap3A_93, %swap3A_94], %broadcast_in_dim3A_0 {strides = array<i32>} : memref<24x128xf32, #tpu.memory_space<vmem>>, vector<16xf32>,
    %swap3A_96 = arith.constant 3 : i32
    %swap3A_97 = arith.index_cast %swap3A_96 : i32 to index
    %swap3A_98 = arith.constant 0 : index
    %swap3A_99 = tpu.vector_load %arg9[%swap3A_97, %swap3A_98] {strides = array<i32>} : memref<24x128xf32, #tpu.memory_space<vmem>>, vector<16xf32>,
    tpu.vector_store %arg9[%swap3A_97, %swap3A_98], %broadcast_in_dim3A_0 {strides = array<i32>} : memref<24x128xf32, #tpu.memory_space<vmem>>, vector<16xf32>,
    %swap3A_100 = arith.constant 3 : i32
    %swap3A_101 = arith.index_cast %swap3A_100 : i32 to index
    %swap3A_102 = arith.constant 16 : index
    %swap3A_103 = tpu.vector_load %arg9[%swap3A_101, %swap3A_102] {strides = array<i32>} : memref<24x128xf32, #tpu.memory_space<vmem>>, vector<16xf32>,
    tpu.vector_store %arg9[%swap3A_101, %swap3A_102], %broadcast_in_dim3A_0 {strides = array<i32>} : memref<24x128xf32, #tpu.memory_space<vmem>>, vector<16xf32>,
    %swap3A_104 = arith.constant 3 : i32
    %swap3A_105 = arith.index_cast %swap3A_104 : i32 to index
    %swap3A_106 = arith.constant 32 : index
    %swap3A_107 = tpu.vector_load %arg9[%swap3A_105, %swap3A_106] {strides = array<i32>} : memref<24x128xf32, #tpu.memory_space<vmem>>, vector<16xf32>,
    tpu.vector_store %arg9[%swap3A_105, %swap3A_106], %broadcast_in_dim3A_0 {strides = array<i32>} : memref<24x128xf32, #tpu.memory_space<vmem>>, vector<16xf32>,
    %swap3A_108 = arith.constant 3 : i32
    %swap3A_109 = arith.index_cast %swap3A_108 : i32 to index
    %swap3A_110 = arith.constant 48 : index
    %swap3A_111 = tpu.vector_load %arg9[%swap3A_109, %swap3A_110] {strides = array<i32>} : memref<24x128xf32, #tpu.memory_space<vmem>>, vector<16xf32>,
    tpu.vector_store %arg9[%swap3A_109, %swap3A_110], %broadcast_in_dim3A_0 {strides = array<i32>} : memref<24x128xf32, #tpu.memory_space<vmem>>, vector<16xf32>,
    %swap3A_112 = arith.constant 3 : i32
    %swap3A_113 = arith.index_cast %swap3A_112 : i32 to index
    %swap3A_114 = arith.constant 64 : index
    %swap3A_115 = tpu.vector_load %arg9[%swap3A_113, %swap3A_114] {strides = array<i32>} : memref<24x128xf32, #tpu.memory_space<vmem>>, vector<16xf32>,
    tpu.vector_store %arg9[%swap3A_113, %swap3A_114], %broadcast_in_dim3A_0 {strides = array<i32>} : memref<24x128xf32, #tpu.memory_space<vmem>>, vector<16xf32>,
    %swap3A_116 = arith.constant 3 : i32
    %swap3A_117 = arith.index_cast %swap3A_116 : i32 to index
    %swap3A_118 = arith.constant 80 : index
    %swap3A_119 = tpu.vector_load %arg9[%swap3A_117, %swap3A_118] {strides = array<i32>} : memref<24x128xf32, #tpu.memory_space<vmem>>, vector<16xf32>,
    tpu.vector_store %arg9[%swap3A_117, %swap3A_118], %broadcast_in_dim3A_0 {strides = array<i32>} : memref<24x128xf32, #tpu.memory_space<vmem>>, vector<16xf32>,
    %swap3A_120 = arith.constant 3 : i32
    %swap3A_121 = arith.index_cast %swap3A_120 : i32 to index
    %swap3A_122 = arith.constant 96 : index
    %swap3A_123 = tpu.vector_load %arg9[%swap3A_121, %swap3A_122] {strides = array<i32>} : memref<24x128xf32, #tpu.memory_space<vmem>>, vector<16xf32>,
    tpu.vector_store %arg9[%swap3A_121, %swap3A_122], %broadcast_in_dim3A_0 {strides = array<i32>} : memref<24x128xf32, #tpu.memory_space<vmem>>, vector<16xf32>,
    %swap3A_124 = arith.constant 3 : i32
    %swap3A_125 = arith.index_cast %swap3A_124 : i32 to index
    %swap3A_126 = arith.constant 112 : index
    %swap3A_127 = tpu.vector_load %arg9[%swap3A_125, %swap3A_126] {strides = array<i32>} : memref<24x128xf32, #tpu.memory_space<vmem>>, vector<16xf32>,
    tpu.vector_store %arg9[%swap3A_125, %swap3A_126], %broadcast_in_dim3A_0 {strides = array<i32>} : memref<24x128xf32, #tpu.memory_space<vmem>>, vector<16xf32>,
    %swap3A_128 = arith.constant 4 : i32
    %swap3A_129 = arith.index_cast %swap3A_128 : i32 to index
    %swap3A_130 = arith.constant 0 : index
    %swap3A_131 = tpu.vector_load %arg9[%swap3A_129, %swap3A_130] {strides = array<i32>} : memref<24x128xf32, #tpu.memory_space<vmem>>, vector<16xf32>,
    tpu.vector_store %arg9[%swap3A_129, %swap3A_130], %broadcast_in_dim3A_0 {strides = array<i32>} : memref<24x128xf32, #tpu.memory_space<vmem>>, vector<16xf32>,
    %swap3A_132 = arith.constant 4 : i32
    %swap3A_133 = arith.index_cast %swap3A_132 : i32 to index
    %swap3A_134 = arith.constant 16 : index
    %swap3A_135 = tpu.vector_load %arg9[%swap3A_133, %swap3A_134] {strides = array<i32>} : memref<24x128xf32, #tpu.memory_space<vmem>>, vector<16xf32>,
    tpu.vector_store %arg9[%swap3A_133, %swap3A_134], %broadcast_in_dim3A_0 {strides = array<i32>} : memref<24x128xf32, #tpu.memory_space<vmem>>, vector<16xf32>,
    %swap3A_136 = arith.constant 4 : i32
    %swap3A_137 = arith.index_cast %swap3A_136 : i32 to index
    %swap3A_138 = arith.constant 32 : index
    %swap3A_139 = tpu.vector_load %arg9[%swap3A_137, %swap3A_138] {strides = array<i32>} : memref<24x128xf32, #tpu.memory_space<vmem>>, vector<16xf32>,
    tpu.vector_store %arg9[%swap3A_137, %swap3A_138], %broadcast_in_dim3A_0 {strides = array<i32>} : memref<24x128xf32, #tpu.memory_space<vmem>>, vector<16xf32>,
    %swap3A_140 = arith.constant 4 : i32
    %swap3A_141 = arith.index_cast %swap3A_140 : i32 to index
    %swap3A_142 = arith.constant 48 : index
    %swap3A_143 = tpu.vector_load %arg9[%swap3A_141, %swap3A_142] {strides = array<i32>} : memref<24x128xf32, #tpu.memory_space<vmem>>, vector<16xf32>,
    tpu.vector_store %arg9[%swap3A_141, %swap3A_142], %broadcast_in_dim3A_0 {strides = array<i32>} : memref<24x128xf32, #tpu.memory_space<vmem>>, vector<16xf32>,
    %swap3A_144 = arith.constant 4 : i32
    %swap3A_145 = arith.index_cast %swap3A_144 : i32 to index
    %swap3A_146 = arith.constant 64 : index
    %swap3A_147 = tpu.vector_load %arg9[%swap3A_145, %swap3A_146] {strides = array<i32>} : memref<24x128xf32, #tpu.memory_space<vmem>>, vector<16xf32>,
    tpu.vector_store %arg9[%swap3A_145, %swap3A_146], %broadcast_in_dim3A_0 {strides = array<i32>} : memref<24x128xf32, #tpu.memory_space<vmem>>, vector<16xf32>,
    %swap3A_148 = arith.constant 4 : i32
    %swap3A_149 = arith.index_cast %swap3A_148 : i32 to index
    %swap3A_150 = arith.constant 80 : index
    %swap3A_151 = tpu.vector_load %arg9[%swap3A_149, %swap3A_150] {strides = array<i32>} : memref<24x128xf32, #tpu.memory_space<vmem>>, vector<16xf32>,
    tpu.vector_store %arg9[%swap3A_149, %swap3A_150], %broadcast_in_dim3A_0 {strides = array<i32>} : memref<24x128xf32, #tpu.memory_space<vmem>>, vector<16xf32>,
    %swap3A_152 = arith.constant 4 : i32
    %swap3A_153 = arith.index_cast %swap3A_152 : i32 to index
    %swap3A_154 = arith.constant 96 : index
    %swap3A_155 = tpu.vector_load %arg9[%swap3A_153, %swap3A_154] {strides = array<i32>} : memref<24x128xf32, #tpu.memory_space<vmem>>, vector<16xf32>,
    tpu.vector_store %arg9[%swap3A_153, %swap3A_154], %broadcast_in_dim3A_0 {strides = array<i32>} : memref<24x128xf32, #tpu.memory_space<vmem>>, vector<16xf32>,
    %swap3A_156 = arith.constant 4 : i32
    %swap3A_157 = arith.index_cast %swap3A_156 : i32 to index
    %swap3A_158 = arith.constant 112 : index
    %swap3A_159 = tpu.vector_load %arg9[%swap3A_157, %swap3A_158] {strides = array<i32>} : memref<24x128xf32, #tpu.memory_space<vmem>>, vector<16xf32>,
    tpu.vector_store %arg9[%swap3A_157, %swap3A_158], %broadcast_in_dim3A_0 {strides = array<i32>} : memref<24x128xf32, #tpu.memory_space<vmem>>, vector<16xf32>,
    %swap3A_160 = arith.constant 5 : i32
    %swap3A_161 = arith.index_cast %swap3A_160 : i32 to index
    %swap3A_162 = arith.constant 0 : index
    %swap3A_163 = tpu.vector_load %arg9[%swap3A_161, %swap3A_162] {strides = array<i32>} : memref<24x128xf32, #tpu.memory_space<vmem>>, vector<16xf32>,
    tpu.vector_store %arg9[%swap3A_161, %swap3A_162], %broadcast_in_dim3A_0 {strides = array<i32>} : memref<24x128xf32, #tpu.memory_space<vmem>>, vector<16xf32>,
    %swap3A_164 = arith.constant 5 : i32
    %swap3A_165 = arith.index_cast %swap3A_164 : i32 to index
    %swap3A_166 = arith.constant 16 : index
    %swap3A_167 = tpu.vector_load %arg9[%swap3A_165, %swap3A_166] {strides = array<i32>} : memref<24x128xf32, #tpu.memory_space<vmem>>, vector<16xf32>,
    tpu.vector_store %arg9[%swap3A_165, %swap3A_166], %broadcast_in_dim3A_0 {strides = array<i32>} : memref<24x128xf32, #tpu.memory_space<vmem>>, vector<16xf32>,
    %swap3A_168 = arith.constant 5 : i32
    %swap3A_169 = arith.index_cast %swap3A_168 : i32 to index
    %swap3A_170 = arith.constant 32 : index
    %swap3A_171 = tpu.vector_load %arg9[%swap3A_169, %swap3A_170] {strides = array<i32>} : memref<24x128xf32, #tpu.memory_space<vmem>>, vector<16xf32>,
    tpu.vector_store %arg9[%swap3A_169, %swap3A_170], %broadcast_in_dim3A_0 {strides = array<i32>} : memref<24x128xf32, #tpu.memory_space<vmem>>, vector<16xf32>,
    %swap3A_172 = arith.constant 5 : i32
    %swap3A_173 = arith.index_cast %swap3A_172 : i32 to index
    %swap3A_174 = arith.constant 48 : index
    %swap3A_175 = tpu.vector_load %arg9[%swap3A_173, %swap3A_174] {strides = array<i32>} : memref<24x128xf32, #tpu.memory_space<vmem>>, vector<16xf32>,
    tpu.vector_store %arg9[%swap3A_173, %swap3A_174], %broadcast_in_dim3A_0 {strides = array<i32>} : memref<24x128xf32, #tpu.memory_space<vmem>>, vector<16xf32>,
    %swap3A_176 = arith.constant 5 : i32
    %swap3A_177 = arith.index_cast %swap3A_176 : i32 to index
    %swap3A_178 = arith.constant 64 : index
    %swap3A_179 = tpu.vector_load %arg9[%swap3A_177, %swap3A_178] {strides = array<i32>} : memref<24x128xf32, #tpu.memory_space<vmem>>, vector<16xf32>,
    tpu.vector_store %arg9[%swap3A_177, %swap3A_178], %broadcast_in_dim3A_0 {strides = array<i32>} : memref<24x128xf32, #tpu.memory_space<vmem>>, vector<16xf32>,
    %swap3A_180 = arith.constant 5 : i32
    %swap3A_181 = arith.index_cast %swap3A_180 : i32 to index
    %swap3A_182 = arith.constant 80 : index
    %swap3A_183 = tpu.vector_load %arg9[%swap3A_181, %swap3A_182] {strides = array<i32>} : memref<24x128xf32, #tpu.memory_space<vmem>>, vector<16xf32>,
    tpu.vector_store %arg9[%swap3A_181, %swap3A_182], %broadcast_in_dim3A_0 {strides = array<i32>} : memref<24x128xf32, #tpu.memory_space<vmem>>, vector<16xf32>,
    %swap3A_184 = arith.constant 5 : i32
    %swap3A_185 = arith.index_cast %swap3A_184 : i32 to index
    %swap3A_186 = arith.constant 96 : index
    %swap3A_187 = tpu.vector_load %arg9[%swap3A_185, %swap3A_186] {strides = array<i32>} : memref<24x128xf32, #tpu.memory_space<vmem>>, vector<16xf32>,
    tpu.vector_store %arg9[%swap3A_185, %swap3A_186], %broadcast_in_dim3A_0 {strides = array<i32>} : memref<24x128xf32, #tpu.memory_space<vmem>>, vector<16xf32>,
    %swap3A_188 = arith.constant 5 : i32
    %swap3A_189 = arith.index_cast %swap3A_188 : i32 to index
    %swap3A_190 = arith.constant 112 : index
    %swap3A_191 = tpu.vector_load %arg9[%swap3A_189, %swap3A_190] {strides = array<i32>} : memref<24x128xf32, #tpu.memory_space<vmem>>, vector<16xf32>,
    tpu.vector_store %arg9[%swap3A_189, %swap3A_190], %broadcast_in_dim3A_0 {strides = array<i32>} : memref<24x128xf32, #tpu.memory_space<vmem>>, vector<16xf32>,
    %swap3A_192 = arith.constant 6 : i32
    %swap3A_193 = arith.index_cast %swap3A_192 : i32 to index
    %swap3A_194 = arith.constant 0 : index
    %swap3A_195 = tpu.vector_load %arg9[%swap3A_193, %swap3A_194] {strides = array<i32>} : memref<24x128xf32, #tpu.memory_space<vmem>>, vector<16xf32>,
    tpu.vector_store %arg9[%swap3A_193, %swap3A_194], %broadcast_in_dim3A_0 {strides = array<i32>} : memref<24x128xf32, #tpu.memory_space<vmem>>, vector<16xf32>,
    %swap3A_196 = arith.constant 6 : i32
    %swap3A_197 = arith.index_cast %swap3A_196 : i32 to index
    %swap3A_198 = arith.constant 16 : index
    %swap3A_199 = tpu.vector_load %arg9[%swap3A_197, %swap3A_198] {strides = array<i32>} : memref<24x128xf32, #tpu.memory_space<vmem>>, vector<16xf32>,
    tpu.vector_store %arg9[%swap3A_197, %swap3A_198], %broadcast_in_dim3A_0 {strides = array<i32>} : memref<24x128xf32, #tpu.memory_space<vmem>>, vector<16xf32>,
    %swap3A_200 = arith.constant 6 : i32
    %swap3A_201 = arith.index_cast %swap3A_200 : i32 to index
    %swap3A_202 = arith.constant 32 : index
    %swap3A_203 = tpu.vector_load %arg9[%swap3A_201, %swap3A_202] {strides = array<i32>} : memref<24x128xf32, #tpu.memory_space<vmem>>, vector<16xf32>,
    tpu.vector_store %arg9[%swap3A_201, %swap3A_202], %broadcast_in_dim3A_0 {strides = array<i32>} : memref<24x128xf32, #tpu.memory_space<vmem>>, vector<16xf32>,
    %swap3A_204 = arith.constant 6 : i32
    %swap3A_205 = arith.index_cast %swap3A_204 : i32 to index
    %swap3A_206 = arith.constant 48 : index
    %swap3A_207 = tpu.vector_load %arg9[%swap3A_205, %swap3A_206] {strides = array<i32>} : memref<24x128xf32, #tpu.memory_space<vmem>>, vector<16xf32>,
    tpu.vector_store %arg9[%swap3A_205, %swap3A_206], %broadcast_in_dim3A_0 {strides = array<i32>} : memref<24x128xf32, #tpu.memory_space<vmem>>, vector<16xf32>,
    %swap3A_208 = arith.constant 6 : i32
    %swap3A_209 = arith.index_cast %swap3A_208 : i32 to index
    %swap3A_210 = arith.constant 64 : index
    %swap3A_211 = tpu.vector_load %arg9[%swap3A_209, %swap3A_210] {strides = array<i32>} : memref<24x128xf32, #tpu.memory_space<vmem>>, vector<16xf32>,
    tpu.vector_store %arg9[%swap3A_209, %swap3A_210], %broadcast_in_dim3A_0 {strides = array<i32>} : memref<24x128xf32, #tpu.memory_space<vmem>>, vector<16xf32>,
    %swap3A_212 = arith.constant 6 : i32
    %swap3A_213 = arith.index_cast %swap3A_212 : i32 to index
    %swap3A_214 = arith.constant 80 : index
    %swap3A_215 = tpu.vector_load %arg9[%swap3A_213, %swap3A_214] {strides = array<i32>} : memref<24x128xf32, #tpu.memory_space<vmem>>, vector<16xf32>,
    tpu.vector_store %arg9[%swap3A_213, %swap3A_214], %broadcast_in_dim3A_0 {strides = array<i32>} : memref<24x128xf32, #tpu.memory_space<vmem>>, vector<16xf32>,
    %swap3A_216 = arith.constant 6 : i32
    %swap3A_217 = arith.index_cast %swap3A_216 : i32 to index
    %swap3A_218 = arith.constant 96 : index
    %swap3A_219 = tpu.vector_load %arg9[%swap3A_217, %swap3A_218] {strides = array<i32>} : memref<24x128xf32, #tpu.memory_space<vmem>>, vector<16xf32>,
    tpu.vector_store %arg9[%swap3A_217, %swap3A_218], %broadcast_in_dim3A_0 {strides = array<i32>} : memref<24x128xf32, #tpu.memory_space<vmem>>, vector<16xf32>,
    %swap3A_220 = arith.constant 6 : i32
    %swap3A_221 = arith.index_cast %swap3A_220 : i32 to index
    %swap3A_222 = arith.constant 112 : index
    %swap3A_223 = tpu.vector_load %arg9[%swap3A_221, %swap3A_222] {strides = array<i32>} : memref<24x128xf32, #tpu.memory_space<vmem>>, vector<16xf32>,
    tpu.vector_store %arg9[%swap3A_221, %swap3A_222], %broadcast_in_dim3A_0 {strides = array<i32>} : memref<24x128xf32, #tpu.memory_space<vmem>>, vector<16xf32>,
    %swap3A_224 = arith.constant 7 : i32
    %swap3A_225 = arith.index_cast %swap3A_224 : i32 to index
    %swap3A_226 = arith.constant 0 : index
    %swap3A_227 = tpu.vector_load %arg9[%swap3A_225, %swap3A_226] {strides = array<i32>} : memref<24x128xf32, #tpu.memory_space<vmem>>, vector<16xf32>,
    tpu.vector_store %arg9[%swap3A_225, %swap3A_226], %broadcast_in_dim3A_0 {strides = array<i32>} : memref<24x128xf32, #tpu.memory_space<vmem>>, vector<16xf32>,
    %swap3A_228 = arith.constant 7 : i32
    %swap3A_229 = arith.index_cast %swap3A_228 : i32 to index
    %swap3A_230 = arith.constant 16 : index
    %swap3A_231 = tpu.vector_load %arg9[%swap3A_229, %swap3A_230] {strides = array<i32>} : memref<24x128xf32, #tpu.memory_space<vmem>>, vector<16xf32>,
    tpu.vector_store %arg9[%swap3A_229, %swap3A_230], %broadcast_in_dim3A_0 {strides = array<i32>} : memref<24x128xf32, #tpu.memory_space<vmem>>, vector<16xf32>,
    %swap3A_232 = arith.constant 7 : i32
    %swap3A_233 = arith.index_cast %swap3A_232 : i32 to index
    %swap3A_234 = arith.constant 32 : index
    %swap3A_235 = tpu.vector_load %arg9[%swap3A_233, %swap3A_234] {strides = array<i32>} : memref<24x128xf32, #tpu.memory_space<vmem>>, vector<16xf32>,
    tpu.vector_store %arg9[%swap3A_233, %swap3A_234], %broadcast_in_dim3A_0 {strides = array<i32>} : memref<24x128xf32, #tpu.memory_space<vmem>>, vector<16xf32>,
    %swap3A_236 = arith.constant 7 : i32
    %swap3A_237 = arith.index_cast %swap3A_236 : i32 to index
    %swap3A_238 = arith.constant 48 : index
    %swap3A_239 = tpu.vector_load %arg9[%swap3A_237, %swap3A_238] {strides = array<i32>} : memref<24x128xf32, #tpu.memory_space<vmem>>, vector<16xf32>,
    tpu.vector_store %arg9[%swap3A_237, %swap3A_238], %broadcast_in_dim3A_0 {strides = array<i32>} : memref<24x128xf32, #tpu.memory_space<vmem>>, vector<16xf32>,
    %swap3A_240 = arith.constant 7 : i32
    %swap3A_241 = arith.index_cast %swap3A_240 : i32 to index
    %swap3A_242 = arith.constant 64 : index
    %swap3A_243 = tpu.vector_load %arg9[%swap3A_241, %swap3A_242] {strides = array<i32>} : memref<24x128xf32, #tpu.memory_space<vmem>>, vector<16xf32>,
    tpu.vector_store %arg9[%swap3A_241, %swap3A_242], %broadcast_in_dim3A_0 {strides = array<i32>} : memref<24x128xf32, #tpu.memory_space<vmem>>, vector<16xf32>,
    %swap3A_244 = arith.constant 7 : i32
    %swap3A_245 = arith.index_cast %swap3A_244 : i32 to index
    %swap3A_246 = arith.constant 80 : index
    %swap3A_247 = tpu.vector_load %arg9[%swap3A_245, %swap3A_246] {strides = array<i32>} : memref<24x128xf32, #tpu.memory_space<vmem>>, vector<16xf32>,
    tpu.vector_store %arg9[%swap3A_245, %swap3A_246], %broadcast_in_dim3A_0 {strides = array<i32>} : memref<24x128xf32, #tpu.memory_space<vmem>>, vector<16xf32>,
    %swap3A_248 = arith.constant 7 : i32
    %swap3A_249 = arith.index_cast %swap3A_248 : i32 to index
    %swap3A_250 = arith.constant 96 : index
    %swap3A_251 = tpu.vector_load %arg9[%swap3A_249, %swap3A_250] {strides = array<i32>} : memref<24x128xf32, #tpu.memory_space<vmem>>, vector<16xf32>,
    tpu.vector_store %arg9[%swap3A_249, %swap3A_250], %broadcast_in_dim3A_0 {strides = array<i32>} : memref<24x128xf32, #tpu.memory_space<vmem>>, vector<16xf32>,
    %swap3A_252 = arith.constant 7 : i32
    %swap3A_253 = arith.index_cast %swap3A_252 : i32 to index
    %swap3A_254 = arith.constant 112 : index
    %swap3A_255 = tpu.vector_load %arg9[%swap3A_253, %swap3A_254] {strides = array<i32>} : memref<24x128xf32, #tpu.memory_space<vmem>>, vector<16xf32>,
    tpu.vector_store %arg9[%swap3A_253, %swap3A_254], %broadcast_in_dim3A_0 {strides = array<i32>} : memref<24x128xf32, #tpu.memory_space<vmem>>, vector<16xf32>,
    %swap3A_256 = arith.constant 8 : i32
    %swap3A_257 = arith.index_cast %swap3A_256 : i32 to index
    %swap3A_258 = arith.constant 0 : index
    %swap3A_259 = tpu.vector_load %arg9[%swap3A_257, %swap3A_258] {strides = array<i32>} : memref<24x128xf32, #tpu.memory_space<vmem>>, vector<16xf32>,
    tpu.vector_store %arg9[%swap3A_257, %swap3A_258], %broadcast_in_dim3A_0 {strides = array<i32>} : memref<24x128xf32, #tpu.memory_space<vmem>>, vector<16xf32>,
    %swap3A_260 = arith.constant 8 : i32
    %swap3A_261 = arith.index_cast %swap3A_260 : i32 to index
    %swap3A_262 = arith.constant 16 : index
    %swap3A_263 = tpu.vector_load %arg9[%swap3A_261, %swap3A_262] {strides = array<i32>} : memref<24x128xf32, #tpu.memory_space<vmem>>, vector<16xf32>,
    tpu.vector_store %arg9[%swap3A_261, %swap3A_262], %broadcast_in_dim3A_0 {strides = array<i32>} : memref<24x128xf32, #tpu.memory_space<vmem>>, vector<16xf32>,
    %swap3A_264 = arith.constant 8 : i32
    %swap3A_265 = arith.index_cast %swap3A_264 : i32 to index
    %swap3A_266 = arith.constant 32 : index
    %swap3A_267 = tpu.vector_load %arg9[%swap3A_265, %swap3A_266] {strides = array<i32>} : memref<24x128xf32, #tpu.memory_space<vmem>>, vector<16xf32>,
    tpu.vector_store %arg9[%swap3A_265, %swap3A_266], %broadcast_in_dim3A_0 {strides = array<i32>} : memref<24x128xf32, #tpu.memory_space<vmem>>, vector<16xf32>,
    %swap3A_268 = arith.constant 8 : i32
    %swap3A_269 = arith.index_cast %swap3A_268 : i32 to index
    %swap3A_270 = arith.constant 48 : index
    %swap3A_271 = tpu.vector_load %arg9[%swap3A_269, %swap3A_270] {strides = array<i32>} : memref<24x128xf32, #tpu.memory_space<vmem>>, vector<16xf32>,
    tpu.vector_store %arg9[%swap3A_269, %swap3A_270], %broadcast_in_dim3A_0 {strides = array<i32>} : memref<24x128xf32, #tpu.memory_space<vmem>>, vector<16xf32>,
    %swap3A_272 = arith.constant 8 : i32
    %swap3A_273 = arith.index_cast %swap3A_272 : i32 to index
    %swap3A_274 = arith.constant 64 : index
    %swap3A_275 = tpu.vector_load %arg9[%swap3A_273, %swap3A_274] {strides = array<i32>} : memref<24x128xf32, #tpu.memory_space<vmem>>, vector<16xf32>,
    tpu.vector_store %arg9[%swap3A_273, %swap3A_274], %broadcast_in_dim3A_0 {strides = array<i32>} : memref<24x128xf32, #tpu.memory_space<vmem>>, vector<16xf32>,
    %swap3A_276 = arith.constant 8 : i32
    %swap3A_277 = arith.index_cast %swap3A_276 : i32 to index
    %swap3A_278 = arith.constant 80 : index
    %swap3A_279 = tpu.vector_load %arg9[%swap3A_277, %swap3A_278] {strides = array<i32>} : memref<24x128xf32, #tpu.memory_space<vmem>>, vector<16xf32>,
    tpu.vector_store %arg9[%swap3A_277, %swap3A_278], %broadcast_in_dim3A_0 {strides = array<i32>} : memref<24x128xf32, #tpu.memory_space<vmem>>, vector<16xf32>,
    %swap3A_280 = arith.constant 8 : i32
    %swap3A_281 = arith.index_cast %swap3A_280 : i32 to index
    %swap3A_282 = arith.constant 96 : index
    %swap3A_283 = tpu.vector_load %arg9[%swap3A_281, %swap3A_282] {strides = array<i32>} : memref<24x128xf32, #tpu.memory_space<vmem>>, vector<16xf32>,
    tpu.vector_store %arg9[%swap3A_281, %swap3A_282], %broadcast_in_dim3A_0 {strides = array<i32>} : memref<24x128xf32, #tpu.memory_space<vmem>>, vector<16xf32>,
    %swap3A_284 = arith.constant 8 : i32
    %swap3A_285 = arith.index_cast %swap3A_284 : i32 to index
    %swap3A_286 = arith.constant 112 : index
    %swap3A_287 = tpu.vector_load %arg9[%swap3A_285, %swap3A_286] {strides = array<i32>} : memref<24x128xf32, #tpu.memory_space<vmem>>, vector<16xf32>,
    tpu.vector_store %arg9[%swap3A_285, %swap3A_286], %broadcast_in_dim3A_0 {strides = array<i32>} : memref<24x128xf32, #tpu.memory_space<vmem>>, vector<16xf32>,
    %swap3A_288 = arith.constant 9 : i32
    %swap3A_289 = arith.index_cast %swap3A_288 : i32 to index
    %swap3A_290 = arith.constant 0 : index
    %swap3A_291 = tpu.vector_load %arg9[%swap3A_289, %swap3A_290] {strides = array<i32>} : memref<24x128xf32, #tpu.memory_space<vmem>>, vector<16xf32>,
    tpu.vector_store %arg9[%swap3A_289, %swap3A_290], %broadcast_in_dim3A_0 {strides = array<i32>} : memref<24x128xf32, #tpu.memory_space<vmem>>, vector<16xf32>,
    %swap3A_292 = arith.constant 9 : i32
    %swap3A_293 = arith.index_cast %swap3A_292 : i32 to index
    %swap3A_294 = arith.constant 16 : index
    %swap3A_295 = tpu.vector_load %arg9[%swap3A_293, %swap3A_294] {strides = array<i32>} : memref<24x128xf32, #tpu.memory_space<vmem>>, vector<16xf32>,
    tpu.vector_store %arg9[%swap3A_293, %swap3A_294], %broadcast_in_dim3A_0 {strides = array<i32>} : memref<24x128xf32, #tpu.memory_space<vmem>>, vector<16xf32>,
    %swap3A_296 = arith.constant 9 : i32
    %swap3A_297 = arith.index_cast %swap3A_296 : i32 to index
    %swap3A_298 = arith.constant 32 : index
    %swap3A_299 = tpu.vector_load %arg9[%swap3A_297, %swap3A_298] {strides = array<i32>} : memref<24x128xf32, #tpu.memory_space<vmem>>, vector<16xf32>,
    tpu.vector_store %arg9[%swap3A_297, %swap3A_298], %broadcast_in_dim3A_0 {strides = array<i32>} : memref<24x128xf32, #tpu.memory_space<vmem>>, vector<16xf32>,
    %swap3A_300 = arith.constant 9 : i32
    %swap3A_301 = arith.index_cast %swap3A_300 : i32 to index
    %swap3A_302 = arith.constant 48 : index
    %swap3A_303 = tpu.vector_load %arg9[%swap3A_301, %swap3A_302] {strides = array<i32>} : memref<24x128xf32, #tpu.memory_space<vmem>>, vector<16xf32>,
    tpu.vector_store %arg9[%swap3A_301, %swap3A_302], %broadcast_in_dim3A_0 {strides = array<i32>} : memref<24x128xf32, #tpu.memory_space<vmem>>, vector<16xf32>,
    %swap3A_304 = arith.constant 9 : i32
    %swap3A_305 = arith.index_cast %swap3A_304 : i32 to index
    %swap3A_306 = arith.constant 64 : index
    %swap3A_307 = tpu.vector_load %arg9[%swap3A_305, %swap3A_306] {strides = array<i32>} : memref<24x128xf32, #tpu.memory_space<vmem>>, vector<16xf32>,
    tpu.vector_store %arg9[%swap3A_305, %swap3A_306], %broadcast_in_dim3A_0 {strides = array<i32>} : memref<24x128xf32, #tpu.memory_space<vmem>>, vector<16xf32>,
    %swap3A_308 = arith.constant 9 : i32
    %swap3A_309 = arith.index_cast %swap3A_308 : i32 to index
    %swap3A_310 = arith.constant 80 : index
    %swap3A_311 = tpu.vector_load %arg9[%swap3A_309, %swap3A_310] {strides = array<i32>} : memref<24x128xf32, #tpu.memory_space<vmem>>, vector<16xf32>,
    tpu.vector_store %arg9[%swap3A_309, %swap3A_310], %broadcast_in_dim3A_0 {strides = array<i32>} : memref<24x128xf32, #tpu.memory_space<vmem>>, vector<16xf32>,
    %swap3A_312 = arith.constant 9 : i32
    %swap3A_313 = arith.index_cast %swap3A_312 : i32 to index
    %swap3A_314 = arith.constant 96 : index
    %swap3A_315 = tpu.vector_load %arg9[%swap3A_313, %swap3A_314] {strides = array<i32>} : memref<24x128xf32, #tpu.memory_space<vmem>>, vector<16xf32>,
    tpu.vector_store %arg9[%swap3A_313, %swap3A_314], %broadcast_in_dim3A_0 {strides = array<i32>} : memref<24x128xf32, #tpu.memory_space<vmem>>, vector<16xf32>,
    %swap3A_316 = arith.constant 9 : i32
    %swap3A_317 = arith.index_cast %swap3A_316 : i32 to index
    %swap3A_318 = arith.constant 112 : index
    %swap3A_319 = tpu.vector_load %arg9[%swap3A_317, %swap3A_318] {strides = array<i32>} : memref<24x128xf32, #tpu.memory_space<vmem>>, vector<16xf32>,
    tpu.vector_store %arg9[%swap3A_317, %swap3A_318], %broadcast_in_dim3A_0 {strides = array<i32>} : memref<24x128xf32, #tpu.memory_space<vmem>>, vector<16xf32>,
    %swap3A_320 = arith.constant 10 : i32
    %swap3A_321 = arith.index_cast %swap3A_320 : i32 to index
    %swap3A_322 = arith.constant 0 : index
    %swap3A_323 = tpu.vector_load %arg9[%swap3A_321, %swap3A_322] {strides = array<i32>} : memref<24x128xf32, #tpu.memory_space<vmem>>, vector<16xf32>,
    tpu.vector_store %arg9[%swap3A_321, %swap3A_322], %broadcast_in_dim3A_0 {strides = array<i32>} : memref<24x128xf32, #tpu.memory_space<vmem>>, vector<16xf32>,
    %swap3A_324 = arith.constant 10 : i32
    %swap3A_325 = arith.index_cast %swap3A_324 : i32 to index
    %swap3A_326 = arith.constant 16 : index
    %swap3A_327 = tpu.vector_load %arg9[%swap3A_325, %swap3A_326] {strides = array<i32>} : memref<24x128xf32, #tpu.memory_space<vmem>>, vector<16xf32>,
    tpu.vector_store %arg9[%swap3A_325, %swap3A_326], %broadcast_in_dim3A_0 {strides = array<i32>} : memref<24x128xf32, #tpu.memory_space<vmem>>, vector<16xf32>,
    %swap3A_328 = arith.constant 10 : i32
    %swap3A_329 = arith.index_cast %swap3A_328 : i32 to index
    %swap3A_330 = arith.constant 32 : index
    %swap3A_331 = tpu.vector_load %arg9[%swap3A_329, %swap3A_330] {strides = array<i32>} : memref<24x128xf32, #tpu.memory_space<vmem>>, vector<16xf32>,
    tpu.vector_store %arg9[%swap3A_329, %swap3A_330], %broadcast_in_dim3A_0 {strides = array<i32>} : memref<24x128xf32, #tpu.memory_space<vmem>>, vector<16xf32>,
    %swap3A_332 = arith.constant 10 : i32
    %swap3A_333 = arith.index_cast %swap3A_332 : i32 to index
    %swap3A_334 = arith.constant 48 : index
    %swap3A_335 = tpu.vector_load %arg9[%swap3A_333, %swap3A_334] {strides = array<i32>} : memref<24x128xf32, #tpu.memory_space<vmem>>, vector<16xf32>,
    tpu.vector_store %arg9[%swap3A_333, %swap3A_334], %broadcast_in_dim3A_0 {strides = array<i32>} : memref<24x128xf32, #tpu.memory_space<vmem>>, vector<16xf32>,
    %swap3A_336 = arith.constant 10 : i32
    %swap3A_337 = arith.index_cast %swap3A_336 : i32 to index
    %swap3A_338 = arith.constant 64 : index
    %swap3A_339 = tpu.vector_load %arg9[%swap3A_337, %swap3A_338] {strides = array<i32>} : memref<24x128xf32, #tpu.memory_space<vmem>>, vector<16xf32>,
    tpu.vector_store %arg9[%swap3A_337, %swap3A_338], %broadcast_in_dim3A_0 {strides = array<i32>} : memref<24x128xf32, #tpu.memory_space<vmem>>, vector<16xf32>,
    %swap3A_340 = arith.constant 10 : i32
    %swap3A_341 = arith.index_cast %swap3A_340 : i32 to index
    %swap3A_342 = arith.constant 80 : index
    %swap3A_343 = tpu.vector_load %arg9[%swap3A_341, %swap3A_342] {strides = array<i32>} : memref<24x128xf32, #tpu.memory_space<vmem>>, vector<16xf32>,
    tpu.vector_store %arg9[%swap3A_341, %swap3A_342], %broadcast_in_dim3A_0 {strides = array<i32>} : memref<24x128xf32, #tpu.memory_space<vmem>>, vector<16xf32>,
    %swap3A_344 = arith.constant 10 : i32
    %swap3A_345 = arith.index_cast %swap3A_344 : i32 to index
    %swap3A_346 = arith.constant 96 : index
    %swap3A_347 = tpu.vector_load %arg9[%swap3A_345, %swap3A_346] {strides = array<i32>} : memref<24x128xf32, #tpu.memory_space<vmem>>, vector<16xf32>,
    tpu.vector_store %arg9[%swap3A_345, %swap3A_346], %broadcast_in_dim3A_0 {strides = array<i32>} : memref<24x128xf32, #tpu.memory_space<vmem>>, vector<16xf32>,
    %swap3A_348 = arith.constant 10 : i32
    %swap3A_349 = arith.index_cast %swap3A_348 : i32 to index
    %swap3A_350 = arith.constant 112 : index
    %swap3A_351 = tpu.vector_load %arg9[%swap3A_349, %swap3A_350] {strides = array<i32>} : memref<24x128xf32, #tpu.memory_space<vmem>>, vector<16xf32>,
    tpu.vector_store %arg9[%swap3A_349, %swap3A_350], %broadcast_in_dim3A_0 {strides = array<i32>} : memref<24x128xf32, #tpu.memory_space<vmem>>, vector<16xf32>,
    %swap3A_352 = arith.constant 11 : i32
    %swap3A_353 = arith.index_cast %swap3A_352 : i32 to index
    %swap3A_354 = arith.constant 0 : index
    %swap3A_355 = tpu.vector_load %arg9[%swap3A_353, %swap3A_354] {strides = array<i32>} : memref<24x128xf32, #tpu.memory_space<vmem>>, vector<16xf32>,
    tpu.vector_store %arg9[%swap3A_353, %swap3A_354], %broadcast_in_dim3A_0 {strides = array<i32>} : memref<24x128xf32, #tpu.memory_space<vmem>>, vector<16xf32>,
    %swap3A_356 = arith.constant 11 : i32
    %swap3A_357 = arith.index_cast %swap3A_356 : i32 to index
    %swap3A_358 = arith.constant 16 : index
    %swap3A_359 = tpu.vector_load %arg9[%swap3A_357, %swap3A_358] {strides = array<i32>} : memref<24x128xf32, #tpu.memory_space<vmem>>, vector<16xf32>,
    tpu.vector_store %arg9[%swap3A_357, %swap3A_358], %broadcast_in_dim3A_0 {strides = array<i32>} : memref<24x128xf32, #tpu.memory_space<vmem>>, vector<16xf32>,
    %swap3A_360 = arith.constant 11 : i32
    %swap3A_361 = arith.index_cast %swap3A_360 : i32 to index
    %swap3A_362 = arith.constant 32 : index
    %swap3A_363 = tpu.vector_load %arg9[%swap3A_361, %swap3A_362] {strides = array<i32>} : memref<24x128xf32, #tpu.memory_space<vmem>>, vector<16xf32>,
    tpu.vector_store %arg9[%swap3A_361, %swap3A_362], %broadcast_in_dim3A_0 {strides = array<i32>} : memref<24x128xf32, #tpu.memory_space<vmem>>, vector<16xf32>,
    %swap3A_364 = arith.constant 11 : i32
    %swap3A_365 = arith.index_cast %swap3A_364 : i32 to index
    %swap3A_366 = arith.constant 48 : index
    %swap3A_367 = tpu.vector_load %arg9[%swap3A_365, %swap3A_366] {strides = array<i32>} : memref<24x128xf32, #tpu.memory_space<vmem>>, vector<16xf32>,
    tpu.vector_store %arg9[%swap3A_365, %swap3A_366], %broadcast_in_dim3A_0 {strides = array<i32>} : memref<24x128xf32, #tpu.memory_space<vmem>>, vector<16xf32>,
    %swap3A_368 = arith.constant 11 : i32
    %swap3A_369 = arith.index_cast %swap3A_368 : i32 to index
    %swap3A_370 = arith.constant 64 : index
    %swap3A_371 = tpu.vector_load %arg9[%swap3A_369, %swap3A_370] {strides = array<i32>} : memref<24x128xf32, #tpu.memory_space<vmem>>, vector<16xf32>,
    tpu.vector_store %arg9[%swap3A_369, %swap3A_370], %broadcast_in_dim3A_0 {strides = array<i32>} : memref<24x128xf32, #tpu.memory_space<vmem>>, vector<16xf32>,
    %swap3A_372 = arith.constant 11 : i32
    %swap3A_373 = arith.index_cast %swap3A_372 : i32 to index
    %swap3A_374 = arith.constant 80 : index
    %swap3A_375 = tpu.vector_load %arg9[%swap3A_373, %swap3A_374] {strides = array<i32>} : memref<24x128xf32, #tpu.memory_space<vmem>>, vector<16xf32>,
    tpu.vector_store %arg9[%swap3A_373, %swap3A_374], %broadcast_in_dim3A_0 {strides = array<i32>} : memref<24x128xf32, #tpu.memory_space<vmem>>, vector<16xf32>,
    %swap3A_376 = arith.constant 11 : i32
    %swap3A_377 = arith.index_cast %swap3A_376 : i32 to index
    %swap3A_378 = arith.constant 96 : index
    %swap3A_379 = tpu.vector_load %arg9[%swap3A_377, %swap3A_378] {strides = array<i32>} : memref<24x128xf32, #tpu.memory_space<vmem>>, vector<16xf32>,
    tpu.vector_store %arg9[%swap3A_377, %swap3A_378], %broadcast_in_dim3A_0 {strides = array<i32>} : memref<24x128xf32, #tpu.memory_space<vmem>>, vector<16xf32>,
    %swap3A_380 = arith.constant 11 : i32
    %swap3A_381 = arith.index_cast %swap3A_380 : i32 to index
    %swap3A_382 = arith.constant 112 : index
    %swap3A_383 = tpu.vector_load %arg9[%swap3A_381, %swap3A_382] {strides = array<i32>} : memref<24x128xf32, #tpu.memory_space<vmem>>, vector<16xf32>,
    tpu.vector_store %arg9[%swap3A_381, %swap3A_382], %broadcast_in_dim3A_0 {strides = array<i32>} : memref<24x128xf32, #tpu.memory_space<vmem>>, vector<16xf32>,
    %swap3A_384 = arith.constant 12 : i32
    %swap3A_385 = arith.index_cast %swap3A_384 : i32 to index
    %swap3A_386 = arith.constant 0 : index
    %swap3A_387 = tpu.vector_load %arg9[%swap3A_385, %swap3A_386] {strides = array<i32>} : memref<24x128xf32, #tpu.memory_space<vmem>>, vector<16xf32>,
    tpu.vector_store %arg9[%swap3A_385, %swap3A_386], %broadcast_in_dim3A_0 {strides = array<i32>} : memref<24x128xf32, #tpu.memory_space<vmem>>, vector<16xf32>,
    %swap3A_388 = arith.constant 12 : i32
    %swap3A_389 = arith.index_cast %swap3A_388 : i32 to index
    %swap3A_390 = arith.constant 16 : index
    %swap3A_391 = tpu.vector_load %arg9[%swap3A_389, %swap3A_390] {strides = array<i32>} : memref<24x128xf32, #tpu.memory_space<vmem>>, vector<16xf32>,
    tpu.vector_store %arg9[%swap3A_389, %swap3A_390], %broadcast_in_dim3A_0 {strides = array<i32>} : memref<24x128xf32, #tpu.memory_space<vmem>>, vector<16xf32>,
    %swap3A_392 = arith.constant 12 : i32
    %swap3A_393 = arith.index_cast %swap3A_392 : i32 to index
    %swap3A_394 = arith.constant 32 : index
    %swap3A_395 = tpu.vector_load %arg9[%swap3A_393, %swap3A_394] {strides = array<i32>} : memref<24x128xf32, #tpu.memory_space<vmem>>, vector<16xf32>,
    tpu.vector_store %arg9[%swap3A_393, %swap3A_394], %broadcast_in_dim3A_0 {strides = array<i32>} : memref<24x128xf32, #tpu.memory_space<vmem>>, vector<16xf32>,
    %swap3A_396 = arith.constant 12 : i32
    %swap3A_397 = arith.index_cast %swap3A_396 : i32 to index
    %swap3A_398 = arith.constant 48 : index
    %swap3A_399 = tpu.vector_load %arg9[%swap3A_397, %swap3A_398] {strides = array<i32>} : memref<24x128xf32, #tpu.memory_space<vmem>>, vector<16xf32>,
    tpu.vector_store %arg9[%swap3A_397, %swap3A_398], %broadcast_in_dim3A_0 {strides = array<i32>} : memref<24x128xf32, #tpu.memory_space<vmem>>, vector<16xf32>,
    %swap3A_400 = arith.constant 12 : i32
    %swap3A_401 = arith.index_cast %swap3A_400 : i32 to index
    %swap3A_402 = arith.constant 64 : index
    %swap3A_403 = tpu.vector_load %arg9[%swap3A_401, %swap3A_402] {strides = array<i32>} : memref<24x128xf32, #tpu.memory_space<vmem>>, vector<16xf32>,
    tpu.vector_store %arg9[%swap3A_401, %swap3A_402], %broadcast_in_dim3A_0 {strides = array<i32>} : memref<24x128xf32, #tpu.memory_space<vmem>>, vector<16xf32>,
    %swap3A_404 = arith.constant 12 : i32
    %swap3A_405 = arith.index_cast %swap3A_404 : i32 to index
    %swap3A_406 = arith.constant 80 : index
    %swap3A_407 = tpu.vector_load %arg9[%swap3A_405, %swap3A_406] {strides = array<i32>} : memref<24x128xf32, #tpu.memory_space<vmem>>, vector<16xf32>,
    tpu.vector_store %arg9[%swap3A_405, %swap3A_406], %broadcast_in_dim3A_0 {strides = array<i32>} : memref<24x128xf32, #tpu.memory_space<vmem>>, vector<16xf32>,
    %swap3A_408 = arith.constant 12 : i32
    %swap3A_409 = arith.index_cast %swap3A_408 : i32 to index
    %swap3A_410 = arith.constant 96 : index
    %swap3A_411 = tpu.vector_load %arg9[%swap3A_409, %swap3A_410] {strides = array<i32>} : memref<24x128xf32, #tpu.memory_space<vmem>>, vector<16xf32>,
    tpu.vector_store %arg9[%swap3A_409, %swap3A_410], %broadcast_in_dim3A_0 {strides = array<i32>} : memref<24x128xf32, #tpu.memory_space<vmem>>, vector<16xf32>,
    %swap3A_412 = arith.constant 12 : i32
    %swap3A_413 = arith.index_cast %swap3A_412 : i32 to index
    %swap3A_414 = arith.constant 112 : index
    %swap3A_415 = tpu.vector_load %arg9[%swap3A_413, %swap3A_414] {strides = array<i32>} : memref<24x128xf32, #tpu.memory_space<vmem>>, vector<16xf32>,
    tpu.vector_store %arg9[%swap3A_413, %swap3A_414], %broadcast_in_dim3A_0 {strides = array<i32>} : memref<24x128xf32, #tpu.memory_space<vmem>>, vector<16xf32>,
    %swap3A_416 = arith.constant 13 : i32
    %swap3A_417 = arith.index_cast %swap3A_416 : i32 to index
    %swap3A_418 = arith.constant 0 : index
    %swap3A_419 = tpu.vector_load %arg9[%swap3A_417, %swap3A_418] {strides = array<i32>} : memref<24x128xf32, #tpu.memory_space<vmem>>, vector<16xf32>,
    tpu.vector_store %arg9[%swap3A_417, %swap3A_418], %broadcast_in_dim3A_0 {strides = array<i32>} : memref<24x128xf32, #tpu.memory_space<vmem>>, vector<16xf32>,
    %swap3A_420 = arith.constant 13 : i32
    %swap3A_421 = arith.index_cast %swap3A_420 : i32 to index
    %swap3A_422 = arith.constant 16 : index
    %swap3A_423 = tpu.vector_load %arg9[%swap3A_421, %swap3A_422] {strides = array<i32>} : memref<24x128xf32, #tpu.memory_space<vmem>>, vector<16xf32>,
    tpu.vector_store %arg9[%swap3A_421, %swap3A_422], %broadcast_in_dim3A_0 {strides = array<i32>} : memref<24x128xf32, #tpu.memory_space<vmem>>, vector<16xf32>,
    %swap3A_424 = arith.constant 13 : i32
    %swap3A_425 = arith.index_cast %swap3A_424 : i32 to index
    %swap3A_426 = arith.constant 32 : index
    %swap3A_427 = tpu.vector_load %arg9[%swap3A_425, %swap3A_426] {strides = array<i32>} : memref<24x128xf32, #tpu.memory_space<vmem>>, vector<16xf32>,
    tpu.vector_store %arg9[%swap3A_425, %swap3A_426], %broadcast_in_dim3A_0 {strides = array<i32>} : memref<24x128xf32, #tpu.memory_space<vmem>>, vector<16xf32>,
    %swap3A_428 = arith.constant 13 : i32
    %swap3A_429 = arith.index_cast %swap3A_428 : i32 to index
    %swap3A_430 = arith.constant 48 : index
    %swap3A_431 = tpu.vector_load %arg9[%swap3A_429, %swap3A_430] {strides = array<i32>} : memref<24x128xf32, #tpu.memory_space<vmem>>, vector<16xf32>,
    tpu.vector_store %arg9[%swap3A_429, %swap3A_430], %broadcast_in_dim3A_0 {strides = array<i32>} : memref<24x128xf32, #tpu.memory_space<vmem>>, vector<16xf32>,
    %swap3A_432 = arith.constant 13 : i32
    %swap3A_433 = arith.index_cast %swap3A_432 : i32 to index
    %swap3A_434 = arith.constant 64 : index
    %swap3A_435 = tpu.vector_load %arg9[%swap3A_433, %swap3A_434] {strides = array<i32>} : memref<24x128xf32, #tpu.memory_space<vmem>>, vector<16xf32>,
    tpu.vector_store %arg9[%swap3A_433, %swap3A_434], %broadcast_in_dim3A_0 {strides = array<i32>} : memref<24x128xf32, #tpu.memory_space<vmem>>, vector<16xf32>,
    %swap3A_436 = arith.constant 13 : i32
    %swap3A_437 = arith.index_cast %swap3A_436 : i32 to index
    %swap3A_438 = arith.constant 80 : index
    %swap3A_439 = tpu.vector_load %arg9[%swap3A_437, %swap3A_438] {strides = array<i32>} : memref<24x128xf32, #tpu.memory_space<vmem>>, vector<16xf32>,
    tpu.vector_store %arg9[%swap3A_437, %swap3A_438], %broadcast_in_dim3A_0 {strides = array<i32>} : memref<24x128xf32, #tpu.memory_space<vmem>>, vector<16xf32>,
    %swap3A_440 = arith.constant 13 : i32
    %swap3A_441 = arith.index_cast %swap3A_440 : i32 to index
    %swap3A_442 = arith.constant 96 : index
    %swap3A_443 = tpu.vector_load %arg9[%swap3A_441, %swap3A_442] {strides = array<i32>} : memref<24x128xf32, #tpu.memory_space<vmem>>, vector<16xf32>,
    tpu.vector_store %arg9[%swap3A_441, %swap3A_442], %broadcast_in_dim3A_0 {strides = array<i32>} : memref<24x128xf32, #tpu.memory_space<vmem>>, vector<16xf32>,
    %swap3A_444 = arith.constant 13 : i32
    %swap3A_445 = arith.index_cast %swap3A_444 : i32 to index
    %swap3A_446 = arith.constant 112 : index
    %swap3A_447 = tpu.vector_load %arg9[%swap3A_445, %swap3A_446] {strides = array<i32>} : memref<24x128xf32, #tpu.memory_space<vmem>>, vector<16xf32>,
    tpu.vector_store %arg9[%swap3A_445, %swap3A_446], %broadcast_in_dim3A_0 {strides = array<i32>} : memref<24x128xf32, #tpu.memory_space<vmem>>, vector<16xf32>,
    %swap3A_448 = arith.constant 14 : i32
    %swap3A_449 = arith.index_cast %swap3A_448 : i32 to index
    %swap3A_450 = arith.constant 0 : index
    %swap3A_451 = tpu.vector_load %arg9[%swap3A_449, %swap3A_450] {strides = array<i32>} : memref<24x128xf32, #tpu.memory_space<vmem>>, vector<16xf32>,
    tpu.vector_store %arg9[%swap3A_449, %swap3A_450], %broadcast_in_dim3A_0 {strides = array<i32>} : memref<24x128xf32, #tpu.memory_space<vmem>>, vector<16xf32>,
    %swap3A_452 = arith.constant 14 : i32
    %swap3A_453 = arith.index_cast %swap3A_452 : i32 to index
    %swap3A_454 = arith.constant 16 : index
    %swap3A_455 = tpu.vector_load %arg9[%swap3A_453, %swap3A_454] {strides = array<i32>} : memref<24x128xf32, #tpu.memory_space<vmem>>, vector<16xf32>,
    tpu.vector_store %arg9[%swap3A_453, %swap3A_454], %broadcast_in_dim3A_0 {strides = array<i32>} : memref<24x128xf32, #tpu.memory_space<vmem>>, vector<16xf32>,
    %swap3A_456 = arith.constant 14 : i32
    %swap3A_457 = arith.index_cast %swap3A_456 : i32 to index
    %swap3A_458 = arith.constant 32 : index
    %swap3A_459 = tpu.vector_load %arg9[%swap3A_457, %swap3A_458] {strides = array<i32>} : memref<24x128xf32, #tpu.memory_space<vmem>>, vector<16xf32>,
    tpu.vector_store %arg9[%swap3A_457, %swap3A_458], %broadcast_in_dim3A_0 {strides = array<i32>} : memref<24x128xf32, #tpu.memory_space<vmem>>, vector<16xf32>,
    %swap3A_460 = arith.constant 14 : i32
    %swap3A_461 = arith.index_cast %swap3A_460 : i32 to index
    %swap3A_462 = arith.constant 48 : index
    %swap3A_463 = tpu.vector_load %arg9[%swap3A_461, %swap3A_462] {strides = array<i32>} : memref<24x128xf32, #tpu.memory_space<vmem>>, vector<16xf32>,
    tpu.vector_store %arg9[%swap3A_461, %swap3A_462], %broadcast_in_dim3A_0 {strides = array<i32>} : memref<24x128xf32, #tpu.memory_space<vmem>>, vector<16xf32>,
    %swap3A_464 = arith.constant 14 : i32
    %swap3A_465 = arith.index_cast %swap3A_464 : i32 to index
    %swap3A_466 = arith.constant 64 : index
    %swap3A_467 = tpu.vector_load %arg9[%swap3A_465, %swap3A_466] {strides = array<i32>} : memref<24x128xf32, #tpu.memory_space<vmem>>, vector<16xf32>,
    tpu.vector_store %arg9[%swap3A_465, %swap3A_466], %broadcast_in_dim3A_0 {strides = array<i32>} : memref<24x128xf32, #tpu.memory_space<vmem>>, vector<16xf32>,
    %swap3A_468 = arith.constant 14 : i32
    %swap3A_469 = arith.index_cast %swap3A_468 : i32 to index
    %swap3A_470 = arith.constant 80 : index
    %swap3A_471 = tpu.vector_load %arg9[%swap3A_469, %swap3A_470] {strides = array<i32>} : memref<24x128xf32, #tpu.memory_space<vmem>>, vector<16xf32>,
    tpu.vector_store %arg9[%swap3A_469, %swap3A_470], %broadcast_in_dim3A_0 {strides = array<i32>} : memref<24x128xf32, #tpu.memory_space<vmem>>, vector<16xf32>,
    %swap3A_472 = arith.constant 14 : i32
    %swap3A_473 = arith.index_cast %swap3A_472 : i32 to index
    %swap3A_474 = arith.constant 96 : index
    %swap3A_475 = tpu.vector_load %arg9[%swap3A_473, %swap3A_474] {strides = array<i32>} : memref<24x128xf32, #tpu.memory_space<vmem>>, vector<16xf32>,
    tpu.vector_store %arg9[%swap3A_473, %swap3A_474], %broadcast_in_dim3A_0 {strides = array<i32>} : memref<24x128xf32, #tpu.memory_space<vmem>>, vector<16xf32>,
    %swap3A_476 = arith.constant 14 : i32
    %swap3A_477 = arith.index_cast %swap3A_476 : i32 to index
    %swap3A_478 = arith.constant 112 : index
    %swap3A_479 = tpu.vector_load %arg9[%swap3A_477, %swap3A_478] {strides = array<i32>} : memref<24x128xf32, #tpu.memory_space<vmem>>, vector<16xf32>,
    tpu.vector_store %arg9[%swap3A_477, %swap3A_478], %broadcast_in_dim3A_0 {strides = array<i32>} : memref<24x128xf32, #tpu.memory_space<vmem>>, vector<16xf32>,
    %swap3A_480 = arith.constant 15 : i32
    %swap3A_481 = arith.index_cast %swap3A_480 : i32 to index
    %swap3A_482 = arith.constant 0 : index
    %swap3A_483 = tpu.vector_load %arg9[%swap3A_481, %swap3A_482] {strides = array<i32>} : memref<24x128xf32, #tpu.memory_space<vmem>>, vector<16xf32>,
    tpu.vector_store %arg9[%swap3A_481, %swap3A_482], %broadcast_in_dim3A_0 {strides = array<i32>} : memref<24x128xf32, #tpu.memory_space<vmem>>, vector<16xf32>,
    %swap3A_484 = arith.constant 15 : i32
    %swap3A_485 = arith.index_cast %swap3A_484 : i32 to index
    %swap3A_486 = arith.constant 16 : index
    %swap3A_487 = tpu.vector_load %arg9[%swap3A_485, %swap3A_486] {strides = array<i32>} : memref<24x128xf32, #tpu.memory_space<vmem>>, vector<16xf32>,
    tpu.vector_store %arg9[%swap3A_485, %swap3A_486], %broadcast_in_dim3A_0 {strides = array<i32>} : memref<24x128xf32, #tpu.memory_space<vmem>>, vector<16xf32>,
    %swap3A_488 = arith.constant 15 : i32
    %swap3A_489 = arith.index_cast %swap3A_488 : i32 to index
    %swap3A_490 = arith.constant 32 : index
    %swap3A_491 = tpu.vector_load %arg9[%swap3A_489, %swap3A_490] {strides = array<i32>} : memref<24x128xf32, #tpu.memory_space<vmem>>, vector<16xf32>,
    tpu.vector_store %arg9[%swap3A_489, %swap3A_490], %broadcast_in_dim3A_0 {strides = array<i32>} : memref<24x128xf32, #tpu.memory_space<vmem>>, vector<16xf32>,
    %swap3A_492 = arith.constant 15 : i32
    %swap3A_493 = arith.index_cast %swap3A_492 : i32 to index
    %swap3A_494 = arith.constant 48 : index
    %swap3A_495 = tpu.vector_load %arg9[%swap3A_493, %swap3A_494] {strides = array<i32>} : memref<24x128xf32, #tpu.memory_space<vmem>>, vector<16xf32>,
    tpu.vector_store %arg9[%swap3A_493, %swap3A_494], %broadcast_in_dim3A_0 {strides = array<i32>} : memref<24x128xf32, #tpu.memory_space<vmem>>, vector<16xf32>,
    %swap3A_496 = arith.constant 15 : i32
    %swap3A_497 = arith.index_cast %swap3A_496 : i32 to index
    %swap3A_498 = arith.constant 64 : index
    %swap3A_499 = tpu.vector_load %arg9[%swap3A_497, %swap3A_498] {strides = array<i32>} : memref<24x128xf32, #tpu.memory_space<vmem>>, vector<16xf32>,
    tpu.vector_store %arg9[%swap3A_497, %swap3A_498], %broadcast_in_dim3A_0 {strides = array<i32>} : memref<24x128xf32, #tpu.memory_space<vmem>>, vector<16xf32>,
    %swap3A_500 = arith.constant 15 : i32
    %swap3A_501 = arith.index_cast %swap3A_500 : i32 to index
    %swap3A_502 = arith.constant 80 : index
    %swap3A_503 = tpu.vector_load %arg9[%swap3A_501, %swap3A_502] {strides = array<i32>} : memref<24x128xf32, #tpu.memory_space<vmem>>, vector<16xf32>,
    tpu.vector_store %arg9[%swap3A_501, %swap3A_502], %broadcast_in_dim3A_0 {strides = array<i32>} : memref<24x128xf32, #tpu.memory_space<vmem>>, vector<16xf32>,
    %swap3A_504 = arith.constant 15 : i32
    %swap3A_505 = arith.index_cast %swap3A_504 : i32 to index
    %swap3A_506 = arith.constant 96 : index
    %swap3A_507 = tpu.vector_load %arg9[%swap3A_505, %swap3A_506] {strides = array<i32>} : memref<24x128xf32, #tpu.memory_space<vmem>>, vector<16xf32>,
    tpu.vector_store %arg9[%swap3A_505, %swap3A_506], %broadcast_in_dim3A_0 {strides = array<i32>} : memref<24x128xf32, #tpu.memory_space<vmem>>, vector<16xf32>,
    %swap3A_508 = arith.constant 15 : i32
    %swap3A_509 = arith.index_cast %swap3A_508 : i32 to index
    %swap3A_510 = arith.constant 112 : index
    %swap3A_511 = tpu.vector_load %arg9[%swap3A_509, %swap3A_510] {strides = array<i32>} : memref<24x128xf32, #tpu.memory_space<vmem>>, vector<16xf32>,
    tpu.vector_store %arg9[%swap3A_509, %swap3A_510], %broadcast_in_dim3A_0 {strides = array<i32>} : memref<24x128xf32, #tpu.memory_space<vmem>>, vector<16xf32>,
    %swap3A_512 = arith.constant 16 : i32
    %swap3A_513 = arith.index_cast %swap3A_512 : i32 to index
    %swap3A_514 = arith.constant 0 : index
    %swap3A_515 = tpu.vector_load %arg9[%swap3A_513, %swap3A_514] {strides = array<i32>} : memref<24x128xf32, #tpu.memory_space<vmem>>, vector<16xf32>,
    tpu.vector_store %arg9[%swap3A_513, %swap3A_514], %broadcast_in_dim3A_0 {strides = array<i32>} : memref<24x128xf32, #tpu.memory_space<vmem>>, vector<16xf32>,
    %swap3A_516 = arith.constant 16 : i32
    %swap3A_517 = arith.index_cast %swap3A_516 : i32 to index
    %swap3A_518 = arith.constant 16 : index
    %swap3A_519 = tpu.vector_load %arg9[%swap3A_517, %swap3A_518] {strides = array<i32>} : memref<24x128xf32, #tpu.memory_space<vmem>>, vector<16xf32>,
    tpu.vector_store %arg9[%swap3A_517, %swap3A_518], %broadcast_in_dim3A_0 {strides = array<i32>} : memref<24x128xf32, #tpu.memory_space<vmem>>, vector<16xf32>,
    %swap3A_520 = arith.constant 16 : i32
    %swap3A_521 = arith.index_cast %swap3A_520 : i32 to index
    %swap3A_522 = arith.constant 32 : index
    %swap3A_523 = tpu.vector_load %arg9[%swap3A_521, %swap3A_522] {strides = array<i32>} : memref<24x128xf32, #tpu.memory_space<vmem>>, vector<16xf32>,
    tpu.vector_store %arg9[%swap3A_521, %swap3A_522], %broadcast_in_dim3A_0 {strides = array<i32>} : memref<24x128xf32, #tpu.memory_space<vmem>>, vector<16xf32>,
    %swap3A_524 = arith.constant 16 : i32
    %swap3A_525 = arith.index_cast %swap3A_524 : i32 to index
    %swap3A_526 = arith.constant 48 : index
    %swap3A_527 = tpu.vector_load %arg9[%swap3A_525, %swap3A_526] {strides = array<i32>} : memref<24x128xf32, #tpu.memory_space<vmem>>, vector<16xf32>,
    tpu.vector_store %arg9[%swap3A_525, %swap3A_526], %broadcast_in_dim3A_0 {strides = array<i32>} : memref<24x128xf32, #tpu.memory_space<vmem>>, vector<16xf32>,
    %swap3A_528 = arith.constant 16 : i32
    %swap3A_529 = arith.index_cast %swap3A_528 : i32 to index
    %swap3A_530 = arith.constant 64 : index
    %swap3A_531 = tpu.vector_load %arg9[%swap3A_529, %swap3A_530] {strides = array<i32>} : memref<24x128xf32, #tpu.memory_space<vmem>>, vector<16xf32>,
    tpu.vector_store %arg9[%swap3A_529, %swap3A_530], %broadcast_in_dim3A_0 {strides = array<i32>} : memref<24x128xf32, #tpu.memory_space<vmem>>, vector<16xf32>,
    %swap3A_532 = arith.constant 16 : i32
    %swap3A_533 = arith.index_cast %swap3A_532 : i32 to index
    %swap3A_534 = arith.constant 80 : index
    %swap3A_535 = tpu.vector_load %arg9[%swap3A_533, %swap3A_534] {strides = array<i32>} : memref<24x128xf32, #tpu.memory_space<vmem>>, vector<16xf32>,
    tpu.vector_store %arg9[%swap3A_533, %swap3A_534], %broadcast_in_dim3A_0 {strides = array<i32>} : memref<24x128xf32, #tpu.memory_space<vmem>>, vector<16xf32>,
    %swap3A_536 = arith.constant 16 : i32
    %swap3A_537 = arith.index_cast %swap3A_536 : i32 to index
    %swap3A_538 = arith.constant 96 : index
    %swap3A_539 = tpu.vector_load %arg9[%swap3A_537, %swap3A_538] {strides = array<i32>} : memref<24x128xf32, #tpu.memory_space<vmem>>, vector<16xf32>,
    tpu.vector_store %arg9[%swap3A_537, %swap3A_538], %broadcast_in_dim3A_0 {strides = array<i32>} : memref<24x128xf32, #tpu.memory_space<vmem>>, vector<16xf32>,
    %swap3A_540 = arith.constant 16 : i32
    %swap3A_541 = arith.index_cast %swap3A_540 : i32 to index
    %swap3A_542 = arith.constant 112 : index
    %swap3A_543 = tpu.vector_load %arg9[%swap3A_541, %swap3A_542] {strides = array<i32>} : memref<24x128xf32, #tpu.memory_space<vmem>>, vector<16xf32>,
    tpu.vector_store %arg9[%swap3A_541, %swap3A_542], %broadcast_in_dim3A_0 {strides = array<i32>} : memref<24x128xf32, #tpu.memory_space<vmem>>, vector<16xf32>,
    %swap3A_544 = arith.constant 17 : i32
    %swap3A_545 = arith.index_cast %swap3A_544 : i32 to index
    %swap3A_546 = arith.constant 0 : index
    %swap3A_547 = tpu.vector_load %arg9[%swap3A_545, %swap3A_546] {strides = array<i32>} : memref<24x128xf32, #tpu.memory_space<vmem>>, vector<16xf32>,
    tpu.vector_store %arg9[%swap3A_545, %swap3A_546], %broadcast_in_dim3A_0 {strides = array<i32>} : memref<24x128xf32, #tpu.memory_space<vmem>>, vector<16xf32>,
    %swap3A_548 = arith.constant 17 : i32
    %swap3A_549 = arith.index_cast %swap3A_548 : i32 to index
    %swap3A_550 = arith.constant 16 : index
    %swap3A_551 = tpu.vector_load %arg9[%swap3A_549, %swap3A_550] {strides = array<i32>} : memref<24x128xf32, #tpu.memory_space<vmem>>, vector<16xf32>,
    tpu.vector_store %arg9[%swap3A_549, %swap3A_550], %broadcast_in_dim3A_0 {strides = array<i32>} : memref<24x128xf32, #tpu.memory_space<vmem>>, vector<16xf32>,
    %swap3A_552 = arith.constant 17 : i32
    %swap3A_553 = arith.index_cast %swap3A_552 : i32 to index
    %swap3A_554 = arith.constant 32 : index
    %swap3A_555 = tpu.vector_load %arg9[%swap3A_553, %swap3A_554] {strides = array<i32>} : memref<24x128xf32, #tpu.memory_space<vmem>>, vector<16xf32>,
    tpu.vector_store %arg9[%swap3A_553, %swap3A_554], %broadcast_in_dim3A_0 {strides = array<i32>} : memref<24x128xf32, #tpu.memory_space<vmem>>, vector<16xf32>,
    %swap3A_556 = arith.constant 17 : i32
    %swap3A_557 = arith.index_cast %swap3A_556 : i32 to index
    %swap3A_558 = arith.constant 48 : index
    %swap3A_559 = tpu.vector_load %arg9[%swap3A_557, %swap3A_558] {strides = array<i32>} : memref<24x128xf32, #tpu.memory_space<vmem>>, vector<16xf32>,
    tpu.vector_store %arg9[%swap3A_557, %swap3A_558], %broadcast_in_dim3A_0 {strides = array<i32>} : memref<24x128xf32, #tpu.memory_space<vmem>>, vector<16xf32>,
    %swap3A_560 = arith.constant 17 : i32
    %swap3A_561 = arith.index_cast %swap3A_560 : i32 to index
    %swap3A_562 = arith.constant 64 : index
    %swap3A_563 = tpu.vector_load %arg9[%swap3A_561, %swap3A_562] {strides = array<i32>} : memref<24x128xf32, #tpu.memory_space<vmem>>, vector<16xf32>,
    tpu.vector_store %arg9[%swap3A_561, %swap3A_562], %broadcast_in_dim3A_0 {strides = array<i32>} : memref<24x128xf32, #tpu.memory_space<vmem>>, vector<16xf32>,
    %swap3A_564 = arith.constant 17 : i32
    %swap3A_565 = arith.index_cast %swap3A_564 : i32 to index
    %swap3A_566 = arith.constant 80 : index
    %swap3A_567 = tpu.vector_load %arg9[%swap3A_565, %swap3A_566] {strides = array<i32>} : memref<24x128xf32, #tpu.memory_space<vmem>>, vector<16xf32>,
    tpu.vector_store %arg9[%swap3A_565, %swap3A_566], %broadcast_in_dim3A_0 {strides = array<i32>} : memref<24x128xf32, #tpu.memory_space<vmem>>, vector<16xf32>,
    %swap3A_568 = arith.constant 17 : i32
    %swap3A_569 = arith.index_cast %swap3A_568 : i32 to index
    %swap3A_570 = arith.constant 96 : index
    %swap3A_571 = tpu.vector_load %arg9[%swap3A_569, %swap3A_570] {strides = array<i32>} : memref<24x128xf32, #tpu.memory_space<vmem>>, vector<16xf32>,
    tpu.vector_store %arg9[%swap3A_569, %swap3A_570], %broadcast_in_dim3A_0 {strides = array<i32>} : memref<24x128xf32, #tpu.memory_space<vmem>>, vector<16xf32>,
    %swap3A_572 = arith.constant 17 : i32
    %swap3A_573 = arith.index_cast %swap3A_572 : i32 to index
    %swap3A_574 = arith.constant 112 : index
    %swap3A_575 = tpu.vector_load %arg9[%swap3A_573, %swap3A_574] {strides = array<i32>} : memref<24x128xf32, #tpu.memory_space<vmem>>, vector<16xf32>,
    tpu.vector_store %arg9[%swap3A_573, %swap3A_574], %broadcast_in_dim3A_0 {strides = array<i32>} : memref<24x128xf32, #tpu.memory_space<vmem>>, vector<16xf32>,
    %swap3A_576 = arith.constant 18 : i32
    %swap3A_577 = arith.index_cast %swap3A_576 : i32 to index
    %swap3A_578 = arith.constant 0 : index
    %swap3A_579 = tpu.vector_load %arg9[%swap3A_577, %swap3A_578] {strides = array<i32>} : memref<24x128xf32, #tpu.memory_space<vmem>>, vector<16xf32>,
    tpu.vector_store %arg9[%swap3A_577, %swap3A_578], %broadcast_in_dim3A_0 {strides = array<i32>} : memref<24x128xf32, #tpu.memory_space<vmem>>, vector<16xf32>,
    %swap3A_580 = arith.constant 18 : i32
    %swap3A_581 = arith.index_cast %swap3A_580 : i32 to index
    %swap3A_582 = arith.constant 16 : index
    %swap3A_583 = tpu.vector_load %arg9[%swap3A_581, %swap3A_582] {strides = array<i32>} : memref<24x128xf32, #tpu.memory_space<vmem>>, vector<16xf32>,
    tpu.vector_store %arg9[%swap3A_581, %swap3A_582], %broadcast_in_dim3A_0 {strides = array<i32>} : memref<24x128xf32, #tpu.memory_space<vmem>>, vector<16xf32>,
    %swap3A_584 = arith.constant 18 : i32
    %swap3A_585 = arith.index_cast %swap3A_584 : i32 to index
    %swap3A_586 = arith.constant 32 : index
    %swap3A_587 = tpu.vector_load %arg9[%swap3A_585, %swap3A_586] {strides = array<i32>} : memref<24x128xf32, #tpu.memory_space<vmem>>, vector<16xf32>,
    tpu.vector_store %arg9[%swap3A_585, %swap3A_586], %broadcast_in_dim3A_0 {strides = array<i32>} : memref<24x128xf32, #tpu.memory_space<vmem>>, vector<16xf32>,
    %swap3A_588 = arith.constant 18 : i32
    %swap3A_589 = arith.index_cast %swap3A_588 : i32 to index
    %swap3A_590 = arith.constant 48 : index
    %swap3A_591 = tpu.vector_load %arg9[%swap3A_589, %swap3A_590] {strides = array<i32>} : memref<24x128xf32, #tpu.memory_space<vmem>>, vector<16xf32>,
    tpu.vector_store %arg9[%swap3A_589, %swap3A_590], %broadcast_in_dim3A_0 {strides = array<i32>} : memref<24x128xf32, #tpu.memory_space<vmem>>, vector<16xf32>,
    %swap3A_592 = arith.constant 18 : i32
    %swap3A_593 = arith.index_cast %swap3A_592 : i32 to index
    %swap3A_594 = arith.constant 64 : index
    %swap3A_595 = tpu.vector_load %arg9[%swap3A_593, %swap3A_594] {strides = array<i32>} : memref<24x128xf32, #tpu.memory_space<vmem>>, vector<16xf32>,
    tpu.vector_store %arg9[%swap3A_593, %swap3A_594], %broadcast_in_dim3A_0 {strides = array<i32>} : memref<24x128xf32, #tpu.memory_space<vmem>>, vector<16xf32>,
    %swap3A_596 = arith.constant 18 : i32
    %swap3A_597 = arith.index_cast %swap3A_596 : i32 to index
    %swap3A_598 = arith.constant 80 : index
    %swap3A_599 = tpu.vector_load %arg9[%swap3A_597, %swap3A_598] {strides = array<i32>} : memref<24x128xf32, #tpu.memory_space<vmem>>, vector<16xf32>,
    tpu.vector_store %arg9[%swap3A_597, %swap3A_598], %broadcast_in_dim3A_0 {strides = array<i32>} : memref<24x128xf32, #tpu.memory_space<vmem>>, vector<16xf32>,
    %swap3A_600 = arith.constant 18 : i32
    %swap3A_601 = arith.index_cast %swap3A_600 : i32 to index
    %swap3A_602 = arith.constant 96 : index
    %swap3A_603 = tpu.vector_load %arg9[%swap3A_601, %swap3A_602] {strides = array<i32>} : memref<24x128xf32, #tpu.memory_space<vmem>>, vector<16xf32>,
    tpu.vector_store %arg9[%swap3A_601, %swap3A_602], %broadcast_in_dim3A_0 {strides = array<i32>} : memref<24x128xf32, #tpu.memory_space<vmem>>, vector<16xf32>,
    %swap3A_604 = arith.constant 18 : i32
    %swap3A_605 = arith.index_cast %swap3A_604 : i32 to index
    %swap3A_606 = arith.constant 112 : index
    %swap3A_607 = tpu.vector_load %arg9[%swap3A_605, %swap3A_606] {strides = array<i32>} : memref<24x128xf32, #tpu.memory_space<vmem>>, vector<16xf32>,
    tpu.vector_store %arg9[%swap3A_605, %swap3A_606], %broadcast_in_dim3A_0 {strides = array<i32>} : memref<24x128xf32, #tpu.memory_space<vmem>>, vector<16xf32>,
    %swap3A_608 = arith.constant 19 : i32
    %swap3A_609 = arith.index_cast %swap3A_608 : i32 to index
    %swap3A_610 = arith.constant 0 : index
    %swap3A_611 = tpu.vector_load %arg9[%swap3A_609, %swap3A_610] {strides = array<i32>} : memref<24x128xf32, #tpu.memory_space<vmem>>, vector<16xf32>,
    tpu.vector_store %arg9[%swap3A_609, %swap3A_610], %broadcast_in_dim3A_0 {strides = array<i32>} : memref<24x128xf32, #tpu.memory_space<vmem>>, vector<16xf32>,
    %swap3A_612 = arith.constant 19 : i32
    %swap3A_613 = arith.index_cast %swap3A_612 : i32 to index
    %swap3A_614 = arith.constant 16 : index
    %swap3A_615 = tpu.vector_load %arg9[%swap3A_613, %swap3A_614] {strides = array<i32>} : memref<24x128xf32, #tpu.memory_space<vmem>>, vector<16xf32>,
    tpu.vector_store %arg9[%swap3A_613, %swap3A_614], %broadcast_in_dim3A_0 {strides = array<i32>} : memref<24x128xf32, #tpu.memory_space<vmem>>, vector<16xf32>,
    %swap3A_616 = arith.constant 19 : i32
    %swap3A_617 = arith.index_cast %swap3A_616 : i32 to index
    %swap3A_618 = arith.constant 32 : index
    %swap3A_619 = tpu.vector_load %arg9[%swap3A_617, %swap3A_618] {strides = array<i32>} : memref<24x128xf32, #tpu.memory_space<vmem>>, vector<16xf32>,
    tpu.vector_store %arg9[%swap3A_617, %swap3A_618], %broadcast_in_dim3A_0 {strides = array<i32>} : memref<24x128xf32, #tpu.memory_space<vmem>>, vector<16xf32>,
    %swap3A_620 = arith.constant 19 : i32
    %swap3A_621 = arith.index_cast %swap3A_620 : i32 to index
    %swap3A_622 = arith.constant 48 : index
    %swap3A_623 = tpu.vector_load %arg9[%swap3A_621, %swap3A_622] {strides = array<i32>} : memref<24x128xf32, #tpu.memory_space<vmem>>, vector<16xf32>,
    tpu.vector_store %arg9[%swap3A_621, %swap3A_622], %broadcast_in_dim3A_0 {strides = array<i32>} : memref<24x128xf32, #tpu.memory_space<vmem>>, vector<16xf32>,
    %swap3A_624 = arith.constant 19 : i32
    %swap3A_625 = arith.index_cast %swap3A_624 : i32 to index
    %swap3A_626 = arith.constant 64 : index
    %swap3A_627 = tpu.vector_load %arg9[%swap3A_625, %swap3A_626] {strides = array<i32>} : memref<24x128xf32, #tpu.memory_space<vmem>>, vector<16xf32>,
    tpu.vector_store %arg9[%swap3A_625, %swap3A_626], %broadcast_in_dim3A_0 {strides = array<i32>} : memref<24x128xf32, #tpu.memory_space<vmem>>, vector<16xf32>,
    %swap3A_628 = arith.constant 19 : i32
    %swap3A_629 = arith.index_cast %swap3A_628 : i32 to index
    %swap3A_630 = arith.constant 80 : index
    %swap3A_631 = tpu.vector_load %arg9[%swap3A_629, %swap3A_630] {strides = array<i32>} : memref<24x128xf32, #tpu.memory_space<vmem>>, vector<16xf32>,
    tpu.vector_store %arg9[%swap3A_629, %swap3A_630], %broadcast_in_dim3A_0 {strides = array<i32>} : memref<24x128xf32, #tpu.memory_space<vmem>>, vector<16xf32>,
    %swap3A_632 = arith.constant 19 : i32
    %swap3A_633 = arith.index_cast %swap3A_632 : i32 to index
    %swap3A_634 = arith.constant 96 : index
    %swap3A_635 = tpu.vector_load %arg9[%swap3A_633, %swap3A_634] {strides = array<i32>} : memref<24x128xf32, #tpu.memory_space<vmem>>, vector<16xf32>,
    tpu.vector_store %arg9[%swap3A_633, %swap3A_634], %broadcast_in_dim3A_0 {strides = array<i32>} : memref<24x128xf32, #tpu.memory_space<vmem>>, vector<16xf32>,
    %swap3A_636 = arith.constant 19 : i32
    %swap3A_637 = arith.index_cast %swap3A_636 : i32 to index
    %swap3A_638 = arith.constant 112 : index
    %swap3A_639 = tpu.vector_load %arg9[%swap3A_637, %swap3A_638] {strides = array<i32>} : memref<24x128xf32, #tpu.memory_space<vmem>>, vector<16xf32>,
    tpu.vector_store %arg9[%swap3A_637, %swap3A_638], %broadcast_in_dim3A_0 {strides = array<i32>} : memref<24x128xf32, #tpu.memory_space<vmem>>, vector<16xf32>,
    %swap3A_640 = arith.constant 20 : i32
    %swap3A_641 = arith.index_cast %swap3A_640 : i32 to index
    %swap3A_642 = arith.constant 0 : index
    %swap3A_643 = tpu.vector_load %arg9[%swap3A_641, %swap3A_642] {strides = array<i32>} : memref<24x128xf32, #tpu.memory_space<vmem>>, vector<16xf32>,
    tpu.vector_store %arg9[%swap3A_641, %swap3A_642], %broadcast_in_dim3A_0 {strides = array<i32>} : memref<24x128xf32, #tpu.memory_space<vmem>>, vector<16xf32>,
    %swap3A_644 = arith.constant 20 : i32
    %swap3A_645 = arith.index_cast %swap3A_644 : i32 to index
    %swap3A_646 = arith.constant 16 : index
    %swap3A_647 = tpu.vector_load %arg9[%swap3A_645, %swap3A_646] {strides = array<i32>} : memref<24x128xf32, #tpu.memory_space<vmem>>, vector<16xf32>,
    tpu.vector_store %arg9[%swap3A_645, %swap3A_646], %broadcast_in_dim3A_0 {strides = array<i32>} : memref<24x128xf32, #tpu.memory_space<vmem>>, vector<16xf32>,
    %swap3A_648 = arith.constant 20 : i32
    %swap3A_649 = arith.index_cast %swap3A_648 : i32 to index
    %swap3A_650 = arith.constant 32 : index
    %swap3A_651 = tpu.vector_load %arg9[%swap3A_649, %swap3A_650] {strides = array<i32>} : memref<24x128xf32, #tpu.memory_space<vmem>>, vector<16xf32>,
    tpu.vector_store %arg9[%swap3A_649, %swap3A_650], %broadcast_in_dim3A_0 {strides = array<i32>} : memref<24x128xf32, #tpu.memory_space<vmem>>, vector<16xf32>,
    %swap3A_652 = arith.constant 20 : i32
    %swap3A_653 = arith.index_cast %swap3A_652 : i32 to index
    %swap3A_654 = arith.constant 48 : index
    %swap3A_655 = tpu.vector_load %arg9[%swap3A_653, %swap3A_654] {strides = array<i32>} : memref<24x128xf32, #tpu.memory_space<vmem>>, vector<16xf32>,
    tpu.vector_store %arg9[%swap3A_653, %swap3A_654], %broadcast_in_dim3A_0 {strides = array<i32>} : memref<24x128xf32, #tpu.memory_space<vmem>>, vector<16xf32>,
    %swap3A_656 = arith.constant 20 : i32
    %swap3A_657 = arith.index_cast %swap3A_656 : i32 to index
    %swap3A_658 = arith.constant 64 : index
    %swap3A_659 = tpu.vector_load %arg9[%swap3A_657, %swap3A_658] {strides = array<i32>} : memref<24x128xf32, #tpu.memory_space<vmem>>, vector<16xf32>,
    tpu.vector_store %arg9[%swap3A_657, %swap3A_658], %broadcast_in_dim3A_0 {strides = array<i32>} : memref<24x128xf32, #tpu.memory_space<vmem>>, vector<16xf32>,
    %swap3A_660 = arith.constant 20 : i32
    %swap3A_661 = arith.index_cast %swap3A_660 : i32 to index
    %swap3A_662 = arith.constant 80 : index
    %swap3A_663 = tpu.vector_load %arg9[%swap3A_661, %swap3A_662] {strides = array<i32>} : memref<24x128xf32, #tpu.memory_space<vmem>>, vector<16xf32>,
    tpu.vector_store %arg9[%swap3A_661, %swap3A_662], %broadcast_in_dim3A_0 {strides = array<i32>} : memref<24x128xf32, #tpu.memory_space<vmem>>, vector<16xf32>,
    %swap3A_664 = arith.constant 20 : i32
    %swap3A_665 = arith.index_cast %swap3A_664 : i32 to index
    %swap3A_666 = arith.constant 96 : index
    %swap3A_667 = tpu.vector_load %arg9[%swap3A_665, %swap3A_666] {strides = array<i32>} : memref<24x128xf32, #tpu.memory_space<vmem>>, vector<16xf32>,
    tpu.vector_store %arg9[%swap3A_665, %swap3A_666], %broadcast_in_dim3A_0 {strides = array<i32>} : memref<24x128xf32, #tpu.memory_space<vmem>>, vector<16xf32>,
    %swap3A_668 = arith.constant 20 : i32
    %swap3A_669 = arith.index_cast %swap3A_668 : i32 to index
    %swap3A_670 = arith.constant 112 : index
    %swap3A_671 = tpu.vector_load %arg9[%swap3A_669, %swap3A_670] {strides = array<i32>} : memref<24x128xf32, #tpu.memory_space<vmem>>, vector<16xf32>,
    tpu.vector_store %arg9[%swap3A_669, %swap3A_670], %broadcast_in_dim3A_0 {strides = array<i32>} : memref<24x128xf32, #tpu.memory_space<vmem>>, vector<16xf32>,
    %swap3A_672 = arith.constant 21 : i32
    %swap3A_673 = arith.index_cast %swap3A_672 : i32 to index
    %swap3A_674 = arith.constant 0 : index
    %swap3A_675 = tpu.vector_load %arg9[%swap3A_673, %swap3A_674] {strides = array<i32>} : memref<24x128xf32, #tpu.memory_space<vmem>>, vector<16xf32>,
    tpu.vector_store %arg9[%swap3A_673, %swap3A_674], %broadcast_in_dim3A_0 {strides = array<i32>} : memref<24x128xf32, #tpu.memory_space<vmem>>, vector<16xf32>,
    %swap3A_676 = arith.constant 21 : i32
    %swap3A_677 = arith.index_cast %swap3A_676 : i32 to index
    %swap3A_678 = arith.constant 16 : index
    %swap3A_679 = tpu.vector_load %arg9[%swap3A_677, %swap3A_678] {strides = array<i32>} : memref<24x128xf32, #tpu.memory_space<vmem>>, vector<16xf32>,
    tpu.vector_store %arg9[%swap3A_677, %swap3A_678], %broadcast_in_dim3A_0 {strides = array<i32>} : memref<24x128xf32, #tpu.memory_space<vmem>>, vector<16xf32>,
    %swap3A_680 = arith.constant 21 : i32
    %swap3A_681 = arith.index_cast %swap3A_680 : i32 to index
    %swap3A_682 = arith.constant 32 : index
    %swap3A_683 = tpu.vector_load %arg9[%swap3A_681, %swap3A_682] {strides = array<i32>} : memref<24x128xf32, #tpu.memory_space<vmem>>, vector<16xf32>,
    tpu.vector_store %arg9[%swap3A_681, %swap3A_682], %broadcast_in_dim3A_0 {strides = array<i32>} : memref<24x128xf32, #tpu.memory_space<vmem>>, vector<16xf32>,
    %swap3A_684 = arith.constant 21 : i32
    %swap3A_685 = arith.index_cast %swap3A_684 : i32 to index
    %swap3A_686 = arith.constant 48 : index
    %swap3A_687 = tpu.vector_load %arg9[%swap3A_685, %swap3A_686] {strides = array<i32>} : memref<24x128xf32, #tpu.memory_space<vmem>>, vector<16xf32>,
    tpu.vector_store %arg9[%swap3A_685, %swap3A_686], %broadcast_in_dim3A_0 {strides = array<i32>} : memref<24x128xf32, #tpu.memory_space<vmem>>, vector<16xf32>,
    %swap3A_688 = arith.constant 21 : i32
    %swap3A_689 = arith.index_cast %swap3A_688 : i32 to index
    %swap3A_690 = arith.constant 64 : index
    %swap3A_691 = tpu.vector_load %arg9[%swap3A_689, %swap3A_690] {strides = array<i32>} : memref<24x128xf32, #tpu.memory_space<vmem>>, vector<16xf32>,
    tpu.vector_store %arg9[%swap3A_689, %swap3A_690], %broadcast_in_dim3A_0 {strides = array<i32>} : memref<24x128xf32, #tpu.memory_space<vmem>>, vector<16xf32>,
    %swap3A_692 = arith.constant 21 : i32
    %swap3A_693 = arith.index_cast %swap3A_692 : i32 to index
    %swap3A_694 = arith.constant 80 : index
    %swap3A_695 = tpu.vector_load %arg9[%swap3A_693, %swap3A_694] {strides = array<i32>} : memref<24x128xf32, #tpu.memory_space<vmem>>, vector<16xf32>,
    tpu.vector_store %arg9[%swap3A_693, %swap3A_694], %broadcast_in_dim3A_0 {strides = array<i32>} : memref<24x128xf32, #tpu.memory_space<vmem>>, vector<16xf32>,
    %swap3A_696 = arith.constant 21 : i32
    %swap3A_697 = arith.index_cast %swap3A_696 : i32 to index
    %swap3A_698 = arith.constant 96 : index
    %swap3A_699 = tpu.vector_load %arg9[%swap3A_697, %swap3A_698] {strides = array<i32>} : memref<24x128xf32, #tpu.memory_space<vmem>>, vector<16xf32>,
    tpu.vector_store %arg9[%swap3A_697, %swap3A_698], %broadcast_in_dim3A_0 {strides = array<i32>} : memref<24x128xf32, #tpu.memory_space<vmem>>, vector<16xf32>,
    %swap3A_700 = arith.constant 21 : i32
    %swap3A_701 = arith.index_cast %swap3A_700 : i32 to index
    %swap3A_702 = arith.constant 112 : index
    %swap3A_703 = tpu.vector_load %arg9[%swap3A_701, %swap3A_702] {strides = array<i32>} : memref<24x128xf32, #tpu.memory_space<vmem>>, vector<16xf32>,
    tpu.vector_store %arg9[%swap3A_701, %swap3A_702], %broadcast_in_dim3A_0 {strides = array<i32>} : memref<24x128xf32, #tpu.memory_space<vmem>>, vector<16xf32>,
    %swap3A_704 = arith.constant 22 : i32
    %swap3A_705 = arith.index_cast %swap3A_704 : i32 to index
    %swap3A_706 = arith.constant 0 : index
    %swap3A_707 = tpu.vector_load %arg9[%swap3A_705, %swap3A_706] {strides = array<i32>} : memref<24x128xf32, #tpu.memory_space<vmem>>, vector<16xf32>,
    tpu.vector_store %arg9[%swap3A_705, %swap3A_706], %broadcast_in_dim3A_0 {strides = array<i32>} : memref<24x128xf32, #tpu.memory_space<vmem>>, vector<16xf32>,
    %swap3A_708 = arith.constant 22 : i32
    %swap3A_709 = arith.index_cast %swap3A_708 : i32 to index
    %swap3A_710 = arith.constant 16 : index
    %swap3A_711 = tpu.vector_load %arg9[%swap3A_709, %swap3A_710] {strides = array<i32>} : memref<24x128xf32, #tpu.memory_space<vmem>>, vector<16xf32>,
    tpu.vector_store %arg9[%swap3A_709, %swap3A_710], %broadcast_in_dim3A_0 {strides = array<i32>} : memref<24x128xf32, #tpu.memory_space<vmem>>, vector<16xf32>,
    %swap3A_712 = arith.constant 22 : i32
    %swap3A_713 = arith.index_cast %swap3A_712 : i32 to index
    %swap3A_714 = arith.constant 32 : index
    %swap3A_715 = tpu.vector_load %arg9[%swap3A_713, %swap3A_714] {strides = array<i32>} : memref<24x128xf32, #tpu.memory_space<vmem>>, vector<16xf32>,
    tpu.vector_store %arg9[%swap3A_713, %swap3A_714], %broadcast_in_dim3A_0 {strides = array<i32>} : memref<24x128xf32, #tpu.memory_space<vmem>>, vector<16xf32>,
    %swap3A_716 = arith.constant 22 : i32
    %swap3A_717 = arith.index_cast %swap3A_716 : i32 to index
    %swap3A_718 = arith.constant 48 : index
    %swap3A_719 = tpu.vector_load %arg9[%swap3A_717, %swap3A_718] {strides = array<i32>} : memref<24x128xf32, #tpu.memory_space<vmem>>, vector<16xf32>,
    tpu.vector_store %arg9[%swap3A_717, %swap3A_718], %broadcast_in_dim3A_0 {strides = array<i32>} : memref<24x128xf32, #tpu.memory_space<vmem>>, vector<16xf32>,
    %swap3A_720 = arith.constant 22 : i32
    %swap3A_721 = arith.index_cast %swap3A_720 : i32 to index
    %swap3A_722 = arith.constant 64 : index
    %swap3A_723 = tpu.vector_load %arg9[%swap3A_721, %swap3A_722] {strides = array<i32>} : memref<24x128xf32, #tpu.memory_space<vmem>>, vector<16xf32>,
    tpu.vector_store %arg9[%swap3A_721, %swap3A_722], %broadcast_in_dim3A_0 {strides = array<i32>} : memref<24x128xf32, #tpu.memory_space<vmem>>, vector<16xf32>,
    %swap3A_724 = arith.constant 22 : i32
    %swap3A_725 = arith.index_cast %swap3A_724 : i32 to index
    %swap3A_726 = arith.constant 80 : index
    %swap3A_727 = tpu.vector_load %arg9[%swap3A_725, %swap3A_726] {strides = array<i32>} : memref<24x128xf32, #tpu.memory_space<vmem>>, vector<16xf32>,
    tpu.vector_store %arg9[%swap3A_725, %swap3A_726], %broadcast_in_dim3A_0 {strides = array<i32>} : memref<24x128xf32, #tpu.memory_space<vmem>>, vector<16xf32>,
    %swap3A_728 = arith.constant 22 : i32
    %swap3A_729 = arith.index_cast %swap3A_728 : i32 to index
    %swap3A_730 = arith.constant 96 : index
    %swap3A_731 = tpu.vector_load %arg9[%swap3A_729, %swap3A_730] {strides = array<i32>} : memref<24x128xf32, #tpu.memory_space<vmem>>, vector<16xf32>,
    tpu.vector_store %arg9[%swap3A_729, %swap3A_730], %broadcast_in_dim3A_0 {strides = array<i32>} : memref<24x128xf32, #tpu.memory_space<vmem>>, vector<16xf32>,
    %swap3A_732 = arith.constant 22 : i32
    %swap3A_733 = arith.index_cast %swap3A_732 : i32 to index
    %swap3A_734 = arith.constant 112 : index
    %swap3A_735 = tpu.vector_load %arg9[%swap3A_733, %swap3A_734] {strides = array<i32>} : memref<24x128xf32, #tpu.memory_space<vmem>>, vector<16xf32>,
    tpu.vector_store %arg9[%swap3A_733, %swap3A_734], %broadcast_in_dim3A_0 {strides = array<i32>} : memref<24x128xf32, #tpu.memory_space<vmem>>, vector<16xf32>,
    %swap3A_736 = arith.constant 23 : i32
    %swap3A_737 = arith.index_cast %swap3A_736 : i32 to index
    %swap3A_738 = arith.constant 0 : index
    %swap3A_739 = tpu.vector_load %arg9[%swap3A_737, %swap3A_738] {strides = array<i32>} : memref<24x128xf32, #tpu.memory_space<vmem>>, vector<16xf32>,
    tpu.vector_store %arg9[%swap3A_737, %swap3A_738], %broadcast_in_dim3A_0 {strides = array<i32>} : memref<24x128xf32, #tpu.memory_space<vmem>>, vector<16xf32>,
    %swap3A_740 = arith.constant 23 : i32
    %swap3A_741 = arith.index_cast %swap3A_740 : i32 to index
    %swap3A_742 = arith.constant 16 : index
    %swap3A_743 = tpu.vector_load %arg9[%swap3A_741, %swap3A_742] {strides = array<i32>} : memref<24x128xf32, #tpu.memory_space<vmem>>, vector<16xf32>,
    tpu.vector_store %arg9[%swap3A_741, %swap3A_742], %broadcast_in_dim3A_0 {strides = array<i32>} : memref<24x128xf32, #tpu.memory_space<vmem>>, vector<16xf32>,
    %swap3A_744 = arith.constant 23 : i32
    %swap3A_745 = arith.index_cast %swap3A_744 : i32 to index
    %swap3A_746 = arith.constant 32 : index
    %swap3A_747 = tpu.vector_load %arg9[%swap3A_745, %swap3A_746] {strides = array<i32>} : memref<24x128xf32, #tpu.memory_space<vmem>>, vector<16xf32>,
    tpu.vector_store %arg9[%swap3A_745, %swap3A_746], %broadcast_in_dim3A_0 {strides = array<i32>} : memref<24x128xf32, #tpu.memory_space<vmem>>, vector<16xf32>,
    %swap3A_748 = arith.constant 23 : i32
    %swap3A_749 = arith.index_cast %swap3A_748 : i32 to index
    %swap3A_750 = arith.constant 48 : index
    %swap3A_751 = tpu.vector_load %arg9[%swap3A_749, %swap3A_750] {strides = array<i32>} : memref<24x128xf32, #tpu.memory_space<vmem>>, vector<16xf32>,
    tpu.vector_store %arg9[%swap3A_749, %swap3A_750], %broadcast_in_dim3A_0 {strides = array<i32>} : memref<24x128xf32, #tpu.memory_space<vmem>>, vector<16xf32>,
    %swap3A_752 = arith.constant 23 : i32
    %swap3A_753 = arith.index_cast %swap3A_752 : i32 to index
    %swap3A_754 = arith.constant 64 : index
    %swap3A_755 = tpu.vector_load %arg9[%swap3A_753, %swap3A_754] {strides = array<i32>} : memref<24x128xf32, #tpu.memory_space<vmem>>, vector<16xf32>,
    tpu.vector_store %arg9[%swap3A_753, %swap3A_754], %broadcast_in_dim3A_0 {strides = array<i32>} : memref<24x128xf32, #tpu.memory_space<vmem>>, vector<16xf32>,
    %swap3A_756 = arith.constant 23 : i32
    %swap3A_757 = arith.index_cast %swap3A_756 : i32 to index
    %swap3A_758 = arith.constant 80 : index
    %swap3A_759 = tpu.vector_load %arg9[%swap3A_757, %swap3A_758] {strides = array<i32>} : memref<24x128xf32, #tpu.memory_space<vmem>>, vector<16xf32>,
    tpu.vector_store %arg9[%swap3A_757, %swap3A_758], %broadcast_in_dim3A_0 {strides = array<i32>} : memref<24x128xf32, #tpu.memory_space<vmem>>, vector<16xf32>,
    %swap3A_760 = arith.constant 23 : i32
    %swap3A_761 = arith.index_cast %swap3A_760 : i32 to index
    %swap3A_762 = arith.constant 96 : index
    %swap3A_763 = tpu.vector_load %arg9[%swap3A_761, %swap3A_762] {strides = array<i32>} : memref<24x128xf32, #tpu.memory_space<vmem>>, vector<16xf32>,
    tpu.vector_store %arg9[%swap3A_761, %swap3A_762], %broadcast_in_dim3A_0 {strides = array<i32>} : memref<24x128xf32, #tpu.memory_space<vmem>>, vector<16xf32>,
    %swap3A_764 = arith.constant 23 : i32
    %swap3A_765 = arith.index_cast %swap3A_764 : i32 to index
    %swap3A_766 = arith.constant 112 : index
    %swap3A_767 = tpu.vector_load %arg9[%swap3A_765, %swap3A_766] {strides = array<i32>} : memref<24x128xf32, #tpu.memory_space<vmem>>, vector<16xf32>,
    tpu.vector_store %arg9[%swap3A_765, %swap3A_766], %broadcast_in_dim3A_0 {strides = array<i32>} : memref<24x128xf32, #tpu.memory_space<vmem>>, vector<16xf32>,
    %scan3A = arith.constant 0 : i32
    %scan3A_768 = arith.constant 0 : i32
    %scan3A_769 = arith.constant 26 : i32
    %scan3A_770 = arith.addi %scan3A_768, %scan3A_769 : i32
    %scan3A_771 = arith.constant 1 : i32
    scf.for %scan3A_918 = %scan3A_768 to %scan3A_770 step %scan3A_771  : i32 {
      %mul3A_919 = arith.constant 632 : i32
      %mul3A_920 = arith.muli %arg1, %mul3A_919 : i32
      %mul3A_921 = arith.constant 24 : i32
      %mul3A_922 = arith.muli %scan3A_918, %mul3A_921 : i32
      %add3A_923 = arith.addi %mul3A_920, %mul3A_922 : i32
      %dma_start3A_924 = arith.constant 0 : i32
      %dma_start3A_925 = tpu.memref_slice %arg10[%add3A_923, %dma_start3A_924] : memref<10112x128xf32, #tpu.memory_space<vmem_shared>> -> memref<24x128xf32, #tpu.memory_space<vmem_shared>>
      %dma_start3A_926 = arith.constant 0 : i32
      %dma_start3A_927 = tpu.memref_slice %arg10[%add3A_923, %dma_start3A_926] : memref<10112x128xf32, #tpu.memory_space<vmem_shared>> -> memref<24x128xf32, #tpu.memory_space<vmem_shared>>
      tpu.enqueue_dma source(%arg9 : memref<24x128xf32, #tpu.memory_space<vmem>>) target(%dma_start3A_927 : memref<24x128xf32, #tpu.memory_space<vmem_shared>>) target_semaphore(%arg12 : memref<!tpu.dma_semaphore, #tpu.memory_space<semaphore_mem>>)
      %ge3A = arith.constant 4 : i32
      %ge3A_928 = arith.cmpi sge, %scan3A_918, %ge3A : i32
      %convert_element_type3A = arith.extui %ge3A_928 : i1 to i32
      %cond3A = arith.constant 0 : i32
      %cond3A_929 = arith.cmpi ne, %convert_element_type3A, %cond3A : i32
      scf.if %cond3A_929 {
        %mul3A_930 = arith.constant 632 : i32
        %mul3A_931 = arith.muli %arg1, %mul3A_930 : i32
        %dma_wait3A_932 = arith.constant 0 : i32
        %dma_wait3A_933 = tpu.memref_slice %arg10[%mul3A_931, %dma_wait3A_932] : memref<10112x128xf32, #tpu.memory_space<vmem_shared>> -> memref<24x128xf32, #tpu.memory_space<vmem_shared>>
        %dma_wait3A_934 = arith.constant 0 : i32
        %dma_wait3A_935 = tpu.memref_slice %arg10[%mul3A_931, %dma_wait3A_934] : memref<10112x128xf32, #tpu.memory_space<vmem_shared>> -> memref<24x128xf32, #tpu.memory_space<vmem_shared>>
        tpu.wait_dma2 semaphore(%arg12 : memref<!tpu.dma_semaphore, #tpu.memory_space<semaphore_mem>>) src(%arg9 : memref<24x128xf32, #tpu.memory_space<vmem>>) dst(%dma_wait3A_935 : memref<24x128xf32, #tpu.memory_space<vmem_shared>>)
      } else {
      }
    }
    %scan3A_772 = arith.constant 26 : i32
    %mul3A = arith.constant 632 : i32
    %mul3A_773 = arith.muli %arg1, %mul3A : i32
    %add3A = arith.constant 624 : i32
    %add3A_774 = arith.addi %mul3A_773, %add3A : i32
    %dma_start3A = arith.constant 0 : i32
    %dma_start3A_775 = arith.constant 0 : i32
    %dma_start3A_776 = tpu.memref_slice %arg9[%dma_start3A, %dma_start3A_775] : memref<24x128xf32, #tpu.memory_space<vmem>> -> memref<8x128xf32, #tpu.memory_space<vmem>>
    %dma_start3A_777 = arith.constant 0 : i32
    %dma_start3A_778 = tpu.memref_slice %arg10[%add3A_774, %dma_start3A_777] : memref<10112x128xf32, #tpu.memory_space<vmem_shared>> -> memref<8x128xf32, #tpu.memory_space<vmem_shared>>
    %dma_start3A_779 = arith.constant 0 : i32
    %dma_start3A_780 = tpu.memref_slice %arg10[%add3A_774, %dma_start3A_779] : memref<10112x128xf32, #tpu.memory_space<vmem_shared>> -> memref<8x128xf32, #tpu.memory_space<vmem_shared>>
    %dma_start3A_781 = arith.constant 0 : i32
    %dma_start3A_782 = arith.constant 0 : i32
    %dma_start3A_783 = tpu.memref_slice %arg9[%dma_start3A_781, %dma_start3A_782] : memref<24x128xf32, #tpu.memory_space<vmem>> -> memref<8x128xf32, #tpu.memory_space<vmem>>
    tpu.enqueue_dma source(%dma_start3A_783 : memref<8x128xf32, #tpu.memory_space<vmem>>) target(%dma_start3A_780 : memref<8x128xf32, #tpu.memory_space<vmem_shared>>) target_semaphore(%arg12 : memref<!tpu.dma_semaphore, #tpu.memory_space<semaphore_mem>>)
    %mul3A_784 = arith.constant 16 : i32
    %mul3A_785 = arith.muli %arg0, %mul3A_784 : i32
    %add3A_786 = arith.addi %mul3A_785, %arg1 : i32
    %mul3A_787 = arith.constant 2 : i32
    %mul3A_788 = arith.muli %add3A_786, %mul3A_787 : i32
    "tpu.region"() ({
      %run_scoped3A_918 = tpu.sem_alloc : memref<!tpu.dma_semaphore, #tpu.memory_space<semaphore_mem>>
      %dma_start3A_919 = arith.constant 0 : i32
      %dma_start3A_920 = arith.constant 0 : i32
      %dma_start3A_921 = tpu.memref_slice %arg3[%mul3A_788, %dma_start3A_919, %dma_start3A_920] : memref<64x40x125xi32, #tpu.memory_space<hbm>> -> memref<1x40x125xi32, #tpu.memory_space<hbm>>
      %dma_start3A_922 = tpu.memref_squeeze %dma_start3A_921 : memref<1x40x125xi32, #tpu.memory_space<hbm>> -> memref<40x125xi32, #tpu.memory_space<hbm>>
      %dma_start3A_923 = arith.constant 0 : i32
      %dma_start3A_924 = arith.constant 0 : i32
      %dma_start3A_925 = tpu.memref_slice %arg3[%mul3A_788, %dma_start3A_923, %dma_start3A_924] : memref<64x40x125xi32, #tpu.memory_space<hbm>> -> memref<1x40x125xi32, #tpu.memory_space<hbm>>
      %dma_start3A_926 = tpu.memref_squeeze %dma_start3A_925 : memref<1x40x125xi32, #tpu.memory_space<hbm>> -> memref<40x125xi32, #tpu.memory_space<hbm>>
      tpu.enqueue_dma source(%dma_start3A_926 : memref<40x125xi32, #tpu.memory_space<hbm>>) target(%arg6 : memref<40x125xi32, #tpu.memory_space<vmem>>) target_semaphore(%run_scoped3A_918 : memref<!tpu.dma_semaphore, #tpu.memory_space<semaphore_mem>>)
      %dma_wait3A_927 = arith.constant 0 : i32
      %dma_wait3A_928 = arith.constant 0 : i32
      %dma_wait3A_929 = tpu.memref_slice %arg3[%mul3A_788, %dma_wait3A_927, %dma_wait3A_928] : memref<64x40x125xi32, #tpu.memory_space<hbm>> -> memref<1x40x125xi32, #tpu.memory_space<hbm>>
      %dma_wait3A_930 = tpu.memref_squeeze %dma_wait3A_929 : memref<1x40x125xi32, #tpu.memory_space<hbm>> -> memref<40x125xi32, #tpu.memory_space<hbm>>
      %dma_wait3A_931 = arith.constant 0 : i32
      %dma_wait3A_932 = arith.constant 0 : i32
      %dma_wait3A_933 = tpu.memref_slice %arg3[%mul3A_788, %dma_wait3A_931, %dma_wait3A_932] : memref<64x40x125xi32, #tpu.memory_space<hbm>> -> memref<1x40x125xi32, #tpu.memory_space<hbm>>
      %dma_wait3A_934 = tpu.memref_squeeze %dma_wait3A_933 : memref<1x40x125xi32, #tpu.memory_space<hbm>> -> memref<40x125xi32, #tpu.memory_space<hbm>>
      tpu.wait_dma2 semaphore(%run_scoped3A_918 : memref<!tpu.dma_semaphore, #tpu.memory_space<semaphore_mem>>) src(%dma_wait3A_934 : memref<40x125xi32, #tpu.memory_space<hbm>>) dst(%arg6 : memref<40x125xi32, #tpu.memory_space<vmem>>)
      tpu.yield
    }) : () -> ()
    %mul3A_789 = arith.constant 2 : i32
    %mul3A_790 = arith.muli %arg1, %mul3A_789 : i32
    "tpu.region"() ({
      %run_scoped3A_918 = tpu.sem_alloc : memref<!tpu.dma_semaphore, #tpu.memory_space<semaphore_mem>>
      %dma_start3A_919 = arith.constant 0 : i32
      %dma_start3A_920 = arith.constant 0 : i32
      %dma_start3A_921 = tpu.memref_slice %arg4[%mul3A_790, %dma_start3A_919, %dma_start3A_920] : memref<32x40x125xi32, #tpu.memory_space<hbm>> -> memref<1x40x125xi32, #tpu.memory_space<hbm>>
      %dma_start3A_922 = tpu.memref_squeeze %dma_start3A_921 : memref<1x40x125xi32, #tpu.memory_space<hbm>> -> memref<40x125xi32, #tpu.memory_space<hbm>>
      %dma_start3A_923 = arith.constant 0 : i32
      %dma_start3A_924 = arith.constant 0 : i32
      %dma_start3A_925 = tpu.memref_slice %arg4[%mul3A_790, %dma_start3A_923, %dma_start3A_924] : memref<32x40x125xi32, #tpu.memory_space<hbm>> -> memref<1x40x125xi32, #tpu.memory_space<hbm>>
      %dma_start3A_926 = tpu.memref_squeeze %dma_start3A_925 : memref<1x40x125xi32, #tpu.memory_space<hbm>> -> memref<40x125xi32, #tpu.memory_space<hbm>>
      tpu.enqueue_dma source(%dma_start3A_926 : memref<40x125xi32, #tpu.memory_space<hbm>>) target(%arg7 : memref<40x125xi32, #tpu.memory_space<vmem>>) target_semaphore(%run_scoped3A_918 : memref<!tpu.dma_semaphore, #tpu.memory_space<semaphore_mem>>)
      %dma_wait3A_927 = arith.constant 0 : i32
      %dma_wait3A_928 = arith.constant 0 : i32
      %dma_wait3A_929 = tpu.memref_slice %arg4[%mul3A_790, %dma_wait3A_927, %dma_wait3A_928] : memref<32x40x125xi32, #tpu.memory_space<hbm>> -> memref<1x40x125xi32, #tpu.memory_space<hbm>>
      %dma_wait3A_930 = tpu.memref_squeeze %dma_wait3A_929 : memref<1x40x125xi32, #tpu.memory_space<hbm>> -> memref<40x125xi32, #tpu.memory_space<hbm>>
      %dma_wait3A_931 = arith.constant 0 : i32
      %dma_wait3A_932 = arith.constant 0 : i32
      %dma_wait3A_933 = tpu.memref_slice %arg4[%mul3A_790, %dma_wait3A_931, %dma_wait3A_932] : memref<32x40x125xi32, #tpu.memory_space<hbm>> -> memref<1x40x125xi32, #tpu.memory_space<hbm>>
      %dma_wait3A_934 = tpu.memref_squeeze %dma_wait3A_933 : memref<1x40x125xi32, #tpu.memory_space<hbm>> -> memref<40x125xi32, #tpu.memory_space<hbm>>
      tpu.wait_dma2 semaphore(%run_scoped3A_918 : memref<!tpu.dma_semaphore, #tpu.memory_space<semaphore_mem>>) src(%dma_wait3A_934 : memref<40x125xi32, #tpu.memory_space<hbm>>) dst(%arg7 : memref<40x125xi32, #tpu.memory_space<vmem>>)
      tpu.yield
    }) : () -> ()
    %dma_start3A_791 = arith.constant 0 : i32
    %dma_start3A_792 = arith.constant 0 : i32
    %dma_start3A_793 = arith.constant 0 : i32
    %dma_start3A_794 = arith.constant 0 : i32
    %dma_start3A_795 = arith.constant 0 : i32
    %dma_start3A_796 = tpu.memref_slice %arg8[%dma_start3A_792, %dma_start3A_794, %dma_start3A_795] : memref<2x125x128xf32, #tpu.memory_space<vmem>> -> memref<1x125x128xf32, #tpu.memory_space<vmem>>
    %dma_start3A_797 = tpu.memref_squeeze %dma_start3A_796 : memref<1x125x128xf32, #tpu.memory_space<vmem>> -> memref<125x128xf32, #tpu.memory_space<vmem>>
    %dma_start3A_798 = arith.constant 0 : i32
    %dma_start3A_799 = tpu.memref_slice %arg6[%dma_start3A_791, %dma_start3A_798] : memref<40x125xi32, #tpu.memory_space<vmem>> -> memref<1x125xi32, #tpu.memory_space<vmem>>
    %dma_start3A_800 = tpu.memref_squeeze %dma_start3A_799 : memref<1x125xi32, #tpu.memory_space<vmem>> -> memref<125xi32, #tpu.memory_space<vmem>>
    %dma_start3A_801 = arith.constant 0 : i32
    %dma_start3A_802 = arith.constant 0 : i32
    %dma_start3A_803 = tpu.memref_slice %arg2[%dma_start3A_801, %dma_start3A_802] : memref<20224x128xf32, #tpu.memory_space<hbm>> -> memref<20224x128xf32, #tpu.memory_space<hbm>>
    %dma_start3A_804 = tpu.memref_slice %arg11[%dma_start3A_793] : memref<2x!tpu.dma_semaphore, #tpu.memory_space<semaphore_mem>> -> memref<1x!tpu.dma_semaphore, #tpu.memory_space<semaphore_mem>>
    %dma_start3A_805 = tpu.memref_squeeze %dma_start3A_804 : memref<1x!tpu.dma_semaphore, #tpu.memory_space<semaphore_mem>> -> memref<!tpu.dma_semaphore, #tpu.memory_space<semaphore_mem>>
    tpu.enqueue_indirect_dma source(%dma_start3A_803 : memref<20224x128xf32, #tpu.memory_space<hbm>>) target(%dma_start3A_797 : memref<125x128xf32, #tpu.memory_space<vmem>>) offsets(%dma_start3A_800 : memref<125xi32, #tpu.memory_space<vmem>>) semaphore(%dma_start3A_805 : memref<!tpu.dma_semaphore, #tpu.memory_space<semaphore_mem>>)
    %mul3A_806 = arith.constant 632 : i32
    %mul3A_807 = arith.muli %arg1, %mul3A_806 : i32
    %dma_wait3A = arith.constant 0 : i32
    %dma_wait3A_808 = tpu.memref_slice %arg10[%mul3A_807, %dma_wait3A] : memref<10112x128xf32, #tpu.memory_space<vmem_shared>> -> memref<24x128xf32, #tpu.memory_space<vmem_shared>>
    %dma_wait3A_809 = arith.constant 0 : i32
    %dma_wait3A_810 = tpu.memref_slice %arg10[%mul3A_807, %dma_wait3A_809] : memref<10112x128xf32, #tpu.memory_space<vmem_shared>> -> memref<24x128xf32, #tpu.memory_space<vmem_shared>>
    tpu.wait_dma2 semaphore(%arg12 : memref<!tpu.dma_semaphore, #tpu.memory_space<semaphore_mem>>) src(%arg9 : memref<24x128xf32, #tpu.memory_space<vmem>>) dst(%dma_wait3A_810 : memref<24x128xf32, #tpu.memory_space<vmem_shared>>)
    %mul3A_811 = arith.constant 632 : i32
    %mul3A_812 = arith.muli %arg1, %mul3A_811 : i32
    %dma_wait3A_813 = arith.constant 0 : i32
    %dma_wait3A_814 = tpu.memref_slice %arg10[%mul3A_812, %dma_wait3A_813] : memref<10112x128xf32, #tpu.memory_space<vmem_shared>> -> memref<24x128xf32, #tpu.memory_space<vmem_shared>>
    %dma_wait3A_815 = arith.constant 0 : i32
    %dma_wait3A_816 = tpu.memref_slice %arg10[%mul3A_812, %dma_wait3A_815] : memref<10112x128xf32, #tpu.memory_space<vmem_shared>> -> memref<24x128xf32, #tpu.memory_space<vmem_shared>>
    tpu.wait_dma2 semaphore(%arg12 : memref<!tpu.dma_semaphore, #tpu.memory_space<semaphore_mem>>) src(%arg9 : memref<24x128xf32, #tpu.memory_space<vmem>>) dst(%dma_wait3A_816 : memref<24x128xf32, #tpu.memory_space<vmem_shared>>)
    %mul3A_817 = arith.constant 632 : i32
    %mul3A_818 = arith.muli %arg1, %mul3A_817 : i32
    %dma_wait3A_819 = arith.constant 0 : i32
    %dma_wait3A_820 = tpu.memref_slice %arg10[%mul3A_818, %dma_wait3A_819] : memref<10112x128xf32, #tpu.memory_space<vmem_shared>> -> memref<24x128xf32, #tpu.memory_space<vmem_shared>>
    %dma_wait3A_821 = arith.constant 0 : i32
    %dma_wait3A_822 = tpu.memref_slice %arg10[%mul3A_818, %dma_wait3A_821] : memref<10112x128xf32, #tpu.memory_space<vmem_shared>> -> memref<24x128xf32, #tpu.memory_space<vmem_shared>>
    tpu.wait_dma2 semaphore(%arg12 : memref<!tpu.dma_semaphore, #tpu.memory_space<semaphore_mem>>) src(%arg9 : memref<24x128xf32, #tpu.memory_space<vmem>>) dst(%dma_wait3A_822 : memref<24x128xf32, #tpu.memory_space<vmem_shared>>)
    %mul3A_823 = arith.constant 632 : i32
    %mul3A_824 = arith.muli %arg1, %mul3A_823 : i32
    %dma_wait3A_825 = arith.constant 0 : i32
    %dma_wait3A_826 = tpu.memref_slice %arg10[%mul3A_824, %dma_wait3A_825] : memref<10112x128xf32, #tpu.memory_space<vmem_shared>> -> memref<24x128xf32, #tpu.memory_space<vmem_shared>>
    %dma_wait3A_827 = arith.constant 0 : i32
    %dma_wait3A_828 = tpu.memref_slice %arg10[%mul3A_824, %dma_wait3A_827] : memref<10112x128xf32, #tpu.memory_space<vmem_shared>> -> memref<24x128xf32, #tpu.memory_space<vmem_shared>>
    tpu.wait_dma2 semaphore(%arg12 : memref<!tpu.dma_semaphore, #tpu.memory_space<semaphore_mem>>) src(%arg9 : memref<24x128xf32, #tpu.memory_space<vmem>>) dst(%dma_wait3A_828 : memref<24x128xf32, #tpu.memory_space<vmem_shared>>)
    %dma_wait3A_829 = arith.constant 0 : i32
    %dma_wait3A_830 = arith.constant 0 : i32
    %dma_wait3A_831 = tpu.memref_slice %arg9[%dma_wait3A_829, %dma_wait3A_830] : memref<24x128xf32, #tpu.memory_space<vmem>> -> memref<8x128xf32, #tpu.memory_space<vmem>>
    %dma_wait3A_832 = arith.constant 0 : i32
    %dma_wait3A_833 = tpu.memref_slice %arg10[%add3A_774, %dma_wait3A_832] : memref<10112x128xf32, #tpu.memory_space<vmem_shared>> -> memref<8x128xf32, #tpu.memory_space<vmem_shared>>
    %dma_wait3A_834 = arith.constant 0 : i32
    %dma_wait3A_835 = tpu.memref_slice %arg10[%add3A_774, %dma_wait3A_834] : memref<10112x128xf32, #tpu.memory_space<vmem_shared>> -> memref<8x128xf32, #tpu.memory_space<vmem_shared>>
    %dma_wait3A_836 = arith.constant 0 : i32
    %dma_wait3A_837 = arith.constant 0 : i32
    %dma_wait3A_838 = tpu.memref_slice %arg9[%dma_wait3A_836, %dma_wait3A_837] : memref<24x128xf32, #tpu.memory_space<vmem>> -> memref<8x128xf32, #tpu.memory_space<vmem>>
    tpu.wait_dma2 semaphore(%arg12 : memref<!tpu.dma_semaphore, #tpu.memory_space<semaphore_mem>>) src(%dma_wait3A_838 : memref<8x128xf32, #tpu.memory_space<vmem>>) dst(%dma_wait3A_835 : memref<8x128xf32, #tpu.memory_space<vmem_shared>>)
    %barrier3A = arith.constant 0 : index
    tpu.barrier barrier_id(%barrier3A)
    %scan3A_839 = arith.constant 0 : i32
    %scan3A_840 = arith.constant 1 : i32
    %scan3A_841 = arith.constant 39 : i32
    %scan3A_842 = arith.addi %scan3A_840, %scan3A_841 : i32
    %scan3A_843 = arith.constant 1 : i32
    scf.for %scan3A_918 = %scan3A_840 to %scan3A_842 step %scan3A_843  : i32 {
      %rem3A = arith.constant 2 : i32
      %rem3A_919 = arith.remsi %scan3A_918, %rem3A : i32
      %add3A_920 = arith.constant 1 : i32
      %add3A_921 = arith.addi %scan3A_918, %add3A_920 : i32
      %rem3A_922 = arith.constant 2 : i32
      %rem3A_923 = arith.remsi %add3A_921, %rem3A_922 : i32
      %dma_start3A_924 = arith.constant 0 : i32
      %dma_start3A_925 = arith.constant 0 : i32
      %dma_start3A_926 = tpu.memref_slice %arg8[%rem3A_919, %dma_start3A_924, %dma_start3A_925] : memref<2x125x128xf32, #tpu.memory_space<vmem>> -> memref<1x125x128xf32, #tpu.memory_space<vmem>>
      %dma_start3A_927 = tpu.memref_squeeze %dma_start3A_926 : memref<1x125x128xf32, #tpu.memory_space<vmem>> -> memref<125x128xf32, #tpu.memory_space<vmem>>
      %dma_start3A_928 = arith.constant 0 : i32
      %dma_start3A_929 = tpu.memref_slice %arg6[%scan3A_918, %dma_start3A_928] : memref<40x125xi32, #tpu.memory_space<vmem>> -> memref<1x125xi32, #tpu.memory_space<vmem>>
      %dma_start3A_930 = tpu.memref_squeeze %dma_start3A_929 : memref<1x125xi32, #tpu.memory_space<vmem>> -> memref<125xi32, #tpu.memory_space<vmem>>
      %dma_start3A_931 = arith.constant 0 : i32
      %dma_start3A_932 = arith.constant 0 : i32
      %dma_start3A_933 = tpu.memref_slice %arg2[%dma_start3A_931, %dma_start3A_932] : memref<20224x128xf32, #tpu.memory_space<hbm>> -> memref<20224x128xf32, #tpu.memory_space<hbm>>
      %dma_start3A_934 = tpu.memref_slice %arg11[%rem3A_919] : memref<2x!tpu.dma_semaphore, #tpu.memory_space<semaphore_mem>> -> memref<1x!tpu.dma_semaphore, #tpu.memory_space<semaphore_mem>>
      %dma_start3A_935 = tpu.memref_squeeze %dma_start3A_934 : memref<1x!tpu.dma_semaphore, #tpu.memory_space<semaphore_mem>> -> memref<!tpu.dma_semaphore, #tpu.memory_space<semaphore_mem>>
      tpu.enqueue_indirect_dma source(%dma_start3A_933 : memref<20224x128xf32, #tpu.memory_space<hbm>>) target(%dma_start3A_927 : memref<125x128xf32, #tpu.memory_space<vmem>>) offsets(%dma_start3A_930 : memref<125xi32, #tpu.memory_space<vmem>>) semaphore(%dma_start3A_935 : memref<!tpu.dma_semaphore, #tpu.memory_space<semaphore_mem>>)
      %sub3A = arith.constant 1 : i32
      %sub3A_936 = arith.subi %scan3A_918, %sub3A : i32
      %dma_wait3A_937 = arith.constant 0 : i32
      %dma_wait3A_938 = arith.constant 0 : i32
      %dma_wait3A_939 = tpu.memref_slice %arg8[%rem3A_923, %dma_wait3A_937, %dma_wait3A_938] : memref<2x125x128xf32, #tpu.memory_space<vmem>> -> memref<1x125x128xf32, #tpu.memory_space<vmem>>
      %dma_wait3A_940 = tpu.memref_squeeze %dma_wait3A_939 : memref<1x125x128xf32, #tpu.memory_space<vmem>> -> memref<125x128xf32, #tpu.memory_space<vmem>>
      %dma_wait3A_941 = arith.constant 0 : i32
      %dma_wait3A_942 = tpu.memref_slice %arg6[%sub3A_936, %dma_wait3A_941] : memref<40x125xi32, #tpu.memory_space<vmem>> -> memref<1x125xi32, #tpu.memory_space<vmem>>
      %dma_wait3A_943 = tpu.memref_squeeze %dma_wait3A_942 : memref<1x125xi32, #tpu.memory_space<vmem>> -> memref<125xi32, #tpu.memory_space<vmem>>
      %dma_wait3A_944 = arith.constant 0 : i32
      %dma_wait3A_945 = arith.constant 0 : i32
      %dma_wait3A_946 = tpu.memref_slice %arg2[%dma_wait3A_944, %dma_wait3A_945] : memref<20224x128xf32, #tpu.memory_space<hbm>> -> memref<20224x128xf32, #tpu.memory_space<hbm>>
      %dma_wait3A_947 = tpu.memref_slice %arg11[%rem3A_923] : memref<2x!tpu.dma_semaphore, #tpu.memory_space<semaphore_mem>> -> memref<1x!tpu.dma_semaphore, #tpu.memory_space<semaphore_mem>>
      %dma_wait3A_948 = tpu.memref_squeeze %dma_wait3A_947 : memref<1x!tpu.dma_semaphore, #tpu.memory_space<semaphore_mem>> -> memref<!tpu.dma_semaphore, #tpu.memory_space<semaphore_mem>>
      tpu.wait_indirect_dma semaphore(%dma_wait3A_948 : memref<!tpu.dma_semaphore, #tpu.memory_space<semaphore_mem>>) src(%dma_wait3A_946 : memref<20224x128xf32, #tpu.memory_space<hbm>>) dst(%dma_wait3A_940 : memref<125x128xf32, #tpu.memory_space<vmem>>)
      %sub3A_949 = arith.constant 1 : i32
      %sub3A_950 = arith.subi %scan3A_918, %sub3A_949 : i32
      "tpu.region"() ({
        %run_scoped3A_951 = tpu.sem_alloc : memref<!tpu.dma_semaphore, #tpu.memory_space<semaphore_mem>>
        %dma_start3A_952 = arith.constant 0 : i32
        %dma_start3A_953 = arith.constant 0 : i32
        %dma_start3A_954 = tpu.memref_slice %arg8[%rem3A_923, %dma_start3A_952, %dma_start3A_953] : memref<2x125x128xf32, #tpu.memory_space<vmem>> -> memref<1x125x128xf32, #tpu.memory_space<vmem>>
        %dma_start3A_955 = tpu.memref_squeeze %dma_start3A_954 : memref<1x125x128xf32, #tpu.memory_space<vmem>> -> memref<125x128xf32, #tpu.memory_space<vmem>>
        %dma_start3A_956 = arith.constant 0 : i32
        %dma_start3A_957 = tpu.memref_slice %arg7[%sub3A_950, %dma_start3A_956] : memref<40x125xi32, #tpu.memory_space<vmem>> -> memref<1x125xi32, #tpu.memory_space<vmem>>
        %dma_start3A_958 = tpu.memref_squeeze %dma_start3A_957 : memref<1x125xi32, #tpu.memory_space<vmem>> -> memref<125xi32, #tpu.memory_space<vmem>>
        %dma_start3A_959 = arith.constant 0 : i32
        %dma_start3A_960 = arith.constant 0 : i32
        %dma_start3A_961 = tpu.memref_slice %arg10[%dma_start3A_959, %dma_start3A_960] : memref<10112x128xf32, #tpu.memory_space<vmem_shared>> -> memref<10112x128xf32, #tpu.memory_space<vmem_shared>>
        tpu.enqueue_indirect_dma source(%dma_start3A_955 : memref<125x128xf32, #tpu.memory_space<vmem>>) target(%dma_start3A_961 : memref<10112x128xf32, #tpu.memory_space<vmem_shared>>) offsets(%dma_start3A_958 : memref<125xi32, #tpu.memory_space<vmem>>) semaphore(%run_scoped3A_951 : memref<!tpu.dma_semaphore, #tpu.memory_space<semaphore_mem>>) {add = true}
        %dma_wait3A_962 = arith.constant 0 : i32
        %dma_wait3A_963 = arith.constant 0 : i32
        %dma_wait3A_964 = tpu.memref_slice %arg8[%rem3A_923, %dma_wait3A_962, %dma_wait3A_963] : memref<2x125x128xf32, #tpu.memory_space<vmem>> -> memref<1x125x128xf32, #tpu.memory_space<vmem>>
        %dma_wait3A_965 = tpu.memref_squeeze %dma_wait3A_964 : memref<1x125x128xf32, #tpu.memory_space<vmem>> -> memref<125x128xf32, #tpu.memory_space<vmem>>
        %dma_wait3A_966 = arith.constant 0 : i32
        %dma_wait3A_967 = tpu.memref_slice %arg7[%sub3A_950, %dma_wait3A_966] : memref<40x125xi32, #tpu.memory_space<vmem>> -> memref<1x125xi32, #tpu.memory_space<vmem>>
        %dma_wait3A_968 = tpu.memref_squeeze %dma_wait3A_967 : memref<1x125xi32, #tpu.memory_space<vmem>> -> memref<125xi32, #tpu.memory_space<vmem>>
        %dma_wait3A_969 = arith.constant 0 : i32
        %dma_wait3A_970 = arith.constant 0 : i32
        %dma_wait3A_971 = tpu.memref_slice %arg10[%dma_wait3A_969, %dma_wait3A_970] : memref<10112x128xf32, #tpu.memory_space<vmem_shared>> -> memref<10112x128xf32, #tpu.memory_space<vmem_shared>>
        tpu.wait_indirect_dma semaphore(%run_scoped3A_951 : memref<!tpu.dma_semaphore, #tpu.memory_space<semaphore_mem>>) src(%dma_wait3A_965 : memref<125x128xf32, #tpu.memory_space<vmem>>) dst(%dma_wait3A_971 : memref<10112x128xf32, #tpu.memory_space<vmem_shared>>)
        tpu.yield
      }) : () -> ()
    }
    %scan3A_844 = arith.constant 39 : i32
    %dma_wait3A_845 = arith.constant 39 : i32
    %dma_wait3A_846 = arith.constant 1 : i32
    %dma_wait3A_847 = arith.constant 1 : i32
    %dma_wait3A_848 = arith.constant 0 : i32
    %dma_wait3A_849 = arith.constant 0 : i32
    %dma_wait3A_850 = tpu.memref_slice %arg8[%dma_wait3A_846, %dma_wait3A_848, %dma_wait3A_849] : memref<2x125x128xf32, #tpu.memory_space<vmem>> -> memref<1x125x128xf32, #tpu.memory_space<vmem>>
    %dma_wait3A_851 = tpu.memref_squeeze %dma_wait3A_850 : memref<1x125x128xf32, #tpu.memory_space<vmem>> -> memref<125x128xf32, #tpu.memory_space<vmem>>
    %dma_wait3A_852 = arith.constant 0 : i32
    %dma_wait3A_853 = tpu.memref_slice %arg6[%dma_wait3A_845, %dma_wait3A_852] : memref<40x125xi32, #tpu.memory_space<vmem>> -> memref<1x125xi32, #tpu.memory_space<vmem>>
    %dma_wait3A_854 = tpu.memref_squeeze %dma_wait3A_853 : memref<1x125xi32, #tpu.memory_space<vmem>> -> memref<125xi32, #tpu.memory_space<vmem>>
    %dma_wait3A_855 = arith.constant 0 : i32
    %dma_wait3A_856 = arith.constant 0 : i32
    %dma_wait3A_857 = tpu.memref_slice %arg2[%dma_wait3A_855, %dma_wait3A_856] : memref<20224x128xf32, #tpu.memory_space<hbm>> -> memref<20224x128xf32, #tpu.memory_space<hbm>>
    %dma_wait3A_858 = tpu.memref_slice %arg11[%dma_wait3A_847] : memref<2x!tpu.dma_semaphore, #tpu.memory_space<semaphore_mem>> -> memref<1x!tpu.dma_semaphore, #tpu.memory_space<semaphore_mem>>
    %dma_wait3A_859 = tpu.memref_squeeze %dma_wait3A_858 : memref<1x!tpu.dma_semaphore, #tpu.memory_space<semaphore_mem>> -> memref<!tpu.dma_semaphore, #tpu.memory_space<semaphore_mem>>
    tpu.wait_indirect_dma semaphore(%dma_wait3A_859 : memref<!tpu.dma_semaphore, #tpu.memory_space<semaphore_mem>>) src(%dma_wait3A_857 : memref<20224x128xf32, #tpu.memory_space<hbm>>) dst(%dma_wait3A_851 : memref<125x128xf32, #tpu.memory_space<vmem>>)
    %run_scoped3A = arith.constant 1 : i32
    %run_scoped3A_860 = arith.constant 39 : i32
    "tpu.region"() ({
      %run_scoped3A_918 = tpu.sem_alloc : memref<!tpu.dma_semaphore, #tpu.memory_space<semaphore_mem>>
      %dma_start3A_919 = arith.constant 0 : i32
      %dma_start3A_920 = arith.constant 0 : i32
      %dma_start3A_921 = tpu.memref_slice %arg8[%run_scoped3A, %dma_start3A_919, %dma_start3A_920] : memref<2x125x128xf32, #tpu.memory_space<vmem>> -> memref<1x125x128xf32, #tpu.memory_space<vmem>>
      %dma_start3A_922 = tpu.memref_squeeze %dma_start3A_921 : memref<1x125x128xf32, #tpu.memory_space<vmem>> -> memref<125x128xf32, #tpu.memory_space<vmem>>
      %dma_start3A_923 = arith.constant 0 : i32
      %dma_start3A_924 = tpu.memref_slice %arg7[%run_scoped3A_860, %dma_start3A_923] : memref<40x125xi32, #tpu.memory_space<vmem>> -> memref<1x125xi32, #tpu.memory_space<vmem>>
      %dma_start3A_925 = tpu.memref_squeeze %dma_start3A_924 : memref<1x125xi32, #tpu.memory_space<vmem>> -> memref<125xi32, #tpu.memory_space<vmem>>
      %dma_start3A_926 = arith.constant 0 : i32
      %dma_start3A_927 = arith.constant 0 : i32
      %dma_start3A_928 = tpu.memref_slice %arg10[%dma_start3A_926, %dma_start3A_927] : memref<10112x128xf32, #tpu.memory_space<vmem_shared>> -> memref<10112x128xf32, #tpu.memory_space<vmem_shared>>
      tpu.enqueue_indirect_dma source(%dma_start3A_922 : memref<125x128xf32, #tpu.memory_space<vmem>>) target(%dma_start3A_928 : memref<10112x128xf32, #tpu.memory_space<vmem_shared>>) offsets(%dma_start3A_925 : memref<125xi32, #tpu.memory_space<vmem>>) semaphore(%run_scoped3A_918 : memref<!tpu.dma_semaphore, #tpu.memory_space<semaphore_mem>>) {add = true}
      %dma_wait3A_929 = arith.constant 0 : i32
      %dma_wait3A_930 = arith.constant 0 : i32
      %dma_wait3A_931 = tpu.memref_slice %arg8[%run_scoped3A, %dma_wait3A_929, %dma_wait3A_930] : memref<2x125x128xf32, #tpu.memory_space<vmem>> -> memref<1x125x128xf32, #tpu.memory_space<vmem>>
      %dma_wait3A_932 = tpu.memref_squeeze %dma_wait3A_931 : memref<1x125x128xf32, #tpu.memory_space<vmem>> -> memref<125x128xf32, #tpu.memory_space<vmem>>
      %dma_wait3A_933 = arith.constant 0 : i32
      %dma_wait3A_934 = tpu.memref_slice %arg7[%run_scoped3A_860, %dma_wait3A_933] : memref<40x125xi32, #tpu.memory_space<vmem>> -> memref<1x125xi32, #tpu.memory_space<vmem>>
      %dma_wait3A_935 = tpu.memref_squeeze %dma_wait3A_934 : memref<1x125xi32, #tpu.memory_space<vmem>> -> memref<125xi32, #tpu.memory_space<vmem>>
      %dma_wait3A_936 = arith.constant 0 : i32
      %dma_wait3A_937 = arith.constant 0 : i32
      %dma_wait3A_938 = tpu.memref_slice %arg10[%dma_wait3A_936, %dma_wait3A_937] : memref<10112x128xf32, #tpu.memory_space<vmem_shared>> -> memref<10112x128xf32, #tpu.memory_space<vmem_shared>>
      tpu.wait_indirect_dma semaphore(%run_scoped3A_918 : memref<!tpu.dma_semaphore, #tpu.memory_space<semaphore_mem>>) src(%dma_wait3A_932 : memref<125x128xf32, #tpu.memory_space<vmem>>) dst(%dma_wait3A_938 : memref<10112x128xf32, #tpu.memory_space<vmem_shared>>)
      tpu.yield
    }) : () -> ()
    %mul3A_861 = arith.constant 16 : i32
    %mul3A_862 = arith.muli %arg0, %mul3A_861 : i32
    %add3A_863 = arith.addi %mul3A_862, %arg1 : i32
    %mul3A_864 = arith.constant 2 : i32
    %mul3A_865 = arith.muli %add3A_863, %mul3A_864 : i32
    %add3A_866 = arith.constant 1 : i32
    %add3A_867 = arith.addi %mul3A_865, %add3A_866 : i32
    "tpu.region"() ({
      %run_scoped3A_918 = tpu.sem_alloc : memref<!tpu.dma_semaphore, #tpu.memory_space<semaphore_mem>>
      %dma_start3A_919 = arith.constant 0 : i32
      %dma_start3A_920 = arith.constant 0 : i32
      %dma_start3A_921 = tpu.memref_slice %arg3[%add3A_867, %dma_start3A_919, %dma_start3A_920] : memref<64x40x125xi32, #tpu.memory_space<hbm>> -> memref<1x40x125xi32, #tpu.memory_space<hbm>>
      %dma_start3A_922 = tpu.memref_squeeze %dma_start3A_921 : memref<1x40x125xi32, #tpu.memory_space<hbm>> -> memref<40x125xi32, #tpu.memory_space<hbm>>
      %dma_start3A_923 = arith.constant 0 : i32
      %dma_start3A_924 = arith.constant 0 : i32
      %dma_start3A_925 = tpu.memref_slice %arg3[%add3A_867, %dma_start3A_923, %dma_start3A_924] : memref<64x40x125xi32, #tpu.memory_space<hbm>> -> memref<1x40x125xi32, #tpu.memory_space<hbm>>
      %dma_start3A_926 = tpu.memref_squeeze %dma_start3A_925 : memref<1x40x125xi32, #tpu.memory_space<hbm>> -> memref<40x125xi32, #tpu.memory_space<hbm>>
      tpu.enqueue_dma source(%dma_start3A_926 : memref<40x125xi32, #tpu.memory_space<hbm>>) target(%arg6 : memref<40x125xi32, #tpu.memory_space<vmem>>) target_semaphore(%run_scoped3A_918 : memref<!tpu.dma_semaphore, #tpu.memory_space<semaphore_mem>>)
      %dma_wait3A_927 = arith.constant 0 : i32
      %dma_wait3A_928 = arith.constant 0 : i32
      %dma_wait3A_929 = tpu.memref_slice %arg3[%add3A_867, %dma_wait3A_927, %dma_wait3A_928] : memref<64x40x125xi32, #tpu.memory_space<hbm>> -> memref<1x40x125xi32, #tpu.memory_space<hbm>>
      %dma_wait3A_930 = tpu.memref_squeeze %dma_wait3A_929 : memref<1x40x125xi32, #tpu.memory_space<hbm>> -> memref<40x125xi32, #tpu.memory_space<hbm>>
      %dma_wait3A_931 = arith.constant 0 : i32
      %dma_wait3A_932 = arith.constant 0 : i32
      %dma_wait3A_933 = tpu.memref_slice %arg3[%add3A_867, %dma_wait3A_931, %dma_wait3A_932] : memref<64x40x125xi32, #tpu.memory_space<hbm>> -> memref<1x40x125xi32, #tpu.memory_space<hbm>>
      %dma_wait3A_934 = tpu.memref_squeeze %dma_wait3A_933 : memref<1x40x125xi32, #tpu.memory_space<hbm>> -> memref<40x125xi32, #tpu.memory_space<hbm>>
      tpu.wait_dma2 semaphore(%run_scoped3A_918 : memref<!tpu.dma_semaphore, #tpu.memory_space<semaphore_mem>>) src(%dma_wait3A_934 : memref<40x125xi32, #tpu.memory_space<hbm>>) dst(%arg6 : memref<40x125xi32, #tpu.memory_space<vmem>>)
      tpu.yield
    }) : () -> ()
    %mul3A_868 = arith.constant 2 : i32
    %mul3A_869 = arith.muli %arg1, %mul3A_868 : i32
    %add3A_870 = arith.constant 1 : i32
    %add3A_871 = arith.addi %mul3A_869, %add3A_870 : i32
    "tpu.region"() ({
      %run_scoped3A_918 = tpu.sem_alloc : memref<!tpu.dma_semaphore, #tpu.memory_space<semaphore_mem>>
      %dma_start3A_919 = arith.constant 0 : i32
      %dma_start3A_920 = arith.constant 0 : i32
      %dma_start3A_921 = tpu.memref_slice %arg4[%add3A_871, %dma_start3A_919, %dma_start3A_920] : memref<32x40x125xi32, #tpu.memory_space<hbm>> -> memref<1x40x125xi32, #tpu.memory_space<hbm>>
      %dma_start3A_922 = tpu.memref_squeeze %dma_start3A_921 : memref<1x40x125xi32, #tpu.memory_space<hbm>> -> memref<40x125xi32, #tpu.memory_space<hbm>>
      %dma_start3A_923 = arith.constant 0 : i32
      %dma_start3A_924 = arith.constant 0 : i32
      %dma_start3A_925 = tpu.memref_slice %arg4[%add3A_871, %dma_start3A_923, %dma_start3A_924] : memref<32x40x125xi32, #tpu.memory_space<hbm>> -> memref<1x40x125xi32, #tpu.memory_space<hbm>>
      %dma_start3A_926 = tpu.memref_squeeze %dma_start3A_925 : memref<1x40x125xi32, #tpu.memory_space<hbm>> -> memref<40x125xi32, #tpu.memory_space<hbm>>
      tpu.enqueue_dma source(%dma_start3A_926 : memref<40x125xi32, #tpu.memory_space<hbm>>) target(%arg7 : memref<40x125xi32, #tpu.memory_space<vmem>>) target_semaphore(%run_scoped3A_918 : memref<!tpu.dma_semaphore, #tpu.memory_space<semaphore_mem>>)
      %dma_wait3A_927 = arith.constant 0 : i32
      %dma_wait3A_928 = arith.constant 0 : i32
      %dma_wait3A_929 = tpu.memref_slice %arg4[%add3A_871, %dma_wait3A_927, %dma_wait3A_928] : memref<32x40x125xi32, #tpu.memory_space<hbm>> -> memref<1x40x125xi32, #tpu.memory_space<hbm>>
      %dma_wait3A_930 = tpu.memref_squeeze %dma_wait3A_929 : memref<1x40x125xi32, #tpu.memory_space<hbm>> -> memref<40x125xi32, #tpu.memory_space<hbm>>
      %dma_wait3A_931 = arith.constant 0 : i32
      %dma_wait3A_932 = arith.constant 0 : i32
      %dma_wait3A_933 = tpu.memref_slice %arg4[%add3A_871, %dma_wait3A_931, %dma_wait3A_932] : memref<32x40x125xi32, #tpu.memory_space<hbm>> -> memref<1x40x125xi32, #tpu.memory_space<hbm>>
      %dma_wait3A_934 = tpu.memref_squeeze %dma_wait3A_933 : memref<1x40x125xi32, #tpu.memory_space<hbm>> -> memref<40x125xi32, #tpu.memory_space<hbm>>
      tpu.wait_dma2 semaphore(%run_scoped3A_918 : memref<!tpu.dma_semaphore, #tpu.memory_space<semaphore_mem>>) src(%dma_wait3A_934 : memref<40x125xi32, #tpu.memory_space<hbm>>) dst(%arg7 : memref<40x125xi32, #tpu.memory_space<vmem>>)
      tpu.yield
    }) : () -> ()
    %dma_start3A_872 = arith.constant 0 : i32
    %dma_start3A_873 = arith.constant 0 : i32
    %dma_start3A_874 = arith.constant 0 : i32
    %dma_start3A_875 = arith.constant 0 : i32
    %dma_start3A_876 = arith.constant 0 : i32
    %dma_start3A_877 = tpu.memref_slice %arg8[%dma_start3A_873, %dma_start3A_875, %dma_start3A_876] : memref<2x125x128xf32, #tpu.memory_space<vmem>> -> memref<1x125x128xf32, #tpu.memory_space<vmem>>
    %dma_start3A_878 = tpu.memref_squeeze %dma_start3A_877 : memref<1x125x128xf32, #tpu.memory_space<vmem>> -> memref<125x128xf32, #tpu.memory_space<vmem>>
    %dma_start3A_879 = arith.constant 0 : i32
    %dma_start3A_880 = tpu.memref_slice %arg6[%dma_start3A_872, %dma_start3A_879] : memref<40x125xi32, #tpu.memory_space<vmem>> -> memref<1x125xi32, #tpu.memory_space<vmem>>
    %dma_start3A_881 = tpu.memref_squeeze %dma_start3A_880 : memref<1x125xi32, #tpu.memory_space<vmem>> -> memref<125xi32, #tpu.memory_space<vmem>>
    %dma_start3A_882 = arith.constant 0 : i32
    %dma_start3A_883 = arith.constant 0 : i32
    %dma_start3A_884 = tpu.memref_slice %arg2[%dma_start3A_882, %dma_start3A_883] : memref<20224x128xf32, #tpu.memory_space<hbm>> -> memref<20224x128xf32, #tpu.memory_space<hbm>>
    %dma_start3A_885 = tpu.memref_slice %arg11[%dma_start3A_874] : memref<2x!tpu.dma_semaphore, #tpu.memory_space<semaphore_mem>> -> memref<1x!tpu.dma_semaphore, #tpu.memory_space<semaphore_mem>>
    %dma_start3A_886 = tpu.memref_squeeze %dma_start3A_885 : memref<1x!tpu.dma_semaphore, #tpu.memory_space<semaphore_mem>> -> memref<!tpu.dma_semaphore, #tpu.memory_space<semaphore_mem>>
    tpu.enqueue_indirect_dma source(%dma_start3A_884 : memref<20224x128xf32, #tpu.memory_space<hbm>>) target(%dma_start3A_878 : memref<125x128xf32, #tpu.memory_space<vmem>>) offsets(%dma_start3A_881 : memref<125xi32, #tpu.memory_space<vmem>>) semaphore(%dma_start3A_886 : memref<!tpu.dma_semaphore, #tpu.memory_space<semaphore_mem>>)
    %scan3A_887 = arith.constant 0 : i32
    %scan3A_888 = arith.constant 1 : i32
    %scan3A_889 = arith.constant 39 : i32
    %scan3A_890 = arith.addi %scan3A_888, %scan3A_889 : i32
    %scan3A_891 = arith.constant 1 : i32
    scf.for %scan3A_918 = %scan3A_888 to %scan3A_890 step %scan3A_891  : i32 {
      %rem3A = arith.constant 2 : i32
      %rem3A_919 = arith.remsi %scan3A_918, %rem3A : i32
      %add3A_920 = arith.constant 1 : i32
      %add3A_921 = arith.addi %scan3A_918, %add3A_920 : i32
      %rem3A_922 = arith.constant 2 : i32
      %rem3A_923 = arith.remsi %add3A_921, %rem3A_922 : i32
      %dma_start3A_924 = arith.constant 0 : i32
      %dma_start3A_925 = arith.constant 0 : i32
      %dma_start3A_926 = tpu.memref_slice %arg8[%rem3A_919, %dma_start3A_924, %dma_start3A_925] : memref<2x125x128xf32, #tpu.memory_space<vmem>> -> memref<1x125x128xf32, #tpu.memory_space<vmem>>
      %dma_start3A_927 = tpu.memref_squeeze %dma_start3A_926 : memref<1x125x128xf32, #tpu.memory_space<vmem>> -> memref<125x128xf32, #tpu.memory_space<vmem>>
      %dma_start3A_928 = arith.constant 0 : i32
      %dma_start3A_929 = tpu.memref_slice %arg6[%scan3A_918, %dma_start3A_928] : memref<40x125xi32, #tpu.memory_space<vmem>> -> memref<1x125xi32, #tpu.memory_space<vmem>>
      %dma_start3A_930 = tpu.memref_squeeze %dma_start3A_929 : memref<1x125xi32, #tpu.memory_space<vmem>> -> memref<125xi32, #tpu.memory_space<vmem>>
      %dma_start3A_931 = arith.constant 0 : i32
      %dma_start3A_932 = arith.constant 0 : i32
      %dma_start3A_933 = tpu.memref_slice %arg2[%dma_start3A_931, %dma_start3A_932] : memref<20224x128xf32, #tpu.memory_space<hbm>> -> memref<20224x128xf32, #tpu.memory_space<hbm>>
      %dma_start3A_934 = tpu.memref_slice %arg11[%rem3A_919] : memref<2x!tpu.dma_semaphore, #tpu.memory_space<semaphore_mem>> -> memref<1x!tpu.dma_semaphore, #tpu.memory_space<semaphore_mem>>
      %dma_start3A_935 = tpu.memref_squeeze %dma_start3A_934 : memref<1x!tpu.dma_semaphore, #tpu.memory_space<semaphore_mem>> -> memref<!tpu.dma_semaphore, #tpu.memory_space<semaphore_mem>>
      tpu.enqueue_indirect_dma source(%dma_start3A_933 : memref<20224x128xf32, #tpu.memory_space<hbm>>) target(%dma_start3A_927 : memref<125x128xf32, #tpu.memory_space<vmem>>) offsets(%dma_start3A_930 : memref<125xi32, #tpu.memory_space<vmem>>) semaphore(%dma_start3A_935 : memref<!tpu.dma_semaphore, #tpu.memory_space<semaphore_mem>>)
      %sub3A = arith.constant 1 : i32
      %sub3A_936 = arith.subi %scan3A_918, %sub3A : i32
      %dma_wait3A_937 = arith.constant 0 : i32
      %dma_wait3A_938 = arith.constant 0 : i32
      %dma_wait3A_939 = tpu.memref_slice %arg8[%rem3A_923, %dma_wait3A_937, %dma_wait3A_938] : memref<2x125x128xf32, #tpu.memory_space<vmem>> -> memref<1x125x128xf32, #tpu.memory_space<vmem>>
      %dma_wait3A_940 = tpu.memref_squeeze %dma_wait3A_939 : memref<1x125x128xf32, #tpu.memory_space<vmem>> -> memref<125x128xf32, #tpu.memory_space<vmem>>
      %dma_wait3A_941 = arith.constant 0 : i32
      %dma_wait3A_942 = tpu.memref_slice %arg6[%sub3A_936, %dma_wait3A_941] : memref<40x125xi32, #tpu.memory_space<vmem>> -> memref<1x125xi32, #tpu.memory_space<vmem>>
      %dma_wait3A_943 = tpu.memref_squeeze %dma_wait3A_942 : memref<1x125xi32, #tpu.memory_space<vmem>> -> memref<125xi32, #tpu.memory_space<vmem>>
      %dma_wait3A_944 = arith.constant 0 : i32
      %dma_wait3A_945 = arith.constant 0 : i32
      %dma_wait3A_946 = tpu.memref_slice %arg2[%dma_wait3A_944, %dma_wait3A_945] : memref<20224x128xf32, #tpu.memory_space<hbm>> -> memref<20224x128xf32, #tpu.memory_space<hbm>>
      %dma_wait3A_947 = tpu.memref_slice %arg11[%rem3A_923] : memref<2x!tpu.dma_semaphore, #tpu.memory_space<semaphore_mem>> -> memref<1x!tpu.dma_semaphore, #tpu.memory_space<semaphore_mem>>
      %dma_wait3A_948 = tpu.memref_squeeze %dma_wait3A_947 : memref<1x!tpu.dma_semaphore, #tpu.memory_space<semaphore_mem>> -> memref<!tpu.dma_semaphore, #tpu.memory_space<semaphore_mem>>
      tpu.wait_indirect_dma semaphore(%dma_wait3A_948 : memref<!tpu.dma_semaphore, #tpu.memory_space<semaphore_mem>>) src(%dma_wait3A_946 : memref<20224x128xf32, #tpu.memory_space<hbm>>) dst(%dma_wait3A_940 : memref<125x128xf32, #tpu.memory_space<vmem>>)
      %sub3A_949 = arith.constant 1 : i32
      %sub3A_950 = arith.subi %scan3A_918, %sub3A_949 : i32
      "tpu.region"() ({
        %run_scoped3A_951 = tpu.sem_alloc : memref<!tpu.dma_semaphore, #tpu.memory_space<semaphore_mem>>
        %dma_start3A_952 = arith.constant 0 : i32
        %dma_start3A_953 = arith.constant 0 : i32
        %dma_start3A_954 = tpu.memref_slice %arg8[%rem3A_923, %dma_start3A_952, %dma_start3A_953] : memref<2x125x128xf32, #tpu.memory_space<vmem>> -> memref<1x125x128xf32, #tpu.memory_space<vmem>>
        %dma_start3A_955 = tpu.memref_squeeze %dma_start3A_954 : memref<1x125x128xf32, #tpu.memory_space<vmem>> -> memref<125x128xf32, #tpu.memory_space<vmem>>
        %dma_start3A_956 = arith.constant 0 : i32
        %dma_start3A_957 = tpu.memref_slice %arg7[%sub3A_950, %dma_start3A_956] : memref<40x125xi32, #tpu.memory_space<vmem>> -> memref<1x125xi32, #tpu.memory_space<vmem>>
        %dma_start3A_958 = tpu.memref_squeeze %dma_start3A_957 : memref<1x125xi32, #tpu.memory_space<vmem>> -> memref<125xi32, #tpu.memory_space<vmem>>
        %dma_start3A_959 = arith.constant 0 : i32
        %dma_start3A_960 = arith.constant 0 : i32
        %dma_start3A_961 = tpu.memref_slice %arg10[%dma_start3A_959, %dma_start3A_960] : memref<10112x128xf32, #tpu.memory_space<vmem_shared>> -> memref<10112x128xf32, #tpu.memory_space<vmem_shared>>
        tpu.enqueue_indirect_dma source(%dma_start3A_955 : memref<125x128xf32, #tpu.memory_space<vmem>>) target(%dma_start3A_961 : memref<10112x128xf32, #tpu.memory_space<vmem_shared>>) offsets(%dma_start3A_958 : memref<125xi32, #tpu.memory_space<vmem>>) semaphore(%run_scoped3A_951 : memref<!tpu.dma_semaphore, #tpu.memory_space<semaphore_mem>>) {add = true}
        %dma_wait3A_962 = arith.constant 0 : i32
        %dma_wait3A_963 = arith.constant 0 : i32
        %dma_wait3A_964 = tpu.memref_slice %arg8[%rem3A_923, %dma_wait3A_962, %dma_wait3A_963] : memref<2x125x128xf32, #tpu.memory_space<vmem>> -> memref<1x125x128xf32, #tpu.memory_space<vmem>>
        %dma_wait3A_965 = tpu.memref_squeeze %dma_wait3A_964 : memref<1x125x128xf32, #tpu.memory_space<vmem>> -> memref<125x128xf32, #tpu.memory_space<vmem>>
        %dma_wait3A_966 = arith.constant 0 : i32
        %dma_wait3A_967 = tpu.memref_slice %arg7[%sub3A_950, %dma_wait3A_966] : memref<40x125xi32, #tpu.memory_space<vmem>> -> memref<1x125xi32, #tpu.memory_space<vmem>>
        %dma_wait3A_968 = tpu.memref_squeeze %dma_wait3A_967 : memref<1x125xi32, #tpu.memory_space<vmem>> -> memref<125xi32, #tpu.memory_space<vmem>>
        %dma_wait3A_969 = arith.constant 0 : i32
        %dma_wait3A_970 = arith.constant 0 : i32
        %dma_wait3A_971 = tpu.memref_slice %arg10[%dma_wait3A_969, %dma_wait3A_970] : memref<10112x128xf32, #tpu.memory_space<vmem_shared>> -> memref<10112x128xf32, #tpu.memory_space<vmem_shared>>
        tpu.wait_indirect_dma semaphore(%run_scoped3A_951 : memref<!tpu.dma_semaphore, #tpu.memory_space<semaphore_mem>>) src(%dma_wait3A_965 : memref<125x128xf32, #tpu.memory_space<vmem>>) dst(%dma_wait3A_971 : memref<10112x128xf32, #tpu.memory_space<vmem_shared>>)
        tpu.yield
      }) : () -> ()
    }
    %scan3A_892 = arith.constant 39 : i32
    %dma_wait3A_893 = arith.constant 39 : i32
    %dma_wait3A_894 = arith.constant 1 : i32
    %dma_wait3A_895 = arith.constant 1 : i32
    %dma_wait3A_896 = arith.constant 0 : i32
    %dma_wait3A_897 = arith.constant 0 : i32
    %dma_wait3A_898 = tpu.memref_slice %arg8[%dma_wait3A_894, %dma_wait3A_896, %dma_wait3A_897] : memref<2x125x128xf32, #tpu.memory_space<vmem>> -> memref<1x125x128xf32, #tpu.memory_space<vmem>>
    %dma_wait3A_899 = tpu.memref_squeeze %dma_wait3A_898 : memref<1x125x128xf32, #tpu.memory_space<vmem>> -> memref<125x128xf32, #tpu.memory_space<vmem>>
    %dma_wait3A_900 = arith.constant 0 : i32
    %dma_wait3A_901 = tpu.memref_slice %arg6[%dma_wait3A_893, %dma_wait3A_900] : memref<40x125xi32, #tpu.memory_space<vmem>> -> memref<1x125xi32, #tpu.memory_space<vmem>>
    %dma_wait3A_902 = tpu.memref_squeeze %dma_wait3A_901 : memref<1x125xi32, #tpu.memory_space<vmem>> -> memref<125xi32, #tpu.memory_space<vmem>>
    %dma_wait3A_903 = arith.constant 0 : i32
    %dma_wait3A_904 = arith.constant 0 : i32
    %dma_wait3A_905 = tpu.memref_slice %arg2[%dma_wait3A_903, %dma_wait3A_904] : memref<20224x128xf32, #tpu.memory_space<hbm>> -> memref<20224x128xf32, #tpu.memory_space<hbm>>
    %dma_wait3A_906 = tpu.memref_slice %arg11[%dma_wait3A_895] : memref<2x!tpu.dma_semaphore, #tpu.memory_space<semaphore_mem>> -> memref<1x!tpu.dma_semaphore, #tpu.memory_space<semaphore_mem>>
    %dma_wait3A_907 = tpu.memref_squeeze %dma_wait3A_906 : memref<1x!tpu.dma_semaphore, #tpu.memory_space<semaphore_mem>> -> memref<!tpu.dma_semaphore, #tpu.memory_space<semaphore_mem>>
    tpu.wait_indirect_dma semaphore(%dma_wait3A_907 : memref<!tpu.dma_semaphore, #tpu.memory_space<semaphore_mem>>) src(%dma_wait3A_905 : memref<20224x128xf32, #tpu.memory_space<hbm>>) dst(%dma_wait3A_899 : memref<125x128xf32, #tpu.memory_space<vmem>>)
    %run_scoped3A_908 = arith.constant 1 : i32
    %run_scoped3A_909 = arith.constant 39 : i32
    "tpu.region"() ({
      %run_scoped3A_918 = tpu.sem_alloc : memref<!tpu.dma_semaphore, #tpu.memory_space<semaphore_mem>>
      %dma_start3A_919 = arith.constant 0 : i32
      %dma_start3A_920 = arith.constant 0 : i32
      %dma_start3A_921 = tpu.memref_slice %arg8[%run_scoped3A_908, %dma_start3A_919, %dma_start3A_920] : memref<2x125x128xf32, #tpu.memory_space<vmem>> -> memref<1x125x128xf32, #tpu.memory_space<vmem>>
      %dma_start3A_922 = tpu.memref_squeeze %dma_start3A_921 : memref<1x125x128xf32, #tpu.memory_space<vmem>> -> memref<125x128xf32, #tpu.memory_space<vmem>>
      %dma_start3A_923 = arith.constant 0 : i32
      %dma_start3A_924 = tpu.memref_slice %arg7[%run_scoped3A_909, %dma_start3A_923] : memref<40x125xi32, #tpu.memory_space<vmem>> -> memref<1x125xi32, #tpu.memory_space<vmem>>
      %dma_start3A_925 = tpu.memref_squeeze %dma_start3A_924 : memref<1x125xi32, #tpu.memory_space<vmem>> -> memref<125xi32, #tpu.memory_space<vmem>>
      %dma_start3A_926 = arith.constant 0 : i32
      %dma_start3A_927 = arith.constant 0 : i32
      %dma_start3A_928 = tpu.memref_slice %arg10[%dma_start3A_926, %dma_start3A_927] : memref<10112x128xf32, #tpu.memory_space<vmem_shared>> -> memref<10112x128xf32, #tpu.memory_space<vmem_shared>>
      tpu.enqueue_indirect_dma source(%dma_start3A_922 : memref<125x128xf32, #tpu.memory_space<vmem>>) target(%dma_start3A_928 : memref<10112x128xf32, #tpu.memory_space<vmem_shared>>) offsets(%dma_start3A_925 : memref<125xi32, #tpu.memory_space<vmem>>) semaphore(%run_scoped3A_918 : memref<!tpu.dma_semaphore, #tpu.memory_space<semaphore_mem>>) {add = true}
      %dma_wait3A_929 = arith.constant 0 : i32
      %dma_wait3A_930 = arith.constant 0 : i32
      %dma_wait3A_931 = tpu.memref_slice %arg8[%run_scoped3A_908, %dma_wait3A_929, %dma_wait3A_930] : memref<2x125x128xf32, #tpu.memory_space<vmem>> -> memref<1x125x128xf32, #tpu.memory_space<vmem>>
      %dma_wait3A_932 = tpu.memref_squeeze %dma_wait3A_931 : memref<1x125x128xf32, #tpu.memory_space<vmem>> -> memref<125x128xf32, #tpu.memory_space<vmem>>
      %dma_wait3A_933 = arith.constant 0 : i32
      %dma_wait3A_934 = tpu.memref_slice %arg7[%run_scoped3A_909, %dma_wait3A_933] : memref<40x125xi32, #tpu.memory_space<vmem>> -> memref<1x125xi32, #tpu.memory_space<vmem>>
      %dma_wait3A_935 = tpu.memref_squeeze %dma_wait3A_934 : memref<1x125xi32, #tpu.memory_space<vmem>> -> memref<125xi32, #tpu.memory_space<vmem>>
      %dma_wait3A_936 = arith.constant 0 : i32
      %dma_wait3A_937 = arith.constant 0 : i32
      %dma_wait3A_938 = tpu.memref_slice %arg10[%dma_wait3A_936, %dma_wait3A_937] : memref<10112x128xf32, #tpu.memory_space<vmem_shared>> -> memref<10112x128xf32, #tpu.memory_space<vmem_shared>>
      tpu.wait_indirect_dma semaphore(%run_scoped3A_918 : memref<!tpu.dma_semaphore, #tpu.memory_space<semaphore_mem>>) src(%dma_wait3A_932 : memref<125x128xf32, #tpu.memory_space<vmem>>) dst(%dma_wait3A_938 : memref<10112x128xf32, #tpu.memory_space<vmem_shared>>)
      tpu.yield
    }) : () -> ()
    %barrier3A_910 = arith.constant 0 : index
    tpu.barrier barrier_id(%barrier3A_910)
    %mul3A_911 = arith.constant 632 : i32
    %mul3A_912 = arith.muli %arg1, %mul3A_911 : i32
    %mul3A_913 = arith.constant 10112 : i32
    %mul3A_914 = arith.muli %arg0, %mul3A_913 : i32
    %mul3A_915 = arith.constant 632 : i32
    %mul3A_916 = arith.muli %arg1, %mul3A_915 : i32
    %add3A_917 = arith.addi %mul3A_914, %mul3A_916 : i32
    "tpu.region"() ({
      %run_scoped3A_918 = tpu.sem_alloc : memref<!tpu.dma_semaphore, #tpu.memory_space<semaphore_mem>>
      %dma_start3A_919 = arith.constant 0 : i32
      %dma_start3A_920 = tpu.memref_slice %arg5[%add3A_917, %dma_start3A_919] : memref<20224x128xf32, #tpu.memory_space<hbm>> -> memref<632x128xf32, #tpu.memory_space<hbm>>
      %dma_start3A_921 = arith.constant 0 : i32
      %dma_start3A_922 = tpu.memref_slice %arg10[%mul3A_912, %dma_start3A_921] : memref<10112x128xf32, #tpu.memory_space<vmem_shared>> -> memref<632x128xf32, #tpu.memory_space<vmem_shared>>
      tpu.enqueue_dma source(%dma_start3A_922 : memref<632x128xf32, #tpu.memory_space<vmem_shared>>) target(%dma_start3A_920 : memref<632x128xf32, #tpu.memory_space<hbm>>) target_semaphore(%run_scoped3A_918 : memref<!tpu.dma_semaphore, #tpu.memory_space<semaphore_mem>>)
      %dma_wait3A_923 = arith.constant 0 : i32
      %dma_wait3A_924 = tpu.memref_slice %arg5[%add3A_917, %dma_wait3A_923] : memref<20224x128xf32, #tpu.memory_space<hbm>> -> memref<632x128xf32, #tpu.memory_space<hbm>>
      %dma_wait3A_925 = arith.constant 0 : i32
      %dma_wait3A_926 = tpu.memref_slice %arg10[%mul3A_912, %dma_wait3A_925] : memref<10112x128xf32, #tpu.memory_space<vmem_shared>> -> memref<632x128xf32, #tpu.memory_space<vmem_shared>>
      tpu.wait_dma2 semaphore(%run_scoped3A_918 : memref<!tpu.dma_semaphore, #tpu.memory_space<semaphore_mem>>) src(%dma_wait3A_926 : memref<632x128xf32, #tpu.memory_space<vmem_shared>>) dst(%dma_wait3A_924 : memref<632x128xf32, #tpu.memory_space<hbm>>)
      tpu.yield
    }) : () -> ()
    return
  }
}

#map = affine_map<(d0, d1) -> (0, 0)>
#map1 = affine_map<(d0, d1) -> (0, 0, 0)>
module attributes {stable_mosaic.version = 14 : i64} {
  func.func @_sc_spmm(%arg0: i32, %arg1: i32, %arg2: memref<20224x128xf32, #tpu.memory_space<hbm>>, %arg3: memref<64x40x125xi32, #tpu.memory_space<hbm>>, %arg4: memref<32x40x125xi32, #tpu.memory_space<hbm>>, %arg5: memref<20224x128xf32, #tpu.memory_space<hbm>>, %arg6: memref<40x125xi32, #tpu.memory_space<vmem>>, %arg7: memref<40x125xi32, #tpu.memory_space<vmem>>, %arg8: memref<2x125x128xf32, #tpu.memory_space<vmem>>, %arg9: memref<24x128xf32, #tpu.memory_space<vmem>>, %arg10: memref<10112x128xf32, #tpu.memory_space<vmem_shared>>, %arg11: memref<2x!tpu.dma_semaphore, #tpu.memory_space<semaphore_mem>>, %arg12: memref<!tpu.dma_semaphore, #tpu.memory_space<semaphore_mem>>) attributes {dimension_semantics = [#tpu.dimension_semantics<core_parallel>, #tpu.dimension_semantics<subcore_parallel>], iteration_bounds = array<i64: 2, 16>, scalar_prefetch = 0 : i64, scratch_operands = 7 : i64, tpu.core_type = #tpu.core_type<sc_vector_subcore>, window_params = [{transform_indices = #map}, {transform_indices = #map1}, {transform_indices = #map1}, {transform_indices = #map}]} {
    %broadcast_in_dim3A = arith.constant 0.000000e+00 : f32
    %broadcast_in_dim3A_0 = vector.broadcast %broadcast_in_dim3A : f32 to vector<16xf32>
    %swap3A = arith.constant 0 : i32
    %swap3A_1 = arith.index_cast %swap3A : i32 to index
    %swap3A_2 = arith.constant 0 : index
    %swap3A_3 = tpu.vector_load %arg9[%swap3A_1, %swap3A_2] {strides = array<i32>} : memref<24x128xf32, #tpu.memory_space<vmem>>, vector<16xf32>,
    tpu.vector_store %arg9[%swap3A_1, %swap3A_2], %broadcast_in_dim3A_0 {strides = array<i32>} : memref<24x128xf32, #tpu.memory_space<vmem>>, vector<16xf32>,
    %swap3A_4 = arith.constant 0 : i32
    %swap3A_5 = arith.index_cast %swap3A_4 : i32 to index
    %swap3A_6 = arith.constant 16 : index
    %swap3A_7 = tpu.vector_load %arg9[%swap3A_5, %swap3A_6] {strides = array<i32>} : memref<24x128xf32, #tpu.memory_space<vmem>>, vector<16xf32>,
    tpu.vector_store %arg9[%swap3A_5, %swap3A_6], %broadcast_in_dim3A_0 {strides = array<i32>} : memref<24x128xf32, #tpu.memory_space<vmem>>, vector<16xf32>,
    %swap3A_8 = arith.constant 0 : i32
    %swap3A_9 = arith.index_cast %swap3A_8 : i32 to index
    %swap3A_10 = arith.constant 32 : index
    %swap3A_11 = tpu.vector_load %arg9[%swap3A_9, %swap3A_10] {strides = array<i32>} : memref<24x128xf32, #tpu.memory_space<vmem>>, vector<16xf32>,
    tpu.vector_store %arg9[%swap3A_9, %swap3A_10], %broadcast_in_dim3A_0 {strides = array<i32>} : memref<24x128xf32, #tpu.memory_space<vmem>>, vector<16xf32>,
    %swap3A_12 = arith.constant 0 : i32
    %swap3A_13 = arith.index_cast %swap3A_12 : i32 to index
    %swap3A_14 = arith.constant 48 : index
    %swap3A_15 = tpu.vector_load %arg9[%swap3A_13, %swap3A_14] {strides = array<i32>} : memref<24x128xf32, #tpu.memory_space<vmem>>, vector<16xf32>,
    tpu.vector_store %arg9[%swap3A_13, %swap3A_14], %broadcast_in_dim3A_0 {strides = array<i32>} : memref<24x128xf32, #tpu.memory_space<vmem>>, vector<16xf32>,
    %swap3A_16 = arith.constant 0 : i32
    %swap3A_17 = arith.index_cast %swap3A_16 : i32 to index
    %swap3A_18 = arith.constant 64 : index
    %swap3A_19 = tpu.vector_load %arg9[%swap3A_17, %swap3A_18] {strides = array<i32>} : memref<24x128xf32, #tpu.memory_space<vmem>>, vector<16xf32>,
    tpu.vector_store %arg9[%swap3A_17, %swap3A_18], %broadcast_in_dim3A_0 {strides = array<i32>} : memref<24x128xf32, #tpu.memory_space<vmem>>, vector<16xf32>,
    %swap3A_20 = arith.constant 0 : i32
    %swap3A_21 = arith.index_cast %swap3A_20 : i32 to index
    %swap3A_22 = arith.constant 80 : index
    %swap3A_23 = tpu.vector_load %arg9[%swap3A_21, %swap3A_22] {strides = array<i32>} : memref<24x128xf32, #tpu.memory_space<vmem>>, vector<16xf32>,
    tpu.vector_store %arg9[%swap3A_21, %swap3A_22], %broadcast_in_dim3A_0 {strides = array<i32>} : memref<24x128xf32, #tpu.memory_space<vmem>>, vector<16xf32>,
    %swap3A_24 = arith.constant 0 : i32
    %swap3A_25 = arith.index_cast %swap3A_24 : i32 to index
    %swap3A_26 = arith.constant 96 : index
    %swap3A_27 = tpu.vector_load %arg9[%swap3A_25, %swap3A_26] {strides = array<i32>} : memref<24x128xf32, #tpu.memory_space<vmem>>, vector<16xf32>,
    tpu.vector_store %arg9[%swap3A_25, %swap3A_26], %broadcast_in_dim3A_0 {strides = array<i32>} : memref<24x128xf32, #tpu.memory_space<vmem>>, vector<16xf32>,
    %swap3A_28 = arith.constant 0 : i32
    %swap3A_29 = arith.index_cast %swap3A_28 : i32 to index
    %swap3A_30 = arith.constant 112 : index
    %swap3A_31 = tpu.vector_load %arg9[%swap3A_29, %swap3A_30] {strides = array<i32>} : memref<24x128xf32, #tpu.memory_space<vmem>>, vector<16xf32>,
    tpu.vector_store %arg9[%swap3A_29, %swap3A_30], %broadcast_in_dim3A_0 {strides = array<i32>} : memref<24x128xf32, #tpu.memory_space<vmem>>, vector<16xf32>,
    %swap3A_32 = arith.constant 1 : i32
    %swap3A_33 = arith.index_cast %swap3A_32 : i32 to index
    %swap3A_34 = arith.constant 0 : index
    %swap3A_35 = tpu.vector_load %arg9[%swap3A_33, %swap3A_34] {strides = array<i32>} : memref<24x128xf32, #tpu.memory_space<vmem>>, vector<16xf32>,
    tpu.vector_store %arg9[%swap3A_33, %swap3A_34], %broadcast_in_dim3A_0 {strides = array<i32>} : memref<24x128xf32, #tpu.memory_space<vmem>>, vector<16xf32>,
    %swap3A_36 = arith.constant 1 : i32
    %swap3A_37 = arith.index_cast %swap3A_36 : i32 to index
    %swap3A_38 = arith.constant 16 : index
    %swap3A_39 = tpu.vector_load %arg9[%swap3A_37, %swap3A_38] {strides = array<i32>} : memref<24x128xf32, #tpu.memory_space<vmem>>, vector<16xf32>,
    tpu.vector_store %arg9[%swap3A_37, %swap3A_38], %broadcast_in_dim3A_0 {strides = array<i32>} : memref<24x128xf32, #tpu.memory_space<vmem>>, vector<16xf32>,
    %swap3A_40 = arith.constant 1 : i32
    %swap3A_41 = arith.index_cast %swap3A_40 : i32 to index
    %swap3A_42 = arith.constant 32 : index
    %swap3A_43 = tpu.vector_load %arg9[%swap3A_41, %swap3A_42] {strides = array<i32>} : memref<24x128xf32, #tpu.memory_space<vmem>>, vector<16xf32>,
    tpu.vector_store %arg9[%swap3A_41, %swap3A_42], %broadcast_in_dim3A_0 {strides = array<i32>} : memref<24x128xf32, #tpu.memory_space<vmem>>, vector<16xf32>,
    %swap3A_44 = arith.constant 1 : i32
    %swap3A_45 = arith.index_cast %swap3A_44 : i32 to index
    %swap3A_46 = arith.constant 48 : index
    %swap3A_47 = tpu.vector_load %arg9[%swap3A_45, %swap3A_46] {strides = array<i32>} : memref<24x128xf32, #tpu.memory_space<vmem>>, vector<16xf32>,
    tpu.vector_store %arg9[%swap3A_45, %swap3A_46], %broadcast_in_dim3A_0 {strides = array<i32>} : memref<24x128xf32, #tpu.memory_space<vmem>>, vector<16xf32>,
    %swap3A_48 = arith.constant 1 : i32
    %swap3A_49 = arith.index_cast %swap3A_48 : i32 to index
    %swap3A_50 = arith.constant 64 : index
    %swap3A_51 = tpu.vector_load %arg9[%swap3A_49, %swap3A_50] {strides = array<i32>} : memref<24x128xf32, #tpu.memory_space<vmem>>, vector<16xf32>,
    tpu.vector_store %arg9[%swap3A_49, %swap3A_50], %broadcast_in_dim3A_0 {strides = array<i32>} : memref<24x128xf32, #tpu.memory_space<vmem>>, vector<16xf32>,
    %swap3A_52 = arith.constant 1 : i32
    %swap3A_53 = arith.index_cast %swap3A_52 : i32 to index
    %swap3A_54 = arith.constant 80 : index
    %swap3A_55 = tpu.vector_load %arg9[%swap3A_53, %swap3A_54] {strides = array<i32>} : memref<24x128xf32, #tpu.memory_space<vmem>>, vector<16xf32>,
    tpu.vector_store %arg9[%swap3A_53, %swap3A_54], %broadcast_in_dim3A_0 {strides = array<i32>} : memref<24x128xf32, #tpu.memory_space<vmem>>, vector<16xf32>,
    %swap3A_56 = arith.constant 1 : i32
    %swap3A_57 = arith.index_cast %swap3A_56 : i32 to index
    %swap3A_58 = arith.constant 96 : index
    %swap3A_59 = tpu.vector_load %arg9[%swap3A_57, %swap3A_58] {strides = array<i32>} : memref<24x128xf32, #tpu.memory_space<vmem>>, vector<16xf32>,
    tpu.vector_store %arg9[%swap3A_57, %swap3A_58], %broadcast_in_dim3A_0 {strides = array<i32>} : memref<24x128xf32, #tpu.memory_space<vmem>>, vector<16xf32>,
    %swap3A_60 = arith.constant 1 : i32
    %swap3A_61 = arith.index_cast %swap3A_60 : i32 to index
    %swap3A_62 = arith.constant 112 : index
    %swap3A_63 = tpu.vector_load %arg9[%swap3A_61, %swap3A_62] {strides = array<i32>} : memref<24x128xf32, #tpu.memory_space<vmem>>, vector<16xf32>,
    tpu.vector_store %arg9[%swap3A_61, %swap3A_62], %broadcast_in_dim3A_0 {strides = array<i32>} : memref<24x128xf32, #tpu.memory_space<vmem>>, vector<16xf32>,
    %swap3A_64 = arith.constant 2 : i32
    %swap3A_65 = arith.index_cast %swap3A_64 : i32 to index
    %swap3A_66 = arith.constant 0 : index
    %swap3A_67 = tpu.vector_load %arg9[%swap3A_65, %swap3A_66] {strides = array<i32>} : memref<24x128xf32, #tpu.memory_space<vmem>>, vector<16xf32>,
    tpu.vector_store %arg9[%swap3A_65, %swap3A_66], %broadcast_in_dim3A_0 {strides = array<i32>} : memref<24x128xf32, #tpu.memory_space<vmem>>, vector<16xf32>,
    %swap3A_68 = arith.constant 2 : i32
    %swap3A_69 = arith.index_cast %swap3A_68 : i32 to index
    %swap3A_70 = arith.constant 16 : index
    %swap3A_71 = tpu.vector_load %arg9[%swap3A_69, %swap3A_70] {strides = array<i32>} : memref<24x128xf32, #tpu.memory_space<vmem>>, vector<16xf32>,
    tpu.vector_store %arg9[%swap3A_69, %swap3A_70], %broadcast_in_dim3A_0 {strides = array<i32>} : memref<24x128xf32, #tpu.memory_space<vmem>>, vector<16xf32>,
    %swap3A_72 = arith.constant 2 : i32
    %swap3A_73 = arith.index_cast %swap3A_72 : i32 to index
    %swap3A_74 = arith.constant 32 : index
    %swap3A_75 = tpu.vector_load %arg9[%swap3A_73, %swap3A_74] {strides = array<i32>} : memref<24x128xf32, #tpu.memory_space<vmem>>, vector<16xf32>,
    tpu.vector_store %arg9[%swap3A_73, %swap3A_74], %broadcast_in_dim3A_0 {strides = array<i32>} : memref<24x128xf32, #tpu.memory_space<vmem>>, vector<16xf32>,
    %swap3A_76 = arith.constant 2 : i32
    %swap3A_77 = arith.index_cast %swap3A_76 : i32 to index
    %swap3A_78 = arith.constant 48 : index
    %swap3A_79 = tpu.vector_load %arg9[%swap3A_77, %swap3A_78] {strides = array<i32>} : memref<24x128xf32, #tpu.memory_space<vmem>>, vector<16xf32>,
    tpu.vector_store %arg9[%swap3A_77, %swap3A_78], %broadcast_in_dim3A_0 {strides = array<i32>} : memref<24x128xf32, #tpu.memory_space<vmem>>, vector<16xf32>,
    %swap3A_80 = arith.constant 2 : i32
    %swap3A_81 = arith.index_cast %swap3A_80 : i32 to index
    %swap3A_82 = arith.constant 64 : index
    %swap3A_83 = tpu.vector_load %arg9[%swap3A_81, %swap3A_82] {strides = array<i32>} : memref<24x128xf32, #tpu.memory_space<vmem>>, vector<16xf32>,
    tpu.vector_store %arg9[%swap3A_81, %swap3A_82], %broadcast_in_dim3A_0 {strides = array<i32>} : memref<24x128xf32, #tpu.memory_space<vmem>>, vector<16xf32>,
    %swap3A_84 = arith.constant 2 : i32
    %swap3A_85 = arith.index_cast %swap3A_84 : i32 to index
    %swap3A_86 = arith.constant 80 : index
    %swap3A_87 = tpu.vector_load %arg9[%swap3A_85, %swap3A_86] {strides = array<i32>} : memref<24x128xf32, #tpu.memory_space<vmem>>, vector<16xf32>,
    tpu.vector_store %arg9[%swap3A_85, %swap3A_86], %broadcast_in_dim3A_0 {strides = array<i32>} : memref<24x128xf32, #tpu.memory_space<vmem>>, vector<16xf32>,
    %swap3A_88 = arith.constant 2 : i32
    %swap3A_89 = arith.index_cast %swap3A_88 : i32 to index
    %swap3A_90 = arith.constant 96 : index
    %swap3A_91 = tpu.vector_load %arg9[%swap3A_89, %swap3A_90] {strides = array<i32>} : memref<24x128xf32, #tpu.memory_space<vmem>>, vector<16xf32>,
    tpu.vector_store %arg9[%swap3A_89, %swap3A_90], %broadcast_in_dim3A_0 {strides = array<i32>} : memref<24x128xf32, #tpu.memory_space<vmem>>, vector<16xf32>,
    %swap3A_92 = arith.constant 2 : i32
    %swap3A_93 = arith.index_cast %swap3A_92 : i32 to index
    %swap3A_94 = arith.constant 112 : index
    %swap3A_95 = tpu.vector_load %arg9[%swap3A_93, %swap3A_94] {strides = array<i32>} : memref<24x128xf32, #tpu.memory_space<vmem>>, vector<16xf32>,
    tpu.vector_store %arg9[%swap3A_93, %swap3A_94], %broadcast_in_dim3A_0 {strides = array<i32>} : memref<24x128xf32, #tpu.memory_space<vmem>>, vector<16xf32>,
    %swap3A_96 = arith.constant 3 : i32
    %swap3A_97 = arith.index_cast %swap3A_96 : i32 to index
    %swap3A_98 = arith.constant 0 : index
    %swap3A_99 = tpu.vector_load %arg9[%swap3A_97, %swap3A_98] {strides = array<i32>} : memref<24x128xf32, #tpu.memory_space<vmem>>, vector<16xf32>,
    tpu.vector_store %arg9[%swap3A_97, %swap3A_98], %broadcast_in_dim3A_0 {strides = array<i32>} : memref<24x128xf32, #tpu.memory_space<vmem>>, vector<16xf32>,
    %swap3A_100 = arith.constant 3 : i32
    %swap3A_101 = arith.index_cast %swap3A_100 : i32 to index
    %swap3A_102 = arith.constant 16 : index
    %swap3A_103 = tpu.vector_load %arg9[%swap3A_101, %swap3A_102] {strides = array<i32>} : memref<24x128xf32, #tpu.memory_space<vmem>>, vector<16xf32>,
    tpu.vector_store %arg9[%swap3A_101, %swap3A_102], %broadcast_in_dim3A_0 {strides = array<i32>} : memref<24x128xf32, #tpu.memory_space<vmem>>, vector<16xf32>,
    %swap3A_104 = arith.constant 3 : i32
    %swap3A_105 = arith.index_cast %swap3A_104 : i32 to index
    %swap3A_106 = arith.constant 32 : index
    %swap3A_107 = tpu.vector_load %arg9[%swap3A_105, %swap3A_106] {strides = array<i32>} : memref<24x128xf32, #tpu.memory_space<vmem>>, vector<16xf32>,
    tpu.vector_store %arg9[%swap3A_105, %swap3A_106], %broadcast_in_dim3A_0 {strides = array<i32>} : memref<24x128xf32, #tpu.memory_space<vmem>>, vector<16xf32>,
    %swap3A_108 = arith.constant 3 : i32
    %swap3A_109 = arith.index_cast %swap3A_108 : i32 to index
    %swap3A_110 = arith.constant 48 : index
    %swap3A_111 = tpu.vector_load %arg9[%swap3A_109, %swap3A_110] {strides = array<i32>} : memref<24x128xf32, #tpu.memory_space<vmem>>, vector<16xf32>,
    tpu.vector_store %arg9[%swap3A_109, %swap3A_110], %broadcast_in_dim3A_0 {strides = array<i32>} : memref<24x128xf32, #tpu.memory_space<vmem>>, vector<16xf32>,
    %swap3A_112 = arith.constant 3 : i32
    %swap3A_113 = arith.index_cast %swap3A_112 : i32 to index
    %swap3A_114 = arith.constant 64 : index
    %swap3A_115 = tpu.vector_load %arg9[%swap3A_113, %swap3A_114] {strides = array<i32>} : memref<24x128xf32, #tpu.memory_space<vmem>>, vector<16xf32>,
    tpu.vector_store %arg9[%swap3A_113, %swap3A_114], %broadcast_in_dim3A_0 {strides = array<i32>} : memref<24x128xf32, #tpu.memory_space<vmem>>, vector<16xf32>,
    %swap3A_116 = arith.constant 3 : i32
    %swap3A_117 = arith.index_cast %swap3A_116 : i32 to index
    %swap3A_118 = arith.constant 80 : index
    %swap3A_119 = tpu.vector_load %arg9[%swap3A_117, %swap3A_118] {strides = array<i32>} : memref<24x128xf32, #tpu.memory_space<vmem>>, vector<16xf32>,
    tpu.vector_store %arg9[%swap3A_117, %swap3A_118], %broadcast_in_dim3A_0 {strides = array<i32>} : memref<24x128xf32, #tpu.memory_space<vmem>>, vector<16xf32>,
    %swap3A_120 = arith.constant 3 : i32
    %swap3A_121 = arith.index_cast %swap3A_120 : i32 to index
    %swap3A_122 = arith.constant 96 : index
    %swap3A_123 = tpu.vector_load %arg9[%swap3A_121, %swap3A_122] {strides = array<i32>} : memref<24x128xf32, #tpu.memory_space<vmem>>, vector<16xf32>,
    tpu.vector_store %arg9[%swap3A_121, %swap3A_122], %broadcast_in_dim3A_0 {strides = array<i32>} : memref<24x128xf32, #tpu.memory_space<vmem>>, vector<16xf32>,
    %swap3A_124 = arith.constant 3 : i32
    %swap3A_125 = arith.index_cast %swap3A_124 : i32 to index
    %swap3A_126 = arith.constant 112 : index
    %swap3A_127 = tpu.vector_load %arg9[%swap3A_125, %swap3A_126] {strides = array<i32>} : memref<24x128xf32, #tpu.memory_space<vmem>>, vector<16xf32>,
    tpu.vector_store %arg9[%swap3A_125, %swap3A_126], %broadcast_in_dim3A_0 {strides = array<i32>} : memref<24x128xf32, #tpu.memory_space<vmem>>, vector<16xf32>,
    %swap3A_128 = arith.constant 4 : i32
    %swap3A_129 = arith.index_cast %swap3A_128 : i32 to index
    %swap3A_130 = arith.constant 0 : index
    %swap3A_131 = tpu.vector_load %arg9[%swap3A_129, %swap3A_130] {strides = array<i32>} : memref<24x128xf32, #tpu.memory_space<vmem>>, vector<16xf32>,
    tpu.vector_store %arg9[%swap3A_129, %swap3A_130], %broadcast_in_dim3A_0 {strides = array<i32>} : memref<24x128xf32, #tpu.memory_space<vmem>>, vector<16xf32>,
    %swap3A_132 = arith.constant 4 : i32
    %swap3A_133 = arith.index_cast %swap3A_132 : i32 to index
    %swap3A_134 = arith.constant 16 : index
    %swap3A_135 = tpu.vector_load %arg9[%swap3A_133, %swap3A_134] {strides = array<i32>} : memref<24x128xf32, #tpu.memory_space<vmem>>, vector<16xf32>,
    tpu.vector_store %arg9[%swap3A_133, %swap3A_134], %broadcast_in_dim3A_0 {strides = array<i32>} : memref<24x128xf32, #tpu.memory_space<vmem>>, vector<16xf32>,
    %swap3A_136 = arith.constant 4 : i32
    %swap3A_137 = arith.index_cast %swap3A_136 : i32 to index
    %swap3A_138 = arith.constant 32 : index
    %swap3A_139 = tpu.vector_load %arg9[%swap3A_137, %swap3A_138] {strides = array<i32>} : memref<24x128xf32, #tpu.memory_space<vmem>>, vector<16xf32>,
    tpu.vector_store %arg9[%swap3A_137, %swap3A_138], %broadcast_in_dim3A_0 {strides = array<i32>} : memref<24x128xf32, #tpu.memory_space<vmem>>, vector<16xf32>,
    %swap3A_140 = arith.constant 4 : i32
    %swap3A_141 = arith.index_cast %swap3A_140 : i32 to index
    %swap3A_142 = arith.constant 48 : index
    %swap3A_143 = tpu.vector_load %arg9[%swap3A_141, %swap3A_142] {strides = array<i32>} : memref<24x128xf32, #tpu.memory_space<vmem>>, vector<16xf32>,
    tpu.vector_store %arg9[%swap3A_141, %swap3A_142], %broadcast_in_dim3A_0 {strides = array<i32>} : memref<24x128xf32, #tpu.memory_space<vmem>>, vector<16xf32>,
    %swap3A_144 = arith.constant 4 : i32
    %swap3A_145 = arith.index_cast %swap3A_144 : i32 to index
    %swap3A_146 = arith.constant 64 : index
    %swap3A_147 = tpu.vector_load %arg9[%swap3A_145, %swap3A_146] {strides = array<i32>} : memref<24x128xf32, #tpu.memory_space<vmem>>, vector<16xf32>,
    tpu.vector_store %arg9[%swap3A_145, %swap3A_146], %broadcast_in_dim3A_0 {strides = array<i32>} : memref<24x128xf32, #tpu.memory_space<vmem>>, vector<16xf32>,
    %swap3A_148 = arith.constant 4 : i32
    %swap3A_149 = arith.index_cast %swap3A_148 : i32 to index
    %swap3A_150 = arith.constant 80 : index
    %swap3A_151 = tpu.vector_load %arg9[%swap3A_149, %swap3A_150] {strides = array<i32>} : memref<24x128xf32, #tpu.memory_space<vmem>>, vector<16xf32>,
    tpu.vector_store %arg9[%swap3A_149, %swap3A_150], %broadcast_in_dim3A_0 {strides = array<i32>} : memref<24x128xf32, #tpu.memory_space<vmem>>, vector<16xf32>,
    %swap3A_152 = arith.constant 4 : i32
    %swap3A_153 = arith.index_cast %swap3A_152 : i32 to index
    %swap3A_154 = arith.constant 96 : index
    %swap3A_155 = tpu.vector_load %arg9[%swap3A_153, %swap3A_154] {strides = array<i32>} : memref<24x128xf32, #tpu.memory_space<vmem>>, vector<16xf32>,
    tpu.vector_store %arg9[%swap3A_153, %swap3A_154], %broadcast_in_dim3A_0 {strides = array<i32>} : memref<24x128xf32, #tpu.memory_space<vmem>>, vector<16xf32>,
    %swap3A_156 = arith.constant 4 : i32
    %swap3A_157 = arith.index_cast %swap3A_156 : i32 to index
    %swap3A_158 = arith.constant 112 : index
    %swap3A_159 = tpu.vector_load %arg9[%swap3A_157, %swap3A_158] {strides = array<i32>} : memref<24x128xf32, #tpu.memory_space<vmem>>, vector<16xf32>,
    tpu.vector_store %arg9[%swap3A_157, %swap3A_158], %broadcast_in_dim3A_0 {strides = array<i32>} : memref<24x128xf32, #tpu.memory_space<vmem>>, vector<16xf32>,
    %swap3A_160 = arith.constant 5 : i32
    %swap3A_161 = arith.index_cast %swap3A_160 : i32 to index
    %swap3A_162 = arith.constant 0 : index
    %swap3A_163 = tpu.vector_load %arg9[%swap3A_161, %swap3A_162] {strides = array<i32>} : memref<24x128xf32, #tpu.memory_space<vmem>>, vector<16xf32>,
    tpu.vector_store %arg9[%swap3A_161, %swap3A_162], %broadcast_in_dim3A_0 {strides = array<i32>} : memref<24x128xf32, #tpu.memory_space<vmem>>, vector<16xf32>,
    %swap3A_164 = arith.constant 5 : i32
    %swap3A_165 = arith.index_cast %swap3A_164 : i32 to index
    %swap3A_166 = arith.constant 16 : index
    %swap3A_167 = tpu.vector_load %arg9[%swap3A_165, %swap3A_166] {strides = array<i32>} : memref<24x128xf32, #tpu.memory_space<vmem>>, vector<16xf32>,
    tpu.vector_store %arg9[%swap3A_165, %swap3A_166], %broadcast_in_dim3A_0 {strides = array<i32>} : memref<24x128xf32, #tpu.memory_space<vmem>>, vector<16xf32>,
    %swap3A_168 = arith.constant 5 : i32
    %swap3A_169 = arith.index_cast %swap3A_168 : i32 to index
    %swap3A_170 = arith.constant 32 : index
    %swap3A_171 = tpu.vector_load %arg9[%swap3A_169, %swap3A_170] {strides = array<i32>} : memref<24x128xf32, #tpu.memory_space<vmem>>, vector<16xf32>,
    tpu.vector_store %arg9[%swap3A_169, %swap3A_170], %broadcast_in_dim3A_0 {strides = array<i32>} : memref<24x128xf32, #tpu.memory_space<vmem>>, vector<16xf32>,
    %swap3A_172 = arith.constant 5 : i32
    %swap3A_173 = arith.index_cast %swap3A_172 : i32 to index
    %swap3A_174 = arith.constant 48 : index
    %swap3A_175 = tpu.vector_load %arg9[%swap3A_173, %swap3A_174] {strides = array<i32>} : memref<24x128xf32, #tpu.memory_space<vmem>>, vector<16xf32>,
    tpu.vector_store %arg9[%swap3A_173, %swap3A_174], %broadcast_in_dim3A_0 {strides = array<i32>} : memref<24x128xf32, #tpu.memory_space<vmem>>, vector<16xf32>,
    %swap3A_176 = arith.constant 5 : i32
    %swap3A_177 = arith.index_cast %swap3A_176 : i32 to index
    %swap3A_178 = arith.constant 64 : index
    %swap3A_179 = tpu.vector_load %arg9[%swap3A_177, %swap3A_178] {strides = array<i32>} : memref<24x128xf32, #tpu.memory_space<vmem>>, vector<16xf32>,
    tpu.vector_store %arg9[%swap3A_177, %swap3A_178], %broadcast_in_dim3A_0 {strides = array<i32>} : memref<24x128xf32, #tpu.memory_space<vmem>>, vector<16xf32>,
    %swap3A_180 = arith.constant 5 : i32
    %swap3A_181 = arith.index_cast %swap3A_180 : i32 to index
    %swap3A_182 = arith.constant 80 : index
    %swap3A_183 = tpu.vector_load %arg9[%swap3A_181, %swap3A_182] {strides = array<i32>} : memref<24x128xf32, #tpu.memory_space<vmem>>, vector<16xf32>,
    tpu.vector_store %arg9[%swap3A_181, %swap3A_182], %broadcast_in_dim3A_0 {strides = array<i32>} : memref<24x128xf32, #tpu.memory_space<vmem>>, vector<16xf32>,
    %swap3A_184 = arith.constant 5 : i32
    %swap3A_185 = arith.index_cast %swap3A_184 : i32 to index
    %swap3A_186 = arith.constant 96 : index
    %swap3A_187 = tpu.vector_load %arg9[%swap3A_185, %swap3A_186] {strides = array<i32>} : memref<24x128xf32, #tpu.memory_space<vmem>>, vector<16xf32>,
    tpu.vector_store %arg9[%swap3A_185, %swap3A_186], %broadcast_in_dim3A_0 {strides = array<i32>} : memref<24x128xf32, #tpu.memory_space<vmem>>, vector<16xf32>,
    %swap3A_188 = arith.constant 5 : i32
    %swap3A_189 = arith.index_cast %swap3A_188 : i32 to index
    %swap3A_190 = arith.constant 112 : index
    %swap3A_191 = tpu.vector_load %arg9[%swap3A_189, %swap3A_190] {strides = array<i32>} : memref<24x128xf32, #tpu.memory_space<vmem>>, vector<16xf32>,
    tpu.vector_store %arg9[%swap3A_189, %swap3A_190], %broadcast_in_dim3A_0 {strides = array<i32>} : memref<24x128xf32, #tpu.memory_space<vmem>>, vector<16xf32>,
    %swap3A_192 = arith.constant 6 : i32
    %swap3A_193 = arith.index_cast %swap3A_192 : i32 to index
    %swap3A_194 = arith.constant 0 : index
    %swap3A_195 = tpu.vector_load %arg9[%swap3A_193, %swap3A_194] {strides = array<i32>} : memref<24x128xf32, #tpu.memory_space<vmem>>, vector<16xf32>,
    tpu.vector_store %arg9[%swap3A_193, %swap3A_194], %broadcast_in_dim3A_0 {strides = array<i32>} : memref<24x128xf32, #tpu.memory_space<vmem>>, vector<16xf32>,
    %swap3A_196 = arith.constant 6 : i32
    %swap3A_197 = arith.index_cast %swap3A_196 : i32 to index
    %swap3A_198 = arith.constant 16 : index
    %swap3A_199 = tpu.vector_load %arg9[%swap3A_197, %swap3A_198] {strides = array<i32>} : memref<24x128xf32, #tpu.memory_space<vmem>>, vector<16xf32>,
    tpu.vector_store %arg9[%swap3A_197, %swap3A_198], %broadcast_in_dim3A_0 {strides = array<i32>} : memref<24x128xf32, #tpu.memory_space<vmem>>, vector<16xf32>,
    %swap3A_200 = arith.constant 6 : i32
    %swap3A_201 = arith.index_cast %swap3A_200 : i32 to index
    %swap3A_202 = arith.constant 32 : index
    %swap3A_203 = tpu.vector_load %arg9[%swap3A_201, %swap3A_202] {strides = array<i32>} : memref<24x128xf32, #tpu.memory_space<vmem>>, vector<16xf32>,
    tpu.vector_store %arg9[%swap3A_201, %swap3A_202], %broadcast_in_dim3A_0 {strides = array<i32>} : memref<24x128xf32, #tpu.memory_space<vmem>>, vector<16xf32>,
    %swap3A_204 = arith.constant 6 : i32
    %swap3A_205 = arith.index_cast %swap3A_204 : i32 to index
    %swap3A_206 = arith.constant 48 : index
    %swap3A_207 = tpu.vector_load %arg9[%swap3A_205, %swap3A_206] {strides = array<i32>} : memref<24x128xf32, #tpu.memory_space<vmem>>, vector<16xf32>,
    tpu.vector_store %arg9[%swap3A_205, %swap3A_206], %broadcast_in_dim3A_0 {strides = array<i32>} : memref<24x128xf32, #tpu.memory_space<vmem>>, vector<16xf32>,
    %swap3A_208 = arith.constant 6 : i32
    %swap3A_209 = arith.index_cast %swap3A_208 : i32 to index
    %swap3A_210 = arith.constant 64 : index
    %swap3A_211 = tpu.vector_load %arg9[%swap3A_209, %swap3A_210] {strides = array<i32>} : memref<24x128xf32, #tpu.memory_space<vmem>>, vector<16xf32>,
    tpu.vector_store %arg9[%swap3A_209, %swap3A_210], %broadcast_in_dim3A_0 {strides = array<i32>} : memref<24x128xf32, #tpu.memory_space<vmem>>, vector<16xf32>,
    %swap3A_212 = arith.constant 6 : i32
    %swap3A_213 = arith.index_cast %swap3A_212 : i32 to index
    %swap3A_214 = arith.constant 80 : index
    %swap3A_215 = tpu.vector_load %arg9[%swap3A_213, %swap3A_214] {strides = array<i32>} : memref<24x128xf32, #tpu.memory_space<vmem>>, vector<16xf32>,
    tpu.vector_store %arg9[%swap3A_213, %swap3A_214], %broadcast_in_dim3A_0 {strides = array<i32>} : memref<24x128xf32, #tpu.memory_space<vmem>>, vector<16xf32>,
    %swap3A_216 = arith.constant 6 : i32
    %swap3A_217 = arith.index_cast %swap3A_216 : i32 to index
    %swap3A_218 = arith.constant 96 : index
    %swap3A_219 = tpu.vector_load %arg9[%swap3A_217, %swap3A_218] {strides = array<i32>} : memref<24x128xf32, #tpu.memory_space<vmem>>, vector<16xf32>,
    tpu.vector_store %arg9[%swap3A_217, %swap3A_218], %broadcast_in_dim3A_0 {strides = array<i32>} : memref<24x128xf32, #tpu.memory_space<vmem>>, vector<16xf32>,
    %swap3A_220 = arith.constant 6 : i32
    %swap3A_221 = arith.index_cast %swap3A_220 : i32 to index
    %swap3A_222 = arith.constant 112 : index
    %swap3A_223 = tpu.vector_load %arg9[%swap3A_221, %swap3A_222] {strides = array<i32>} : memref<24x128xf32, #tpu.memory_space<vmem>>, vector<16xf32>,
    tpu.vector_store %arg9[%swap3A_221, %swap3A_222], %broadcast_in_dim3A_0 {strides = array<i32>} : memref<24x128xf32, #tpu.memory_space<vmem>>, vector<16xf32>,
    %swap3A_224 = arith.constant 7 : i32
    %swap3A_225 = arith.index_cast %swap3A_224 : i32 to index
    %swap3A_226 = arith.constant 0 : index
    %swap3A_227 = tpu.vector_load %arg9[%swap3A_225, %swap3A_226] {strides = array<i32>} : memref<24x128xf32, #tpu.memory_space<vmem>>, vector<16xf32>,
    tpu.vector_store %arg9[%swap3A_225, %swap3A_226], %broadcast_in_dim3A_0 {strides = array<i32>} : memref<24x128xf32, #tpu.memory_space<vmem>>, vector<16xf32>,
    %swap3A_228 = arith.constant 7 : i32
    %swap3A_229 = arith.index_cast %swap3A_228 : i32 to index
    %swap3A_230 = arith.constant 16 : index
    %swap3A_231 = tpu.vector_load %arg9[%swap3A_229, %swap3A_230] {strides = array<i32>} : memref<24x128xf32, #tpu.memory_space<vmem>>, vector<16xf32>,
    tpu.vector_store %arg9[%swap3A_229, %swap3A_230], %broadcast_in_dim3A_0 {strides = array<i32>} : memref<24x128xf32, #tpu.memory_space<vmem>>, vector<16xf32>,
    %swap3A_232 = arith.constant 7 : i32
    %swap3A_233 = arith.index_cast %swap3A_232 : i32 to index
    %swap3A_234 = arith.constant 32 : index
    %swap3A_235 = tpu.vector_load %arg9[%swap3A_233, %swap3A_234] {strides = array<i32>} : memref<24x128xf32, #tpu.memory_space<vmem>>, vector<16xf32>,
    tpu.vector_store %arg9[%swap3A_233, %swap3A_234], %broadcast_in_dim3A_0 {strides = array<i32>} : memref<24x128xf32, #tpu.memory_space<vmem>>, vector<16xf32>,
    %swap3A_236 = arith.constant 7 : i32
    %swap3A_237 = arith.index_cast %swap3A_236 : i32 to index
    %swap3A_238 = arith.constant 48 : index
    %swap3A_239 = tpu.vector_load %arg9[%swap3A_237, %swap3A_238] {strides = array<i32>} : memref<24x128xf32, #tpu.memory_space<vmem>>, vector<16xf32>,
    tpu.vector_store %arg9[%swap3A_237, %swap3A_238], %broadcast_in_dim3A_0 {strides = array<i32>} : memref<24x128xf32, #tpu.memory_space<vmem>>, vector<16xf32>,
    %swap3A_240 = arith.constant 7 : i32
    %swap3A_241 = arith.index_cast %swap3A_240 : i32 to index
    %swap3A_242 = arith.constant 64 : index
    %swap3A_243 = tpu.vector_load %arg9[%swap3A_241, %swap3A_242] {strides = array<i32>} : memref<24x128xf32, #tpu.memory_space<vmem>>, vector<16xf32>,
    tpu.vector_store %arg9[%swap3A_241, %swap3A_242], %broadcast_in_dim3A_0 {strides = array<i32>} : memref<24x128xf32, #tpu.memory_space<vmem>>, vector<16xf32>,
    %swap3A_244 = arith.constant 7 : i32
    %swap3A_245 = arith.index_cast %swap3A_244 : i32 to index
    %swap3A_246 = arith.constant 80 : index
    %swap3A_247 = tpu.vector_load %arg9[%swap3A_245, %swap3A_246] {strides = array<i32>} : memref<24x128xf32, #tpu.memory_space<vmem>>, vector<16xf32>,
    tpu.vector_store %arg9[%swap3A_245, %swap3A_246], %broadcast_in_dim3A_0 {strides = array<i32>} : memref<24x128xf32, #tpu.memory_space<vmem>>, vector<16xf32>,
    %swap3A_248 = arith.constant 7 : i32
    %swap3A_249 = arith.index_cast %swap3A_248 : i32 to index
    %swap3A_250 = arith.constant 96 : index
    %swap3A_251 = tpu.vector_load %arg9[%swap3A_249, %swap3A_250] {strides = array<i32>} : memref<24x128xf32, #tpu.memory_space<vmem>>, vector<16xf32>,
    tpu.vector_store %arg9[%swap3A_249, %swap3A_250], %broadcast_in_dim3A_0 {strides = array<i32>} : memref<24x128xf32, #tpu.memory_space<vmem>>, vector<16xf32>,
    %swap3A_252 = arith.constant 7 : i32
    %swap3A_253 = arith.index_cast %swap3A_252 : i32 to index
    %swap3A_254 = arith.constant 112 : index
    %swap3A_255 = tpu.vector_load %arg9[%swap3A_253, %swap3A_254] {strides = array<i32>} : memref<24x128xf32, #tpu.memory_space<vmem>>, vector<16xf32>,
    tpu.vector_store %arg9[%swap3A_253, %swap3A_254], %broadcast_in_dim3A_0 {strides = array<i32>} : memref<24x128xf32, #tpu.memory_space<vmem>>, vector<16xf32>,
    %swap3A_256 = arith.constant 8 : i32
    %swap3A_257 = arith.index_cast %swap3A_256 : i32 to index
    %swap3A_258 = arith.constant 0 : index
    %swap3A_259 = tpu.vector_load %arg9[%swap3A_257, %swap3A_258] {strides = array<i32>} : memref<24x128xf32, #tpu.memory_space<vmem>>, vector<16xf32>,
    tpu.vector_store %arg9[%swap3A_257, %swap3A_258], %broadcast_in_dim3A_0 {strides = array<i32>} : memref<24x128xf32, #tpu.memory_space<vmem>>, vector<16xf32>,
    %swap3A_260 = arith.constant 8 : i32
    %swap3A_261 = arith.index_cast %swap3A_260 : i32 to index
    %swap3A_262 = arith.constant 16 : index
    %swap3A_263 = tpu.vector_load %arg9[%swap3A_261, %swap3A_262] {strides = array<i32>} : memref<24x128xf32, #tpu.memory_space<vmem>>, vector<16xf32>,
    tpu.vector_store %arg9[%swap3A_261, %swap3A_262], %broadcast_in_dim3A_0 {strides = array<i32>} : memref<24x128xf32, #tpu.memory_space<vmem>>, vector<16xf32>,
    %swap3A_264 = arith.constant 8 : i32
    %swap3A_265 = arith.index_cast %swap3A_264 : i32 to index
    %swap3A_266 = arith.constant 32 : index
    %swap3A_267 = tpu.vector_load %arg9[%swap3A_265, %swap3A_266] {strides = array<i32>} : memref<24x128xf32, #tpu.memory_space<vmem>>, vector<16xf32>,
    tpu.vector_store %arg9[%swap3A_265, %swap3A_266], %broadcast_in_dim3A_0 {strides = array<i32>} : memref<24x128xf32, #tpu.memory_space<vmem>>, vector<16xf32>,
    %swap3A_268 = arith.constant 8 : i32
    %swap3A_269 = arith.index_cast %swap3A_268 : i32 to index
    %swap3A_270 = arith.constant 48 : index
    %swap3A_271 = tpu.vector_load %arg9[%swap3A_269, %swap3A_270] {strides = array<i32>} : memref<24x128xf32, #tpu.memory_space<vmem>>, vector<16xf32>,
    tpu.vector_store %arg9[%swap3A_269, %swap3A_270], %broadcast_in_dim3A_0 {strides = array<i32>} : memref<24x128xf32, #tpu.memory_space<vmem>>, vector<16xf32>,
    %swap3A_272 = arith.constant 8 : i32
    %swap3A_273 = arith.index_cast %swap3A_272 : i32 to index
    %swap3A_274 = arith.constant 64 : index
    %swap3A_275 = tpu.vector_load %arg9[%swap3A_273, %swap3A_274] {strides = array<i32>} : memref<24x128xf32, #tpu.memory_space<vmem>>, vector<16xf32>,
    tpu.vector_store %arg9[%swap3A_273, %swap3A_274], %broadcast_in_dim3A_0 {strides = array<i32>} : memref<24x128xf32, #tpu.memory_space<vmem>>, vector<16xf32>,
    %swap3A_276 = arith.constant 8 : i32
    %swap3A_277 = arith.index_cast %swap3A_276 : i32 to index
    %swap3A_278 = arith.constant 80 : index
    %swap3A_279 = tpu.vector_load %arg9[%swap3A_277, %swap3A_278] {strides = array<i32>} : memref<24x128xf32, #tpu.memory_space<vmem>>, vector<16xf32>,
    tpu.vector_store %arg9[%swap3A_277, %swap3A_278], %broadcast_in_dim3A_0 {strides = array<i32>} : memref<24x128xf32, #tpu.memory_space<vmem>>, vector<16xf32>,
    %swap3A_280 = arith.constant 8 : i32
    %swap3A_281 = arith.index_cast %swap3A_280 : i32 to index
    %swap3A_282 = arith.constant 96 : index
    %swap3A_283 = tpu.vector_load %arg9[%swap3A_281, %swap3A_282] {strides = array<i32>} : memref<24x128xf32, #tpu.memory_space<vmem>>, vector<16xf32>,
    tpu.vector_store %arg9[%swap3A_281, %swap3A_282], %broadcast_in_dim3A_0 {strides = array<i32>} : memref<24x128xf32, #tpu.memory_space<vmem>>, vector<16xf32>,
    %swap3A_284 = arith.constant 8 : i32
    %swap3A_285 = arith.index_cast %swap3A_284 : i32 to index
    %swap3A_286 = arith.constant 112 : index
    %swap3A_287 = tpu.vector_load %arg9[%swap3A_285, %swap3A_286] {strides = array<i32>} : memref<24x128xf32, #tpu.memory_space<vmem>>, vector<16xf32>,
    tpu.vector_store %arg9[%swap3A_285, %swap3A_286], %broadcast_in_dim3A_0 {strides = array<i32>} : memref<24x128xf32, #tpu.memory_space<vmem>>, vector<16xf32>,
    %swap3A_288 = arith.constant 9 : i32
    %swap3A_289 = arith.index_cast %swap3A_288 : i32 to index
    %swap3A_290 = arith.constant 0 : index
    %swap3A_291 = tpu.vector_load %arg9[%swap3A_289, %swap3A_290] {strides = array<i32>} : memref<24x128xf32, #tpu.memory_space<vmem>>, vector<16xf32>,
    tpu.vector_store %arg9[%swap3A_289, %swap3A_290], %broadcast_in_dim3A_0 {strides = array<i32>} : memref<24x128xf32, #tpu.memory_space<vmem>>, vector<16xf32>,
    %swap3A_292 = arith.constant 9 : i32
    %swap3A_293 = arith.index_cast %swap3A_292 : i32 to index
    %swap3A_294 = arith.constant 16 : index
    %swap3A_295 = tpu.vector_load %arg9[%swap3A_293, %swap3A_294] {strides = array<i32>} : memref<24x128xf32, #tpu.memory_space<vmem>>, vector<16xf32>,
    tpu.vector_store %arg9[%swap3A_293, %swap3A_294], %broadcast_in_dim3A_0 {strides = array<i32>} : memref<24x128xf32, #tpu.memory_space<vmem>>, vector<16xf32>,
    %swap3A_296 = arith.constant 9 : i32
    %swap3A_297 = arith.index_cast %swap3A_296 : i32 to index
    %swap3A_298 = arith.constant 32 : index
    %swap3A_299 = tpu.vector_load %arg9[%swap3A_297, %swap3A_298] {strides = array<i32>} : memref<24x128xf32, #tpu.memory_space<vmem>>, vector<16xf32>,
    tpu.vector_store %arg9[%swap3A_297, %swap3A_298], %broadcast_in_dim3A_0 {strides = array<i32>} : memref<24x128xf32, #tpu.memory_space<vmem>>, vector<16xf32>,
    %swap3A_300 = arith.constant 9 : i32
    %swap3A_301 = arith.index_cast %swap3A_300 : i32 to index
    %swap3A_302 = arith.constant 48 : index
    %swap3A_303 = tpu.vector_load %arg9[%swap3A_301, %swap3A_302] {strides = array<i32>} : memref<24x128xf32, #tpu.memory_space<vmem>>, vector<16xf32>,
    tpu.vector_store %arg9[%swap3A_301, %swap3A_302], %broadcast_in_dim3A_0 {strides = array<i32>} : memref<24x128xf32, #tpu.memory_space<vmem>>, vector<16xf32>,
    %swap3A_304 = arith.constant 9 : i32
    %swap3A_305 = arith.index_cast %swap3A_304 : i32 to index
    %swap3A_306 = arith.constant 64 : index
    %swap3A_307 = tpu.vector_load %arg9[%swap3A_305, %swap3A_306] {strides = array<i32>} : memref<24x128xf32, #tpu.memory_space<vmem>>, vector<16xf32>,
    tpu.vector_store %arg9[%swap3A_305, %swap3A_306], %broadcast_in_dim3A_0 {strides = array<i32>} : memref<24x128xf32, #tpu.memory_space<vmem>>, vector<16xf32>,
    %swap3A_308 = arith.constant 9 : i32
    %swap3A_309 = arith.index_cast %swap3A_308 : i32 to index
    %swap3A_310 = arith.constant 80 : index
    %swap3A_311 = tpu.vector_load %arg9[%swap3A_309, %swap3A_310] {strides = array<i32>} : memref<24x128xf32, #tpu.memory_space<vmem>>, vector<16xf32>,
    tpu.vector_store %arg9[%swap3A_309, %swap3A_310], %broadcast_in_dim3A_0 {strides = array<i32>} : memref<24x128xf32, #tpu.memory_space<vmem>>, vector<16xf32>,
    %swap3A_312 = arith.constant 9 : i32
    %swap3A_313 = arith.index_cast %swap3A_312 : i32 to index
    %swap3A_314 = arith.constant 96 : index
    %swap3A_315 = tpu.vector_load %arg9[%swap3A_313, %swap3A_314] {strides = array<i32>} : memref<24x128xf32, #tpu.memory_space<vmem>>, vector<16xf32>,
    tpu.vector_store %arg9[%swap3A_313, %swap3A_314], %broadcast_in_dim3A_0 {strides = array<i32>} : memref<24x128xf32, #tpu.memory_space<vmem>>, vector<16xf32>,
    %swap3A_316 = arith.constant 9 : i32
    %swap3A_317 = arith.index_cast %swap3A_316 : i32 to index
    %swap3A_318 = arith.constant 112 : index
    %swap3A_319 = tpu.vector_load %arg9[%swap3A_317, %swap3A_318] {strides = array<i32>} : memref<24x128xf32, #tpu.memory_space<vmem>>, vector<16xf32>,
    tpu.vector_store %arg9[%swap3A_317, %swap3A_318], %broadcast_in_dim3A_0 {strides = array<i32>} : memref<24x128xf32, #tpu.memory_space<vmem>>, vector<16xf32>,
    %swap3A_320 = arith.constant 10 : i32
    %swap3A_321 = arith.index_cast %swap3A_320 : i32 to index
    %swap3A_322 = arith.constant 0 : index
    %swap3A_323 = tpu.vector_load %arg9[%swap3A_321, %swap3A_322] {strides = array<i32>} : memref<24x128xf32, #tpu.memory_space<vmem>>, vector<16xf32>,
    tpu.vector_store %arg9[%swap3A_321, %swap3A_322], %broadcast_in_dim3A_0 {strides = array<i32>} : memref<24x128xf32, #tpu.memory_space<vmem>>, vector<16xf32>,
    %swap3A_324 = arith.constant 10 : i32
    %swap3A_325 = arith.index_cast %swap3A_324 : i32 to index
    %swap3A_326 = arith.constant 16 : index
    %swap3A_327 = tpu.vector_load %arg9[%swap3A_325, %swap3A_326] {strides = array<i32>} : memref<24x128xf32, #tpu.memory_space<vmem>>, vector<16xf32>,
    tpu.vector_store %arg9[%swap3A_325, %swap3A_326], %broadcast_in_dim3A_0 {strides = array<i32>} : memref<24x128xf32, #tpu.memory_space<vmem>>, vector<16xf32>,
    %swap3A_328 = arith.constant 10 : i32
    %swap3A_329 = arith.index_cast %swap3A_328 : i32 to index
    %swap3A_330 = arith.constant 32 : index
    %swap3A_331 = tpu.vector_load %arg9[%swap3A_329, %swap3A_330] {strides = array<i32>} : memref<24x128xf32, #tpu.memory_space<vmem>>, vector<16xf32>,
    tpu.vector_store %arg9[%swap3A_329, %swap3A_330], %broadcast_in_dim3A_0 {strides = array<i32>} : memref<24x128xf32, #tpu.memory_space<vmem>>, vector<16xf32>,
    %swap3A_332 = arith.constant 10 : i32
    %swap3A_333 = arith.index_cast %swap3A_332 : i32 to index
    %swap3A_334 = arith.constant 48 : index
    %swap3A_335 = tpu.vector_load %arg9[%swap3A_333, %swap3A_334] {strides = array<i32>} : memref<24x128xf32, #tpu.memory_space<vmem>>, vector<16xf32>,
    tpu.vector_store %arg9[%swap3A_333, %swap3A_334], %broadcast_in_dim3A_0 {strides = array<i32>} : memref<24x128xf32, #tpu.memory_space<vmem>>, vector<16xf32>,
    %swap3A_336 = arith.constant 10 : i32
    %swap3A_337 = arith.index_cast %swap3A_336 : i32 to index
    %swap3A_338 = arith.constant 64 : index
    %swap3A_339 = tpu.vector_load %arg9[%swap3A_337, %swap3A_338] {strides = array<i32>} : memref<24x128xf32, #tpu.memory_space<vmem>>, vector<16xf32>,
    tpu.vector_store %arg9[%swap3A_337, %swap3A_338], %broadcast_in_dim3A_0 {strides = array<i32>} : memref<24x128xf32, #tpu.memory_space<vmem>>, vector<16xf32>,
    %swap3A_340 = arith.constant 10 : i32
    %swap3A_341 = arith.index_cast %swap3A_340 : i32 to index
    %swap3A_342 = arith.constant 80 : index
    %swap3A_343 = tpu.vector_load %arg9[%swap3A_341, %swap3A_342] {strides = array<i32>} : memref<24x128xf32, #tpu.memory_space<vmem>>, vector<16xf32>,
    tpu.vector_store %arg9[%swap3A_341, %swap3A_342], %broadcast_in_dim3A_0 {strides = array<i32>} : memref<24x128xf32, #tpu.memory_space<vmem>>, vector<16xf32>,
    %swap3A_344 = arith.constant 10 : i32
    %swap3A_345 = arith.index_cast %swap3A_344 : i32 to index
    %swap3A_346 = arith.constant 96 : index
    %swap3A_347 = tpu.vector_load %arg9[%swap3A_345, %swap3A_346] {strides = array<i32>} : memref<24x128xf32, #tpu.memory_space<vmem>>, vector<16xf32>,
    tpu.vector_store %arg9[%swap3A_345, %swap3A_346], %broadcast_in_dim3A_0 {strides = array<i32>} : memref<24x128xf32, #tpu.memory_space<vmem>>, vector<16xf32>,
    %swap3A_348 = arith.constant 10 : i32
    %swap3A_349 = arith.index_cast %swap3A_348 : i32 to index
    %swap3A_350 = arith.constant 112 : index
    %swap3A_351 = tpu.vector_load %arg9[%swap3A_349, %swap3A_350] {strides = array<i32>} : memref<24x128xf32, #tpu.memory_space<vmem>>, vector<16xf32>,
    tpu.vector_store %arg9[%swap3A_349, %swap3A_350], %broadcast_in_dim3A_0 {strides = array<i32>} : memref<24x128xf32, #tpu.memory_space<vmem>>, vector<16xf32>,
    %swap3A_352 = arith.constant 11 : i32
    %swap3A_353 = arith.index_cast %swap3A_352 : i32 to index
    %swap3A_354 = arith.constant 0 : index
    %swap3A_355 = tpu.vector_load %arg9[%swap3A_353, %swap3A_354] {strides = array<i32>} : memref<24x128xf32, #tpu.memory_space<vmem>>, vector<16xf32>,
    tpu.vector_store %arg9[%swap3A_353, %swap3A_354], %broadcast_in_dim3A_0 {strides = array<i32>} : memref<24x128xf32, #tpu.memory_space<vmem>>, vector<16xf32>,
    %swap3A_356 = arith.constant 11 : i32
    %swap3A_357 = arith.index_cast %swap3A_356 : i32 to index
    %swap3A_358 = arith.constant 16 : index
    %swap3A_359 = tpu.vector_load %arg9[%swap3A_357, %swap3A_358] {strides = array<i32>} : memref<24x128xf32, #tpu.memory_space<vmem>>, vector<16xf32>,
    tpu.vector_store %arg9[%swap3A_357, %swap3A_358], %broadcast_in_dim3A_0 {strides = array<i32>} : memref<24x128xf32, #tpu.memory_space<vmem>>, vector<16xf32>,
    %swap3A_360 = arith.constant 11 : i32
    %swap3A_361 = arith.index_cast %swap3A_360 : i32 to index
    %swap3A_362 = arith.constant 32 : index
    %swap3A_363 = tpu.vector_load %arg9[%swap3A_361, %swap3A_362] {strides = array<i32>} : memref<24x128xf32, #tpu.memory_space<vmem>>, vector<16xf32>,
    tpu.vector_store %arg9[%swap3A_361, %swap3A_362], %broadcast_in_dim3A_0 {strides = array<i32>} : memref<24x128xf32, #tpu.memory_space<vmem>>, vector<16xf32>,
    %swap3A_364 = arith.constant 11 : i32
    %swap3A_365 = arith.index_cast %swap3A_364 : i32 to index
    %swap3A_366 = arith.constant 48 : index
    %swap3A_367 = tpu.vector_load %arg9[%swap3A_365, %swap3A_366] {strides = array<i32>} : memref<24x128xf32, #tpu.memory_space<vmem>>, vector<16xf32>,
    tpu.vector_store %arg9[%swap3A_365, %swap3A_366], %broadcast_in_dim3A_0 {strides = array<i32>} : memref<24x128xf32, #tpu.memory_space<vmem>>, vector<16xf32>,
    %swap3A_368 = arith.constant 11 : i32
    %swap3A_369 = arith.index_cast %swap3A_368 : i32 to index
    %swap3A_370 = arith.constant 64 : index
    %swap3A_371 = tpu.vector_load %arg9[%swap3A_369, %swap3A_370] {strides = array<i32>} : memref<24x128xf32, #tpu.memory_space<vmem>>, vector<16xf32>,
    tpu.vector_store %arg9[%swap3A_369, %swap3A_370], %broadcast_in_dim3A_0 {strides = array<i32>} : memref<24x128xf32, #tpu.memory_space<vmem>>, vector<16xf32>,
    %swap3A_372 = arith.constant 11 : i32
    %swap3A_373 = arith.index_cast %swap3A_372 : i32 to index
    %swap3A_374 = arith.constant 80 : index
    %swap3A_375 = tpu.vector_load %arg9[%swap3A_373, %swap3A_374] {strides = array<i32>} : memref<24x128xf32, #tpu.memory_space<vmem>>, vector<16xf32>,
    tpu.vector_store %arg9[%swap3A_373, %swap3A_374], %broadcast_in_dim3A_0 {strides = array<i32>} : memref<24x128xf32, #tpu.memory_space<vmem>>, vector<16xf32>,
    %swap3A_376 = arith.constant 11 : i32
    %swap3A_377 = arith.index_cast %swap3A_376 : i32 to index
    %swap3A_378 = arith.constant 96 : index
    %swap3A_379 = tpu.vector_load %arg9[%swap3A_377, %swap3A_378] {strides = array<i32>} : memref<24x128xf32, #tpu.memory_space<vmem>>, vector<16xf32>,
    tpu.vector_store %arg9[%swap3A_377, %swap3A_378], %broadcast_in_dim3A_0 {strides = array<i32>} : memref<24x128xf32, #tpu.memory_space<vmem>>, vector<16xf32>,
    %swap3A_380 = arith.constant 11 : i32
    %swap3A_381 = arith.index_cast %swap3A_380 : i32 to index
    %swap3A_382 = arith.constant 112 : index
    %swap3A_383 = tpu.vector_load %arg9[%swap3A_381, %swap3A_382] {strides = array<i32>} : memref<24x128xf32, #tpu.memory_space<vmem>>, vector<16xf32>,
    tpu.vector_store %arg9[%swap3A_381, %swap3A_382], %broadcast_in_dim3A_0 {strides = array<i32>} : memref<24x128xf32, #tpu.memory_space<vmem>>, vector<16xf32>,
    %swap3A_384 = arith.constant 12 : i32
    %swap3A_385 = arith.index_cast %swap3A_384 : i32 to index
    %swap3A_386 = arith.constant 0 : index
    %swap3A_387 = tpu.vector_load %arg9[%swap3A_385, %swap3A_386] {strides = array<i32>} : memref<24x128xf32, #tpu.memory_space<vmem>>, vector<16xf32>,
    tpu.vector_store %arg9[%swap3A_385, %swap3A_386], %broadcast_in_dim3A_0 {strides = array<i32>} : memref<24x128xf32, #tpu.memory_space<vmem>>, vector<16xf32>,
    %swap3A_388 = arith.constant 12 : i32
    %swap3A_389 = arith.index_cast %swap3A_388 : i32 to index
    %swap3A_390 = arith.constant 16 : index
    %swap3A_391 = tpu.vector_load %arg9[%swap3A_389, %swap3A_390] {strides = array<i32>} : memref<24x128xf32, #tpu.memory_space<vmem>>, vector<16xf32>,
    tpu.vector_store %arg9[%swap3A_389, %swap3A_390], %broadcast_in_dim3A_0 {strides = array<i32>} : memref<24x128xf32, #tpu.memory_space<vmem>>, vector<16xf32>,
    %swap3A_392 = arith.constant 12 : i32
    %swap3A_393 = arith.index_cast %swap3A_392 : i32 to index
    %swap3A_394 = arith.constant 32 : index
    %swap3A_395 = tpu.vector_load %arg9[%swap3A_393, %swap3A_394] {strides = array<i32>} : memref<24x128xf32, #tpu.memory_space<vmem>>, vector<16xf32>,
    tpu.vector_store %arg9[%swap3A_393, %swap3A_394], %broadcast_in_dim3A_0 {strides = array<i32>} : memref<24x128xf32, #tpu.memory_space<vmem>>, vector<16xf32>,
    %swap3A_396 = arith.constant 12 : i32
    %swap3A_397 = arith.index_cast %swap3A_396 : i32 to index
    %swap3A_398 = arith.constant 48 : index
    %swap3A_399 = tpu.vector_load %arg9[%swap3A_397, %swap3A_398] {strides = array<i32>} : memref<24x128xf32, #tpu.memory_space<vmem>>, vector<16xf32>,
    tpu.vector_store %arg9[%swap3A_397, %swap3A_398], %broadcast_in_dim3A_0 {strides = array<i32>} : memref<24x128xf32, #tpu.memory_space<vmem>>, vector<16xf32>,
    %swap3A_400 = arith.constant 12 : i32
    %swap3A_401 = arith.index_cast %swap3A_400 : i32 to index
    %swap3A_402 = arith.constant 64 : index
    %swap3A_403 = tpu.vector_load %arg9[%swap3A_401, %swap3A_402] {strides = array<i32>} : memref<24x128xf32, #tpu.memory_space<vmem>>, vector<16xf32>,
    tpu.vector_store %arg9[%swap3A_401, %swap3A_402], %broadcast_in_dim3A_0 {strides = array<i32>} : memref<24x128xf32, #tpu.memory_space<vmem>>, vector<16xf32>,
    %swap3A_404 = arith.constant 12 : i32
    %swap3A_405 = arith.index_cast %swap3A_404 : i32 to index
    %swap3A_406 = arith.constant 80 : index
    %swap3A_407 = tpu.vector_load %arg9[%swap3A_405, %swap3A_406] {strides = array<i32>} : memref<24x128xf32, #tpu.memory_space<vmem>>, vector<16xf32>,
    tpu.vector_store %arg9[%swap3A_405, %swap3A_406], %broadcast_in_dim3A_0 {strides = array<i32>} : memref<24x128xf32, #tpu.memory_space<vmem>>, vector<16xf32>,
    %swap3A_408 = arith.constant 12 : i32
    %swap3A_409 = arith.index_cast %swap3A_408 : i32 to index
    %swap3A_410 = arith.constant 96 : index
    %swap3A_411 = tpu.vector_load %arg9[%swap3A_409, %swap3A_410] {strides = array<i32>} : memref<24x128xf32, #tpu.memory_space<vmem>>, vector<16xf32>,
    tpu.vector_store %arg9[%swap3A_409, %swap3A_410], %broadcast_in_dim3A_0 {strides = array<i32>} : memref<24x128xf32, #tpu.memory_space<vmem>>, vector<16xf32>,
    %swap3A_412 = arith.constant 12 : i32
    %swap3A_413 = arith.index_cast %swap3A_412 : i32 to index
    %swap3A_414 = arith.constant 112 : index
    %swap3A_415 = tpu.vector_load %arg9[%swap3A_413, %swap3A_414] {strides = array<i32>} : memref<24x128xf32, #tpu.memory_space<vmem>>, vector<16xf32>,
    tpu.vector_store %arg9[%swap3A_413, %swap3A_414], %broadcast_in_dim3A_0 {strides = array<i32>} : memref<24x128xf32, #tpu.memory_space<vmem>>, vector<16xf32>,
    %swap3A_416 = arith.constant 13 : i32
    %swap3A_417 = arith.index_cast %swap3A_416 : i32 to index
    %swap3A_418 = arith.constant 0 : index
    %swap3A_419 = tpu.vector_load %arg9[%swap3A_417, %swap3A_418] {strides = array<i32>} : memref<24x128xf32, #tpu.memory_space<vmem>>, vector<16xf32>,
    tpu.vector_store %arg9[%swap3A_417, %swap3A_418], %broadcast_in_dim3A_0 {strides = array<i32>} : memref<24x128xf32, #tpu.memory_space<vmem>>, vector<16xf32>,
    %swap3A_420 = arith.constant 13 : i32
    %swap3A_421 = arith.index_cast %swap3A_420 : i32 to index
    %swap3A_422 = arith.constant 16 : index
    %swap3A_423 = tpu.vector_load %arg9[%swap3A_421, %swap3A_422] {strides = array<i32>} : memref<24x128xf32, #tpu.memory_space<vmem>>, vector<16xf32>,
    tpu.vector_store %arg9[%swap3A_421, %swap3A_422], %broadcast_in_dim3A_0 {strides = array<i32>} : memref<24x128xf32, #tpu.memory_space<vmem>>, vector<16xf32>,
    %swap3A_424 = arith.constant 13 : i32
    %swap3A_425 = arith.index_cast %swap3A_424 : i32 to index
    %swap3A_426 = arith.constant 32 : index
    %swap3A_427 = tpu.vector_load %arg9[%swap3A_425, %swap3A_426] {strides = array<i32>} : memref<24x128xf32, #tpu.memory_space<vmem>>, vector<16xf32>,
    tpu.vector_store %arg9[%swap3A_425, %swap3A_426], %broadcast_in_dim3A_0 {strides = array<i32>} : memref<24x128xf32, #tpu.memory_space<vmem>>, vector<16xf32>,
    %swap3A_428 = arith.constant 13 : i32
    %swap3A_429 = arith.index_cast %swap3A_428 : i32 to index
    %swap3A_430 = arith.constant 48 : index
    %swap3A_431 = tpu.vector_load %arg9[%swap3A_429, %swap3A_430] {strides = array<i32>} : memref<24x128xf32, #tpu.memory_space<vmem>>, vector<16xf32>,
    tpu.vector_store %arg9[%swap3A_429, %swap3A_430], %broadcast_in_dim3A_0 {strides = array<i32>} : memref<24x128xf32, #tpu.memory_space<vmem>>, vector<16xf32>,
    %swap3A_432 = arith.constant 13 : i32
    %swap3A_433 = arith.index_cast %swap3A_432 : i32 to index
    %swap3A_434 = arith.constant 64 : index
    %swap3A_435 = tpu.vector_load %arg9[%swap3A_433, %swap3A_434] {strides = array<i32>} : memref<24x128xf32, #tpu.memory_space<vmem>>, vector<16xf32>,
    tpu.vector_store %arg9[%swap3A_433, %swap3A_434], %broadcast_in_dim3A_0 {strides = array<i32>} : memref<24x128xf32, #tpu.memory_space<vmem>>, vector<16xf32>,
    %swap3A_436 = arith.constant 13 : i32
    %swap3A_437 = arith.index_cast %swap3A_436 : i32 to index
    %swap3A_438 = arith.constant 80 : index
    %swap3A_439 = tpu.vector_load %arg9[%swap3A_437, %swap3A_438] {strides = array<i32>} : memref<24x128xf32, #tpu.memory_space<vmem>>, vector<16xf32>,
    tpu.vector_store %arg9[%swap3A_437, %swap3A_438], %broadcast_in_dim3A_0 {strides = array<i32>} : memref<24x128xf32, #tpu.memory_space<vmem>>, vector<16xf32>,
    %swap3A_440 = arith.constant 13 : i32
    %swap3A_441 = arith.index_cast %swap3A_440 : i32 to index
    %swap3A_442 = arith.constant 96 : index
    %swap3A_443 = tpu.vector_load %arg9[%swap3A_441, %swap3A_442] {strides = array<i32>} : memref<24x128xf32, #tpu.memory_space<vmem>>, vector<16xf32>,
    tpu.vector_store %arg9[%swap3A_441, %swap3A_442], %broadcast_in_dim3A_0 {strides = array<i32>} : memref<24x128xf32, #tpu.memory_space<vmem>>, vector<16xf32>,
    %swap3A_444 = arith.constant 13 : i32
    %swap3A_445 = arith.index_cast %swap3A_444 : i32 to index
    %swap3A_446 = arith.constant 112 : index
    %swap3A_447 = tpu.vector_load %arg9[%swap3A_445, %swap3A_446] {strides = array<i32>} : memref<24x128xf32, #tpu.memory_space<vmem>>, vector<16xf32>,
    tpu.vector_store %arg9[%swap3A_445, %swap3A_446], %broadcast_in_dim3A_0 {strides = array<i32>} : memref<24x128xf32, #tpu.memory_space<vmem>>, vector<16xf32>,
    %swap3A_448 = arith.constant 14 : i32
    %swap3A_449 = arith.index_cast %swap3A_448 : i32 to index
    %swap3A_450 = arith.constant 0 : index
    %swap3A_451 = tpu.vector_load %arg9[%swap3A_449, %swap3A_450] {strides = array<i32>} : memref<24x128xf32, #tpu.memory_space<vmem>>, vector<16xf32>,
    tpu.vector_store %arg9[%swap3A_449, %swap3A_450], %broadcast_in_dim3A_0 {strides = array<i32>} : memref<24x128xf32, #tpu.memory_space<vmem>>, vector<16xf32>,
    %swap3A_452 = arith.constant 14 : i32
    %swap3A_453 = arith.index_cast %swap3A_452 : i32 to index
    %swap3A_454 = arith.constant 16 : index
    %swap3A_455 = tpu.vector_load %arg9[%swap3A_453, %swap3A_454] {strides = array<i32>} : memref<24x128xf32, #tpu.memory_space<vmem>>, vector<16xf32>,
    tpu.vector_store %arg9[%swap3A_453, %swap3A_454], %broadcast_in_dim3A_0 {strides = array<i32>} : memref<24x128xf32, #tpu.memory_space<vmem>>, vector<16xf32>,
    %swap3A_456 = arith.constant 14 : i32
    %swap3A_457 = arith.index_cast %swap3A_456 : i32 to index
    %swap3A_458 = arith.constant 32 : index
    %swap3A_459 = tpu.vector_load %arg9[%swap3A_457, %swap3A_458] {strides = array<i32>} : memref<24x128xf32, #tpu.memory_space<vmem>>, vector<16xf32>,
    tpu.vector_store %arg9[%swap3A_457, %swap3A_458], %broadcast_in_dim3A_0 {strides = array<i32>} : memref<24x128xf32, #tpu.memory_space<vmem>>, vector<16xf32>,
    %swap3A_460 = arith.constant 14 : i32
    %swap3A_461 = arith.index_cast %swap3A_460 : i32 to index
    %swap3A_462 = arith.constant 48 : index
    %swap3A_463 = tpu.vector_load %arg9[%swap3A_461, %swap3A_462] {strides = array<i32>} : memref<24x128xf32, #tpu.memory_space<vmem>>, vector<16xf32>,
    tpu.vector_store %arg9[%swap3A_461, %swap3A_462], %broadcast_in_dim3A_0 {strides = array<i32>} : memref<24x128xf32, #tpu.memory_space<vmem>>, vector<16xf32>,
    %swap3A_464 = arith.constant 14 : i32
    %swap3A_465 = arith.index_cast %swap3A_464 : i32 to index
    %swap3A_466 = arith.constant 64 : index
    %swap3A_467 = tpu.vector_load %arg9[%swap3A_465, %swap3A_466] {strides = array<i32>} : memref<24x128xf32, #tpu.memory_space<vmem>>, vector<16xf32>,
    tpu.vector_store %arg9[%swap3A_465, %swap3A_466], %broadcast_in_dim3A_0 {strides = array<i32>} : memref<24x128xf32, #tpu.memory_space<vmem>>, vector<16xf32>,
    %swap3A_468 = arith.constant 14 : i32
    %swap3A_469 = arith.index_cast %swap3A_468 : i32 to index
    %swap3A_470 = arith.constant 80 : index
    %swap3A_471 = tpu.vector_load %arg9[%swap3A_469, %swap3A_470] {strides = array<i32>} : memref<24x128xf32, #tpu.memory_space<vmem>>, vector<16xf32>,
    tpu.vector_store %arg9[%swap3A_469, %swap3A_470], %broadcast_in_dim3A_0 {strides = array<i32>} : memref<24x128xf32, #tpu.memory_space<vmem>>, vector<16xf32>,
    %swap3A_472 = arith.constant 14 : i32
    %swap3A_473 = arith.index_cast %swap3A_472 : i32 to index
    %swap3A_474 = arith.constant 96 : index
    %swap3A_475 = tpu.vector_load %arg9[%swap3A_473, %swap3A_474] {strides = array<i32>} : memref<24x128xf32, #tpu.memory_space<vmem>>, vector<16xf32>,
    tpu.vector_store %arg9[%swap3A_473, %swap3A_474], %broadcast_in_dim3A_0 {strides = array<i32>} : memref<24x128xf32, #tpu.memory_space<vmem>>, vector<16xf32>,
    %swap3A_476 = arith.constant 14 : i32
    %swap3A_477 = arith.index_cast %swap3A_476 : i32 to index
    %swap3A_478 = arith.constant 112 : index
    %swap3A_479 = tpu.vector_load %arg9[%swap3A_477, %swap3A_478] {strides = array<i32>} : memref<24x128xf32, #tpu.memory_space<vmem>>, vector<16xf32>,
    tpu.vector_store %arg9[%swap3A_477, %swap3A_478], %broadcast_in_dim3A_0 {strides = array<i32>} : memref<24x128xf32, #tpu.memory_space<vmem>>, vector<16xf32>,
    %swap3A_480 = arith.constant 15 : i32
    %swap3A_481 = arith.index_cast %swap3A_480 : i32 to index
    %swap3A_482 = arith.constant 0 : index
    %swap3A_483 = tpu.vector_load %arg9[%swap3A_481, %swap3A_482] {strides = array<i32>} : memref<24x128xf32, #tpu.memory_space<vmem>>, vector<16xf32>,
    tpu.vector_store %arg9[%swap3A_481, %swap3A_482], %broadcast_in_dim3A_0 {strides = array<i32>} : memref<24x128xf32, #tpu.memory_space<vmem>>, vector<16xf32>,
    %swap3A_484 = arith.constant 15 : i32
    %swap3A_485 = arith.index_cast %swap3A_484 : i32 to index
    %swap3A_486 = arith.constant 16 : index
    %swap3A_487 = tpu.vector_load %arg9[%swap3A_485, %swap3A_486] {strides = array<i32>} : memref<24x128xf32, #tpu.memory_space<vmem>>, vector<16xf32>,
    tpu.vector_store %arg9[%swap3A_485, %swap3A_486], %broadcast_in_dim3A_0 {strides = array<i32>} : memref<24x128xf32, #tpu.memory_space<vmem>>, vector<16xf32>,
    %swap3A_488 = arith.constant 15 : i32
    %swap3A_489 = arith.index_cast %swap3A_488 : i32 to index
    %swap3A_490 = arith.constant 32 : index
    %swap3A_491 = tpu.vector_load %arg9[%swap3A_489, %swap3A_490] {strides = array<i32>} : memref<24x128xf32, #tpu.memory_space<vmem>>, vector<16xf32>,
    tpu.vector_store %arg9[%swap3A_489, %swap3A_490], %broadcast_in_dim3A_0 {strides = array<i32>} : memref<24x128xf32, #tpu.memory_space<vmem>>, vector<16xf32>,
    %swap3A_492 = arith.constant 15 : i32
    %swap3A_493 = arith.index_cast %swap3A_492 : i32 to index
    %swap3A_494 = arith.constant 48 : index
    %swap3A_495 = tpu.vector_load %arg9[%swap3A_493, %swap3A_494] {strides = array<i32>} : memref<24x128xf32, #tpu.memory_space<vmem>>, vector<16xf32>,
    tpu.vector_store %arg9[%swap3A_493, %swap3A_494], %broadcast_in_dim3A_0 {strides = array<i32>} : memref<24x128xf32, #tpu.memory_space<vmem>>, vector<16xf32>,
    %swap3A_496 = arith.constant 15 : i32
    %swap3A_497 = arith.index_cast %swap3A_496 : i32 to index
    %swap3A_498 = arith.constant 64 : index
    %swap3A_499 = tpu.vector_load %arg9[%swap3A_497, %swap3A_498] {strides = array<i32>} : memref<24x128xf32, #tpu.memory_space<vmem>>, vector<16xf32>,
    tpu.vector_store %arg9[%swap3A_497, %swap3A_498], %broadcast_in_dim3A_0 {strides = array<i32>} : memref<24x128xf32, #tpu.memory_space<vmem>>, vector<16xf32>,
    %swap3A_500 = arith.constant 15 : i32
    %swap3A_501 = arith.index_cast %swap3A_500 : i32 to index
    %swap3A_502 = arith.constant 80 : index
    %swap3A_503 = tpu.vector_load %arg9[%swap3A_501, %swap3A_502] {strides = array<i32>} : memref<24x128xf32, #tpu.memory_space<vmem>>, vector<16xf32>,
    tpu.vector_store %arg9[%swap3A_501, %swap3A_502], %broadcast_in_dim3A_0 {strides = array<i32>} : memref<24x128xf32, #tpu.memory_space<vmem>>, vector<16xf32>,
    %swap3A_504 = arith.constant 15 : i32
    %swap3A_505 = arith.index_cast %swap3A_504 : i32 to index
    %swap3A_506 = arith.constant 96 : index
    %swap3A_507 = tpu.vector_load %arg9[%swap3A_505, %swap3A_506] {strides = array<i32>} : memref<24x128xf32, #tpu.memory_space<vmem>>, vector<16xf32>,
    tpu.vector_store %arg9[%swap3A_505, %swap3A_506], %broadcast_in_dim3A_0 {strides = array<i32>} : memref<24x128xf32, #tpu.memory_space<vmem>>, vector<16xf32>,
    %swap3A_508 = arith.constant 15 : i32
    %swap3A_509 = arith.index_cast %swap3A_508 : i32 to index
    %swap3A_510 = arith.constant 112 : index
    %swap3A_511 = tpu.vector_load %arg9[%swap3A_509, %swap3A_510] {strides = array<i32>} : memref<24x128xf32, #tpu.memory_space<vmem>>, vector<16xf32>,
    tpu.vector_store %arg9[%swap3A_509, %swap3A_510], %broadcast_in_dim3A_0 {strides = array<i32>} : memref<24x128xf32, #tpu.memory_space<vmem>>, vector<16xf32>,
    %swap3A_512 = arith.constant 16 : i32
    %swap3A_513 = arith.index_cast %swap3A_512 : i32 to index
    %swap3A_514 = arith.constant 0 : index
    %swap3A_515 = tpu.vector_load %arg9[%swap3A_513, %swap3A_514] {strides = array<i32>} : memref<24x128xf32, #tpu.memory_space<vmem>>, vector<16xf32>,
    tpu.vector_store %arg9[%swap3A_513, %swap3A_514], %broadcast_in_dim3A_0 {strides = array<i32>} : memref<24x128xf32, #tpu.memory_space<vmem>>, vector<16xf32>,
    %swap3A_516 = arith.constant 16 : i32
    %swap3A_517 = arith.index_cast %swap3A_516 : i32 to index
    %swap3A_518 = arith.constant 16 : index
    %swap3A_519 = tpu.vector_load %arg9[%swap3A_517, %swap3A_518] {strides = array<i32>} : memref<24x128xf32, #tpu.memory_space<vmem>>, vector<16xf32>,
    tpu.vector_store %arg9[%swap3A_517, %swap3A_518], %broadcast_in_dim3A_0 {strides = array<i32>} : memref<24x128xf32, #tpu.memory_space<vmem>>, vector<16xf32>,
    %swap3A_520 = arith.constant 16 : i32
    %swap3A_521 = arith.index_cast %swap3A_520 : i32 to index
    %swap3A_522 = arith.constant 32 : index
    %swap3A_523 = tpu.vector_load %arg9[%swap3A_521, %swap3A_522] {strides = array<i32>} : memref<24x128xf32, #tpu.memory_space<vmem>>, vector<16xf32>,
    tpu.vector_store %arg9[%swap3A_521, %swap3A_522], %broadcast_in_dim3A_0 {strides = array<i32>} : memref<24x128xf32, #tpu.memory_space<vmem>>, vector<16xf32>,
    %swap3A_524 = arith.constant 16 : i32
    %swap3A_525 = arith.index_cast %swap3A_524 : i32 to index
    %swap3A_526 = arith.constant 48 : index
    %swap3A_527 = tpu.vector_load %arg9[%swap3A_525, %swap3A_526] {strides = array<i32>} : memref<24x128xf32, #tpu.memory_space<vmem>>, vector<16xf32>,
    tpu.vector_store %arg9[%swap3A_525, %swap3A_526], %broadcast_in_dim3A_0 {strides = array<i32>} : memref<24x128xf32, #tpu.memory_space<vmem>>, vector<16xf32>,
    %swap3A_528 = arith.constant 16 : i32
    %swap3A_529 = arith.index_cast %swap3A_528 : i32 to index
    %swap3A_530 = arith.constant 64 : index
    %swap3A_531 = tpu.vector_load %arg9[%swap3A_529, %swap3A_530] {strides = array<i32>} : memref<24x128xf32, #tpu.memory_space<vmem>>, vector<16xf32>,
    tpu.vector_store %arg9[%swap3A_529, %swap3A_530], %broadcast_in_dim3A_0 {strides = array<i32>} : memref<24x128xf32, #tpu.memory_space<vmem>>, vector<16xf32>,
    %swap3A_532 = arith.constant 16 : i32
    %swap3A_533 = arith.index_cast %swap3A_532 : i32 to index
    %swap3A_534 = arith.constant 80 : index
    %swap3A_535 = tpu.vector_load %arg9[%swap3A_533, %swap3A_534] {strides = array<i32>} : memref<24x128xf32, #tpu.memory_space<vmem>>, vector<16xf32>,
    tpu.vector_store %arg9[%swap3A_533, %swap3A_534], %broadcast_in_dim3A_0 {strides = array<i32>} : memref<24x128xf32, #tpu.memory_space<vmem>>, vector<16xf32>,
    %swap3A_536 = arith.constant 16 : i32
    %swap3A_537 = arith.index_cast %swap3A_536 : i32 to index
    %swap3A_538 = arith.constant 96 : index
    %swap3A_539 = tpu.vector_load %arg9[%swap3A_537, %swap3A_538] {strides = array<i32>} : memref<24x128xf32, #tpu.memory_space<vmem>>, vector<16xf32>,
    tpu.vector_store %arg9[%swap3A_537, %swap3A_538], %broadcast_in_dim3A_0 {strides = array<i32>} : memref<24x128xf32, #tpu.memory_space<vmem>>, vector<16xf32>,
    %swap3A_540 = arith.constant 16 : i32
    %swap3A_541 = arith.index_cast %swap3A_540 : i32 to index
    %swap3A_542 = arith.constant 112 : index
    %swap3A_543 = tpu.vector_load %arg9[%swap3A_541, %swap3A_542] {strides = array<i32>} : memref<24x128xf32, #tpu.memory_space<vmem>>, vector<16xf32>,
    tpu.vector_store %arg9[%swap3A_541, %swap3A_542], %broadcast_in_dim3A_0 {strides = array<i32>} : memref<24x128xf32, #tpu.memory_space<vmem>>, vector<16xf32>,
    %swap3A_544 = arith.constant 17 : i32
    %swap3A_545 = arith.index_cast %swap3A_544 : i32 to index
    %swap3A_546 = arith.constant 0 : index
    %swap3A_547 = tpu.vector_load %arg9[%swap3A_545, %swap3A_546] {strides = array<i32>} : memref<24x128xf32, #tpu.memory_space<vmem>>, vector<16xf32>,
    tpu.vector_store %arg9[%swap3A_545, %swap3A_546], %broadcast_in_dim3A_0 {strides = array<i32>} : memref<24x128xf32, #tpu.memory_space<vmem>>, vector<16xf32>,
    %swap3A_548 = arith.constant 17 : i32
    %swap3A_549 = arith.index_cast %swap3A_548 : i32 to index
    %swap3A_550 = arith.constant 16 : index
    %swap3A_551 = tpu.vector_load %arg9[%swap3A_549, %swap3A_550] {strides = array<i32>} : memref<24x128xf32, #tpu.memory_space<vmem>>, vector<16xf32>,
    tpu.vector_store %arg9[%swap3A_549, %swap3A_550], %broadcast_in_dim3A_0 {strides = array<i32>} : memref<24x128xf32, #tpu.memory_space<vmem>>, vector<16xf32>,
    %swap3A_552 = arith.constant 17 : i32
    %swap3A_553 = arith.index_cast %swap3A_552 : i32 to index
    %swap3A_554 = arith.constant 32 : index
    %swap3A_555 = tpu.vector_load %arg9[%swap3A_553, %swap3A_554] {strides = array<i32>} : memref<24x128xf32, #tpu.memory_space<vmem>>, vector<16xf32>,
    tpu.vector_store %arg9[%swap3A_553, %swap3A_554], %broadcast_in_dim3A_0 {strides = array<i32>} : memref<24x128xf32, #tpu.memory_space<vmem>>, vector<16xf32>,
    %swap3A_556 = arith.constant 17 : i32
    %swap3A_557 = arith.index_cast %swap3A_556 : i32 to index
    %swap3A_558 = arith.constant 48 : index
    %swap3A_559 = tpu.vector_load %arg9[%swap3A_557, %swap3A_558] {strides = array<i32>} : memref<24x128xf32, #tpu.memory_space<vmem>>, vector<16xf32>,
    tpu.vector_store %arg9[%swap3A_557, %swap3A_558], %broadcast_in_dim3A_0 {strides = array<i32>} : memref<24x128xf32, #tpu.memory_space<vmem>>, vector<16xf32>,
    %swap3A_560 = arith.constant 17 : i32
    %swap3A_561 = arith.index_cast %swap3A_560 : i32 to index
    %swap3A_562 = arith.constant 64 : index
    %swap3A_563 = tpu.vector_load %arg9[%swap3A_561, %swap3A_562] {strides = array<i32>} : memref<24x128xf32, #tpu.memory_space<vmem>>, vector<16xf32>,
    tpu.vector_store %arg9[%swap3A_561, %swap3A_562], %broadcast_in_dim3A_0 {strides = array<i32>} : memref<24x128xf32, #tpu.memory_space<vmem>>, vector<16xf32>,
    %swap3A_564 = arith.constant 17 : i32
    %swap3A_565 = arith.index_cast %swap3A_564 : i32 to index
    %swap3A_566 = arith.constant 80 : index
    %swap3A_567 = tpu.vector_load %arg9[%swap3A_565, %swap3A_566] {strides = array<i32>} : memref<24x128xf32, #tpu.memory_space<vmem>>, vector<16xf32>,
    tpu.vector_store %arg9[%swap3A_565, %swap3A_566], %broadcast_in_dim3A_0 {strides = array<i32>} : memref<24x128xf32, #tpu.memory_space<vmem>>, vector<16xf32>,
    %swap3A_568 = arith.constant 17 : i32
    %swap3A_569 = arith.index_cast %swap3A_568 : i32 to index
    %swap3A_570 = arith.constant 96 : index
    %swap3A_571 = tpu.vector_load %arg9[%swap3A_569, %swap3A_570] {strides = array<i32>} : memref<24x128xf32, #tpu.memory_space<vmem>>, vector<16xf32>,
    tpu.vector_store %arg9[%swap3A_569, %swap3A_570], %broadcast_in_dim3A_0 {strides = array<i32>} : memref<24x128xf32, #tpu.memory_space<vmem>>, vector<16xf32>,
    %swap3A_572 = arith.constant 17 : i32
    %swap3A_573 = arith.index_cast %swap3A_572 : i32 to index
    %swap3A_574 = arith.constant 112 : index
    %swap3A_575 = tpu.vector_load %arg9[%swap3A_573, %swap3A_574] {strides = array<i32>} : memref<24x128xf32, #tpu.memory_space<vmem>>, vector<16xf32>,
    tpu.vector_store %arg9[%swap3A_573, %swap3A_574], %broadcast_in_dim3A_0 {strides = array<i32>} : memref<24x128xf32, #tpu.memory_space<vmem>>, vector<16xf32>,
    %swap3A_576 = arith.constant 18 : i32
    %swap3A_577 = arith.index_cast %swap3A_576 : i32 to index
    %swap3A_578 = arith.constant 0 : index
    %swap3A_579 = tpu.vector_load %arg9[%swap3A_577, %swap3A_578] {strides = array<i32>} : memref<24x128xf32, #tpu.memory_space<vmem>>, vector<16xf32>,
    tpu.vector_store %arg9[%swap3A_577, %swap3A_578], %broadcast_in_dim3A_0 {strides = array<i32>} : memref<24x128xf32, #tpu.memory_space<vmem>>, vector<16xf32>,
    %swap3A_580 = arith.constant 18 : i32
    %swap3A_581 = arith.index_cast %swap3A_580 : i32 to index
    %swap3A_582 = arith.constant 16 : index
    %swap3A_583 = tpu.vector_load %arg9[%swap3A_581, %swap3A_582] {strides = array<i32>} : memref<24x128xf32, #tpu.memory_space<vmem>>, vector<16xf32>,
    tpu.vector_store %arg9[%swap3A_581, %swap3A_582], %broadcast_in_dim3A_0 {strides = array<i32>} : memref<24x128xf32, #tpu.memory_space<vmem>>, vector<16xf32>,
    %swap3A_584 = arith.constant 18 : i32
    %swap3A_585 = arith.index_cast %swap3A_584 : i32 to index
    %swap3A_586 = arith.constant 32 : index
    %swap3A_587 = tpu.vector_load %arg9[%swap3A_585, %swap3A_586] {strides = array<i32>} : memref<24x128xf32, #tpu.memory_space<vmem>>, vector<16xf32>,
    tpu.vector_store %arg9[%swap3A_585, %swap3A_586], %broadcast_in_dim3A_0 {strides = array<i32>} : memref<24x128xf32, #tpu.memory_space<vmem>>, vector<16xf32>,
    %swap3A_588 = arith.constant 18 : i32
    %swap3A_589 = arith.index_cast %swap3A_588 : i32 to index
    %swap3A_590 = arith.constant 48 : index
    %swap3A_591 = tpu.vector_load %arg9[%swap3A_589, %swap3A_590] {strides = array<i32>} : memref<24x128xf32, #tpu.memory_space<vmem>>, vector<16xf32>,
    tpu.vector_store %arg9[%swap3A_589, %swap3A_590], %broadcast_in_dim3A_0 {strides = array<i32>} : memref<24x128xf32, #tpu.memory_space<vmem>>, vector<16xf32>,
    %swap3A_592 = arith.constant 18 : i32
    %swap3A_593 = arith.index_cast %swap3A_592 : i32 to index
    %swap3A_594 = arith.constant 64 : index
    %swap3A_595 = tpu.vector_load %arg9[%swap3A_593, %swap3A_594] {strides = array<i32>} : memref<24x128xf32, #tpu.memory_space<vmem>>, vector<16xf32>,
    tpu.vector_store %arg9[%swap3A_593, %swap3A_594], %broadcast_in_dim3A_0 {strides = array<i32>} : memref<24x128xf32, #tpu.memory_space<vmem>>, vector<16xf32>,
    %swap3A_596 = arith.constant 18 : i32
    %swap3A_597 = arith.index_cast %swap3A_596 : i32 to index
    %swap3A_598 = arith.constant 80 : index
    %swap3A_599 = tpu.vector_load %arg9[%swap3A_597, %swap3A_598] {strides = array<i32>} : memref<24x128xf32, #tpu.memory_space<vmem>>, vector<16xf32>,
    tpu.vector_store %arg9[%swap3A_597, %swap3A_598], %broadcast_in_dim3A_0 {strides = array<i32>} : memref<24x128xf32, #tpu.memory_space<vmem>>, vector<16xf32>,
    %swap3A_600 = arith.constant 18 : i32
    %swap3A_601 = arith.index_cast %swap3A_600 : i32 to index
    %swap3A_602 = arith.constant 96 : index
    %swap3A_603 = tpu.vector_load %arg9[%swap3A_601, %swap3A_602] {strides = array<i32>} : memref<24x128xf32, #tpu.memory_space<vmem>>, vector<16xf32>,
    tpu.vector_store %arg9[%swap3A_601, %swap3A_602], %broadcast_in_dim3A_0 {strides = array<i32>} : memref<24x128xf32, #tpu.memory_space<vmem>>, vector<16xf32>,
    %swap3A_604 = arith.constant 18 : i32
    %swap3A_605 = arith.index_cast %swap3A_604 : i32 to index
    %swap3A_606 = arith.constant 112 : index
    %swap3A_607 = tpu.vector_load %arg9[%swap3A_605, %swap3A_606] {strides = array<i32>} : memref<24x128xf32, #tpu.memory_space<vmem>>, vector<16xf32>,
    tpu.vector_store %arg9[%swap3A_605, %swap3A_606], %broadcast_in_dim3A_0 {strides = array<i32>} : memref<24x128xf32, #tpu.memory_space<vmem>>, vector<16xf32>,
    %swap3A_608 = arith.constant 19 : i32
    %swap3A_609 = arith.index_cast %swap3A_608 : i32 to index
    %swap3A_610 = arith.constant 0 : index
    %swap3A_611 = tpu.vector_load %arg9[%swap3A_609, %swap3A_610] {strides = array<i32>} : memref<24x128xf32, #tpu.memory_space<vmem>>, vector<16xf32>,
    tpu.vector_store %arg9[%swap3A_609, %swap3A_610], %broadcast_in_dim3A_0 {strides = array<i32>} : memref<24x128xf32, #tpu.memory_space<vmem>>, vector<16xf32>,
    %swap3A_612 = arith.constant 19 : i32
    %swap3A_613 = arith.index_cast %swap3A_612 : i32 to index
    %swap3A_614 = arith.constant 16 : index
    %swap3A_615 = tpu.vector_load %arg9[%swap3A_613, %swap3A_614] {strides = array<i32>} : memref<24x128xf32, #tpu.memory_space<vmem>>, vector<16xf32>,
    tpu.vector_store %arg9[%swap3A_613, %swap3A_614], %broadcast_in_dim3A_0 {strides = array<i32>} : memref<24x128xf32, #tpu.memory_space<vmem>>, vector<16xf32>,
    %swap3A_616 = arith.constant 19 : i32
    %swap3A_617 = arith.index_cast %swap3A_616 : i32 to index
    %swap3A_618 = arith.constant 32 : index
    %swap3A_619 = tpu.vector_load %arg9[%swap3A_617, %swap3A_618] {strides = array<i32>} : memref<24x128xf32, #tpu.memory_space<vmem>>, vector<16xf32>,
    tpu.vector_store %arg9[%swap3A_617, %swap3A_618], %broadcast_in_dim3A_0 {strides = array<i32>} : memref<24x128xf32, #tpu.memory_space<vmem>>, vector<16xf32>,
    %swap3A_620 = arith.constant 19 : i32
    %swap3A_621 = arith.index_cast %swap3A_620 : i32 to index
    %swap3A_622 = arith.constant 48 : index
    %swap3A_623 = tpu.vector_load %arg9[%swap3A_621, %swap3A_622] {strides = array<i32>} : memref<24x128xf32, #tpu.memory_space<vmem>>, vector<16xf32>,
    tpu.vector_store %arg9[%swap3A_621, %swap3A_622], %broadcast_in_dim3A_0 {strides = array<i32>} : memref<24x128xf32, #tpu.memory_space<vmem>>, vector<16xf32>,
    %swap3A_624 = arith.constant 19 : i32
    %swap3A_625 = arith.index_cast %swap3A_624 : i32 to index
    %swap3A_626 = arith.constant 64 : index
    %swap3A_627 = tpu.vector_load %arg9[%swap3A_625, %swap3A_626] {strides = array<i32>} : memref<24x128xf32, #tpu.memory_space<vmem>>, vector<16xf32>,
    tpu.vector_store %arg9[%swap3A_625, %swap3A_626], %broadcast_in_dim3A_0 {strides = array<i32>} : memref<24x128xf32, #tpu.memory_space<vmem>>, vector<16xf32>,
    %swap3A_628 = arith.constant 19 : i32
    %swap3A_629 = arith.index_cast %swap3A_628 : i32 to index
    %swap3A_630 = arith.constant 80 : index
    %swap3A_631 = tpu.vector_load %arg9[%swap3A_629, %swap3A_630] {strides = array<i32>} : memref<24x128xf32, #tpu.memory_space<vmem>>, vector<16xf32>,
    tpu.vector_store %arg9[%swap3A_629, %swap3A_630], %broadcast_in_dim3A_0 {strides = array<i32>} : memref<24x128xf32, #tpu.memory_space<vmem>>, vector<16xf32>,
    %swap3A_632 = arith.constant 19 : i32
    %swap3A_633 = arith.index_cast %swap3A_632 : i32 to index
    %swap3A_634 = arith.constant 96 : index
    %swap3A_635 = tpu.vector_load %arg9[%swap3A_633, %swap3A_634] {strides = array<i32>} : memref<24x128xf32, #tpu.memory_space<vmem>>, vector<16xf32>,
    tpu.vector_store %arg9[%swap3A_633, %swap3A_634], %broadcast_in_dim3A_0 {strides = array<i32>} : memref<24x128xf32, #tpu.memory_space<vmem>>, vector<16xf32>,
    %swap3A_636 = arith.constant 19 : i32
    %swap3A_637 = arith.index_cast %swap3A_636 : i32 to index
    %swap3A_638 = arith.constant 112 : index
    %swap3A_639 = tpu.vector_load %arg9[%swap3A_637, %swap3A_638] {strides = array<i32>} : memref<24x128xf32, #tpu.memory_space<vmem>>, vector<16xf32>,
    tpu.vector_store %arg9[%swap3A_637, %swap3A_638], %broadcast_in_dim3A_0 {strides = array<i32>} : memref<24x128xf32, #tpu.memory_space<vmem>>, vector<16xf32>,
    %swap3A_640 = arith.constant 20 : i32
    %swap3A_641 = arith.index_cast %swap3A_640 : i32 to index
    %swap3A_642 = arith.constant 0 : index
    %swap3A_643 = tpu.vector_load %arg9[%swap3A_641, %swap3A_642] {strides = array<i32>} : memref<24x128xf32, #tpu.memory_space<vmem>>, vector<16xf32>,
    tpu.vector_store %arg9[%swap3A_641, %swap3A_642], %broadcast_in_dim3A_0 {strides = array<i32>} : memref<24x128xf32, #tpu.memory_space<vmem>>, vector<16xf32>,
    %swap3A_644 = arith.constant 20 : i32
    %swap3A_645 = arith.index_cast %swap3A_644 : i32 to index
    %swap3A_646 = arith.constant 16 : index
    %swap3A_647 = tpu.vector_load %arg9[%swap3A_645, %swap3A_646] {strides = array<i32>} : memref<24x128xf32, #tpu.memory_space<vmem>>, vector<16xf32>,
    tpu.vector_store %arg9[%swap3A_645, %swap3A_646], %broadcast_in_dim3A_0 {strides = array<i32>} : memref<24x128xf32, #tpu.memory_space<vmem>>, vector<16xf32>,
    %swap3A_648 = arith.constant 20 : i32
    %swap3A_649 = arith.index_cast %swap3A_648 : i32 to index
    %swap3A_650 = arith.constant 32 : index
    %swap3A_651 = tpu.vector_load %arg9[%swap3A_649, %swap3A_650] {strides = array<i32>} : memref<24x128xf32, #tpu.memory_space<vmem>>, vector<16xf32>,
    tpu.vector_store %arg9[%swap3A_649, %swap3A_650], %broadcast_in_dim3A_0 {strides = array<i32>} : memref<24x128xf32, #tpu.memory_space<vmem>>, vector<16xf32>,
    %swap3A_652 = arith.constant 20 : i32
    %swap3A_653 = arith.index_cast %swap3A_652 : i32 to index
    %swap3A_654 = arith.constant 48 : index
    %swap3A_655 = tpu.vector_load %arg9[%swap3A_653, %swap3A_654] {strides = array<i32>} : memref<24x128xf32, #tpu.memory_space<vmem>>, vector<16xf32>,
    tpu.vector_store %arg9[%swap3A_653, %swap3A_654], %broadcast_in_dim3A_0 {strides = array<i32>} : memref<24x128xf32, #tpu.memory_space<vmem>>, vector<16xf32>,
    %swap3A_656 = arith.constant 20 : i32
    %swap3A_657 = arith.index_cast %swap3A_656 : i32 to index
    %swap3A_658 = arith.constant 64 : index
    %swap3A_659 = tpu.vector_load %arg9[%swap3A_657, %swap3A_658] {strides = array<i32>} : memref<24x128xf32, #tpu.memory_space<vmem>>, vector<16xf32>,
    tpu.vector_store %arg9[%swap3A_657, %swap3A_658], %broadcast_in_dim3A_0 {strides = array<i32>} : memref<24x128xf32, #tpu.memory_space<vmem>>, vector<16xf32>,
    %swap3A_660 = arith.constant 20 : i32
    %swap3A_661 = arith.index_cast %swap3A_660 : i32 to index
    %swap3A_662 = arith.constant 80 : index
    %swap3A_663 = tpu.vector_load %arg9[%swap3A_661, %swap3A_662] {strides = array<i32>} : memref<24x128xf32, #tpu.memory_space<vmem>>, vector<16xf32>,
    tpu.vector_store %arg9[%swap3A_661, %swap3A_662], %broadcast_in_dim3A_0 {strides = array<i32>} : memref<24x128xf32, #tpu.memory_space<vmem>>, vector<16xf32>,
    %swap3A_664 = arith.constant 20 : i32
    %swap3A_665 = arith.index_cast %swap3A_664 : i32 to index
    %swap3A_666 = arith.constant 96 : index
    %swap3A_667 = tpu.vector_load %arg9[%swap3A_665, %swap3A_666] {strides = array<i32>} : memref<24x128xf32, #tpu.memory_space<vmem>>, vector<16xf32>,
    tpu.vector_store %arg9[%swap3A_665, %swap3A_666], %broadcast_in_dim3A_0 {strides = array<i32>} : memref<24x128xf32, #tpu.memory_space<vmem>>, vector<16xf32>,
    %swap3A_668 = arith.constant 20 : i32
    %swap3A_669 = arith.index_cast %swap3A_668 : i32 to index
    %swap3A_670 = arith.constant 112 : index
    %swap3A_671 = tpu.vector_load %arg9[%swap3A_669, %swap3A_670] {strides = array<i32>} : memref<24x128xf32, #tpu.memory_space<vmem>>, vector<16xf32>,
    tpu.vector_store %arg9[%swap3A_669, %swap3A_670], %broadcast_in_dim3A_0 {strides = array<i32>} : memref<24x128xf32, #tpu.memory_space<vmem>>, vector<16xf32>,
    %swap3A_672 = arith.constant 21 : i32
    %swap3A_673 = arith.index_cast %swap3A_672 : i32 to index
    %swap3A_674 = arith.constant 0 : index
    %swap3A_675 = tpu.vector_load %arg9[%swap3A_673, %swap3A_674] {strides = array<i32>} : memref<24x128xf32, #tpu.memory_space<vmem>>, vector<16xf32>,
    tpu.vector_store %arg9[%swap3A_673, %swap3A_674], %broadcast_in_dim3A_0 {strides = array<i32>} : memref<24x128xf32, #tpu.memory_space<vmem>>, vector<16xf32>,
    %swap3A_676 = arith.constant 21 : i32
    %swap3A_677 = arith.index_cast %swap3A_676 : i32 to index
    %swap3A_678 = arith.constant 16 : index
    %swap3A_679 = tpu.vector_load %arg9[%swap3A_677, %swap3A_678] {strides = array<i32>} : memref<24x128xf32, #tpu.memory_space<vmem>>, vector<16xf32>,
    tpu.vector_store %arg9[%swap3A_677, %swap3A_678], %broadcast_in_dim3A_0 {strides = array<i32>} : memref<24x128xf32, #tpu.memory_space<vmem>>, vector<16xf32>,
    %swap3A_680 = arith.constant 21 : i32
    %swap3A_681 = arith.index_cast %swap3A_680 : i32 to index
    %swap3A_682 = arith.constant 32 : index
    %swap3A_683 = tpu.vector_load %arg9[%swap3A_681, %swap3A_682] {strides = array<i32>} : memref<24x128xf32, #tpu.memory_space<vmem>>, vector<16xf32>,
    tpu.vector_store %arg9[%swap3A_681, %swap3A_682], %broadcast_in_dim3A_0 {strides = array<i32>} : memref<24x128xf32, #tpu.memory_space<vmem>>, vector<16xf32>,
    %swap3A_684 = arith.constant 21 : i32
    %swap3A_685 = arith.index_cast %swap3A_684 : i32 to index
    %swap3A_686 = arith.constant 48 : index
    %swap3A_687 = tpu.vector_load %arg9[%swap3A_685, %swap3A_686] {strides = array<i32>} : memref<24x128xf32, #tpu.memory_space<vmem>>, vector<16xf32>,
    tpu.vector_store %arg9[%swap3A_685, %swap3A_686], %broadcast_in_dim3A_0 {strides = array<i32>} : memref<24x128xf32, #tpu.memory_space<vmem>>, vector<16xf32>,
    %swap3A_688 = arith.constant 21 : i32
    %swap3A_689 = arith.index_cast %swap3A_688 : i32 to index
    %swap3A_690 = arith.constant 64 : index
    %swap3A_691 = tpu.vector_load %arg9[%swap3A_689, %swap3A_690] {strides = array<i32>} : memref<24x128xf32, #tpu.memory_space<vmem>>, vector<16xf32>,
    tpu.vector_store %arg9[%swap3A_689, %swap3A_690], %broadcast_in_dim3A_0 {strides = array<i32>} : memref<24x128xf32, #tpu.memory_space<vmem>>, vector<16xf32>,
    %swap3A_692 = arith.constant 21 : i32
    %swap3A_693 = arith.index_cast %swap3A_692 : i32 to index
    %swap3A_694 = arith.constant 80 : index
    %swap3A_695 = tpu.vector_load %arg9[%swap3A_693, %swap3A_694] {strides = array<i32>} : memref<24x128xf32, #tpu.memory_space<vmem>>, vector<16xf32>,
    tpu.vector_store %arg9[%swap3A_693, %swap3A_694], %broadcast_in_dim3A_0 {strides = array<i32>} : memref<24x128xf32, #tpu.memory_space<vmem>>, vector<16xf32>,
    %swap3A_696 = arith.constant 21 : i32
    %swap3A_697 = arith.index_cast %swap3A_696 : i32 to index
    %swap3A_698 = arith.constant 96 : index
    %swap3A_699 = tpu.vector_load %arg9[%swap3A_697, %swap3A_698] {strides = array<i32>} : memref<24x128xf32, #tpu.memory_space<vmem>>, vector<16xf32>,
    tpu.vector_store %arg9[%swap3A_697, %swap3A_698], %broadcast_in_dim3A_0 {strides = array<i32>} : memref<24x128xf32, #tpu.memory_space<vmem>>, vector<16xf32>,
    %swap3A_700 = arith.constant 21 : i32
    %swap3A_701 = arith.index_cast %swap3A_700 : i32 to index
    %swap3A_702 = arith.constant 112 : index
    %swap3A_703 = tpu.vector_load %arg9[%swap3A_701, %swap3A_702] {strides = array<i32>} : memref<24x128xf32, #tpu.memory_space<vmem>>, vector<16xf32>,
    tpu.vector_store %arg9[%swap3A_701, %swap3A_702], %broadcast_in_dim3A_0 {strides = array<i32>} : memref<24x128xf32, #tpu.memory_space<vmem>>, vector<16xf32>,
    %swap3A_704 = arith.constant 22 : i32
    %swap3A_705 = arith.index_cast %swap3A_704 : i32 to index
    %swap3A_706 = arith.constant 0 : index
    %swap3A_707 = tpu.vector_load %arg9[%swap3A_705, %swap3A_706] {strides = array<i32>} : memref<24x128xf32, #tpu.memory_space<vmem>>, vector<16xf32>,
    tpu.vector_store %arg9[%swap3A_705, %swap3A_706], %broadcast_in_dim3A_0 {strides = array<i32>} : memref<24x128xf32, #tpu.memory_space<vmem>>, vector<16xf32>,
    %swap3A_708 = arith.constant 22 : i32
    %swap3A_709 = arith.index_cast %swap3A_708 : i32 to index
    %swap3A_710 = arith.constant 16 : index
    %swap3A_711 = tpu.vector_load %arg9[%swap3A_709, %swap3A_710] {strides = array<i32>} : memref<24x128xf32, #tpu.memory_space<vmem>>, vector<16xf32>,
    tpu.vector_store %arg9[%swap3A_709, %swap3A_710], %broadcast_in_dim3A_0 {strides = array<i32>} : memref<24x128xf32, #tpu.memory_space<vmem>>, vector<16xf32>,
    %swap3A_712 = arith.constant 22 : i32
    %swap3A_713 = arith.index_cast %swap3A_712 : i32 to index
    %swap3A_714 = arith.constant 32 : index
    %swap3A_715 = tpu.vector_load %arg9[%swap3A_713, %swap3A_714] {strides = array<i32>} : memref<24x128xf32, #tpu.memory_space<vmem>>, vector<16xf32>,
    tpu.vector_store %arg9[%swap3A_713, %swap3A_714], %broadcast_in_dim3A_0 {strides = array<i32>} : memref<24x128xf32, #tpu.memory_space<vmem>>, vector<16xf32>,
    %swap3A_716 = arith.constant 22 : i32
    %swap3A_717 = arith.index_cast %swap3A_716 : i32 to index
    %swap3A_718 = arith.constant 48 : index
    %swap3A_719 = tpu.vector_load %arg9[%swap3A_717, %swap3A_718] {strides = array<i32>} : memref<24x128xf32, #tpu.memory_space<vmem>>, vector<16xf32>,
    tpu.vector_store %arg9[%swap3A_717, %swap3A_718], %broadcast_in_dim3A_0 {strides = array<i32>} : memref<24x128xf32, #tpu.memory_space<vmem>>, vector<16xf32>,
    %swap3A_720 = arith.constant 22 : i32
    %swap3A_721 = arith.index_cast %swap3A_720 : i32 to index
    %swap3A_722 = arith.constant 64 : index
    %swap3A_723 = tpu.vector_load %arg9[%swap3A_721, %swap3A_722] {strides = array<i32>} : memref<24x128xf32, #tpu.memory_space<vmem>>, vector<16xf32>,
    tpu.vector_store %arg9[%swap3A_721, %swap3A_722], %broadcast_in_dim3A_0 {strides = array<i32>} : memref<24x128xf32, #tpu.memory_space<vmem>>, vector<16xf32>,
    %swap3A_724 = arith.constant 22 : i32
    %swap3A_725 = arith.index_cast %swap3A_724 : i32 to index
    %swap3A_726 = arith.constant 80 : index
    %swap3A_727 = tpu.vector_load %arg9[%swap3A_725, %swap3A_726] {strides = array<i32>} : memref<24x128xf32, #tpu.memory_space<vmem>>, vector<16xf32>,
    tpu.vector_store %arg9[%swap3A_725, %swap3A_726], %broadcast_in_dim3A_0 {strides = array<i32>} : memref<24x128xf32, #tpu.memory_space<vmem>>, vector<16xf32>,
    %swap3A_728 = arith.constant 22 : i32
    %swap3A_729 = arith.index_cast %swap3A_728 : i32 to index
    %swap3A_730 = arith.constant 96 : index
    %swap3A_731 = tpu.vector_load %arg9[%swap3A_729, %swap3A_730] {strides = array<i32>} : memref<24x128xf32, #tpu.memory_space<vmem>>, vector<16xf32>,
    tpu.vector_store %arg9[%swap3A_729, %swap3A_730], %broadcast_in_dim3A_0 {strides = array<i32>} : memref<24x128xf32, #tpu.memory_space<vmem>>, vector<16xf32>,
    %swap3A_732 = arith.constant 22 : i32
    %swap3A_733 = arith.index_cast %swap3A_732 : i32 to index
    %swap3A_734 = arith.constant 112 : index
    %swap3A_735 = tpu.vector_load %arg9[%swap3A_733, %swap3A_734] {strides = array<i32>} : memref<24x128xf32, #tpu.memory_space<vmem>>, vector<16xf32>,
    tpu.vector_store %arg9[%swap3A_733, %swap3A_734], %broadcast_in_dim3A_0 {strides = array<i32>} : memref<24x128xf32, #tpu.memory_space<vmem>>, vector<16xf32>,
    %swap3A_736 = arith.constant 23 : i32
    %swap3A_737 = arith.index_cast %swap3A_736 : i32 to index
    %swap3A_738 = arith.constant 0 : index
    %swap3A_739 = tpu.vector_load %arg9[%swap3A_737, %swap3A_738] {strides = array<i32>} : memref<24x128xf32, #tpu.memory_space<vmem>>, vector<16xf32>,
    tpu.vector_store %arg9[%swap3A_737, %swap3A_738], %broadcast_in_dim3A_0 {strides = array<i32>} : memref<24x128xf32, #tpu.memory_space<vmem>>, vector<16xf32>,
    %swap3A_740 = arith.constant 23 : i32
    %swap3A_741 = arith.index_cast %swap3A_740 : i32 to index
    %swap3A_742 = arith.constant 16 : index
    %swap3A_743 = tpu.vector_load %arg9[%swap3A_741, %swap3A_742] {strides = array<i32>} : memref<24x128xf32, #tpu.memory_space<vmem>>, vector<16xf32>,
    tpu.vector_store %arg9[%swap3A_741, %swap3A_742], %broadcast_in_dim3A_0 {strides = array<i32>} : memref<24x128xf32, #tpu.memory_space<vmem>>, vector<16xf32>,
    %swap3A_744 = arith.constant 23 : i32
    %swap3A_745 = arith.index_cast %swap3A_744 : i32 to index
    %swap3A_746 = arith.constant 32 : index
    %swap3A_747 = tpu.vector_load %arg9[%swap3A_745, %swap3A_746] {strides = array<i32>} : memref<24x128xf32, #tpu.memory_space<vmem>>, vector<16xf32>,
    tpu.vector_store %arg9[%swap3A_745, %swap3A_746], %broadcast_in_dim3A_0 {strides = array<i32>} : memref<24x128xf32, #tpu.memory_space<vmem>>, vector<16xf32>,
    %swap3A_748 = arith.constant 23 : i32
    %swap3A_749 = arith.index_cast %swap3A_748 : i32 to index
    %swap3A_750 = arith.constant 48 : index
    %swap3A_751 = tpu.vector_load %arg9[%swap3A_749, %swap3A_750] {strides = array<i32>} : memref<24x128xf32, #tpu.memory_space<vmem>>, vector<16xf32>,
    tpu.vector_store %arg9[%swap3A_749, %swap3A_750], %broadcast_in_dim3A_0 {strides = array<i32>} : memref<24x128xf32, #tpu.memory_space<vmem>>, vector<16xf32>,
    %swap3A_752 = arith.constant 23 : i32
    %swap3A_753 = arith.index_cast %swap3A_752 : i32 to index
    %swap3A_754 = arith.constant 64 : index
    %swap3A_755 = tpu.vector_load %arg9[%swap3A_753, %swap3A_754] {strides = array<i32>} : memref<24x128xf32, #tpu.memory_space<vmem>>, vector<16xf32>,
    tpu.vector_store %arg9[%swap3A_753, %swap3A_754], %broadcast_in_dim3A_0 {strides = array<i32>} : memref<24x128xf32, #tpu.memory_space<vmem>>, vector<16xf32>,
    %swap3A_756 = arith.constant 23 : i32
    %swap3A_757 = arith.index_cast %swap3A_756 : i32 to index
    %swap3A_758 = arith.constant 80 : index
    %swap3A_759 = tpu.vector_load %arg9[%swap3A_757, %swap3A_758] {strides = array<i32>} : memref<24x128xf32, #tpu.memory_space<vmem>>, vector<16xf32>,
    tpu.vector_store %arg9[%swap3A_757, %swap3A_758], %broadcast_in_dim3A_0 {strides = array<i32>} : memref<24x128xf32, #tpu.memory_space<vmem>>, vector<16xf32>,
    %swap3A_760 = arith.constant 23 : i32
    %swap3A_761 = arith.index_cast %swap3A_760 : i32 to index
    %swap3A_762 = arith.constant 96 : index
    %swap3A_763 = tpu.vector_load %arg9[%swap3A_761, %swap3A_762] {strides = array<i32>} : memref<24x128xf32, #tpu.memory_space<vmem>>, vector<16xf32>,
    tpu.vector_store %arg9[%swap3A_761, %swap3A_762], %broadcast_in_dim3A_0 {strides = array<i32>} : memref<24x128xf32, #tpu.memory_space<vmem>>, vector<16xf32>,
    %swap3A_764 = arith.constant 23 : i32
    %swap3A_765 = arith.index_cast %swap3A_764 : i32 to index
    %swap3A_766 = arith.constant 112 : index
    %swap3A_767 = tpu.vector_load %arg9[%swap3A_765, %swap3A_766] {strides = array<i32>} : memref<24x128xf32, #tpu.memory_space<vmem>>, vector<16xf32>,
    tpu.vector_store %arg9[%swap3A_765, %swap3A_766], %broadcast_in_dim3A_0 {strides = array<i32>} : memref<24x128xf32, #tpu.memory_space<vmem>>, vector<16xf32>,
    %scan3A = arith.constant 0 : i32
    %scan3A_768 = arith.constant 0 : i32
    %scan3A_769 = arith.constant 26 : i32
    %scan3A_770 = arith.addi %scan3A_768, %scan3A_769 : i32
    %scan3A_771 = arith.constant 1 : i32
    scf.for %scan3A_918 = %scan3A_768 to %scan3A_770 step %scan3A_771  : i32 {
      %mul3A_919 = arith.constant 632 : i32
      %mul3A_920 = arith.muli %arg1, %mul3A_919 : i32
      %mul3A_921 = arith.constant 24 : i32
      %mul3A_922 = arith.muli %scan3A_918, %mul3A_921 : i32
      %add3A_923 = arith.addi %mul3A_920, %mul3A_922 : i32
      %dma_start3A_924 = arith.constant 0 : i32
      %dma_start3A_925 = tpu.memref_slice %arg10[%add3A_923, %dma_start3A_924] : memref<10112x128xf32, #tpu.memory_space<vmem_shared>> -> memref<24x128xf32, #tpu.memory_space<vmem_shared>>
      %dma_start3A_926 = arith.constant 0 : i32
      %dma_start3A_927 = tpu.memref_slice %arg10[%add3A_923, %dma_start3A_926] : memref<10112x128xf32, #tpu.memory_space<vmem_shared>> -> memref<24x128xf32, #tpu.memory_space<vmem_shared>>
      tpu.enqueue_dma source(%arg9 : memref<24x128xf32, #tpu.memory_space<vmem>>) target(%dma_start3A_927 : memref<24x128xf32, #tpu.memory_space<vmem_shared>>) target_semaphore(%arg12 : memref<!tpu.dma_semaphore, #tpu.memory_space<semaphore_mem>>)
      %ge3A = arith.constant 4 : i32
      %ge3A_928 = arith.cmpi sge, %scan3A_918, %ge3A : i32
      %convert_element_type3A = arith.extui %ge3A_928 : i1 to i32
      %cond3A = arith.constant 0 : i32
      %cond3A_929 = arith.cmpi ne, %convert_element_type3A, %cond3A : i32
      scf.if %cond3A_929 {
        %mul3A_930 = arith.constant 632 : i32
        %mul3A_931 = arith.muli %arg1, %mul3A_930 : i32
        %dma_wait3A_932 = arith.constant 0 : i32
        %dma_wait3A_933 = tpu.memref_slice %arg10[%mul3A_931, %dma_wait3A_932] : memref<10112x128xf32, #tpu.memory_space<vmem_shared>> -> memref<24x128xf32, #tpu.memory_space<vmem_shared>>
        %dma_wait3A_934 = arith.constant 0 : i32
        %dma_wait3A_935 = tpu.memref_slice %arg10[%mul3A_931, %dma_wait3A_934] : memref<10112x128xf32, #tpu.memory_space<vmem_shared>> -> memref<24x128xf32, #tpu.memory_space<vmem_shared>>
        tpu.wait_dma2 semaphore(%arg12 : memref<!tpu.dma_semaphore, #tpu.memory_space<semaphore_mem>>) src(%arg9 : memref<24x128xf32, #tpu.memory_space<vmem>>) dst(%dma_wait3A_935 : memref<24x128xf32, #tpu.memory_space<vmem_shared>>)
      } else {
      }
    }
    %scan3A_772 = arith.constant 26 : i32
    %mul3A = arith.constant 632 : i32
    %mul3A_773 = arith.muli %arg1, %mul3A : i32
    %add3A = arith.constant 624 : i32
    %add3A_774 = arith.addi %mul3A_773, %add3A : i32
    %dma_start3A = arith.constant 0 : i32
    %dma_start3A_775 = arith.constant 0 : i32
    %dma_start3A_776 = tpu.memref_slice %arg9[%dma_start3A, %dma_start3A_775] : memref<24x128xf32, #tpu.memory_space<vmem>> -> memref<8x128xf32, #tpu.memory_space<vmem>>
    %dma_start3A_777 = arith.constant 0 : i32
    %dma_start3A_778 = tpu.memref_slice %arg10[%add3A_774, %dma_start3A_777] : memref<10112x128xf32, #tpu.memory_space<vmem_shared>> -> memref<8x128xf32, #tpu.memory_space<vmem_shared>>
    %dma_start3A_779 = arith.constant 0 : i32
    %dma_start3A_780 = tpu.memref_slice %arg10[%add3A_774, %dma_start3A_779] : memref<10112x128xf32, #tpu.memory_space<vmem_shared>> -> memref<8x128xf32, #tpu.memory_space<vmem_shared>>
    %dma_start3A_781 = arith.constant 0 : i32
    %dma_start3A_782 = arith.constant 0 : i32
    %dma_start3A_783 = tpu.memref_slice %arg9[%dma_start3A_781, %dma_start3A_782] : memref<24x128xf32, #tpu.memory_space<vmem>> -> memref<8x128xf32, #tpu.memory_space<vmem>>
    tpu.enqueue_dma source(%dma_start3A_783 : memref<8x128xf32, #tpu.memory_space<vmem>>) target(%dma_start3A_780 : memref<8x128xf32, #tpu.memory_space<vmem_shared>>) target_semaphore(%arg12 : memref<!tpu.dma_semaphore, #tpu.memory_space<semaphore_mem>>)
    %mul3A_784 = arith.constant 16 : i32
    %mul3A_785 = arith.muli %arg0, %mul3A_784 : i32
    %add3A_786 = arith.addi %mul3A_785, %arg1 : i32
    %mul3A_787 = arith.constant 2 : i32
    %mul3A_788 = arith.muli %add3A_786, %mul3A_787 : i32
    "tpu.region"() ({
      %run_scoped3A_918 = tpu.sem_alloc : memref<!tpu.dma_semaphore, #tpu.memory_space<semaphore_mem>>
      %dma_start3A_919 = arith.constant 0 : i32
      %dma_start3A_920 = arith.constant 0 : i32
      %dma_start3A_921 = tpu.memref_slice %arg3[%mul3A_788, %dma_start3A_919, %dma_start3A_920] : memref<64x40x125xi32, #tpu.memory_space<hbm>> -> memref<1x40x125xi32, #tpu.memory_space<hbm>>
      %dma_start3A_922 = tpu.memref_squeeze %dma_start3A_921 : memref<1x40x125xi32, #tpu.memory_space<hbm>> -> memref<40x125xi32, #tpu.memory_space<hbm>>
      %dma_start3A_923 = arith.constant 0 : i32
      %dma_start3A_924 = arith.constant 0 : i32
      %dma_start3A_925 = tpu.memref_slice %arg3[%mul3A_788, %dma_start3A_923, %dma_start3A_924] : memref<64x40x125xi32, #tpu.memory_space<hbm>> -> memref<1x40x125xi32, #tpu.memory_space<hbm>>
      %dma_start3A_926 = tpu.memref_squeeze %dma_start3A_925 : memref<1x40x125xi32, #tpu.memory_space<hbm>> -> memref<40x125xi32, #tpu.memory_space<hbm>>
      tpu.enqueue_dma source(%dma_start3A_926 : memref<40x125xi32, #tpu.memory_space<hbm>>) target(%arg6 : memref<40x125xi32, #tpu.memory_space<vmem>>) target_semaphore(%run_scoped3A_918 : memref<!tpu.dma_semaphore, #tpu.memory_space<semaphore_mem>>)
      %dma_wait3A_927 = arith.constant 0 : i32
      %dma_wait3A_928 = arith.constant 0 : i32
      %dma_wait3A_929 = tpu.memref_slice %arg3[%mul3A_788, %dma_wait3A_927, %dma_wait3A_928] : memref<64x40x125xi32, #tpu.memory_space<hbm>> -> memref<1x40x125xi32, #tpu.memory_space<hbm>>
      %dma_wait3A_930 = tpu.memref_squeeze %dma_wait3A_929 : memref<1x40x125xi32, #tpu.memory_space<hbm>> -> memref<40x125xi32, #tpu.memory_space<hbm>>
      %dma_wait3A_931 = arith.constant 0 : i32
      %dma_wait3A_932 = arith.constant 0 : i32
      %dma_wait3A_933 = tpu.memref_slice %arg3[%mul3A_788, %dma_wait3A_931, %dma_wait3A_932] : memref<64x40x125xi32, #tpu.memory_space<hbm>> -> memref<1x40x125xi32, #tpu.memory_space<hbm>>
      %dma_wait3A_934 = tpu.memref_squeeze %dma_wait3A_933 : memref<1x40x125xi32, #tpu.memory_space<hbm>> -> memref<40x125xi32, #tpu.memory_space<hbm>>
      tpu.wait_dma2 semaphore(%run_scoped3A_918 : memref<!tpu.dma_semaphore, #tpu.memory_space<semaphore_mem>>) src(%dma_wait3A_934 : memref<40x125xi32, #tpu.memory_space<hbm>>) dst(%arg6 : memref<40x125xi32, #tpu.memory_space<vmem>>)
      tpu.yield
    }) : () -> ()
    %mul3A_789 = arith.constant 2 : i32
    %mul3A_790 = arith.muli %arg1, %mul3A_789 : i32
    "tpu.region"() ({
      %run_scoped3A_918 = tpu.sem_alloc : memref<!tpu.dma_semaphore, #tpu.memory_space<semaphore_mem>>
      %dma_start3A_919 = arith.constant 0 : i32
      %dma_start3A_920 = arith.constant 0 : i32
      %dma_start3A_921 = tpu.memref_slice %arg4[%mul3A_790, %dma_start3A_919, %dma_start3A_920] : memref<32x40x125xi32, #tpu.memory_space<hbm>> -> memref<1x40x125xi32, #tpu.memory_space<hbm>>
      %dma_start3A_922 = tpu.memref_squeeze %dma_start3A_921 : memref<1x40x125xi32, #tpu.memory_space<hbm>> -> memref<40x125xi32, #tpu.memory_space<hbm>>
      %dma_start3A_923 = arith.constant 0 : i32
      %dma_start3A_924 = arith.constant 0 : i32
      %dma_start3A_925 = tpu.memref_slice %arg4[%mul3A_790, %dma_start3A_923, %dma_start3A_924] : memref<32x40x125xi32, #tpu.memory_space<hbm>> -> memref<1x40x125xi32, #tpu.memory_space<hbm>>
      %dma_start3A_926 = tpu.memref_squeeze %dma_start3A_925 : memref<1x40x125xi32, #tpu.memory_space<hbm>> -> memref<40x125xi32, #tpu.memory_space<hbm>>
      tpu.enqueue_dma source(%dma_start3A_926 : memref<40x125xi32, #tpu.memory_space<hbm>>) target(%arg7 : memref<40x125xi32, #tpu.memory_space<vmem>>) target_semaphore(%run_scoped3A_918 : memref<!tpu.dma_semaphore, #tpu.memory_space<semaphore_mem>>)
      %dma_wait3A_927 = arith.constant 0 : i32
      %dma_wait3A_928 = arith.constant 0 : i32
      %dma_wait3A_929 = tpu.memref_slice %arg4[%mul3A_790, %dma_wait3A_927, %dma_wait3A_928] : memref<32x40x125xi32, #tpu.memory_space<hbm>> -> memref<1x40x125xi32, #tpu.memory_space<hbm>>
      %dma_wait3A_930 = tpu.memref_squeeze %dma_wait3A_929 : memref<1x40x125xi32, #tpu.memory_space<hbm>> -> memref<40x125xi32, #tpu.memory_space<hbm>>
      %dma_wait3A_931 = arith.constant 0 : i32
      %dma_wait3A_932 = arith.constant 0 : i32
      %dma_wait3A_933 = tpu.memref_slice %arg4[%mul3A_790, %dma_wait3A_931, %dma_wait3A_932] : memref<32x40x125xi32, #tpu.memory_space<hbm>> -> memref<1x40x125xi32, #tpu.memory_space<hbm>>
      %dma_wait3A_934 = tpu.memref_squeeze %dma_wait3A_933 : memref<1x40x125xi32, #tpu.memory_space<hbm>> -> memref<40x125xi32, #tpu.memory_space<hbm>>
      tpu.wait_dma2 semaphore(%run_scoped3A_918 : memref<!tpu.dma_semaphore, #tpu.memory_space<semaphore_mem>>) src(%dma_wait3A_934 : memref<40x125xi32, #tpu.memory_space<hbm>>) dst(%arg7 : memref<40x125xi32, #tpu.memory_space<vmem>>)
      tpu.yield
    }) : () -> ()
    %dma_start3A_791 = arith.constant 0 : i32
    %dma_start3A_792 = arith.constant 0 : i32
    %dma_start3A_793 = arith.constant 0 : i32
    %dma_start3A_794 = arith.constant 0 : i32
    %dma_start3A_795 = arith.constant 0 : i32
    %dma_start3A_796 = tpu.memref_slice %arg8[%dma_start3A_792, %dma_start3A_794, %dma_start3A_795] : memref<2x125x128xf32, #tpu.memory_space<vmem>> -> memref<1x125x128xf32, #tpu.memory_space<vmem>>
    %dma_start3A_797 = tpu.memref_squeeze %dma_start3A_796 : memref<1x125x128xf32, #tpu.memory_space<vmem>> -> memref<125x128xf32, #tpu.memory_space<vmem>>
    %dma_start3A_798 = arith.constant 0 : i32
    %dma_start3A_799 = tpu.memref_slice %arg6[%dma_start3A_791, %dma_start3A_798] : memref<40x125xi32, #tpu.memory_space<vmem>> -> memref<1x125xi32, #tpu.memory_space<vmem>>
    %dma_start3A_800 = tpu.memref_squeeze %dma_start3A_799 : memref<1x125xi32, #tpu.memory_space<vmem>> -> memref<125xi32, #tpu.memory_space<vmem>>
    %dma_start3A_801 = arith.constant 0 : i32
    %dma_start3A_802 = arith.constant 0 : i32
    %dma_start3A_803 = tpu.memref_slice %arg2[%dma_start3A_801, %dma_start3A_802] : memref<20224x128xf32, #tpu.memory_space<hbm>> -> memref<20224x128xf32, #tpu.memory_space<hbm>>
    %dma_start3A_804 = tpu.memref_slice %arg11[%dma_start3A_793] : memref<2x!tpu.dma_semaphore, #tpu.memory_space<semaphore_mem>> -> memref<1x!tpu.dma_semaphore, #tpu.memory_space<semaphore_mem>>
    %dma_start3A_805 = tpu.memref_squeeze %dma_start3A_804 : memref<1x!tpu.dma_semaphore, #tpu.memory_space<semaphore_mem>> -> memref<!tpu.dma_semaphore, #tpu.memory_space<semaphore_mem>>
    tpu.enqueue_indirect_dma source(%dma_start3A_803 : memref<20224x128xf32, #tpu.memory_space<hbm>>) target(%dma_start3A_797 : memref<125x128xf32, #tpu.memory_space<vmem>>) offsets(%dma_start3A_800 : memref<125xi32, #tpu.memory_space<vmem>>) semaphore(%dma_start3A_805 : memref<!tpu.dma_semaphore, #tpu.memory_space<semaphore_mem>>)
    %mul3A_806 = arith.constant 632 : i32
    %mul3A_807 = arith.muli %arg1, %mul3A_806 : i32
    %dma_wait3A = arith.constant 0 : i32
    %dma_wait3A_808 = tpu.memref_slice %arg10[%mul3A_807, %dma_wait3A] : memref<10112x128xf32, #tpu.memory_space<vmem_shared>> -> memref<24x128xf32, #tpu.memory_space<vmem_shared>>
    %dma_wait3A_809 = arith.constant 0 : i32
    %dma_wait3A_810 = tpu.memref_slice %arg10[%mul3A_807, %dma_wait3A_809] : memref<10112x128xf32, #tpu.memory_space<vmem_shared>> -> memref<24x128xf32, #tpu.memory_space<vmem_shared>>
    tpu.wait_dma2 semaphore(%arg12 : memref<!tpu.dma_semaphore, #tpu.memory_space<semaphore_mem>>) src(%arg9 : memref<24x128xf32, #tpu.memory_space<vmem>>) dst(%dma_wait3A_810 : memref<24x128xf32, #tpu.memory_space<vmem_shared>>)
    %mul3A_811 = arith.constant 632 : i32
    %mul3A_812 = arith.muli %arg1, %mul3A_811 : i32
    %dma_wait3A_813 = arith.constant 0 : i32
    %dma_wait3A_814 = tpu.memref_slice %arg10[%mul3A_812, %dma_wait3A_813] : memref<10112x128xf32, #tpu.memory_space<vmem_shared>> -> memref<24x128xf32, #tpu.memory_space<vmem_shared>>
    %dma_wait3A_815 = arith.constant 0 : i32
    %dma_wait3A_816 = tpu.memref_slice %arg10[%mul3A_812, %dma_wait3A_815] : memref<10112x128xf32, #tpu.memory_space<vmem_shared>> -> memref<24x128xf32, #tpu.memory_space<vmem_shared>>
    tpu.wait_dma2 semaphore(%arg12 : memref<!tpu.dma_semaphore, #tpu.memory_space<semaphore_mem>>) src(%arg9 : memref<24x128xf32, #tpu.memory_space<vmem>>) dst(%dma_wait3A_816 : memref<24x128xf32, #tpu.memory_space<vmem_shared>>)
    %mul3A_817 = arith.constant 632 : i32
    %mul3A_818 = arith.muli %arg1, %mul3A_817 : i32
    %dma_wait3A_819 = arith.constant 0 : i32
    %dma_wait3A_820 = tpu.memref_slice %arg10[%mul3A_818, %dma_wait3A_819] : memref<10112x128xf32, #tpu.memory_space<vmem_shared>> -> memref<24x128xf32, #tpu.memory_space<vmem_shared>>
    %dma_wait3A_821 = arith.constant 0 : i32
    %dma_wait3A_822 = tpu.memref_slice %arg10[%mul3A_818, %dma_wait3A_821] : memref<10112x128xf32, #tpu.memory_space<vmem_shared>> -> memref<24x128xf32, #tpu.memory_space<vmem_shared>>
    tpu.wait_dma2 semaphore(%arg12 : memref<!tpu.dma_semaphore, #tpu.memory_space<semaphore_mem>>) src(%arg9 : memref<24x128xf32, #tpu.memory_space<vmem>>) dst(%dma_wait3A_822 : memref<24x128xf32, #tpu.memory_space<vmem_shared>>)
    %mul3A_823 = arith.constant 632 : i32
    %mul3A_824 = arith.muli %arg1, %mul3A_823 : i32
    %dma_wait3A_825 = arith.constant 0 : i32
    %dma_wait3A_826 = tpu.memref_slice %arg10[%mul3A_824, %dma_wait3A_825] : memref<10112x128xf32, #tpu.memory_space<vmem_shared>> -> memref<24x128xf32, #tpu.memory_space<vmem_shared>>
    %dma_wait3A_827 = arith.constant 0 : i32
    %dma_wait3A_828 = tpu.memref_slice %arg10[%mul3A_824, %dma_wait3A_827] : memref<10112x128xf32, #tpu.memory_space<vmem_shared>> -> memref<24x128xf32, #tpu.memory_space<vmem_shared>>
    tpu.wait_dma2 semaphore(%arg12 : memref<!tpu.dma_semaphore, #tpu.memory_space<semaphore_mem>>) src(%arg9 : memref<24x128xf32, #tpu.memory_space<vmem>>) dst(%dma_wait3A_828 : memref<24x128xf32, #tpu.memory_space<vmem_shared>>)
    %dma_wait3A_829 = arith.constant 0 : i32
    %dma_wait3A_830 = arith.constant 0 : i32
    %dma_wait3A_831 = tpu.memref_slice %arg9[%dma_wait3A_829, %dma_wait3A_830] : memref<24x128xf32, #tpu.memory_space<vmem>> -> memref<8x128xf32, #tpu.memory_space<vmem>>
    %dma_wait3A_832 = arith.constant 0 : i32
    %dma_wait3A_833 = tpu.memref_slice %arg10[%add3A_774, %dma_wait3A_832] : memref<10112x128xf32, #tpu.memory_space<vmem_shared>> -> memref<8x128xf32, #tpu.memory_space<vmem_shared>>
    %dma_wait3A_834 = arith.constant 0 : i32
    %dma_wait3A_835 = tpu.memref_slice %arg10[%add3A_774, %dma_wait3A_834] : memref<10112x128xf32, #tpu.memory_space<vmem_shared>> -> memref<8x128xf32, #tpu.memory_space<vmem_shared>>
    %dma_wait3A_836 = arith.constant 0 : i32
    %dma_wait3A_837 = arith.constant 0 : i32
    %dma_wait3A_838 = tpu.memref_slice %arg9[%dma_wait3A_836, %dma_wait3A_837] : memref<24x128xf32, #tpu.memory_space<vmem>> -> memref<8x128xf32, #tpu.memory_space<vmem>>
    tpu.wait_dma2 semaphore(%arg12 : memref<!tpu.dma_semaphore, #tpu.memory_space<semaphore_mem>>) src(%dma_wait3A_838 : memref<8x128xf32, #tpu.memory_space<vmem>>) dst(%dma_wait3A_835 : memref<8x128xf32, #tpu.memory_space<vmem_shared>>)
    %barrier3A = arith.constant 0 : index
    tpu.barrier barrier_id(%barrier3A)
    %scan3A_839 = arith.constant 0 : i32
    %scan3A_840 = arith.constant 1 : i32
    %scan3A_841 = arith.constant 39 : i32
    %scan3A_842 = arith.addi %scan3A_840, %scan3A_841 : i32
    %scan3A_843 = arith.constant 1 : i32
    scf.for %scan3A_918 = %scan3A_840 to %scan3A_842 step %scan3A_843  : i32 {
      %rem3A = arith.constant 2 : i32
      %rem3A_919 = arith.remsi %scan3A_918, %rem3A : i32
      %add3A_920 = arith.constant 1 : i32
      %add3A_921 = arith.addi %scan3A_918, %add3A_920 : i32
      %rem3A_922 = arith.constant 2 : i32
      %rem3A_923 = arith.remsi %add3A_921, %rem3A_922 : i32
      %dma_start3A_924 = arith.constant 0 : i32
      %dma_start3A_925 = arith.constant 0 : i32
      %dma_start3A_926 = tpu.memref_slice %arg8[%rem3A_919, %dma_start3A_924, %dma_start3A_925] : memref<2x125x128xf32, #tpu.memory_space<vmem>> -> memref<1x125x128xf32, #tpu.memory_space<vmem>>
      %dma_start3A_927 = tpu.memref_squeeze %dma_start3A_926 : memref<1x125x128xf32, #tpu.memory_space<vmem>> -> memref<125x128xf32, #tpu.memory_space<vmem>>
      %dma_start3A_928 = arith.constant 0 : i32
      %dma_start3A_929 = tpu.memref_slice %arg6[%scan3A_918, %dma_start3A_928] : memref<40x125xi32, #tpu.memory_space<vmem>> -> memref<1x125xi32, #tpu.memory_space<vmem>>
      %dma_start3A_930 = tpu.memref_squeeze %dma_start3A_929 : memref<1x125xi32, #tpu.memory_space<vmem>> -> memref<125xi32, #tpu.memory_space<vmem>>
      %dma_start3A_931 = arith.constant 0 : i32
      %dma_start3A_932 = arith.constant 0 : i32
      %dma_start3A_933 = tpu.memref_slice %arg2[%dma_start3A_931, %dma_start3A_932] : memref<20224x128xf32, #tpu.memory_space<hbm>> -> memref<20224x128xf32, #tpu.memory_space<hbm>>
      %dma_start3A_934 = tpu.memref_slice %arg11[%rem3A_919] : memref<2x!tpu.dma_semaphore, #tpu.memory_space<semaphore_mem>> -> memref<1x!tpu.dma_semaphore, #tpu.memory_space<semaphore_mem>>
      %dma_start3A_935 = tpu.memref_squeeze %dma_start3A_934 : memref<1x!tpu.dma_semaphore, #tpu.memory_space<semaphore_mem>> -> memref<!tpu.dma_semaphore, #tpu.memory_space<semaphore_mem>>
      tpu.enqueue_indirect_dma source(%dma_start3A_933 : memref<20224x128xf32, #tpu.memory_space<hbm>>) target(%dma_start3A_927 : memref<125x128xf32, #tpu.memory_space<vmem>>) offsets(%dma_start3A_930 : memref<125xi32, #tpu.memory_space<vmem>>) semaphore(%dma_start3A_935 : memref<!tpu.dma_semaphore, #tpu.memory_space<semaphore_mem>>)
      %sub3A = arith.constant 1 : i32
      %sub3A_936 = arith.subi %scan3A_918, %sub3A : i32
      %dma_wait3A_937 = arith.constant 0 : i32
      %dma_wait3A_938 = arith.constant 0 : i32
      %dma_wait3A_939 = tpu.memref_slice %arg8[%rem3A_923, %dma_wait3A_937, %dma_wait3A_938] : memref<2x125x128xf32, #tpu.memory_space<vmem>> -> memref<1x125x128xf32, #tpu.memory_space<vmem>>
      %dma_wait3A_940 = tpu.memref_squeeze %dma_wait3A_939 : memref<1x125x128xf32, #tpu.memory_space<vmem>> -> memref<125x128xf32, #tpu.memory_space<vmem>>
      %dma_wait3A_941 = arith.constant 0 : i32
      %dma_wait3A_942 = tpu.memref_slice %arg6[%sub3A_936, %dma_wait3A_941] : memref<40x125xi32, #tpu.memory_space<vmem>> -> memref<1x125xi32, #tpu.memory_space<vmem>>
      %dma_wait3A_943 = tpu.memref_squeeze %dma_wait3A_942 : memref<1x125xi32, #tpu.memory_space<vmem>> -> memref<125xi32, #tpu.memory_space<vmem>>
      %dma_wait3A_944 = arith.constant 0 : i32
      %dma_wait3A_945 = arith.constant 0 : i32
      %dma_wait3A_946 = tpu.memref_slice %arg2[%dma_wait3A_944, %dma_wait3A_945] : memref<20224x128xf32, #tpu.memory_space<hbm>> -> memref<20224x128xf32, #tpu.memory_space<hbm>>
      %dma_wait3A_947 = tpu.memref_slice %arg11[%rem3A_923] : memref<2x!tpu.dma_semaphore, #tpu.memory_space<semaphore_mem>> -> memref<1x!tpu.dma_semaphore, #tpu.memory_space<semaphore_mem>>
      %dma_wait3A_948 = tpu.memref_squeeze %dma_wait3A_947 : memref<1x!tpu.dma_semaphore, #tpu.memory_space<semaphore_mem>> -> memref<!tpu.dma_semaphore, #tpu.memory_space<semaphore_mem>>
      tpu.wait_indirect_dma semaphore(%dma_wait3A_948 : memref<!tpu.dma_semaphore, #tpu.memory_space<semaphore_mem>>) src(%dma_wait3A_946 : memref<20224x128xf32, #tpu.memory_space<hbm>>) dst(%dma_wait3A_940 : memref<125x128xf32, #tpu.memory_space<vmem>>)
      %sub3A_949 = arith.constant 1 : i32
      %sub3A_950 = arith.subi %scan3A_918, %sub3A_949 : i32
      "tpu.region"() ({
        %run_scoped3A_951 = tpu.sem_alloc : memref<!tpu.dma_semaphore, #tpu.memory_space<semaphore_mem>>
        %dma_start3A_952 = arith.constant 0 : i32
        %dma_start3A_953 = arith.constant 0 : i32
        %dma_start3A_954 = tpu.memref_slice %arg8[%rem3A_923, %dma_start3A_952, %dma_start3A_953] : memref<2x125x128xf32, #tpu.memory_space<vmem>> -> memref<1x125x128xf32, #tpu.memory_space<vmem>>
        %dma_start3A_955 = tpu.memref_squeeze %dma_start3A_954 : memref<1x125x128xf32, #tpu.memory_space<vmem>> -> memref<125x128xf32, #tpu.memory_space<vmem>>
        %dma_start3A_956 = arith.constant 0 : i32
        %dma_start3A_957 = tpu.memref_slice %arg7[%sub3A_950, %dma_start3A_956] : memref<40x125xi32, #tpu.memory_space<vmem>> -> memref<1x125xi32, #tpu.memory_space<vmem>>
        %dma_start3A_958 = tpu.memref_squeeze %dma_start3A_957 : memref<1x125xi32, #tpu.memory_space<vmem>> -> memref<125xi32, #tpu.memory_space<vmem>>
        %dma_start3A_959 = arith.constant 0 : i32
        %dma_start3A_960 = arith.constant 0 : i32
        %dma_start3A_961 = tpu.memref_slice %arg10[%dma_start3A_959, %dma_start3A_960] : memref<10112x128xf32, #tpu.memory_space<vmem_shared>> -> memref<10112x128xf32, #tpu.memory_space<vmem_shared>>
        tpu.enqueue_indirect_dma source(%dma_start3A_955 : memref<125x128xf32, #tpu.memory_space<vmem>>) target(%dma_start3A_961 : memref<10112x128xf32, #tpu.memory_space<vmem_shared>>) offsets(%dma_start3A_958 : memref<125xi32, #tpu.memory_space<vmem>>) semaphore(%run_scoped3A_951 : memref<!tpu.dma_semaphore, #tpu.memory_space<semaphore_mem>>) {add = true}
        %dma_wait3A_962 = arith.constant 0 : i32
        %dma_wait3A_963 = arith.constant 0 : i32
        %dma_wait3A_964 = tpu.memref_slice %arg8[%rem3A_923, %dma_wait3A_962, %dma_wait3A_963] : memref<2x125x128xf32, #tpu.memory_space<vmem>> -> memref<1x125x128xf32, #tpu.memory_space<vmem>>
        %dma_wait3A_965 = tpu.memref_squeeze %dma_wait3A_964 : memref<1x125x128xf32, #tpu.memory_space<vmem>> -> memref<125x128xf32, #tpu.memory_space<vmem>>
        %dma_wait3A_966 = arith.constant 0 : i32
        %dma_wait3A_967 = tpu.memref_slice %arg7[%sub3A_950, %dma_wait3A_966] : memref<40x125xi32, #tpu.memory_space<vmem>> -> memref<1x125xi32, #tpu.memory_space<vmem>>
        %dma_wait3A_968 = tpu.memref_squeeze %dma_wait3A_967 : memref<1x125xi32, #tpu.memory_space<vmem>> -> memref<125xi32, #tpu.memory_space<vmem>>
        %dma_wait3A_969 = arith.constant 0 : i32
        %dma_wait3A_970 = arith.constant 0 : i32
        %dma_wait3A_971 = tpu.memref_slice %arg10[%dma_wait3A_969, %dma_wait3A_970] : memref<10112x128xf32, #tpu.memory_space<vmem_shared>> -> memref<10112x128xf32, #tpu.memory_space<vmem_shared>>
        tpu.wait_indirect_dma semaphore(%run_scoped3A_951 : memref<!tpu.dma_semaphore, #tpu.memory_space<semaphore_mem>>) src(%dma_wait3A_965 : memref<125x128xf32, #tpu.memory_space<vmem>>) dst(%dma_wait3A_971 : memref<10112x128xf32, #tpu.memory_space<vmem_shared>>)
        tpu.yield
      }) : () -> ()
    }
    %scan3A_844 = arith.constant 39 : i32
    %dma_wait3A_845 = arith.constant 39 : i32
    %dma_wait3A_846 = arith.constant 1 : i32
    %dma_wait3A_847 = arith.constant 1 : i32
    %dma_wait3A_848 = arith.constant 0 : i32
    %dma_wait3A_849 = arith.constant 0 : i32
    %dma_wait3A_850 = tpu.memref_slice %arg8[%dma_wait3A_846, %dma_wait3A_848, %dma_wait3A_849] : memref<2x125x128xf32, #tpu.memory_space<vmem>> -> memref<1x125x128xf32, #tpu.memory_space<vmem>>
    %dma_wait3A_851 = tpu.memref_squeeze %dma_wait3A_850 : memref<1x125x128xf32, #tpu.memory_space<vmem>> -> memref<125x128xf32, #tpu.memory_space<vmem>>
    %dma_wait3A_852 = arith.constant 0 : i32
    %dma_wait3A_853 = tpu.memref_slice %arg6[%dma_wait3A_845, %dma_wait3A_852] : memref<40x125xi32, #tpu.memory_space<vmem>> -> memref<1x125xi32, #tpu.memory_space<vmem>>
    %dma_wait3A_854 = tpu.memref_squeeze %dma_wait3A_853 : memref<1x125xi32, #tpu.memory_space<vmem>> -> memref<125xi32, #tpu.memory_space<vmem>>
    %dma_wait3A_855 = arith.constant 0 : i32
    %dma_wait3A_856 = arith.constant 0 : i32
    %dma_wait3A_857 = tpu.memref_slice %arg2[%dma_wait3A_855, %dma_wait3A_856] : memref<20224x128xf32, #tpu.memory_space<hbm>> -> memref<20224x128xf32, #tpu.memory_space<hbm>>
    %dma_wait3A_858 = tpu.memref_slice %arg11[%dma_wait3A_847] : memref<2x!tpu.dma_semaphore, #tpu.memory_space<semaphore_mem>> -> memref<1x!tpu.dma_semaphore, #tpu.memory_space<semaphore_mem>>
    %dma_wait3A_859 = tpu.memref_squeeze %dma_wait3A_858 : memref<1x!tpu.dma_semaphore, #tpu.memory_space<semaphore_mem>> -> memref<!tpu.dma_semaphore, #tpu.memory_space<semaphore_mem>>
    tpu.wait_indirect_dma semaphore(%dma_wait3A_859 : memref<!tpu.dma_semaphore, #tpu.memory_space<semaphore_mem>>) src(%dma_wait3A_857 : memref<20224x128xf32, #tpu.memory_space<hbm>>) dst(%dma_wait3A_851 : memref<125x128xf32, #tpu.memory_space<vmem>>)
    %run_scoped3A = arith.constant 1 : i32
    %run_scoped3A_860 = arith.constant 39 : i32
    "tpu.region"() ({
      %run_scoped3A_918 = tpu.sem_alloc : memref<!tpu.dma_semaphore, #tpu.memory_space<semaphore_mem>>
      %dma_start3A_919 = arith.constant 0 : i32
      %dma_start3A_920 = arith.constant 0 : i32
      %dma_start3A_921 = tpu.memref_slice %arg8[%run_scoped3A, %dma_start3A_919, %dma_start3A_920] : memref<2x125x128xf32, #tpu.memory_space<vmem>> -> memref<1x125x128xf32, #tpu.memory_space<vmem>>
      %dma_start3A_922 = tpu.memref_squeeze %dma_start3A_921 : memref<1x125x128xf32, #tpu.memory_space<vmem>> -> memref<125x128xf32, #tpu.memory_space<vmem>>
      %dma_start3A_923 = arith.constant 0 : i32
      %dma_start3A_924 = tpu.memref_slice %arg7[%run_scoped3A_860, %dma_start3A_923] : memref<40x125xi32, #tpu.memory_space<vmem>> -> memref<1x125xi32, #tpu.memory_space<vmem>>
      %dma_start3A_925 = tpu.memref_squeeze %dma_start3A_924 : memref<1x125xi32, #tpu.memory_space<vmem>> -> memref<125xi32, #tpu.memory_space<vmem>>
      %dma_start3A_926 = arith.constant 0 : i32
      %dma_start3A_927 = arith.constant 0 : i32
      %dma_start3A_928 = tpu.memref_slice %arg10[%dma_start3A_926, %dma_start3A_927] : memref<10112x128xf32, #tpu.memory_space<vmem_shared>> -> memref<10112x128xf32, #tpu.memory_space<vmem_shared>>
      tpu.enqueue_indirect_dma source(%dma_start3A_922 : memref<125x128xf32, #tpu.memory_space<vmem>>) target(%dma_start3A_928 : memref<10112x128xf32, #tpu.memory_space<vmem_shared>>) offsets(%dma_start3A_925 : memref<125xi32, #tpu.memory_space<vmem>>) semaphore(%run_scoped3A_918 : memref<!tpu.dma_semaphore, #tpu.memory_space<semaphore_mem>>) {add = true}
      %dma_wait3A_929 = arith.constant 0 : i32
      %dma_wait3A_930 = arith.constant 0 : i32
      %dma_wait3A_931 = tpu.memref_slice %arg8[%run_scoped3A, %dma_wait3A_929, %dma_wait3A_930] : memref<2x125x128xf32, #tpu.memory_space<vmem>> -> memref<1x125x128xf32, #tpu.memory_space<vmem>>
      %dma_wait3A_932 = tpu.memref_squeeze %dma_wait3A_931 : memref<1x125x128xf32, #tpu.memory_space<vmem>> -> memref<125x128xf32, #tpu.memory_space<vmem>>
      %dma_wait3A_933 = arith.constant 0 : i32
      %dma_wait3A_934 = tpu.memref_slice %arg7[%run_scoped3A_860, %dma_wait3A_933] : memref<40x125xi32, #tpu.memory_space<vmem>> -> memref<1x125xi32, #tpu.memory_space<vmem>>
      %dma_wait3A_935 = tpu.memref_squeeze %dma_wait3A_934 : memref<1x125xi32, #tpu.memory_space<vmem>> -> memref<125xi32, #tpu.memory_space<vmem>>
      %dma_wait3A_936 = arith.constant 0 : i32
      %dma_wait3A_937 = arith.constant 0 : i32
      %dma_wait3A_938 = tpu.memref_slice %arg10[%dma_wait3A_936, %dma_wait3A_937] : memref<10112x128xf32, #tpu.memory_space<vmem_shared>> -> memref<10112x128xf32, #tpu.memory_space<vmem_shared>>
      tpu.wait_indirect_dma semaphore(%run_scoped3A_918 : memref<!tpu.dma_semaphore, #tpu.memory_space<semaphore_mem>>) src(%dma_wait3A_932 : memref<125x128xf32, #tpu.memory_space<vmem>>) dst(%dma_wait3A_938 : memref<10112x128xf32, #tpu.memory_space<vmem_shared>>)
      tpu.yield
    }) : () -> ()
    %mul3A_861 = arith.constant 16 : i32
    %mul3A_862 = arith.muli %arg0, %mul3A_861 : i32
    %add3A_863 = arith.addi %mul3A_862, %arg1 : i32
    %mul3A_864 = arith.constant 2 : i32
    %mul3A_865 = arith.muli %add3A_863, %mul3A_864 : i32
    %add3A_866 = arith.constant 1 : i32
    %add3A_867 = arith.addi %mul3A_865, %add3A_866 : i32
    "tpu.region"() ({
      %run_scoped3A_918 = tpu.sem_alloc : memref<!tpu.dma_semaphore, #tpu.memory_space<semaphore_mem>>
      %dma_start3A_919 = arith.constant 0 : i32
      %dma_start3A_920 = arith.constant 0 : i32
      %dma_start3A_921 = tpu.memref_slice %arg3[%add3A_867, %dma_start3A_919, %dma_start3A_920] : memref<64x40x125xi32, #tpu.memory_space<hbm>> -> memref<1x40x125xi32, #tpu.memory_space<hbm>>
      %dma_start3A_922 = tpu.memref_squeeze %dma_start3A_921 : memref<1x40x125xi32, #tpu.memory_space<hbm>> -> memref<40x125xi32, #tpu.memory_space<hbm>>
      %dma_start3A_923 = arith.constant 0 : i32
      %dma_start3A_924 = arith.constant 0 : i32
      %dma_start3A_925 = tpu.memref_slice %arg3[%add3A_867, %dma_start3A_923, %dma_start3A_924] : memref<64x40x125xi32, #tpu.memory_space<hbm>> -> memref<1x40x125xi32, #tpu.memory_space<hbm>>
      %dma_start3A_926 = tpu.memref_squeeze %dma_start3A_925 : memref<1x40x125xi32, #tpu.memory_space<hbm>> -> memref<40x125xi32, #tpu.memory_space<hbm>>
      tpu.enqueue_dma source(%dma_start3A_926 : memref<40x125xi32, #tpu.memory_space<hbm>>) target(%arg6 : memref<40x125xi32, #tpu.memory_space<vmem>>) target_semaphore(%run_scoped3A_918 : memref<!tpu.dma_semaphore, #tpu.memory_space<semaphore_mem>>)
      %dma_wait3A_927 = arith.constant 0 : i32
      %dma_wait3A_928 = arith.constant 0 : i32
      %dma_wait3A_929 = tpu.memref_slice %arg3[%add3A_867, %dma_wait3A_927, %dma_wait3A_928] : memref<64x40x125xi32, #tpu.memory_space<hbm>> -> memref<1x40x125xi32, #tpu.memory_space<hbm>>
      %dma_wait3A_930 = tpu.memref_squeeze %dma_wait3A_929 : memref<1x40x125xi32, #tpu.memory_space<hbm>> -> memref<40x125xi32, #tpu.memory_space<hbm>>
      %dma_wait3A_931 = arith.constant 0 : i32
      %dma_wait3A_932 = arith.constant 0 : i32
      %dma_wait3A_933 = tpu.memref_slice %arg3[%add3A_867, %dma_wait3A_931, %dma_wait3A_932] : memref<64x40x125xi32, #tpu.memory_space<hbm>> -> memref<1x40x125xi32, #tpu.memory_space<hbm>>
      %dma_wait3A_934 = tpu.memref_squeeze %dma_wait3A_933 : memref<1x40x125xi32, #tpu.memory_space<hbm>> -> memref<40x125xi32, #tpu.memory_space<hbm>>
      tpu.wait_dma2 semaphore(%run_scoped3A_918 : memref<!tpu.dma_semaphore, #tpu.memory_space<semaphore_mem>>) src(%dma_wait3A_934 : memref<40x125xi32, #tpu.memory_space<hbm>>) dst(%arg6 : memref<40x125xi32, #tpu.memory_space<vmem>>)
      tpu.yield
    }) : () -> ()
    %mul3A_868 = arith.constant 2 : i32
    %mul3A_869 = arith.muli %arg1, %mul3A_868 : i32
    %add3A_870 = arith.constant 1 : i32
    %add3A_871 = arith.addi %mul3A_869, %add3A_870 : i32
    "tpu.region"() ({
      %run_scoped3A_918 = tpu.sem_alloc : memref<!tpu.dma_semaphore, #tpu.memory_space<semaphore_mem>>
      %dma_start3A_919 = arith.constant 0 : i32
      %dma_start3A_920 = arith.constant 0 : i32
      %dma_start3A_921 = tpu.memref_slice %arg4[%add3A_871, %dma_start3A_919, %dma_start3A_920] : memref<32x40x125xi32, #tpu.memory_space<hbm>> -> memref<1x40x125xi32, #tpu.memory_space<hbm>>
      %dma_start3A_922 = tpu.memref_squeeze %dma_start3A_921 : memref<1x40x125xi32, #tpu.memory_space<hbm>> -> memref<40x125xi32, #tpu.memory_space<hbm>>
      %dma_start3A_923 = arith.constant 0 : i32
      %dma_start3A_924 = arith.constant 0 : i32
      %dma_start3A_925 = tpu.memref_slice %arg4[%add3A_871, %dma_start3A_923, %dma_start3A_924] : memref<32x40x125xi32, #tpu.memory_space<hbm>> -> memref<1x40x125xi32, #tpu.memory_space<hbm>>
      %dma_start3A_926 = tpu.memref_squeeze %dma_start3A_925 : memref<1x40x125xi32, #tpu.memory_space<hbm>> -> memref<40x125xi32, #tpu.memory_space<hbm>>
      tpu.enqueue_dma source(%dma_start3A_926 : memref<40x125xi32, #tpu.memory_space<hbm>>) target(%arg7 : memref<40x125xi32, #tpu.memory_space<vmem>>) target_semaphore(%run_scoped3A_918 : memref<!tpu.dma_semaphore, #tpu.memory_space<semaphore_mem>>)
      %dma_wait3A_927 = arith.constant 0 : i32
      %dma_wait3A_928 = arith.constant 0 : i32
      %dma_wait3A_929 = tpu.memref_slice %arg4[%add3A_871, %dma_wait3A_927, %dma_wait3A_928] : memref<32x40x125xi32, #tpu.memory_space<hbm>> -> memref<1x40x125xi32, #tpu.memory_space<hbm>>
      %dma_wait3A_930 = tpu.memref_squeeze %dma_wait3A_929 : memref<1x40x125xi32, #tpu.memory_space<hbm>> -> memref<40x125xi32, #tpu.memory_space<hbm>>
      %dma_wait3A_931 = arith.constant 0 : i32
      %dma_wait3A_932 = arith.constant 0 : i32
      %dma_wait3A_933 = tpu.memref_slice %arg4[%add3A_871, %dma_wait3A_931, %dma_wait3A_932] : memref<32x40x125xi32, #tpu.memory_space<hbm>> -> memref<1x40x125xi32, #tpu.memory_space<hbm>>
      %dma_wait3A_934 = tpu.memref_squeeze %dma_wait3A_933 : memref<1x40x125xi32, #tpu.memory_space<hbm>> -> memref<40x125xi32, #tpu.memory_space<hbm>>
      tpu.wait_dma2 semaphore(%run_scoped3A_918 : memref<!tpu.dma_semaphore, #tpu.memory_space<semaphore_mem>>) src(%dma_wait3A_934 : memref<40x125xi32, #tpu.memory_space<hbm>>) dst(%arg7 : memref<40x125xi32, #tpu.memory_space<vmem>>)
      tpu.yield
    }) : () -> ()
    %dma_start3A_872 = arith.constant 0 : i32
    %dma_start3A_873 = arith.constant 0 : i32
    %dma_start3A_874 = arith.constant 0 : i32
    %dma_start3A_875 = arith.constant 0 : i32
    %dma_start3A_876 = arith.constant 0 : i32
    %dma_start3A_877 = tpu.memref_slice %arg8[%dma_start3A_873, %dma_start3A_875, %dma_start3A_876] : memref<2x125x128xf32, #tpu.memory_space<vmem>> -> memref<1x125x128xf32, #tpu.memory_space<vmem>>
    %dma_start3A_878 = tpu.memref_squeeze %dma_start3A_877 : memref<1x125x128xf32, #tpu.memory_space<vmem>> -> memref<125x128xf32, #tpu.memory_space<vmem>>
    %dma_start3A_879 = arith.constant 0 : i32
    %dma_start3A_880 = tpu.memref_slice %arg6[%dma_start3A_872, %dma_start3A_879] : memref<40x125xi32, #tpu.memory_space<vmem>> -> memref<1x125xi32, #tpu.memory_space<vmem>>
    %dma_start3A_881 = tpu.memref_squeeze %dma_start3A_880 : memref<1x125xi32, #tpu.memory_space<vmem>> -> memref<125xi32, #tpu.memory_space<vmem>>
    %dma_start3A_882 = arith.constant 0 : i32
    %dma_start3A_883 = arith.constant 0 : i32
    %dma_start3A_884 = tpu.memref_slice %arg2[%dma_start3A_882, %dma_start3A_883] : memref<20224x128xf32, #tpu.memory_space<hbm>> -> memref<20224x128xf32, #tpu.memory_space<hbm>>
    %dma_start3A_885 = tpu.memref_slice %arg11[%dma_start3A_874] : memref<2x!tpu.dma_semaphore, #tpu.memory_space<semaphore_mem>> -> memref<1x!tpu.dma_semaphore, #tpu.memory_space<semaphore_mem>>
    %dma_start3A_886 = tpu.memref_squeeze %dma_start3A_885 : memref<1x!tpu.dma_semaphore, #tpu.memory_space<semaphore_mem>> -> memref<!tpu.dma_semaphore, #tpu.memory_space<semaphore_mem>>
    tpu.enqueue_indirect_dma source(%dma_start3A_884 : memref<20224x128xf32, #tpu.memory_space<hbm>>) target(%dma_start3A_878 : memref<125x128xf32, #tpu.memory_space<vmem>>) offsets(%dma_start3A_881 : memref<125xi32, #tpu.memory_space<vmem>>) semaphore(%dma_start3A_886 : memref<!tpu.dma_semaphore, #tpu.memory_space<semaphore_mem>>)
    %scan3A_887 = arith.constant 0 : i32
    %scan3A_888 = arith.constant 1 : i32
    %scan3A_889 = arith.constant 39 : i32
    %scan3A_890 = arith.addi %scan3A_888, %scan3A_889 : i32
    %scan3A_891 = arith.constant 1 : i32
    scf.for %scan3A_918 = %scan3A_888 to %scan3A_890 step %scan3A_891  : i32 {
      %rem3A = arith.constant 2 : i32
      %rem3A_919 = arith.remsi %scan3A_918, %rem3A : i32
      %add3A_920 = arith.constant 1 : i32
      %add3A_921 = arith.addi %scan3A_918, %add3A_920 : i32
      %rem3A_922 = arith.constant 2 : i32
      %rem3A_923 = arith.remsi %add3A_921, %rem3A_922 : i32
      %dma_start3A_924 = arith.constant 0 : i32
      %dma_start3A_925 = arith.constant 0 : i32
      %dma_start3A_926 = tpu.memref_slice %arg8[%rem3A_919, %dma_start3A_924, %dma_start3A_925] : memref<2x125x128xf32, #tpu.memory_space<vmem>> -> memref<1x125x128xf32, #tpu.memory_space<vmem>>
      %dma_start3A_927 = tpu.memref_squeeze %dma_start3A_926 : memref<1x125x128xf32, #tpu.memory_space<vmem>> -> memref<125x128xf32, #tpu.memory_space<vmem>>
      %dma_start3A_928 = arith.constant 0 : i32
      %dma_start3A_929 = tpu.memref_slice %arg6[%scan3A_918, %dma_start3A_928] : memref<40x125xi32, #tpu.memory_space<vmem>> -> memref<1x125xi32, #tpu.memory_space<vmem>>
      %dma_start3A_930 = tpu.memref_squeeze %dma_start3A_929 : memref<1x125xi32, #tpu.memory_space<vmem>> -> memref<125xi32, #tpu.memory_space<vmem>>
      %dma_start3A_931 = arith.constant 0 : i32
      %dma_start3A_932 = arith.constant 0 : i32
      %dma_start3A_933 = tpu.memref_slice %arg2[%dma_start3A_931, %dma_start3A_932] : memref<20224x128xf32, #tpu.memory_space<hbm>> -> memref<20224x128xf32, #tpu.memory_space<hbm>>
      %dma_start3A_934 = tpu.memref_slice %arg11[%rem3A_919] : memref<2x!tpu.dma_semaphore, #tpu.memory_space<semaphore_mem>> -> memref<1x!tpu.dma_semaphore, #tpu.memory_space<semaphore_mem>>
      %dma_start3A_935 = tpu.memref_squeeze %dma_start3A_934 : memref<1x!tpu.dma_semaphore, #tpu.memory_space<semaphore_mem>> -> memref<!tpu.dma_semaphore, #tpu.memory_space<semaphore_mem>>
      tpu.enqueue_indirect_dma source(%dma_start3A_933 : memref<20224x128xf32, #tpu.memory_space<hbm>>) target(%dma_start3A_927 : memref<125x128xf32, #tpu.memory_space<vmem>>) offsets(%dma_start3A_930 : memref<125xi32, #tpu.memory_space<vmem>>) semaphore(%dma_start3A_935 : memref<!tpu.dma_semaphore, #tpu.memory_space<semaphore_mem>>)
      %sub3A = arith.constant 1 : i32
      %sub3A_936 = arith.subi %scan3A_918, %sub3A : i32
      %dma_wait3A_937 = arith.constant 0 : i32
      %dma_wait3A_938 = arith.constant 0 : i32
      %dma_wait3A_939 = tpu.memref_slice %arg8[%rem3A_923, %dma_wait3A_937, %dma_wait3A_938] : memref<2x125x128xf32, #tpu.memory_space<vmem>> -> memref<1x125x128xf32, #tpu.memory_space<vmem>>
      %dma_wait3A_940 = tpu.memref_squeeze %dma_wait3A_939 : memref<1x125x128xf32, #tpu.memory_space<vmem>> -> memref<125x128xf32, #tpu.memory_space<vmem>>
      %dma_wait3A_941 = arith.constant 0 : i32
      %dma_wait3A_942 = tpu.memref_slice %arg6[%sub3A_936, %dma_wait3A_941] : memref<40x125xi32, #tpu.memory_space<vmem>> -> memref<1x125xi32, #tpu.memory_space<vmem>>
      %dma_wait3A_943 = tpu.memref_squeeze %dma_wait3A_942 : memref<1x125xi32, #tpu.memory_space<vmem>> -> memref<125xi32, #tpu.memory_space<vmem>>
      %dma_wait3A_944 = arith.constant 0 : i32
      %dma_wait3A_945 = arith.constant 0 : i32
      %dma_wait3A_946 = tpu.memref_slice %arg2[%dma_wait3A_944, %dma_wait3A_945] : memref<20224x128xf32, #tpu.memory_space<hbm>> -> memref<20224x128xf32, #tpu.memory_space<hbm>>
      %dma_wait3A_947 = tpu.memref_slice %arg11[%rem3A_923] : memref<2x!tpu.dma_semaphore, #tpu.memory_space<semaphore_mem>> -> memref<1x!tpu.dma_semaphore, #tpu.memory_space<semaphore_mem>>
      %dma_wait3A_948 = tpu.memref_squeeze %dma_wait3A_947 : memref<1x!tpu.dma_semaphore, #tpu.memory_space<semaphore_mem>> -> memref<!tpu.dma_semaphore, #tpu.memory_space<semaphore_mem>>
      tpu.wait_indirect_dma semaphore(%dma_wait3A_948 : memref<!tpu.dma_semaphore, #tpu.memory_space<semaphore_mem>>) src(%dma_wait3A_946 : memref<20224x128xf32, #tpu.memory_space<hbm>>) dst(%dma_wait3A_940 : memref<125x128xf32, #tpu.memory_space<vmem>>)
      %sub3A_949 = arith.constant 1 : i32
      %sub3A_950 = arith.subi %scan3A_918, %sub3A_949 : i32
      "tpu.region"() ({
        %run_scoped3A_951 = tpu.sem_alloc : memref<!tpu.dma_semaphore, #tpu.memory_space<semaphore_mem>>
        %dma_start3A_952 = arith.constant 0 : i32
        %dma_start3A_953 = arith.constant 0 : i32
        %dma_start3A_954 = tpu.memref_slice %arg8[%rem3A_923, %dma_start3A_952, %dma_start3A_953] : memref<2x125x128xf32, #tpu.memory_space<vmem>> -> memref<1x125x128xf32, #tpu.memory_space<vmem>>
        %dma_start3A_955 = tpu.memref_squeeze %dma_start3A_954 : memref<1x125x128xf32, #tpu.memory_space<vmem>> -> memref<125x128xf32, #tpu.memory_space<vmem>>
        %dma_start3A_956 = arith.constant 0 : i32
        %dma_start3A_957 = tpu.memref_slice %arg7[%sub3A_950, %dma_start3A_956] : memref<40x125xi32, #tpu.memory_space<vmem>> -> memref<1x125xi32, #tpu.memory_space<vmem>>
        %dma_start3A_958 = tpu.memref_squeeze %dma_start3A_957 : memref<1x125xi32, #tpu.memory_space<vmem>> -> memref<125xi32, #tpu.memory_space<vmem>>
        %dma_start3A_959 = arith.constant 0 : i32
        %dma_start3A_960 = arith.constant 0 : i32
        %dma_start3A_961 = tpu.memref_slice %arg10[%dma_start3A_959, %dma_start3A_960] : memref<10112x128xf32, #tpu.memory_space<vmem_shared>> -> memref<10112x128xf32, #tpu.memory_space<vmem_shared>>
        tpu.enqueue_indirect_dma source(%dma_start3A_955 : memref<125x128xf32, #tpu.memory_space<vmem>>) target(%dma_start3A_961 : memref<10112x128xf32, #tpu.memory_space<vmem_shared>>) offsets(%dma_start3A_958 : memref<125xi32, #tpu.memory_space<vmem>>) semaphore(%run_scoped3A_951 : memref<!tpu.dma_semaphore, #tpu.memory_space<semaphore_mem>>) {add = true}
        %dma_wait3A_962 = arith.constant 0 : i32
        %dma_wait3A_963 = arith.constant 0 : i32
        %dma_wait3A_964 = tpu.memref_slice %arg8[%rem3A_923, %dma_wait3A_962, %dma_wait3A_963] : memref<2x125x128xf32, #tpu.memory_space<vmem>> -> memref<1x125x128xf32, #tpu.memory_space<vmem>>
        %dma_wait3A_965 = tpu.memref_squeeze %dma_wait3A_964 : memref<1x125x128xf32, #tpu.memory_space<vmem>> -> memref<125x128xf32, #tpu.memory_space<vmem>>
        %dma_wait3A_966 = arith.constant 0 : i32
        %dma_wait3A_967 = tpu.memref_slice %arg7[%sub3A_950, %dma_wait3A_966] : memref<40x125xi32, #tpu.memory_space<vmem>> -> memref<1x125xi32, #tpu.memory_space<vmem>>
        %dma_wait3A_968 = tpu.memref_squeeze %dma_wait3A_967 : memref<1x125xi32, #tpu.memory_space<vmem>> -> memref<125xi32, #tpu.memory_space<vmem>>
        %dma_wait3A_969 = arith.constant 0 : i32
        %dma_wait3A_970 = arith.constant 0 : i32
        %dma_wait3A_971 = tpu.memref_slice %arg10[%dma_wait3A_969, %dma_wait3A_970] : memref<10112x128xf32, #tpu.memory_space<vmem_shared>> -> memref<10112x128xf32, #tpu.memory_space<vmem_shared>>
        tpu.wait_indirect_dma semaphore(%run_scoped3A_951 : memref<!tpu.dma_semaphore, #tpu.memory_space<semaphore_mem>>) src(%dma_wait3A_965 : memref<125x128xf32, #tpu.memory_space<vmem>>) dst(%dma_wait3A_971 : memref<10112x128xf32, #tpu.memory_space<vmem_shared>>)
        tpu.yield
      }) : () -> ()
    }
    %scan3A_892 = arith.constant 39 : i32
    %dma_wait3A_893 = arith.constant 39 : i32
    %dma_wait3A_894 = arith.constant 1 : i32
    %dma_wait3A_895 = arith.constant 1 : i32
    %dma_wait3A_896 = arith.constant 0 : i32
    %dma_wait3A_897 = arith.constant 0 : i32
    %dma_wait3A_898 = tpu.memref_slice %arg8[%dma_wait3A_894, %dma_wait3A_896, %dma_wait3A_897] : memref<2x125x128xf32, #tpu.memory_space<vmem>> -> memref<1x125x128xf32, #tpu.memory_space<vmem>>
    %dma_wait3A_899 = tpu.memref_squeeze %dma_wait3A_898 : memref<1x125x128xf32, #tpu.memory_space<vmem>> -> memref<125x128xf32, #tpu.memory_space<vmem>>
    %dma_wait3A_900 = arith.constant 0 : i32
    %dma_wait3A_901 = tpu.memref_slice %arg6[%dma_wait3A_893, %dma_wait3A_900] : memref<40x125xi32, #tpu.memory_space<vmem>> -> memref<1x125xi32, #tpu.memory_space<vmem>>
    %dma_wait3A_902 = tpu.memref_squeeze %dma_wait3A_901 : memref<1x125xi32, #tpu.memory_space<vmem>> -> memref<125xi32, #tpu.memory_space<vmem>>
    %dma_wait3A_903 = arith.constant 0 : i32
    %dma_wait3A_904 = arith.constant 0 : i32
    %dma_wait3A_905 = tpu.memref_slice %arg2[%dma_wait3A_903, %dma_wait3A_904] : memref<20224x128xf32, #tpu.memory_space<hbm>> -> memref<20224x128xf32, #tpu.memory_space<hbm>>
    %dma_wait3A_906 = tpu.memref_slice %arg11[%dma_wait3A_895] : memref<2x!tpu.dma_semaphore, #tpu.memory_space<semaphore_mem>> -> memref<1x!tpu.dma_semaphore, #tpu.memory_space<semaphore_mem>>
    %dma_wait3A_907 = tpu.memref_squeeze %dma_wait3A_906 : memref<1x!tpu.dma_semaphore, #tpu.memory_space<semaphore_mem>> -> memref<!tpu.dma_semaphore, #tpu.memory_space<semaphore_mem>>
    tpu.wait_indirect_dma semaphore(%dma_wait3A_907 : memref<!tpu.dma_semaphore, #tpu.memory_space<semaphore_mem>>) src(%dma_wait3A_905 : memref<20224x128xf32, #tpu.memory_space<hbm>>) dst(%dma_wait3A_899 : memref<125x128xf32, #tpu.memory_space<vmem>>)
    %run_scoped3A_908 = arith.constant 1 : i32
    %run_scoped3A_909 = arith.constant 39 : i32
    "tpu.region"() ({
      %run_scoped3A_918 = tpu.sem_alloc : memref<!tpu.dma_semaphore, #tpu.memory_space<semaphore_mem>>
      %dma_start3A_919 = arith.constant 0 : i32
      %dma_start3A_920 = arith.constant 0 : i32
      %dma_start3A_921 = tpu.memref_slice %arg8[%run_scoped3A_908, %dma_start3A_919, %dma_start3A_920] : memref<2x125x128xf32, #tpu.memory_space<vmem>> -> memref<1x125x128xf32, #tpu.memory_space<vmem>>
      %dma_start3A_922 = tpu.memref_squeeze %dma_start3A_921 : memref<1x125x128xf32, #tpu.memory_space<vmem>> -> memref<125x128xf32, #tpu.memory_space<vmem>>
      %dma_start3A_923 = arith.constant 0 : i32
      %dma_start3A_924 = tpu.memref_slice %arg7[%run_scoped3A_909, %dma_start3A_923] : memref<40x125xi32, #tpu.memory_space<vmem>> -> memref<1x125xi32, #tpu.memory_space<vmem>>
      %dma_start3A_925 = tpu.memref_squeeze %dma_start3A_924 : memref<1x125xi32, #tpu.memory_space<vmem>> -> memref<125xi32, #tpu.memory_space<vmem>>
      %dma_start3A_926 = arith.constant 0 : i32
      %dma_start3A_927 = arith.constant 0 : i32
      %dma_start3A_928 = tpu.memref_slice %arg10[%dma_start3A_926, %dma_start3A_927] : memref<10112x128xf32, #tpu.memory_space<vmem_shared>> -> memref<10112x128xf32, #tpu.memory_space<vmem_shared>>
      tpu.enqueue_indirect_dma source(%dma_start3A_922 : memref<125x128xf32, #tpu.memory_space<vmem>>) target(%dma_start3A_928 : memref<10112x128xf32, #tpu.memory_space<vmem_shared>>) offsets(%dma_start3A_925 : memref<125xi32, #tpu.memory_space<vmem>>) semaphore(%run_scoped3A_918 : memref<!tpu.dma_semaphore, #tpu.memory_space<semaphore_mem>>) {add = true}
      %dma_wait3A_929 = arith.constant 0 : i32
      %dma_wait3A_930 = arith.constant 0 : i32
      %dma_wait3A_931 = tpu.memref_slice %arg8[%run_scoped3A_908, %dma_wait3A_929, %dma_wait3A_930] : memref<2x125x128xf32, #tpu.memory_space<vmem>> -> memref<1x125x128xf32, #tpu.memory_space<vmem>>
      %dma_wait3A_932 = tpu.memref_squeeze %dma_wait3A_931 : memref<1x125x128xf32, #tpu.memory_space<vmem>> -> memref<125x128xf32, #tpu.memory_space<vmem>>
      %dma_wait3A_933 = arith.constant 0 : i32
      %dma_wait3A_934 = tpu.memref_slice %arg7[%run_scoped3A_909, %dma_wait3A_933] : memref<40x125xi32, #tpu.memory_space<vmem>> -> memref<1x125xi32, #tpu.memory_space<vmem>>
      %dma_wait3A_935 = tpu.memref_squeeze %dma_wait3A_934 : memref<1x125xi32, #tpu.memory_space<vmem>> -> memref<125xi32, #tpu.memory_space<vmem>>
      %dma_wait3A_936 = arith.constant 0 : i32
      %dma_wait3A_937 = arith.constant 0 : i32
      %dma_wait3A_938 = tpu.memref_slice %arg10[%dma_wait3A_936, %dma_wait3A_937] : memref<10112x128xf32, #tpu.memory_space<vmem_shared>> -> memref<10112x128xf32, #tpu.memory_space<vmem_shared>>
      tpu.wait_indirect_dma semaphore(%run_scoped3A_918 : memref<!tpu.dma_semaphore, #tpu.memory_space<semaphore_mem>>) src(%dma_wait3A_932 : memref<125x128xf32, #tpu.memory_space<vmem>>) dst(%dma_wait3A_938 : memref<10112x128xf32, #tpu.memory_space<vmem_shared>>)
      tpu.yield
    }) : () -> ()
    %barrier3A_910 = arith.constant 0 : index
    tpu.barrier barrier_id(%barrier3A_910)
    %mul3A_911 = arith.constant 632 : i32
    %mul3A_912 = arith.muli %arg1, %mul3A_911 : i32
    %mul3A_913 = arith.constant 10112 : i32
    %mul3A_914 = arith.muli %arg0, %mul3A_913 : i32
    %mul3A_915 = arith.constant 632 : i32
    %mul3A_916 = arith.muli %arg1, %mul3A_915 : i32
    %add3A_917 = arith.addi %mul3A_914, %mul3A_916 : i32
    "tpu.region"() ({
      %run_scoped3A_918 = tpu.sem_alloc : memref<!tpu.dma_semaphore, #tpu.memory_space<semaphore_mem>>
      %dma_start3A_919 = arith.constant 0 : i32
      %dma_start3A_920 = tpu.memref_slice %arg5[%add3A_917, %dma_start3A_919] : memref<20224x128xf32, #tpu.memory_space<hbm>> -> memref<632x128xf32, #tpu.memory_space<hbm>>
      %dma_start3A_921 = arith.constant 0 : i32
      %dma_start3A_922 = tpu.memref_slice %arg10[%mul3A_912, %dma_start3A_921] : memref<10112x128xf32, #tpu.memory_space<vmem_shared>> -> memref<632x128xf32, #tpu.memory_space<vmem_shared>>
      tpu.enqueue_dma source(%dma_start3A_922 : memref<632x128xf32, #tpu.memory_space<vmem_shared>>) target(%dma_start3A_920 : memref<632x128xf32, #tpu.memory_space<hbm>>) target_semaphore(%run_scoped3A_918 : memref<!tpu.dma_semaphore, #tpu.memory_space<semaphore_mem>>)
      %dma_wait3A_923 = arith.constant 0 : i32
      %dma_wait3A_924 = tpu.memref_slice %arg5[%add3A_917, %dma_wait3A_923] : memref<20224x128xf32, #tpu.memory_space<hbm>> -> memref<632x128xf32, #tpu.memory_space<hbm>>
      %dma_wait3A_925 = arith.constant 0 : i32
      %dma_wait3A_926 = tpu.memref_slice %arg10[%mul3A_912, %dma_wait3A_925] : memref<10112x128xf32, #tpu.memory_space<vmem_shared>> -> memref<632x128xf32, #tpu.memory_space<vmem_shared>>
      tpu.wait_dma2 semaphore(%run_scoped3A_918 : memref<!tpu.dma_semaphore, #tpu.memory_space<semaphore_mem>>) src(%dma_wait3A_926 : memref<632x128xf32, #tpu.memory_space<vmem_shared>>) dst(%dma_wait3A_924 : memref<632x128xf32, #tpu.memory_space<hbm>>)
      tpu.yield
    }) : () -> ()
    return
  }
}

module attributes {stable_mosaic.version = 14 : i64} {
  func.func @_tc1_body(%arg0: i32, %arg1: memref<2000x256xf32, #tpu.memory_space<vmem>>, %arg2: memref<256x256xf32, #tpu.memory_space<vmem>>, %arg3: memref<2000x1xf32, #tpu.memory_space<vmem>>, %arg4: memref<2x2000x128xf32, #tpu.memory_space<vmem>>) attributes {dimension_semantics = [#tpu.dimension_semantics<arbitrary>], iteration_bounds = array<i64: 5>, scalar_prefetch = 0 : i64, scratch_operands = 0 : i64, tpu.core_type = #tpu.core_type<tc>, window_params = [{transform_indices = @transform_0, window_bounds = array<i64: 2000, 256>}, {pipeline_mode = #tpu.pipeline_mode<synchronous>, transform_indices = @transform_1, window_bounds = array<i64: 256, 256>}, {transform_indices = @transform_2, window_bounds = array<i64: 2000, 1>}, {transform_indices = @transform_3, window_bounds = array<i64: 2, 2000, 128>}]} {
    %get3A = arith.constant 0 : index
    %get3A_0 = arith.constant 0 : index
    %get3A_1 = vector.load %arg3[%get3A, %get3A_0] : memref<2000x1xf32, #tpu.memory_space<vmem>>, vector<2000x1xf32>
    %max3A = arith.constant 1.000000e+00 : f32
    %max3A_2 = vector.broadcast %max3A : f32 to vector<2000x1xf32>
    %max3A_3 = arith.maximumf %get3A_1, %max3A_2 : vector<2000x1xf32>
    %rsqrt3A = math.rsqrt %max3A_3 : vector<2000x1xf32>
    %get3A_4 = arith.constant 0 : index
    %get3A_5 = arith.constant 0 : index
    %get3A_6 = vector.load %arg1[%get3A_4, %get3A_5] : memref<2000x256xf32, #tpu.memory_space<vmem>>, vector<2000x256xf32>
    %convert_element_type3A = arith.truncf %get3A_6 : vector<2000x256xf32> to vector<2000x256xbf16>
    %get3A_7 = arith.constant 0 : index
    %get3A_8 = arith.constant 0 : index
    %get3A_9 = vector.load %arg2[%get3A_7, %get3A_8] : memref<256x256xf32, #tpu.memory_space<vmem>>, vector<256x256xf32>
    %convert_element_type3A_10 = arith.truncf %get3A_9 : vector<256x256xf32> to vector<256x256xbf16>
    %dot_general3A = arith.constant dense<0.000000e+00> : vector<2000x256xf32>
    %dot_general3A_11 = tpu.matmul %convert_element_type3A, %convert_element_type3A_10, %dot_general3A {dimension_numbers = #tpu.dot_dimension_numbers<[1], [0], [0], [1], [0, 0, 1, 1], [], []>, transpose_lhs_hint = false} : vector<2000x256xbf16>, vector<256x256xbf16>, vector<2000x256xf32> -> vector<2000x256xf32>
    %mul3A = vector.broadcast %rsqrt3A : vector<2000x1xf32> to vector<2000x256xf32>
    %mul3A_12 = arith.mulf %dot_general3A_11, %mul3A : vector<2000x256xf32>
    %slice3A = vector.extract_strided_slice %mul3A_12 {offsets = [0, 0], sizes = [2000, 128], strides = [1, 1]} : vector<2000x256xf32> to vector<2000x128xf32>
    %swap3A = arith.constant 0 : index
    %swap3A_13 = arith.constant 0 : index
    %swap3A_14 = arith.constant 0 : index
    %swap3A_15 = vector.load %arg4[%swap3A, %swap3A_13, %swap3A_14] : memref<2x2000x128xf32, #tpu.memory_space<vmem>>, vector<1x2000x128xf32>
    %swap3A_16 = vector.shape_cast %swap3A_15 : vector<1x2000x128xf32> to vector<2000x128xf32>
    %swap3A_17 = vector.shape_cast %slice3A : vector<2000x128xf32> to vector<1x2000x128xf32>
    tpu.vector_store %arg4[%swap3A, %swap3A_13, %swap3A_14], %swap3A_17 {strides = array<i32>} : memref<2x2000x128xf32, #tpu.memory_space<vmem>>, vector<1x2000x128xf32>,
    %slice3A_18 = vector.extract_strided_slice %mul3A_12 {offsets = [0, 128], sizes = [2000, 128], strides = [1, 1]} : vector<2000x256xf32> to vector<2000x128xf32>
    %swap3A_19 = arith.constant 1 : index
    %swap3A_20 = arith.constant 0 : index
    %swap3A_21 = arith.constant 0 : index
    %swap3A_22 = vector.load %arg4[%swap3A_19, %swap3A_20, %swap3A_21] : memref<2x2000x128xf32, #tpu.memory_space<vmem>>, vector<1x2000x128xf32>
    %swap3A_23 = vector.shape_cast %swap3A_22 : vector<1x2000x128xf32> to vector<2000x128xf32>
    %swap3A_24 = vector.shape_cast %slice3A_18 : vector<2000x128xf32> to vector<1x2000x128xf32>
    tpu.vector_store %arg4[%swap3A_19, %swap3A_20, %swap3A_21], %swap3A_24 {strides = array<i32>} : memref<2x2000x128xf32, #tpu.memory_space<vmem>>, vector<1x2000x128xf32>,
    return
  }
  func.func @transform_0(%arg0: i32) -> (i32, i32) {
    %c0_i32 = arith.constant 0 : i32
    %c0_i32_0 = arith.constant 0 : i32
    return %arg0, %c0_i32 : i32, i32
  }
  func.func @transform_1(%arg0: i32) -> (i32, i32) {
    %c0_i32 = arith.constant 0 : i32
    %c0_i32_0 = arith.constant 0 : i32
    %c0_i32_1 = arith.constant 0 : i32
    return %c0_i32, %c0_i32_0 : i32, i32
  }
  func.func @transform_2(%arg0: i32) -> (i32, i32) {
    %c0_i32 = arith.constant 0 : i32
    %c0_i32_0 = arith.constant 0 : i32
    return %arg0, %c0_i32 : i32, i32
  }
  func.func @transform_3(%arg0: i32) -> (i32, i32, i32) {
    %c0_i32 = arith.constant 0 : i32
    %c0_i32_0 = arith.constant 0 : i32
    %c0_i32_1 = arith.constant 0 : i32
    return %c0_i32, %arg0, %c0_i32_0 : i32, i32, i32
  }
}

module attributes {stable_mosaic.version = 14 : i64} {
  func.func @_tc2_body(%arg0: i32, %arg1: memref<2x2000x128xf32, #tpu.memory_space<vmem>>, %arg2: memref<2000x1xf32, #tpu.memory_space<vmem>>, %arg3: memref<2000x1xf32, #tpu.memory_space<vmem>>, %arg4: memref<256x256xf32, #tpu.memory_space<vmem>>, %arg5: memref<1x256xf32, #tpu.memory_space<vmem>>, %arg6: memref<2x2000x128xf32, #tpu.memory_space<vmem>>) attributes {dimension_semantics = [#tpu.dimension_semantics<arbitrary>], iteration_bounds = array<i64: 5>, scalar_prefetch = 0 : i64, scratch_operands = 0 : i64, tpu.core_type = #tpu.core_type<tc>, window_params = [{transform_indices = @transform_0, window_bounds = array<i64: 2, 2000, 128>}, {transform_indices = @transform_1, window_bounds = array<i64: 2000, 1>}, {transform_indices = @transform_2, window_bounds = array<i64: 2000, 1>}, {pipeline_mode = #tpu.pipeline_mode<synchronous>, transform_indices = @transform_3, window_bounds = array<i64: 256, 256>}, {pipeline_mode = #tpu.pipeline_mode<synchronous>, transform_indices = @transform_4, window_bounds = array<i64: 1, 256>}, {transform_indices = @transform_5, window_bounds = array<i64: 2, 2000, 128>}]} {
    %get3A = arith.constant 0 : index
    %get3A_0 = arith.constant 0 : index
    %get3A_1 = vector.load %arg2[%get3A, %get3A_0] : memref<2000x1xf32, #tpu.memory_space<vmem>>, vector<2000x1xf32>
    %max3A = arith.constant 1.000000e+00 : f32
    %max3A_2 = vector.broadcast %max3A : f32 to vector<2000x1xf32>
    %max3A_3 = arith.maximumf %get3A_1, %max3A_2 : vector<2000x1xf32>
    %rsqrt3A = math.rsqrt %max3A_3 : vector<2000x1xf32>
    %get3A_4 = arith.constant 0 : index
    %get3A_5 = arith.constant 0 : index
    %get3A_6 = vector.load %arg3[%get3A_4, %get3A_5] : memref<2000x1xf32, #tpu.memory_space<vmem>>, vector<2000x1xf32>
    %max3A_7 = arith.constant 1.000000e+00 : f32
    %max3A_8 = vector.broadcast %max3A_7 : f32 to vector<2000x1xf32>
    %max3A_9 = arith.maximumf %get3A_6, %max3A_8 : vector<2000x1xf32>
    %rsqrt3A_10 = math.rsqrt %max3A_9 : vector<2000x1xf32>
    %get3A_11 = arith.constant 0 : index
    %get3A_12 = arith.constant 0 : index
    %get3A_13 = arith.constant 0 : index
    %get3A_14 = vector.load %arg1[%get3A_11, %get3A_12, %get3A_13] : memref<2x2000x128xf32, #tpu.memory_space<vmem>>, vector<1x2000x128xf32>
    %get3A_15 = vector.shape_cast %get3A_14 : vector<1x2000x128xf32> to vector<2000x128xf32>
    %get3A_16 = arith.constant 1 : index
    %get3A_17 = arith.constant 0 : index
    %get3A_18 = arith.constant 0 : index
    %get3A_19 = vector.load %arg1[%get3A_16, %get3A_17, %get3A_18] : memref<2x2000x128xf32, #tpu.memory_space<vmem>>, vector<1x2000x128xf32>
    %get3A_20 = vector.shape_cast %get3A_19 : vector<1x2000x128xf32> to vector<2000x128xf32>
    %concatenate3A = tpu.concatenate %get3A_15, %get3A_20 in 1 : vector<2000x128xf32>, vector<2000x128xf32> -> vector<2000x256xf32>
    %mul3A = vector.broadcast %rsqrt3A : vector<2000x1xf32> to vector<2000x256xf32>
    %mul3A_21 = arith.mulf %concatenate3A, %mul3A : vector<2000x256xf32>
    %get3A_22 = arith.constant 0 : index
    %get3A_23 = arith.constant 0 : index
    %get3A_24 = vector.load %arg5[%get3A_22, %get3A_23] : memref<1x256xf32, #tpu.memory_space<vmem>>, vector<1x256xf32>
    %add3A = vector.broadcast %get3A_24 : vector<1x256xf32> to vector<2000x256xf32>
    %add3A_25 = arith.addf %mul3A_21, %add3A : vector<2000x256xf32>
    %max3A_26 = arith.constant 0.000000e+00 : f32
    %max3A_27 = vector.broadcast %max3A_26 : f32 to vector<2000x256xf32>
    %max3A_28 = arith.maximumf %add3A_25, %max3A_27 : vector<2000x256xf32>
    %convert_element_type3A = arith.truncf %max3A_28 : vector<2000x256xf32> to vector<2000x256xbf16>
    %get3A_29 = arith.constant 0 : index
    %get3A_30 = arith.constant 0 : index
    %get3A_31 = vector.load %arg4[%get3A_29, %get3A_30] : memref<256x256xf32, #tpu.memory_space<vmem>>, vector<256x256xf32>
    %convert_element_type3A_32 = arith.truncf %get3A_31 : vector<256x256xf32> to vector<256x256xbf16>
    %dot_general3A = arith.constant dense<0.000000e+00> : vector<2000x256xf32>
    %dot_general3A_33 = tpu.matmul %convert_element_type3A, %convert_element_type3A_32, %dot_general3A {dimension_numbers = #tpu.dot_dimension_numbers<[1], [0], [0], [1], [0, 0, 1, 1], [], []>, transpose_lhs_hint = false} : vector<2000x256xbf16>, vector<256x256xbf16>, vector<2000x256xf32> -> vector<2000x256xf32>
    %mul3A_34 = vector.broadcast %rsqrt3A_10 : vector<2000x1xf32> to vector<2000x256xf32>
    %mul3A_35 = arith.mulf %dot_general3A_33, %mul3A_34 : vector<2000x256xf32>
    %slice3A = vector.extract_strided_slice %mul3A_35 {offsets = [0, 0], sizes = [2000, 128], strides = [1, 1]} : vector<2000x256xf32> to vector<2000x128xf32>
    %swap3A = arith.constant 0 : index
    %swap3A_36 = arith.constant 0 : index
    %swap3A_37 = arith.constant 0 : index
    %swap3A_38 = vector.load %arg6[%swap3A, %swap3A_36, %swap3A_37] : memref<2x2000x128xf32, #tpu.memory_space<vmem>>, vector<1x2000x128xf32>
    %swap3A_39 = vector.shape_cast %swap3A_38 : vector<1x2000x128xf32> to vector<2000x128xf32>
    %swap3A_40 = vector.shape_cast %slice3A : vector<2000x128xf32> to vector<1x2000x128xf32>
    tpu.vector_store %arg6[%swap3A, %swap3A_36, %swap3A_37], %swap3A_40 {strides = array<i32>} : memref<2x2000x128xf32, #tpu.memory_space<vmem>>, vector<1x2000x128xf32>,
    %slice3A_41 = vector.extract_strided_slice %mul3A_35 {offsets = [0, 128], sizes = [2000, 128], strides = [1, 1]} : vector<2000x256xf32> to vector<2000x128xf32>
    %swap3A_42 = arith.constant 1 : index
    %swap3A_43 = arith.constant 0 : index
    %swap3A_44 = arith.constant 0 : index
    %swap3A_45 = vector.load %arg6[%swap3A_42, %swap3A_43, %swap3A_44] : memref<2x2000x128xf32, #tpu.memory_space<vmem>>, vector<1x2000x128xf32>
    %swap3A_46 = vector.shape_cast %swap3A_45 : vector<1x2000x128xf32> to vector<2000x128xf32>
    %swap3A_47 = vector.shape_cast %slice3A_41 : vector<2000x128xf32> to vector<1x2000x128xf32>
    tpu.vector_store %arg6[%swap3A_42, %swap3A_43, %swap3A_44], %swap3A_47 {strides = array<i32>} : memref<2x2000x128xf32, #tpu.memory_space<vmem>>, vector<1x2000x128xf32>,
    return
  }
  func.func @transform_0(%arg0: i32) -> (i32, i32, i32) {
    %c0_i32 = arith.constant 0 : i32
    %c0_i32_0 = arith.constant 0 : i32
    %c0_i32_1 = arith.constant 0 : i32
    return %c0_i32, %arg0, %c0_i32_0 : i32, i32, i32
  }
  func.func @transform_1(%arg0: i32) -> (i32, i32) {
    %c0_i32 = arith.constant 0 : i32
    %c0_i32_0 = arith.constant 0 : i32
    return %arg0, %c0_i32 : i32, i32
  }
  func.func @transform_2(%arg0: i32) -> (i32, i32) {
    %c0_i32 = arith.constant 0 : i32
    %c0_i32_0 = arith.constant 0 : i32
    return %arg0, %c0_i32 : i32, i32
  }
  func.func @transform_3(%arg0: i32) -> (i32, i32) {
    %c0_i32 = arith.constant 0 : i32
    %c0_i32_0 = arith.constant 0 : i32
    %c0_i32_1 = arith.constant 0 : i32
    return %c0_i32, %c0_i32_0 : i32, i32
  }
  func.func @transform_4(%arg0: i32) -> (i32, i32) {
    %c0_i32 = arith.constant 0 : i32
    %c0_i32_0 = arith.constant 0 : i32
    %c0_i32_1 = arith.constant 0 : i32
    return %c0_i32, %c0_i32_0 : i32, i32
  }
  func.func @transform_5(%arg0: i32) -> (i32, i32, i32) {
    %c0_i32 = arith.constant 0 : i32
    %c0_i32_0 = arith.constant 0 : i32
    %c0_i32_1 = arith.constant 0 : i32
    return %c0_i32, %arg0, %c0_i32_0 : i32, i32, i32
  }
}

module attributes {stable_mosaic.version = 14 : i64} {
  func.func @_tc3_body(%arg0: i32, %arg1: memref<2x2000x128xf32, #tpu.memory_space<vmem>>, %arg2: memref<2000x1xf32, #tpu.memory_space<vmem>>, %arg3: memref<1x256xf32, #tpu.memory_space<vmem>>, %arg4: memref<256x2xf32, #tpu.memory_space<vmem>>, %arg5: memref<1x2xf32, #tpu.memory_space<vmem>>, %arg6: memref<1x2xf32, #tpu.memory_space<vmem>>, %arg7: memref<1x256xf32, #tpu.memory_space<vmem>>) attributes {dimension_semantics = [#tpu.dimension_semantics<arbitrary>], iteration_bounds = array<i64: 5>, scalar_prefetch = 0 : i64, scratch_operands = 1 : i64, tpu.core_type = #tpu.core_type<tc>, window_params = [{transform_indices = @transform_0, window_bounds = array<i64: 2, 2000, 128>}, {transform_indices = @transform_1, window_bounds = array<i64: 2000, 1>}, {pipeline_mode = #tpu.pipeline_mode<synchronous>, transform_indices = @transform_2, window_bounds = array<i64: 1, 256>}, {pipeline_mode = #tpu.pipeline_mode<synchronous>, transform_indices = @transform_3, window_bounds = array<i64: 256, 2>}, {pipeline_mode = #tpu.pipeline_mode<synchronous>, transform_indices = @transform_4, window_bounds = array<i64: 1, 2>}, {pipeline_mode = #tpu.pipeline_mode<synchronous>, transform_indices = @transform_5, window_bounds = array<i64: 1, 2>}]} {
    %eq3A = arith.constant 0 : i32
    %eq3A_0 = arith.cmpi eq, %arg0, %eq3A : i32
    %convert_element_type3A = arith.extui %eq3A_0 : i1 to i32
    %cond3A = arith.constant 0 : i32
    %cond3A_1 = arith.cmpi ne, %convert_element_type3A, %cond3A : i32
    scf.if %cond3A_1 {
      %broadcast_in_dim3A_36 = arith.constant 0.000000e+00 : f32
      %broadcast_in_dim3A_37 = vector.broadcast %broadcast_in_dim3A_36 : f32 to vector<1x256xf32>
      %swap3A_38 = arith.constant 0 : index
      %swap3A_39 = arith.constant 0 : index
      %swap3A_40 = vector.load %arg7[%swap3A_38, %swap3A_39] : memref<1x256xf32, #tpu.memory_space<vmem>>, vector<1x256xf32>
      tpu.vector_store %arg7[%swap3A_38, %swap3A_39], %broadcast_in_dim3A_37 {strides = array<i32>} : memref<1x256xf32, #tpu.memory_space<vmem>>, vector<1x256xf32>,
    } else {
    }
    %get3A = arith.constant 0 : index
    %get3A_2 = arith.constant 0 : index
    %get3A_3 = vector.load %arg2[%get3A, %get3A_2] : memref<2000x1xf32, #tpu.memory_space<vmem>>, vector<2000x1xf32>
    %max3A = arith.constant 1.000000e+00 : f32
    %max3A_4 = vector.broadcast %max3A : f32 to vector<2000x1xf32>
    %max3A_5 = arith.maximumf %get3A_3, %max3A_4 : vector<2000x1xf32>
    %rsqrt3A = math.rsqrt %max3A_5 : vector<2000x1xf32>
    %get3A_6 = arith.constant 0 : index
    %get3A_7 = arith.constant 0 : index
    %get3A_8 = arith.constant 0 : index
    %get3A_9 = vector.load %arg1[%get3A_6, %get3A_7, %get3A_8] : memref<2x2000x128xf32, #tpu.memory_space<vmem>>, vector<1x2000x128xf32>
    %get3A_10 = vector.shape_cast %get3A_9 : vector<1x2000x128xf32> to vector<2000x128xf32>
    %get3A_11 = arith.constant 1 : index
    %get3A_12 = arith.constant 0 : index
    %get3A_13 = arith.constant 0 : index
    %get3A_14 = vector.load %arg1[%get3A_11, %get3A_12, %get3A_13] : memref<2x2000x128xf32, #tpu.memory_space<vmem>>, vector<1x2000x128xf32>
    %get3A_15 = vector.shape_cast %get3A_14 : vector<1x2000x128xf32> to vector<2000x128xf32>
    %concatenate3A = tpu.concatenate %get3A_10, %get3A_15 in 1 : vector<2000x128xf32>, vector<2000x128xf32> -> vector<2000x256xf32>
    %mul3A = vector.broadcast %rsqrt3A : vector<2000x1xf32> to vector<2000x256xf32>
    %mul3A_16 = arith.mulf %concatenate3A, %mul3A : vector<2000x256xf32>
    %get3A_17 = arith.constant 0 : index
    %get3A_18 = arith.constant 0 : index
    %get3A_19 = vector.load %arg3[%get3A_17, %get3A_18] : memref<1x256xf32, #tpu.memory_space<vmem>>, vector<1x256xf32>
    %add3A = vector.broadcast %get3A_19 : vector<1x256xf32> to vector<2000x256xf32>
    %add3A_20 = arith.addf %mul3A_16, %add3A : vector<2000x256xf32>
    %max3A_21 = arith.constant 0.000000e+00 : f32
    %max3A_22 = vector.broadcast %max3A_21 : f32 to vector<2000x256xf32>
    %max3A_23 = arith.maximumf %add3A_20, %max3A_22 : vector<2000x256xf32>
    %get3A_24 = arith.constant 0 : index
    %get3A_25 = arith.constant 0 : index
    %get3A_26 = vector.load %arg7[%get3A_24, %get3A_25] : memref<1x256xf32, #tpu.memory_space<vmem>>, vector<1x256xf32>
    %reduce_sum3A = arith.constant dense<0.000000e+00> : vector<256xf32>
    %reduce_sum3A_27 = vector.multi_reduction <add>, %max3A_23, %reduce_sum3A [0] : vector<2000x256xf32> to vector<256xf32>
    %broadcast_in_dim3A = vector.shape_cast %reduce_sum3A_27 : vector<256xf32> to vector<1x256xf32>
    %add3A_28 = arith.addf %get3A_26, %broadcast_in_dim3A : vector<1x256xf32>
    %swap3A = arith.constant 0 : index
    %swap3A_29 = arith.constant 0 : index
    %swap3A_30 = vector.load %arg7[%swap3A, %swap3A_29] : memref<1x256xf32, #tpu.memory_space<vmem>>, vector<1x256xf32>
    tpu.vector_store %arg7[%swap3A, %swap3A_29], %add3A_28 {strides = array<i32>} : memref<1x256xf32, #tpu.memory_space<vmem>>, vector<1x256xf32>,
    %eq3A_31 = arith.constant 4 : i32
    %eq3A_32 = arith.cmpi eq, %arg0, %eq3A_31 : i32
    %convert_element_type3A_33 = arith.extui %eq3A_32 : i1 to i32
    %cond3A_34 = arith.constant 0 : i32
    %cond3A_35 = arith.cmpi ne, %convert_element_type3A_33, %cond3A_34 : i32
    scf.if %cond3A_35 {
      %get3A_36 = arith.constant 0 : index
      %get3A_37 = arith.constant 0 : index
      %get3A_38 = vector.load %arg7[%get3A_36, %get3A_37] : memref<1x256xf32, #tpu.memory_space<vmem>>, vector<1x256xf32>
      %mul3A_39 = arith.constant 9.99999974E-5 : f32
      %mul3A_40 = vector.broadcast %mul3A_39 : f32 to vector<1x256xf32>
      %mul3A_41 = arith.mulf %get3A_38, %mul3A_40 : vector<1x256xf32>
      %get3A_42 = arith.constant 0 : index
      %get3A_43 = arith.constant 0 : index
      %get3A_44 = vector.load %arg4[%get3A_42, %get3A_43] : memref<256x2xf32, #tpu.memory_space<vmem>>, vector<256x2xf32>
      %dot_general3A = arith.constant dense<0.000000e+00> : vector<1x2xf32>
      %dot_general3A_45 = tpu.matmul %mul3A_41, %get3A_44, %dot_general3A {dimension_numbers = #tpu.dot_dimension_numbers<[1], [0], [0], [1], [0, 0, 1, 1], [], []>, transpose_lhs_hint = false} : vector<1x256xf32>, vector<256x2xf32>, vector<1x2xf32> -> vector<1x2xf32>
      %get3A_46 = arith.constant 0 : index
      %get3A_47 = arith.constant 0 : index
      %get3A_48 = vector.load %arg5[%get3A_46, %get3A_47] : memref<1x2xf32, #tpu.memory_space<vmem>>, vector<1x2xf32>
      %add3A_49 = arith.addf %dot_general3A_45, %get3A_48 : vector<1x2xf32>
      %swap3A_50 = arith.constant 0 : index
      %swap3A_51 = arith.constant 0 : index
      %swap3A_52 = vector.load %arg6[%swap3A_50, %swap3A_51] : memref<1x2xf32, #tpu.memory_space<vmem>>, vector<1x2xf32>
      tpu.vector_store %arg6[%swap3A_50, %swap3A_51], %add3A_49 {strides = array<i32>} : memref<1x2xf32, #tpu.memory_space<vmem>>, vector<1x2xf32>,
    } else {
    }
    return
  }
  func.func @transform_0(%arg0: i32) -> (i32, i32, i32) {
    %c0_i32 = arith.constant 0 : i32
    %c0_i32_0 = arith.constant 0 : i32
    %c0_i32_1 = arith.constant 0 : i32
    return %c0_i32, %arg0, %c0_i32_0 : i32, i32, i32
  }
  func.func @transform_1(%arg0: i32) -> (i32, i32) {
    %c0_i32 = arith.constant 0 : i32
    %c0_i32_0 = arith.constant 0 : i32
    return %arg0, %c0_i32 : i32, i32
  }
  func.func @transform_2(%arg0: i32) -> (i32, i32) {
    %c0_i32 = arith.constant 0 : i32
    %c0_i32_0 = arith.constant 0 : i32
    %c0_i32_1 = arith.constant 0 : i32
    return %c0_i32, %c0_i32_0 : i32, i32
  }
  func.func @transform_3(%arg0: i32) -> (i32, i32) {
    %c0_i32 = arith.constant 0 : i32
    %c0_i32_0 = arith.constant 0 : i32
    %c0_i32_1 = arith.constant 0 : i32
    return %c0_i32, %c0_i32_0 : i32, i32
  }
  func.func @transform_4(%arg0: i32) -> (i32, i32) {
    %c0_i32 = arith.constant 0 : i32
    %c0_i32_0 = arith.constant 0 : i32
    %c0_i32_1 = arith.constant 0 : i32
    return %c0_i32, %c0_i32_0 : i32, i32
  }
  func.func @transform_5(%arg0: i32) -> (i32, i32) {
    %c0_i32 = arith.constant 0 : i32
    %c0_i32_0 = arith.constant 0 : i32
    %c0_i32_1 = arith.constant 0 : i32
    return %c0_i32, %c0_i32_0 : i32, i32
  }
}

</mosaic_0001>

<sc_bundles>
// kernel: kernel.11.cloned.1.call-start
scs
__scs_entry_jumppad:
0x0: {  	(pc) =	sbr.rel $0x88, $3  }
0x1: {  	(tag) =	ssettag $0x0;
	lr =	simm.s32 $0x1  }
0x2: {  	[smem:$0x3F99] =	sst lr;
	_ =	strace $0xD0000000  }
0x3: {  	_ = 	snop  }
0x4: {  	_ = 	snop  }
0x5: {  	_ = 	snop  }
0x6: {  	_ = 	snop  }
0x7: {  	_ = 	snop  }
__scs_overlays_trampoline_lowered:
0x8: {  	[smem:$0x3FA8] =	sst s0  }
0x9: {  	[smem:$0x3FA9] =	sst s1  }
0xa: {  	[smem:$0x3FAA] =	sst s2  }
0xb: {  	[smem:$0x3FAB] =	sst s3  }
0xc: {  	[smem:$0x3FAC] =	sst s4  }
0xd: {  	[smem:$0x3FAD] =	sst s5  }
0xe: {  	[smem:$0x3FAE] =	sst s6  }
0xf: {  	[smem:$0x3FAF] =	sst s7  }
0x10: {  	[smem:$0x3FB0] =	sst s8  }
0x11: {  	[smem:$0x3FB1] =	sst s9;
	s0 =	simm.s32 @!p0 $0x0  }
0x12: {  	s1 =	sld [smem:$0x3F97];
	s0 =	simm.s32 @p0 $0x1  }
0x13: {  	[smem:$0x3FB2] =	sst s0;
	s0 =	simm.s32 @!p1 $0x0  }
0x14: {  	s2 =	sld [smem:$0x3F96];
	s0 =	simm.s32 @p1 $0x1  }
0x15: {  	[smem:$0x3FB3] =	sst s0;
	s0 =	simm.s32 @!p2 $0x0  }
0x16: {  	s3 =	sld [smem:$0x3FDB];
	s0 =	simm.s32 @p2 $0x1  }
0x17: {  	s4 =	simm.s32 $0x1BF5;
	[smem:$0x3FB5] =	sst s0  }
0x18: {  	s0 =	sld [smem:$0x3F98];
	_ =	swait.ge [sflag:s4], $0x0  }
0x19: {  	s7 =	sld [smem:$0x3F99]  }
0x1a: {  	s8 =	sadd.s32 $0xFFFFE003, lr  }
0x1b: {  	s9 =	sadd.s32 $0xFFFFFEF7, lr;
	s5 =	simm.s32 $0xFFFFFFFF;
	p2 =	slt.u32 s8, $0xFFFFF086  }
0x1c: {  	p1 =	slt.u32 s9, $0xF7A;
	s5 =	simm.s32 @!p2 $0x0  }
0x1d: {  	s5 =	simm.s32 @p1 $0x1;
	p0 =	seq.s32 s7, s2  }
0x1e: {  	s7 =	smul.u32 @!p0 $0xF7A, s2;
	p2 =	seq.s32 @!p0 s5, $0x0  }
0x1f: {  	s9 =	smul.u32 $0xF7A, s1;
	s8 =	simm.s32 @!p0 $0x1BF5;
	p2 =	por !p2, p0  }
0x20: {  	[sflag:s8] =	ssyncset.s32 @!p0 $0xFFFFF086;
	s6 =	sadd.s32 @!p0 s3, s7;
	s7 =	simm.s32 @!p0 $0x108  }
0x21: {  	s3 =	sadd.s32 s3, s9;
	s6 =	sadd.s32 @!p0 $0x88, s6;
	s7 =	simm.s32 @p2 $0x1082  }
0x22: {  	[simem:s7], [sflag:s8] =	dma.local @!p0 [hbm:s6], $0xF7A  }
0x23: {  	s9 =	sor.u32 $0xD0000000, s2;
	s6 =	simm.s32 $0x108;
	_ =	swait.ge @!p0 [sflag:s8], $0x0  }
0x24: {  	s3 =	sadd.s32 $0x88, s3;
	s6 =	simm.s32 @!p1 $0x1082;
	[sflag:s4] =	ssyncset.s32 $0xFFFFF086  }
0x25: {  	[simem:s6], [sflag:s4] =	dma.local [hbm:s3], $0xF7A  }
0x26: {  	[smem:$0x3F99] =	sst s1;
	(tag) =	ssettag s2;
	_ =	strace s9  }
0x27: {  	s1 =	sld [smem:$0x3FA9]  }
0x28: {  	s2 =	sld [smem:$0x3FAA]  }
0x29: {  	s4 =	sld [smem:$0x3FAC]  }
0x2a: {  	p0 =	seq.s32 s5, $0x0;
	s5 =	sld [smem:$0x3FAD]  }
0x2b: {  	s6 =	sld [smem:$0x3FAE]  }
0x2c: {  	s7 =	sld [smem:$0x3FAF]  }
0x2d: {  	s3 =	simm.s32 $0x108;
	s8 =	sld [smem:$0x3FB0]  }
0x2e: {  	s3 =	simm.s32 @!p0 $0x1082;
	s9 =	sld [smem:$0x3FB1]  }
0x2f: {  	lr =	sadd.s32 s0, s3;
	s0 =	sld [smem:$0x3FA8]  }
0x30: {  	s3 =	sld [smem:$0x3FAB]  }
0x31: {  	[smem:$0x3FB4] =	sst s10  }
0x32: {  	s10 =	sld [smem:$0x3FB2];
	_ =	sdelay $0x3  }
0x33: {  	p0 =	seq.s32 s10, $0x1;
	s10 =	sld [smem:$0x3FB4];
	_ =	sdelay $0x3  }
0x34: {  	[smem:$0x3FB4] =	sst s10  }
0x35: {  	s10 =	sld [smem:$0x3FB3];
	_ =	sdelay $0x3  }
0x36: {  	p1 =	seq.s32 s10, $0x1;
	s10 =	sld [smem:$0x3FB4];
	_ =	sdelay $0x3  }
0x37: {  	[smem:$0x3FB4] =	sst s10  }
0x38: {  	s10 =	sld [smem:$0x3FB5]  }
0x39: {  	_ = 	snop;
	(pc) =	sbr.ind lr, $3  }
0x3a: {  	_ = 	snop  }
0x3b: {  	_ = 	snop  }
0x3c: {  	p2 =	seq.s32 s10, $0x1;
	s10 =	sld [smem:$0x3FB4]  }
0x3d: {  	_ =	shalt  }
0x3e: {  	_ =	shalt  }
0x3f: {  	_ =	shalt  }
0x40: {  	_ =	shalt  }
0x41: {  	_ =	shalt  }
0x42: {  	_ =	shalt  }
0x43: {  	_ =	shalt  }
0x44: {  	_ =	shalt  }
0x45: {  	_ =	shalt  }
0x46: {  	_ =	shalt  }
0x47: {  	_ =	shalt  }
0x48: {  	_ =	shalt  }
0x49: {  	_ =	shalt  }
0x4a: {  	_ =	shalt  }
0x4b: {  	_ =	shalt  }
0x4c: {  	_ =	shalt  }
0x4d: {  	_ =	shalt  }
0x4e: {  	_ =	shalt  }
0x4f: {  	_ =	shalt  }
0x50: {  	_ =	shalt  }
0x51: {  	_ =	shalt  }
0x52: {  	_ =	shalt  }
0x53: {  	_ =	shalt  }
0x54: {  	_ =	shalt  }
0x55: {  	_ =	shalt  }
0x56: {  	_ =	shalt  }
0x57: {  	_ =	shalt  }
0x58: {  	_ =	shalt  }
0x59: {  	_ =	shalt  }
0x5a: {  	_ =	shalt  }
0x5b: {  	_ =	shalt  }
0x5c: {  	_ =	shalt  }
0x5d: {  	_ =	shalt  }
0x5e: {  	_ =	shalt  }
0x5f: {  	_ =	shalt  }
0x60: {  	_ =	shalt  }
0x61: {  	_ =	shalt  }
0x62: {  	_ =	shalt  }
0x63: {  	_ =	shalt  }
0x64: {  	_ =	shalt  }
0x65: {  	_ =	shalt  }
0x66: {  	_ =	shalt  }
0x67: {  	_ =	shalt  }
0x68: {  	_ =	shalt  }
0x69: {  	_ =	shalt  }
0x6a: {  	_ =	shalt  }
0x6b: {  	_ =	shalt  }
0x6c: {  	_ =	shalt  }
0x6d: {  	_ =	shalt  }
0x6e: {  	_ =	shalt  }
0x6f: {  	_ =	shalt  }
0x70: {  	_ =	shalt  }
0x71: {  	_ =	shalt  }
0x72: {  	_ =	shalt  }
0x73: {  	_ =	shalt  }
0x74: {  	_ =	shalt  }
0x75: {  	_ =	shalt  }
0x76: {  	_ =	shalt  }
0x77: {  	_ =	shalt  }
0x78: {  	_ =	shalt  }
0x79: {  	_ =	shalt  }
0x7a: {  	_ =	shalt  }
0x7b: {  	_ =	shalt  }
0x7c: {  	_ =	shalt  }
0x7d: {  	_ =	shalt  }
0x7e: {  	_ =	shalt  }
0x7f: {  	_ =	shalt  }
0x80: {  	_ =	shalt  }
0x81: {  	_ =	shalt  }
0x82: {  	_ =	shalt  }
0x83: {  	_ =	shalt  }
0x84: {  	_ =	shalt  }
0x85: {  	_ =	shalt  }
0x86: {  	_ =	shalt  }
0x87: {  	_ =	shalt  }
.Lfunc_end0:
.L_simem_size_0:
called_computation.1_lowered:
.L_overlay_start_0:
0x88: {  	s2 =	sld [smem:$0x3FD9]  }
0x89: {  	s3 =	sld [smem:$0x3FFE];
	_ =	sdelay $0x1  }
0x8a: {  	s1 =	srdreg.scid  }
0x8b: {  	s0 =	sand.u32 $0x1, s1  }
0x8c: {  	s16 =	sshll.u32 s0, $0xA;
	s2 =	sadd.s32 s3, s2  }
0x8d: {  	s2 =	sadd.s32 s2, s16  }
0x8e: {  	[smem:$0x3FC0] =	sst s2  }
0x8f: {  	_ = 	snop  }
0x90: {  	(tm) =	ssettm $0x1  }
0x91: {  	s17 =	sld [smem:$0x3FFB];
	_ =	sdelay $0x3  }
0x92: {  	_ =	strace s17  }
0x93: {  	s2 =	sld [smem:$0x3FFC];
	_ =	sdelay $0x3  }
0x94: {  	_ =	strace s2  }
0x95: {  	s2 =	sld [smem:$0x3FFD];
	_ =	sdelay $0x3  }
0x96: {  	_ =	strace s2  }
0x97: {  	_ =	strace $0x8FFFFFFF  }
0x98: {  	s18 =	sld [smem:$0x3FDB];
	_ =	sdelay $0x1  }
0x99: {  	s19 =	simm.s32 $_scs_section_size  }
0x9a: {  	s4 =	simm.s32 $_size__tile_overlayer_lowered;
	s5 =	simm.s32 $_tile_overlayer_lowered  }
0x9b: {  	s22 =	simm.s32 $0x1BFF;
	s21 =	sshll.u32 s5, $0x1;
	s2 =	sadd.s32 s19, s18  }
0x9c: {  	s6 =	simm.s32 $0x0;
	s20 =	sshll.u32 s4, $0x1;
	s4 =	sadd.s32 s21, s2  }
0x9d: {  	[timem:s6], [sflag:s22] =	dma.local [hbm:s4], s20  }
0x9e: {  	_ =	swait.ge [sflag:s22], s20  }
0x9f: {  	s3 =	ssub.s32 $0x0, s20;
	[sflag:s22] =	ssyncset.done $0x0  }
0xa0: {  	[sflag:s22] =	ssyncadd.s32 s3;
	_ =	sdelay $0x1  }
0xa1: {  	s23 =	simm.s32 $0x1B8B  }
0xa2: {  	_ =	swait.ge [sflag:s23], $0x1  }
0xa3: {  	[sflag:s23] =	ssyncset.done $0x0  }
0xa4: {  	s25 =	simm.s32 $0x1B8E;
	s24 =	sld [smem:$0x3FFE];
	[sflag:s23] =	ssyncadd.s32 $0xFFFFFFFF  }
0xa5: {  	s26 =	simm.s32 $execute0_lowered;
	[smem:$0x3FD2] =	sst s25  }
0xa6: {  	s4 =	sshll.u32 s26, $0x1;
	_ =	strace $0x80000049;
	[dreg:$0x1] =	wrdreg $0xFFFFFFFF  }
0xa7: {  	s28 =	simm.s32 $_size_execute0_lowered;
	s2 =	sadd.s32 s2, s4;
	[dreg:$0x0] =	wrdreg $0x0  }
0xa8: {  	s4 =	sshll.u32 s28, $0x1;
	[dreg:$0x2] =	wrdreg s2  }
0xa9: {  	[dreg:$0x3] =	wrdreg s4  }
0xaa: {  	[dreg:$0x4] =	wrdreg $0xC0  }
0xab: {  	_ =	task [dreg:s6], $0x5FFFF  }
0xac: {  	[dreg:$0x1] =	wrdreg $0xFFFFFFFF  }
0xad: {  	[dreg:$0x0] =	wrdreg $0x60  }
0xae: {  	[dreg:$0x2] =	wrdreg s24  }
0xaf: {  	[dreg:$0x3] =	wrdreg $0xB4000  }
0xb0: {  	[dreg:$0x4] =	wrdreg $0x9  }
0xb1: {  	_ =	task.clear_ibuf [dreg:s6], $0x5FFFF;
	_ =	strace $0x90000049  }
0xb2: {  	s29 =	simm.s32 $0x9;
	_ =	strace $0x8000004B  }
0xb3: {  	_ =	swait.ge [sflag:s29], $0x1  }
0xb4: {  	[sflag:s29] =	ssyncadd.s32 $0xFFFFFFFF  }
0xb5: {  	_ =	strace $0x9000004B  }
0xb6: {  	_ =	sfence  }
0xb7: {  	s30 =	sld [smem:$0x0];
	_ =	sdelay $0x2  }
0xb8: {  	s31 =	sshll.u32 s1, $0xD;
	s1 =	sshrl.u32 s1, $0x2  }
0xb9: {  	s3 =	sand.u32 $0x4000, s31;
	s1 =	sadd.s32 s1, s30  }
0xba: {  	s0 =	sor.u32 s3, s0;
	s1 =	sshll.u32 s1, $0x11  }
0xbb: {  	s0 =	sor.u32 s1, s0  }
0xbc: {  	s0 =	sadd.s32 $0x8F2B, s0  }
0xbd: {  	[sflag:s0] =	ssyncadd.remote.s32 $0x1  }
0xbe: {  	_ =	sfence.sel $0xFFFF  }
0xbf: {  	[dreg:$0x0] =	wrdreg $0xFFFFFFFF;
	(pc) =	sbr.abs _section_cstart, $3  }
0xc0: {  	[dreg:$0x1] =	wrdreg $0xFFFFFFFF  }
0xc1: {  	_ =	task.clear_ibuf [dreg:s6], $0x2FFFF;
	_ =	strace $0x9FFFFFFF  }
0xc2: {  	(tm) =	ssettm $0x7FFFFFFF  }
0xc3: {  	_ =	shalt  }
tec
execute0_lowered:
.L_overlay_start_1:
0x0: {  	(tag) =	ssettag $0x1  }
0x1: {  	s5 =	rddreg [dreg:$0x0]  }
0x2: {  	s1 =	rddreg [dreg:$0x1];
	s3 =	simm.s32 $0x0  }
0x3: {  	s4 =	srdreg.scid;
	s2 =	stileid.u32;
	s16 =	simm.s32 $0xA800  }
0x4: {  	s17 =	simm.s32 $0x3;
	s18 =	simm.s32 $0x4;
	s19 =	simm.s32 $0x7D  }
0x5: {  	s20 =	simm.s32 $0x2800;
	s21 =	simm.s32 $0x2780;
	s22 =	simm.s32 $0x6800  }
0x6: {  	s23 =	simm.s32 $0x2;
	s24 =	simm.s32 $0x0;
	s7 =	smul.u32 $0x2780, s2  }
0x7: {  	[smem:$0x7FF] =	sst s3;
	s6 =	sand.u32 $0x1, s4;
	s26 =	smul.u32 $0x4F000, s2  }
0x8: {  	s4 =	sadd.s32 $0x1B800, s5;
	s8 =	sadd.s32 $0xC800, s5;
	s31 =	smul.u32 $0x2800, s2  }
0x9: {  	s10 =	sadd.s32 $0x16800, s5;
	s12 =	sshll.u32 s2, $0x1;
	s14 =	smul.u32 $0x500, s2  }
0xa: {  	s9 =	smul.u32 $0x27800, s6;
	s11 =	sshll.u32 s6, $0x5;
	s29 =	ssub.s32 $0x2, s6  }
0xb: {  	_ =	strace $0x8000004A;
	s11 =	sor.u32 s12, s11;
	s6 =	sshrl.u32 s29, $0x1  }
0xc: {  	s15 =	sshrl.u32 s31, $0x3;
	s7 =	sadd.s32 s7, s9;
	s30 =	smul.u32 $0x280, s11  }
0xd: {  	s9 =	sshrl.u32 s26, $0x2;
	s11 =	smul.u32 $0x1400, s11;
	s13 =	ssub.s32 s29, s6  }
0xe: {  	s28 =	sadd.s32 s7, s5;
	s5 =	sadd.s32 s9, s1;
	s12 =	smax.u32 s13, $0x1  }
0xf: {  	s6 =	sadd.s32 $0x13800, s5;
	s11 =	sshrl.u32 s11, $0x3;
	s7 =	sadd.s32 s8, s30  }
0x10: {  	s13 =	sadd.s32 $0xC00, s5;
	s11 =	sadd.s32 s8, s11;
	s8 =	sadd.s32 s10, s14  }
0x11: {  	s10 =	sadd.s32 s10, s15;
	s14 =	sadd.s32 $0x1800, s5;
	s15 =	sadd.s32 $0x2400, s5  }
0x12: {  	v0 =	vimm.f32 $0.0e+00;
	s9 =	sadd.s32 $0x280, s11;
	s10 =	sadd.s32 $0x280, s10;
	s11 =	sadd.s32 $0x6A800, s28  }
.LBB2_1:
0x13: {  	[tilespmem:$0xA800] =	vst v0  }
0x14: {  	[tilespmem:$0xA810] =	vst v0  }
0x15: {  	[tilespmem:$0xA820] =	vst v0  }
0x16: {  	[tilespmem:$0xA830] =	vst v0  }
0x17: {  	[tilespmem:$0xA840] =	vst v0  }
0x18: {  	[tilespmem:$0xA850] =	vst v0  }
0x19: {  	[tilespmem:$0xA860] =	vst v0  }
0x1a: {  	[tilespmem:$0xA870] =	vst v0  }
0x1b: {  	[tilespmem:$0xA880] =	vst v0  }
0x1c: {  	[tilespmem:$0xA890] =	vst v0  }
0x1d: {  	[tilespmem:$0xA8A0] =	vst v0  }
0x1e: {  	[tilespmem:$0xA8B0] =	vst v0  }
0x1f: {  	[tilespmem:$0xA8C0] =	vst v0  }
0x20: {  	[tilespmem:$0xA8D0] =	vst v0  }
0x21: {  	[tilespmem:$0xA8E0] =	vst v0  }
0x22: {  	[tilespmem:$0xA8F0] =	vst v0  }
0x23: {  	[tilespmem:$0xA900] =	vst v0  }
0x24: {  	[tilespmem:$0xA910] =	vst v0  }
0x25: {  	[tilespmem:$0xA920] =	vst v0  }
0x26: {  	[tilespmem:$0xA930] =	vst v0  }
0x27: {  	[tilespmem:$0xA940] =	vst v0  }
0x28: {  	[tilespmem:$0xA950] =	vst v0  }
0x29: {  	[tilespmem:$0xA960] =	vst v0  }
0x2a: {  	[tilespmem:$0xA970] =	vst v0  }
0x2b: {  	[tilespmem:$0xA980] =	vst v0  }
0x2c: {  	[tilespmem:$0xA990] =	vst v0  }
0x2d: {  	[tilespmem:$0xA9A0] =	vst v0  }
0x2e: {  	[tilespmem:$0xA9B0] =	vst v0  }
0x2f: {  	[tilespmem:$0xA9C0] =	vst v0  }
0x30: {  	[tilespmem:$0xA9D0] =	vst v0  }
0x31: {  	[tilespmem:$0xA9E0] =	vst v0  }
0x32: {  	[tilespmem:$0xA9F0] =	vst v0  }
0x33: {  	[tilespmem:$0xAA00] =	vst v0  }
0x34: {  	[tilespmem:$0xAA10] =	vst v0  }
0x35: {  	[tilespmem:$0xAA20] =	vst v0  }
0x36: {  	[tilespmem:$0xAA30] =	vst v0  }
0x37: {  	[tilespmem:$0xAA40] =	vst v0  }
0x38: {  	[tilespmem:$0xAA50] =	vst v0  }
0x39: {  	[tilespmem:$0xAA60] =	vst v0  }
0x3a: {  	[tilespmem:$0xAA70] =	vst v0  }
0x3b: {  	[tilespmem:$0xAA80] =	vst v0  }
0x3c: {  	[tilespmem:$0xAA90] =	vst v0  }
0x3d: {  	[tilespmem:$0xAAA0] =	vst v0  }
0x3e: {  	[tilespmem:$0xAAB0] =	vst v0  }
0x3f: {  	[tilespmem:$0xAAC0] =	vst v0  }
0x40: {  	[tilespmem:$0xAAD0] =	vst v0  }
0x41: {  	[tilespmem:$0xAAE0] =	vst v0  }
0x42: {  	[tilespmem:$0xAAF0] =	vst v0  }
0x43: {  	[tilespmem:$0xAB00] =	vst v0  }
0x44: {  	[tilespmem:$0xAB10] =	vst v0  }
0x45: {  	[tilespmem:$0xAB20] =	vst v0  }
0x46: {  	[tilespmem:$0xAB30] =	vst v0  }
0x47: {  	[tilespmem:$0xAB40] =	vst v0  }
0x48: {  	[tilespmem:$0xAB50] =	vst v0  }
0x49: {  	[tilespmem:$0xAB60] =	vst v0  }
0x4a: {  	[tilespmem:$0xAB70] =	vst v0  }
0x4b: {  	[tilespmem:$0xAB80] =	vst v0  }
0x4c: {  	[tilespmem:$0xAB90] =	vst v0  }
0x4d: {  	[tilespmem:$0xABA0] =	vst v0  }
0x4e: {  	[tilespmem:$0xABB0] =	vst v0  }
0x4f: {  	[tilespmem:$0xABC0] =	vst v0  }
0x50: {  	[tilespmem:$0xABD0] =	vst v0  }
0x51: {  	[tilespmem:$0xABE0] =	vst v0  }
0x52: {  	[tilespmem:$0xABF0] =	vst v0  }
0x53: {  	[tilespmem:$0xAC00] =	vst v0  }
0x54: {  	[tilespmem:$0xAC10] =	vst v0  }
0x55: {  	[tilespmem:$0xAC20] =	vst v0  }
0x56: {  	[tilespmem:$0xAC30] =	vst v0  }
0x57: {  	[tilespmem:$0xAC40] =	vst v0  }
0x58: {  	[tilespmem:$0xAC50] =	vst v0  }
0x59: {  	[tilespmem:$0xAC60] =	vst v0  }
0x5a: {  	[tilespmem:$0xAC70] =	vst v0  }
0x5b: {  	[tilespmem:$0xAC80] =	vst v0  }
0x5c: {  	[tilespmem:$0xAC90] =	vst v0  }
0x5d: {  	[tilespmem:$0xACA0] =	vst v0  }
0x5e: {  	[tilespmem:$0xACB0] =	vst v0  }
0x5f: {  	[tilespmem:$0xACC0] =	vst v0  }
0x60: {  	[tilespmem:$0xACD0] =	vst v0  }
0x61: {  	[tilespmem:$0xACE0] =	vst v0  }
0x62: {  	[tilespmem:$0xACF0] =	vst v0  }
0x63: {  	[tilespmem:$0xAD00] =	vst v0  }
0x64: {  	[tilespmem:$0xAD10] =	vst v0  }
0x65: {  	[tilespmem:$0xAD20] =	vst v0  }
0x66: {  	[tilespmem:$0xAD30] =	vst v0  }
0x67: {  	[tilespmem:$0xAD40] =	vst v0  }
0x68: {  	[tilespmem:$0xAD50] =	vst v0  }
0x69: {  	[tilespmem:$0xAD60] =	vst v0  }
0x6a: {  	[tilespmem:$0xAD70] =	vst v0  }
0x6b: {  	[tilespmem:$0xAD80] =	vst v0  }
0x6c: {  	[tilespmem:$0xAD90] =	vst v0  }
0x6d: {  	[tilespmem:$0xADA0] =	vst v0  }
0x6e: {  	[tilespmem:$0xADB0] =	vst v0  }
0x6f: {  	[tilespmem:$0xADC0] =	vst v0  }
0x70: {  	[tilespmem:$0xADD0] =	vst v0  }
0x71: {  	[tilespmem:$0xADE0] =	vst v0  }
0x72: {  	[tilespmem:$0xADF0] =	vst v0  }
0x73: {  	[tilespmem:$0xAE00] =	vst v0  }
0x74: {  	[tilespmem:$0xAE10] =	vst v0  }
0x75: {  	[tilespmem:$0xAE20] =	vst v0  }
0x76: {  	[tilespmem:$0xAE30] =	vst v0  }
0x77: {  	[tilespmem:$0xAE40] =	vst v0  }
0x78: {  	[tilespmem:$0xAE50] =	vst v0  }
0x79: {  	[tilespmem:$0xAE60] =	vst v0  }
0x7a: {  	[tilespmem:$0xAE70] =	vst v0  }
0x7b: {  	[tilespmem:$0xAE80] =	vst v0  }
0x7c: {  	[tilespmem:$0xAE90] =	vst v0  }
0x7d: {  	[tilespmem:$0xAEA0] =	vst v0  }
0x7e: {  	[tilespmem:$0xAEB0] =	vst v0  }
0x7f: {  	[tilespmem:$0xAEC0] =	vst v0  }
0x80: {  	[tilespmem:$0xAED0] =	vst v0  }
0x81: {  	[tilespmem:$0xAEE0] =	vst v0  }
0x82: {  	[tilespmem:$0xAEF0] =	vst v0  }
0x83: {  	[tilespmem:$0xAF00] =	vst v0  }
0x84: {  	[tilespmem:$0xAF10] =	vst v0  }
0x85: {  	[tilespmem:$0xAF20] =	vst v0  }
0x86: {  	[tilespmem:$0xAF30] =	vst v0  }
0x87: {  	[tilespmem:$0xAF40] =	vst v0  }
0x88: {  	[tilespmem:$0xAF50] =	vst v0  }
0x89: {  	[tilespmem:$0xAF60] =	vst v0  }
0x8a: {  	[tilespmem:$0xAF70] =	vst v0  }
0x8b: {  	[tilespmem:$0xAF80] =	vst v0  }
0x8c: {  	[tilespmem:$0xAF90] =	vst v0  }
0x8d: {  	[tilespmem:$0xAFA0] =	vst v0  }
0x8e: {  	[tilespmem:$0xAFB0] =	vst v0  }
0x8f: {  	[tilespmem:$0xAFC0] =	vst v0  }
0x90: {  	[tilespmem:$0xAFD0] =	vst v0  }
0x91: {  	[tilespmem:$0xAFE0] =	vst v0  }
0x92: {  	[tilespmem:$0xAFF0] =	vst v0  }
0x93: {  	[tilespmem:$0xB000] =	vst v0  }
0x94: {  	[tilespmem:$0xB010] =	vst v0  }
0x95: {  	[tilespmem:$0xB020] =	vst v0  }
0x96: {  	[tilespmem:$0xB030] =	vst v0  }
0x97: {  	[tilespmem:$0xB040] =	vst v0  }
0x98: {  	[tilespmem:$0xB050] =	vst v0  }
0x99: {  	[tilespmem:$0xB060] =	vst v0  }
0x9a: {  	[tilespmem:$0xB070] =	vst v0  }
0x9b: {  	[tilespmem:$0xB080] =	vst v0  }
0x9c: {  	[tilespmem:$0xB090] =	vst v0  }
0x9d: {  	[tilespmem:$0xB0A0] =	vst v0  }
0x9e: {  	[tilespmem:$0xB0B0] =	vst v0  }
0x9f: {  	[tilespmem:$0xB0C0] =	vst v0  }
0xa0: {  	[tilespmem:$0xB0D0] =	vst v0  }
0xa1: {  	[tilespmem:$0xB0E0] =	vst v0  }
0xa2: {  	[tilespmem:$0xB0F0] =	vst v0  }
0xa3: {  	[tilespmem:$0xB100] =	vst v0  }
0xa4: {  	[tilespmem:$0xB110] =	vst v0  }
0xa5: {  	[tilespmem:$0xB120] =	vst v0  }
0xa6: {  	[tilespmem:$0xB130] =	vst v0  }
0xa7: {  	[tilespmem:$0xB140] =	vst v0  }
0xa8: {  	[tilespmem:$0xB150] =	vst v0  }
0xa9: {  	[tilespmem:$0xB160] =	vst v0  }
0xaa: {  	[tilespmem:$0xB170] =	vst v0  }
0xab: {  	[tilespmem:$0xB180] =	vst v0  }
0xac: {  	[tilespmem:$0xB190] =	vst v0  }
0xad: {  	[tilespmem:$0xB1A0] =	vst v0  }
0xae: {  	[tilespmem:$0xB1B0] =	vst v0  }
0xaf: {  	[tilespmem:$0xB1C0] =	vst v0  }
0xb0: {  	[tilespmem:$0xB1D0] =	vst v0  }
0xb1: {  	[tilespmem:$0xB1E0] =	vst v0  }
0xb2: {  	[tilespmem:$0xB1F0] =	vst v0  }
0xb3: {  	[tilespmem:$0xB200] =	vst v0  }
0xb4: {  	[tilespmem:$0xB210] =	vst v0  }
0xb5: {  	[tilespmem:$0xB220] =	vst v0  }
0xb6: {  	[tilespmem:$0xB230] =	vst v0  }
0xb7: {  	[tilespmem:$0xB240] =	vst v0  }
0xb8: {  	[tilespmem:$0xB250] =	vst v0  }
0xb9: {  	[tilespmem:$0xB260] =	vst v0  }
0xba: {  	[tilespmem:$0xB270] =	vst v0  }
0xbb: {  	[tilespmem:$0xB280] =	vst v0  }
0xbc: {  	[tilespmem:$0xB290] =	vst v0  }
0xbd: {  	[tilespmem:$0xB2A0] =	vst v0  }
0xbe: {  	[tilespmem:$0xB2B0] =	vst v0  }
0xbf: {  	[tilespmem:$0xB2C0] =	vst v0  }
0xc0: {  	[tilespmem:$0xB2D0] =	vst v0  }
0xc1: {  	[tilespmem:$0xB2E0] =	vst v0  }
0xc2: {  	[tilespmem:$0xB2F0] =	vst v0  }
0xc3: {  	[tilespmem:$0xB300] =	vst v0  }
0xc4: {  	[tilespmem:$0xB310] =	vst v0  }
0xc5: {  	[tilespmem:$0xB320] =	vst v0  }
0xc6: {  	[tilespmem:$0xB330] =	vst v0  }
0xc7: {  	[tilespmem:$0xB340] =	vst v0  }
0xc8: {  	[tilespmem:$0xB350] =	vst v0  }
0xc9: {  	[tilespmem:$0xB360] =	vst v0  }
0xca: {  	[tilespmem:$0xB370] =	vst v0  }
0xcb: {  	[tilespmem:$0xB380] =	vst v0  }
0xcc: {  	[tilespmem:$0xB390] =	vst v0  }
0xcd: {  	[tilespmem:$0xB3A0] =	vst v0  }
0xce: {  	[tilespmem:$0xB3B0] =	vst v0  }
0xcf: {  	[tilespmem:$0xB3C0] =	vst v0  }
0xd0: {  	[tilespmem:$0xB3D0] =	vst v0  }
0xd1: {  	[tilespmem:$0xB3E0] =	vst v0  }
0xd2: {  	[tilespmem:$0xB3F0] =	vst v0  }
0xd3: {  	[spmem:s5] =	stream.linear.scatter [tilespmem:s16], [sflag:$0x3], $0xC00, $0x38;
	[tilespmem:$0x1F000] =	vst v63  }
0xd4: {  	_ = 	snop  }
0xd5: {  	[spmem:s13] =	stream.linear.scatter [tilespmem:s16], [sflag:$0x3], $0xC00, $0x38;
	[tilespmem:$0x1F000] =	vst v63  }
0xd6: {  	_ = 	snop  }
0xd7: {  	[spmem:s14] =	stream.linear.scatter [tilespmem:s16], [sflag:$0x3], $0xC00, $0x38;
	[tilespmem:$0x1F000] =	vst v63  }
0xd8: {  	_ = 	snop  }
0xd9: {  	[spmem:s15] =	stream.linear.scatter [tilespmem:s16], [sflag:$0x3], $0xC00, $0x38;
	[tilespmem:$0x1F000] =	vst v63  }
0xda: {  	s25 =	sadd.s32 $0x3000, s5  }
0xdb: {  	[spmem:s25] =	stream.linear.scatter [tilespmem:s16], [sflag:$0x3], $0xC00, $0x38;
	[tilespmem:$0x1F000] =	vst v63  }
0xdc: {  	s25 =	simm.s32 $0xF000;
	_ =	swait.ge [sflag:s17], $0xC00  }
.LBB2_2:
0xdd: {  	s26 =	sshra.s32 s25, $0x2;
	[sflag:s17] =	ssyncset.done $0x0;
	p0 =	sne.s32 s25, $0x4B000  }
.Ltmp0:
0xde: {  	s26 =	sadd.s32 s26, s5;
	[sflag:s17] =	ssyncadd.s32 $0xFFFFF400;
	(pc) =	sbr.rel @p0 .LBB2_2-.Ltmp0, $3  }
0xdf: {  	[spmem:s26] =	stream.linear.scatter [tilespmem:s16], [sflag:$0x3], $0xC00, $0x38;
	[tilespmem:$0x1F000] =	vst v63  }
0xe0: {  	s25 =	sadd.s32 $0x3000, s25;
	_ =	sdelay $0x1  }
0xe1: {  	_ =	swait.ge [sflag:s17], $0xC00  }
0xe2: {  	[sflag:s17] =	ssyncset.done $0x0  }
0xe3: {  	[sflag:s17] =	ssyncadd.s32 $0xFFFFF400  }
0xe4: {  	[spmem:s6] =	stream.linear.scatter [tilespmem:s16], [sflag:$0x3], $0x400, $0x38;
	[tilespmem:$0x1F000] =	vst v63  }
0xe5: {  	_ = 	snop  }
0xe6: {  	[tilespmem:s3], [sflag:$0x4] =	stream.linear.gather [hbm4b:s7+s3], $0x1400, $0x38;
	[tilespmem:$0x1F000] =	vst v63  }
0xe7: {  	_ =	swait.ge [sflag:s18], $0x1400  }
0xe8: {  	[sflag:s18] =	ssyncset.done $0x0  }
0xe9: {  	s25 =	simm.s32 $0x1400;
	[sflag:s18] =	ssyncadd.s32 $0xFFFFEC00  }
0xea: {  	[tilespmem:s25], [sflag:$0x4] =	stream.linear.gather [hbm4b:s8+s3], $0x1400, $0x38;
	[tilespmem:$0x1F000] =	vst v63  }
0xeb: {  	_ =	swait.ge [sflag:s18], $0x1400  }
0xec: {  	[sflag:s18] =	ssyncset.done $0x0  }
0xed: {  	[sflag:s18] =	ssyncadd.s32 $0xFFFFEC00  }
0xee: {  	[tilespmem:s20], [sflag:$0x1] =	stream.indirect.gather [hbm4b:s4+s19], $0x80, s3, s19, $0xb8;
	[tilespmem:$0x1F000] =	vst v63  }
0xef: {  	_ =	swait.ge [sflag:s17], $0xC00  }
0xf0: {  	[sflag:s17] =	ssyncset.done $0x0  }
0xf1: {  	[sflag:s17] =	ssyncadd.s32 $0xFFFFF400  }
0xf2: {  	_ =	swait.ge [sflag:s17], $0xC00  }
0xf3: {  	[sflag:s17] =	ssyncset.done $0x0  }
0xf4: {  	[sflag:s17] =	ssyncadd.s32 $0xFFFFF400  }
0xf5: {  	_ =	swait.ge [sflag:s17], $0xC00  }
0xf6: {  	[sflag:s17] =	ssyncset.done $0x0  }
0xf7: {  	[sflag:s17] =	ssyncadd.s32 $0xFFFFF400  }
0xf8: {  	_ =	swait.ge [sflag:s17], $0xC00  }
0xf9: {  	[sflag:s17] =	ssyncset.done $0x0  }
0xfa: {  	s26 =	simm.s32 $0x1;
	[sflag:s17] =	ssyncadd.s32 $0xFFFFF400  }
0xfb: {  	s28 =	simm.s32 $0x80;
	s29 =	simm.s32 $0x2;
	_ =	swait.ge [sflag:s17], $0x400  }
0xfc: {  	s26 =	sand.u32 $0x1, s26;
	s29 =	sand.u32 $0x1, s29;
	[sflag:s17] =	ssyncset.done $0x0  }
0xfd: {  	s30 =	sshll.u32 s26, $0xE;
	s26 =	sadd.s32 $0x1, s26;
	[sflag:s17] =	ssyncadd.s32 $0xFFFFFC00  }
0xfe: {  	s0 =	sadd.s32 $0x1, s29;
	s30 =	sor.u32 $0x2800, s30;
	[bflag:$0x0] =	sbarrier.arrive $0xFFFF  }
0xff: {  	[tilespmem:s30], [sflag:s26] =	stream.indirect.gather [hbm4b:s4+s19], $0x80, s28, s19, $0xb8;
	[tilespmem:$0x1F000] =	vst v63  }
0x100: {  	s31 =	simm.s32 $0x2;
	s29 =	sshll.u32 s29, $0xE;
	_ =	swait.ge [sflag:s0], $0x3E80  }
0x101: {  	s29 =	sor.u32 $0x2800, s29;
	s28 =	simm.s32 $0x3;
	[sflag:s0] =	ssyncset.done $0x0  }
0x102: {  	s26 =	simm.s32 $0x100;
	s30 =	sand.u32 $0x1, s31;
	[sflag:s0] =	ssyncadd.s32 $0xFFFFC180  }
0x103: {  	[spmem:s1] =	stream.indirect.scatter.add.f32 [tilespmem:s29], [sflag:$0x4], $0x80, s25, s19, $0xb8;
	[tilespmem:$0x1F000] =	vst v63  }
0x104: {  	s29 =	simm.s32 $0x4;
	s25 =	simm.s32 $0x1480;
	_ =	swait.ge [sflag:s18], $0x3E80  }
.LBB2_4:
0x105: {  	s31 =	sand.u32 $0x1, s28;
	s0 =	sshll.u32 s30, $0xE  }
0x106: {  	[sflag:s18] =	ssyncset.done $0x0;
	s28 =	smov.u32 s29;
	s30 =	sadd.s32 $0x1, s30  }
0x107: {  	p0 =	sne.s32 s29, $0x28;
	s0 =	sor.u32 $0x2800, s0;
	[sflag:s18] =	ssyncadd.s32 $0xFFFFC180  }
0x108: {  	[tilespmem:s0], [sflag:s30] =	stream.indirect.gather [hbm4b:s4+s19], $0x80, s26, s19, $0xb8;
	[tilespmem:$0x1F000] =	vst v63  }
0x109: {  	s0 =	sadd.s32 $0x1, s29;
	s30 =	sadd.s32 $0x1, s31;
	s31 =	sshll.u32 s31, $0xE  }
.Ltmp1:
0x10a: {  	_ =	swait.ge [sflag:s30], $0x3E80;
	(pc) =	sbr.rel @p0 .LBB2_4-.Ltmp1, $4  }
0x10b: {  	s29 =	sor.u32 $0x2800, s31;
	s31 =	sadd.s32 $0xFFFFFFFF, s28;
	[sflag:s30] =	ssyncset.done $0x0  }
0x10c: {  	s26 =	sadd.s32 $0x80, s26;
	[sflag:s30] =	ssyncadd.s32 $0xFFFFC180;
	s30 =	sand.u32 $0x1, s31  }
0x10d: {  	[spmem:s1] =	stream.indirect.scatter.add.f32 [tilespmem:s29], [sflag:$0x4], $0x80, s25, s19, $0xb8;
	[tilespmem:$0x1F000] =	vst v63  }
0x10e: {  	s25 =	sadd.s32 $0x80, s25;
	s29 =	smov.u32 s0;
	_ =	swait.ge [sflag:s18], $0x3E80  }
0x10f: {  	s0 =	sand.u32 $0x1, s28  }
0x110: {  	s28 =	sshll.u32 s30, $0xE;
	[sflag:s18] =	ssyncset.done $0x0;
	s29 =	sadd.s32 $0x1, s30  }
0x111: {  	s28 =	sor.u32 $0x2800, s28;
	[sflag:s18] =	ssyncadd.s32 $0xFFFFC180;
	s31 =	sadd.s32 $0x1, s0  }
0x112: {  	[tilespmem:s28], [sflag:s29] =	stream.indirect.gather [hbm4b:s4+s19], $0x80, s26, s19, $0xb8;
	[tilespmem:$0x1F000] =	vst v63  }
0x113: {  	_ =	swait.ge [sflag:s31], $0x3E80  }
0x114: {  	s0 =	sshll.u32 s0, $0xE;
	[sflag:s31] =	ssyncset.done $0x0  }
0x115: {  	s0 =	sor.u32 $0x2800, s0;
	[sflag:s31] =	ssyncadd.s32 $0xFFFFC180  }
0x116: {  	[spmem:s1] =	stream.indirect.scatter.add.f32 [tilespmem:s0], [sflag:$0x4], $0x80, s25, s19, $0xb8;
	[tilespmem:$0x1F000] =	vst v63  }
0x117: {  	_ =	swait.ge [sflag:s18], $0x3E80  }
0x118: {  	[sflag:s18] =	ssyncset.done $0x0  }
0x119: {  	s0 =	simm.s32 $0x2;
	[sflag:s18] =	ssyncadd.s32 $0xFFFFC180  }
0x11a: {  	_ =	swait.ge [sflag:s0], $0x3E80  }
0x11b: {  	[sflag:s0] =	ssyncset.done $0x0  }
0x11c: {  	[sflag:s0] =	ssyncadd.s32 $0xFFFFC180  }
0x11d: {  	[spmem:s1] =	stream.indirect.scatter.add.f32 [tilespmem:s22], [sflag:$0x4], $0x80, s21, s19, $0xb8;
	[tilespmem:$0x1F000] =	vst v63  }
0x11e: {  	_ =	swait.ge [sflag:s18], $0x3E80  }
0x11f: {  	[sflag:s18] =	ssyncset.done $0x0  }
0x120: {  	[sflag:s18] =	ssyncadd.s32 $0xFFFFC180  }
0x121: {  	[tilespmem:s3], [sflag:$0x4] =	stream.linear.gather [hbm4b:s9+s3], $0x1400, $0x38;
	[tilespmem:$0x1F000] =	vst v63  }
0x122: {  	_ =	swait.ge [sflag:s18], $0x1400  }
0x123: {  	[sflag:s18] =	ssyncset.done $0x0  }
0x124: {  	s31 =	simm.s32 $0x1;
	s25 =	simm.s32 $0x1400;
	[sflag:s18] =	ssyncadd.s32 $0xFFFFEC00  }
0x125: {  	[tilespmem:s25], [sflag:$0x4] =	stream.linear.gather [hbm4b:s10+s3], $0x1400, $0x38;
	[tilespmem:$0x1F000] =	vst v63  }
0x126: {  	s26 =	sand.u32 $0x1, s31;
	_ =	swait.ge [sflag:s18], $0x1400  }
0x127: {  	s28 =	simm.s32 $0x80;
	s29 =	sshll.u32 s26, $0xE;
	[sflag:s18] =	ssyncset.done $0x0  }
0x128: {  	s26 =	sadd.s32 $0x1, s26;
	s0 =	sand.u32 $0x1, s0;
	[sflag:s18] =	ssyncadd.s32 $0xFFFFEC00  }
0x129: {  	[tilespmem:s20], [sflag:$0x1] =	stream.indirect.gather [hbm4b:s4+s19], $0x80, s3, s19, $0xb8;
	[tilespmem:$0x1F000] =	vst v63  }
0x12a: {  	s29 =	sor.u32 $0x2800, s29;
	s31 =	sadd.s32 $0x1, s0;
	s0 =	sshll.u32 s0, $0xE  }
0x12b: {  	[tilespmem:s29], [sflag:s26] =	stream.indirect.gather [hbm4b:s4+s19], $0x80, s28, s19, $0xb8;
	[tilespmem:$0x1F000] =	vst v63  }
0x12c: {  	s0 =	sor.u32 $0x2800, s0;
	_ =	swait.ge [sflag:s31], $0x3E80  }
0x12d: {  	s28 =	simm.s32 $0x3;
	s29 =	simm.s32 $0x4;
	[sflag:s31] =	ssyncset.done $0x0  }
0x12e: {  	s26 =	simm.s32 $0x100;
	[sflag:s31] =	ssyncadd.s32 $0xFFFFC180;
	s31 =	simm.s32 $0x2  }
0x12f: {  	[spmem:s1] =	stream.indirect.scatter.add.f32 [tilespmem:s0], [sflag:$0x4], $0x80, s25, s19, $0xb8;
	[tilespmem:$0x1F000] =	vst v63  }
0x130: {  	s30 =	sand.u32 $0x1, s31;
	s25 =	simm.s32 $0x1480;
	_ =	swait.ge [sflag:s18], $0x3E80  }
.LBB2_6:
0x131: {  	s0 =	sand.u32 $0x1, s28;
	s31 =	sshll.u32 s30, $0xE  }
0x132: {  	[sflag:s18] =	ssyncset.done $0x0;
	s28 =	smov.u32 s29;
	s30 =	sadd.s32 $0x1, s30  }
0x133: {  	p0 =	sne.s32 s29, $0x28;
	s31 =	sor.u32 $0x2800, s31;
	[sflag:s18] =	ssyncadd.s32 $0xFFFFC180  }
0x134: {  	[tilespmem:s31], [sflag:s30] =	stream.indirect.gather [hbm4b:s4+s19], $0x80, s26, s19, $0xb8;
	[tilespmem:$0x1F000] =	vst v63  }
0x135: {  	s31 =	sadd.s32 $0x1, s29;
	s30 =	sadd.s32 $0x1, s0;
	s0 =	sshll.u32 s0, $0xE  }
.Ltmp2:
0x136: {  	_ =	swait.ge [sflag:s30], $0x3E80;
	(pc) =	sbr.rel @p0 .LBB2_6-.Ltmp2, $4  }
0x137: {  	s29 =	sadd.s32 $0xFFFFFFFF, s28;
	s0 =	sor.u32 $0x2800, s0;
	[sflag:s30] =	ssyncset.done $0x0  }
0x138: {  	s26 =	sadd.s32 $0x80, s26;
	[sflag:s30] =	ssyncadd.s32 $0xFFFFC180;
	s30 =	sand.u32 $0x1, s29  }
0x139: {  	[spmem:s1] =	stream.indirect.scatter.add.f32 [tilespmem:s0], [sflag:$0x4], $0x80, s25, s19, $0xb8;
	[tilespmem:$0x1F000] =	vst v63  }
0x13a: {  	s29 =	smov.u32 s31;
	s25 =	sadd.s32 $0x80, s25;
	_ =	swait.ge [sflag:s18], $0x3E80  }
0x13b: {  	s0 =	sand.u32 $0x1, s28;
	s31 =	sshll.u32 s30, $0xE;
	[sflag:s18] =	ssyncset.done $0x0  }
0x13c: {  	s29 =	sadd.s32 $0x1, s30;
	s28 =	sor.u32 $0x2800, s31;
	[sflag:s18] =	ssyncadd.s32 $0xFFFFC180  }
0x13d: {  	[tilespmem:s28], [sflag:s29] =	stream.indirect.gather [hbm4b:s4+s19], $0x80, s26, s19, $0xb8;
	[tilespmem:$0x1F000] =	vst v63  }
0x13e: {  	s29 =	sadd.s32 $0x1, s0  }
0x13f: {  	_ =	swait.ge [sflag:s29], $0x3E80  }
0x140: {  	s0 =	sshll.u32 s0, $0xE;
	[sflag:s29] =	ssyncset.done $0x0  }
0x141: {  	s0 =	sor.u32 $0x2800, s0;
	[sflag:s29] =	ssyncadd.s32 $0xFFFFC180  }
0x142: {  	[spmem:s1] =	stream.indirect.scatter.add.f32 [tilespmem:s0], [sflag:$0x4], $0x80, s25, s19, $0xb8;
	[tilespmem:$0x1F000] =	vst v63  }
0x143: {  	_ =	swait.ge [sflag:s18], $0x3E80  }
0x144: {  	[sflag:s18] =	ssyncset.done $0x0  }
0x145: {  	[sflag:s18] =	ssyncadd.s32 $0xFFFFC180  }
0x146: {  	_ =	swait.ge [sflag:s23], $0x3E80  }
0x147: {  	[sflag:s23] =	ssyncset.done $0x0  }
0x148: {  	[sflag:s23] =	ssyncadd.s32 $0xFFFFC180  }
0x149: {  	[spmem:s1] =	stream.indirect.scatter.add.f32 [tilespmem:s22], [sflag:$0x4], $0x80, s21, s19, $0xb8;
	[tilespmem:$0x1F000] =	vst v63  }
0x14a: {  	_ =	swait.ge [sflag:s18], $0x3E80  }
0x14b: {  	s30 =	sshll.u32 s2, $0x6;
	s24 =	sadd.s32 $0x1, s24;
	[sflag:s18] =	ssyncset.done $0x0  }
0x14c: {  	s31 =	sshrl.u32 s5, $0x3;
	p0 =	sne.s32 s24, s12;
	[sflag:s18] =	ssyncadd.s32 $0xFFFFC180  }
.Ltmp3:
0x14d: {  	s0 =	sor.u32 $0x1C04, s30;
	[bflag:$0x0] =	sbarrier.arrive $0xFFFF;
	(pc) =	sbr.rel @p0 .LBB2_1-.Ltmp3, $4  }
0x14e: {  	[hbm:s11], [sflag:s0] =	dma.local [spmem:s31], $0x2780  }
0x14f: {  	_ =	swait.ge [sflag:s18], $0x2780  }
0x150: {  	[sflag:s18] =	ssyncset.done $0x0  }
0x151: {  	[sflag:s18] =	ssyncadd.s32 $0xFFFFD880  }
0x152: {  	_ =	sfence.sel $0x180000  }
0x153: {  	[bflag:$0x0] =	sbarrier.arrive $0xFFFF  }
0x154: {  	_ =	strace $0x9000004A  }
0x155: {  	[bflag:$0x2] =	sbarrier.arrive $0xFFFF  }
0x156: {  	p0 =	sne.s32 s2, $0x0;
	s0 =	rddreg [dreg:$0x2]  }
0x157: {  	s0 =	sadd.s32 @!p0 $0x100000, s0  }
0x158: {  	[sflag:s0] =	ssyncadd.tile.s32 @!p0 $0x1;
	_ =	shalt  }
.Lfunc_end2:
_tile_overlayer_lowered:
.L_overlay_start_2:
0x159: {  	(tag) =	ssettag $0x2  }
0x15a: {  	s0 =	rddreg [dreg:$0x0];
	s2 =	stileid.u32  }
0x15b: {  	s1 =	rddreg [dreg:$0x1];
	p0 =	sne.s32 s2, $0x0  }
0x15c: {  	s3 =	rddreg [dreg:$0x2];
	[bflag:$0x3] =	sbarrier.arrive $0xFFFF;
	s2 =	simm.s32 @!p0 $0x1C04  }
0x15d: {  	[timem:s3], [sflag:s2] =	dma.local @!p0 [hbm:s0], s1  }
0x15e: {  	s0 =	simm.s32 @!p0 $0x4  }
0x15f: {  	_ =	swait.ge @!p0 [sflag:s0], s1  }
0x160: {  	s1 =	ssub.s32 @!p0 $0x0, s1;
	[sflag:s0] =	ssyncset.done @!p0 $0x0  }
0x161: {  	[sflag:s0] =	ssyncadd.s32 @!p0 s1  }
0x162: {  	[bflag:$0x3] =	sbarrier.arrive $0xFFFF  }
0x163: {  	_ =	shalt  }

// kernel: kernel.14.cloned.1.call-start
scs
__scs_entry_jumppad:
0x0: {  	(pc) =	sbr.rel $0x88, $3  }
0x1: {  	(tag) =	ssettag $0x0;
	lr =	simm.s32 $0x1  }
0x2: {  	[smem:$0x3F99] =	sst lr;
	_ =	strace $0xD0000000  }
0x3: {  	_ = 	snop  }
0x4: {  	_ = 	snop  }
0x5: {  	_ = 	snop  }
0x6: {  	_ = 	snop  }
0x7: {  	_ = 	snop  }
__scs_overlays_trampoline_lowered:
0x8: {  	[smem:$0x3FA8] =	sst s0  }
0x9: {  	[smem:$0x3FA9] =	sst s1  }
0xa: {  	[smem:$0x3FAA] =	sst s2  }
0xb: {  	[smem:$0x3FAB] =	sst s3  }
0xc: {  	[smem:$0x3FAC] =	sst s4  }
0xd: {  	[smem:$0x3FAD] =	sst s5  }
0xe: {  	[smem:$0x3FAE] =	sst s6  }
0xf: {  	[smem:$0x3FAF] =	sst s7  }
0x10: {  	[smem:$0x3FB0] =	sst s8  }
0x11: {  	[smem:$0x3FB1] =	sst s9;
	s0 =	simm.s32 @!p0 $0x0  }
0x12: {  	s1 =	sld [smem:$0x3F97];
	s0 =	simm.s32 @p0 $0x1  }
0x13: {  	[smem:$0x3FB2] =	sst s0;
	s0 =	simm.s32 @!p1 $0x0  }
0x14: {  	s2 =	sld [smem:$0x3F96];
	s0 =	simm.s32 @p1 $0x1  }
0x15: {  	[smem:$0x3FB3] =	sst s0;
	s0 =	simm.s32 @!p2 $0x0  }
0x16: {  	s3 =	sld [smem:$0x3FDB];
	s0 =	simm.s32 @p2 $0x1  }
0x17: {  	s4 =	simm.s32 $0x1BF5;
	[smem:$0x3FB5] =	sst s0  }
0x18: {  	s0 =	sld [smem:$0x3F98];
	_ =	swait.ge [sflag:s4], $0x0  }
0x19: {  	s7 =	sld [smem:$0x3F99]  }
0x1a: {  	s8 =	sadd.s32 $0xFFFFE003, lr  }
0x1b: {  	s9 =	sadd.s32 $0xFFFFFEF7, lr;
	s5 =	simm.s32 $0xFFFFFFFF;
	p2 =	slt.u32 s8, $0xFFFFF086  }
0x1c: {  	p1 =	slt.u32 s9, $0xF7A;
	s5 =	simm.s32 @!p2 $0x0  }
0x1d: {  	s5 =	simm.s32 @p1 $0x1;
	p0 =	seq.s32 s7, s2  }
0x1e: {  	s7 =	smul.u32 @!p0 $0xF7A, s2;
	p2 =	seq.s32 @!p0 s5, $0x0  }
0x1f: {  	s9 =	smul.u32 $0xF7A, s1;
	s8 =	simm.s32 @!p0 $0x1BF5;
	p2 =	por !p2, p0  }
0x20: {  	[sflag:s8] =	ssyncset.s32 @!p0 $0xFFFFF086;
	s6 =	sadd.s32 @!p0 s3, s7;
	s7 =	simm.s32 @!p0 $0x108  }
0x21: {  	s3 =	sadd.s32 s3, s9;
	s6 =	sadd.s32 @!p0 $0x88, s6;
	s7 =	simm.s32 @p2 $0x1082  }
0x22: {  	[simem:s7], [sflag:s8] =	dma.local @!p0 [hbm:s6], $0xF7A  }
0x23: {  	s9 =	sor.u32 $0xD0000000, s2;
	s6 =	simm.s32 $0x108;
	_ =	swait.ge @!p0 [sflag:s8], $0x0  }
0x24: {  	s3 =	sadd.s32 $0x88, s3;
	s6 =	simm.s32 @!p1 $0x1082;
	[sflag:s4] =	ssyncset.s32 $0xFFFFF086  }
0x25: {  	[simem:s6], [sflag:s4] =	dma.local [hbm:s3], $0xF7A  }
0x26: {  	[smem:$0x3F99] =	sst s1;
	(tag) =	ssettag s2;
	_ =	strace s9  }
0x27: {  	s1 =	sld [smem:$0x3FA9]  }
0x28: {  	s2 =	sld [smem:$0x3FAA]  }
0x29: {  	s4 =	sld [smem:$0x3FAC]  }
0x2a: {  	p0 =	seq.s32 s5, $0x0;
	s5 =	sld [smem:$0x3FAD]  }
0x2b: {  	s6 =	sld [smem:$0x3FAE]  }
0x2c: {  	s7 =	sld [smem:$0x3FAF]  }
0x2d: {  	s3 =	simm.s32 $0x108;
	s8 =	sld [smem:$0x3FB0]  }
0x2e: {  	s3 =	simm.s32 @!p0 $0x1082;
	s9 =	sld [smem:$0x3FB1]  }
0x2f: {  	lr =	sadd.s32 s0, s3;
	s0 =	sld [smem:$0x3FA8]  }
0x30: {  	s3 =	sld [smem:$0x3FAB]  }
0x31: {  	[smem:$0x3FB4] =	sst s10  }
0x32: {  	s10 =	sld [smem:$0x3FB2];
	_ =	sdelay $0x3  }
0x33: {  	p0 =	seq.s32 s10, $0x1;
	s10 =	sld [smem:$0x3FB4];
	_ =	sdelay $0x3  }
0x34: {  	[smem:$0x3FB4] =	sst s10  }
0x35: {  	s10 =	sld [smem:$0x3FB3];
	_ =	sdelay $0x3  }
0x36: {  	p1 =	seq.s32 s10, $0x1;
	s10 =	sld [smem:$0x3FB4];
	_ =	sdelay $0x3  }
0x37: {  	[smem:$0x3FB4] =	sst s10  }
0x38: {  	s10 =	sld [smem:$0x3FB5]  }
0x39: {  	_ = 	snop;
	(pc) =	sbr.ind lr, $3  }
0x3a: {  	_ = 	snop  }
0x3b: {  	_ = 	snop  }
0x3c: {  	p2 =	seq.s32 s10, $0x1;
	s10 =	sld [smem:$0x3FB4]  }
0x3d: {  	_ =	shalt  }
0x3e: {  	_ =	shalt  }
0x3f: {  	_ =	shalt  }
0x40: {  	_ =	shalt  }
0x41: {  	_ =	shalt  }
0x42: {  	_ =	shalt  }
0x43: {  	_ =	shalt  }
0x44: {  	_ =	shalt  }
0x45: {  	_ =	shalt  }
0x46: {  	_ =	shalt  }
0x47: {  	_ =	shalt  }
0x48: {  	_ =	shalt  }
0x49: {  	_ =	shalt  }
0x4a: {  	_ =	shalt  }
0x4b: {  	_ =	shalt  }
0x4c: {  	_ =	shalt  }
0x4d: {  	_ =	shalt  }
0x4e: {  	_ =	shalt  }
0x4f: {  	_ =	shalt  }
0x50: {  	_ =	shalt  }
0x51: {  	_ =	shalt  }
0x52: {  	_ =	shalt  }
0x53: {  	_ =	shalt  }
0x54: {  	_ =	shalt  }
0x55: {  	_ =	shalt  }
0x56: {  	_ =	shalt  }
0x57: {  	_ =	shalt  }
0x58: {  	_ =	shalt  }
0x59: {  	_ =	shalt  }
0x5a: {  	_ =	shalt  }
0x5b: {  	_ =	shalt  }
0x5c: {  	_ =	shalt  }
0x5d: {  	_ =	shalt  }
0x5e: {  	_ =	shalt  }
0x5f: {  	_ =	shalt  }
0x60: {  	_ =	shalt  }
0x61: {  	_ =	shalt  }
0x62: {  	_ =	shalt  }
0x63: {  	_ =	shalt  }
0x64: {  	_ =	shalt  }
0x65: {  	_ =	shalt  }
0x66: {  	_ =	shalt  }
0x67: {  	_ =	shalt  }
0x68: {  	_ =	shalt  }
0x69: {  	_ =	shalt  }
0x6a: {  	_ =	shalt  }
0x6b: {  	_ =	shalt  }
0x6c: {  	_ =	shalt  }
0x6d: {  	_ =	shalt  }
0x6e: {  	_ =	shalt  }
0x6f: {  	_ =	shalt  }
0x70: {  	_ =	shalt  }
0x71: {  	_ =	shalt  }
0x72: {  	_ =	shalt  }
0x73: {  	_ =	shalt  }
0x74: {  	_ =	shalt  }
0x75: {  	_ =	shalt  }
0x76: {  	_ =	shalt  }
0x77: {  	_ =	shalt  }
0x78: {  	_ =	shalt  }
0x79: {  	_ =	shalt  }
0x7a: {  	_ =	shalt  }
0x7b: {  	_ =	shalt  }
0x7c: {  	_ =	shalt  }
0x7d: {  	_ =	shalt  }
0x7e: {  	_ =	shalt  }
0x7f: {  	_ =	shalt  }
0x80: {  	_ =	shalt  }
0x81: {  	_ =	shalt  }
0x82: {  	_ =	shalt  }
0x83: {  	_ =	shalt  }
0x84: {  	_ =	shalt  }
0x85: {  	_ =	shalt  }
0x86: {  	_ =	shalt  }
0x87: {  	_ =	shalt  }
.Lfunc_end0:
.L_simem_size_0:
called_computation.2_lowered:
.L_overlay_start_0:
0x88: {  	s2 =	sld [smem:$0x3FD9]  }
0x89: {  	s3 =	sld [smem:$0x3FFE];
	_ =	sdelay $0x1  }
0x8a: {  	s1 =	srdreg.scid  }
0x8b: {  	s0 =	sand.u32 $0x1, s1  }
0x8c: {  	s16 =	sshll.u32 s0, $0xA;
	s2 =	sadd.s32 s3, s2  }
0x8d: {  	s2 =	sadd.s32 s2, s16  }
0x8e: {  	[smem:$0x3FC0] =	sst s2  }
0x8f: {  	_ = 	snop  }
0x90: {  	(tm) =	ssettm $0x1  }
0x91: {  	s17 =	sld [smem:$0x3FFB];
	_ =	sdelay $0x3  }
0x92: {  	_ =	strace s17  }
0x93: {  	s2 =	sld [smem:$0x3FFC];
	_ =	sdelay $0x3  }
0x94: {  	_ =	strace s2  }
0x95: {  	s2 =	sld [smem:$0x3FFD];
	_ =	sdelay $0x3  }
0x96: {  	_ =	strace s2  }
0x97: {  	_ =	strace $0x8FFFFFFF  }
0x98: {  	s18 =	sld [smem:$0x3FDB];
	_ =	sdelay $0x1  }
0x99: {  	s19 =	simm.s32 $_scs_section_size  }
0x9a: {  	s4 =	simm.s32 $_size__tile_overlayer_lowered;
	s5 =	simm.s32 $_tile_overlayer_lowered  }
0x9b: {  	s22 =	simm.s32 $0x1BFF;
	s21 =	sshll.u32 s5, $0x1;
	s2 =	sadd.s32 s19, s18  }
0x9c: {  	s6 =	simm.s32 $0x0;
	s20 =	sshll.u32 s4, $0x1;
	s4 =	sadd.s32 s21, s2  }
0x9d: {  	[timem:s6], [sflag:s22] =	dma.local [hbm:s4], s20  }
0x9e: {  	_ =	swait.ge [sflag:s22], s20  }
0x9f: {  	s3 =	ssub.s32 $0x0, s20;
	[sflag:s22] =	ssyncset.done $0x0  }
0xa0: {  	[sflag:s22] =	ssyncadd.s32 s3;
	_ =	sdelay $0x1  }
0xa1: {  	s23 =	simm.s32 $0x1B8B  }
0xa2: {  	_ =	swait.ge [sflag:s23], $0x1  }
0xa3: {  	[sflag:s23] =	ssyncset.done $0x0  }
0xa4: {  	s25 =	simm.s32 $0x1B8E;
	s24 =	sld [smem:$0x3FFE];
	[sflag:s23] =	ssyncadd.s32 $0xFFFFFFFF  }
0xa5: {  	s26 =	simm.s32 $execute0_lowered;
	[smem:$0x3FD2] =	sst s25  }
0xa6: {  	s4 =	sshll.u32 s26, $0x1;
	_ =	strace $0x8000004C;
	[dreg:$0x1] =	wrdreg $0xFFFFFFFF  }
0xa7: {  	s28 =	simm.s32 $_size_execute0_lowered;
	s2 =	sadd.s32 s2, s4;
	[dreg:$0x0] =	wrdreg $0x0  }
0xa8: {  	s4 =	sshll.u32 s28, $0x1;
	[dreg:$0x2] =	wrdreg s2  }
0xa9: {  	[dreg:$0x3] =	wrdreg s4  }
0xaa: {  	[dreg:$0x4] =	wrdreg $0xC0  }
0xab: {  	_ =	task [dreg:s6], $0x5FFFF  }
0xac: {  	[dreg:$0x1] =	wrdreg $0xFFFFFFFF  }
0xad: {  	[dreg:$0x0] =	wrdreg $0x60  }
0xae: {  	[dreg:$0x2] =	wrdreg s24  }
0xaf: {  	[dreg:$0x3] =	wrdreg $0xB4000  }
0xb0: {  	[dreg:$0x4] =	wrdreg $0x9  }
0xb1: {  	_ =	task.clear_ibuf [dreg:s6], $0x5FFFF;
	_ =	strace $0x9000004C  }
0xb2: {  	s29 =	simm.s32 $0x9;
	_ =	strace $0x8000004E  }
0xb3: {  	_ =	swait.ge [sflag:s29], $0x1  }
0xb4: {  	[sflag:s29] =	ssyncadd.s32 $0xFFFFFFFF  }
0xb5: {  	_ =	strace $0x9000004E  }
0xb6: {  	_ =	sfence  }
0xb7: {  	s30 =	sld [smem:$0x0];
	_ =	sdelay $0x2  }
0xb8: {  	s31 =	sshll.u32 s1, $0xD;
	s1 =	sshrl.u32 s1, $0x2  }
0xb9: {  	s3 =	sand.u32 $0x4000, s31;
	s1 =	sadd.s32 s1, s30  }
0xba: {  	s0 =	sor.u32 s3, s0;
	s1 =	sshll.u32 s1, $0x11  }
0xbb: {  	s0 =	sor.u32 s1, s0  }
0xbc: {  	s0 =	sadd.s32 $0x8F2B, s0  }
0xbd: {  	[sflag:s0] =	ssyncadd.remote.s32 $0x1  }
0xbe: {  	_ =	sfence.sel $0xFFFF  }
0xbf: {  	[dreg:$0x0] =	wrdreg $0xFFFFFFFF;
	(pc) =	sbr.abs _section_cstart, $3  }
0xc0: {  	[dreg:$0x1] =	wrdreg $0xFFFFFFFF  }
0xc1: {  	_ =	task.clear_ibuf [dreg:s6], $0x2FFFF;
	_ =	strace $0x9FFFFFFF  }
0xc2: {  	(tm) =	ssettm $0x7FFFFFFF  }
0xc3: {  	_ =	shalt  }
tec
execute0_lowered:
.L_overlay_start_1:
0x0: {  	(tag) =	ssettag $0x1  }
0x1: {  	s5 =	rddreg [dreg:$0x0]  }
0x2: {  	s1 =	rddreg [dreg:$0x1];
	s3 =	simm.s32 $0x0  }
0x3: {  	s4 =	srdreg.scid;
	s2 =	stileid.u32;
	s16 =	simm.s32 $0xA800  }
0x4: {  	s17 =	simm.s32 $0x3;
	s18 =	simm.s32 $0x4;
	s19 =	simm.s32 $0x7D  }
0x5: {  	s20 =	simm.s32 $0x2800;
	s21 =	simm.s32 $0x2780;
	s22 =	simm.s32 $0x6800  }
0x6: {  	s23 =	simm.s32 $0x2;
	s24 =	simm.s32 $0x0;
	s7 =	smul.u32 $0x2780, s2  }
0x7: {  	[smem:$0x7FF] =	sst s3;
	s6 =	sand.u32 $0x1, s4;
	s26 =	smul.u32 $0x4F000, s2  }
0x8: {  	s4 =	sadd.s32 $0x1B800, s5;
	s8 =	sadd.s32 $0xC800, s5;
	s31 =	smul.u32 $0x2800, s2  }
0x9: {  	s10 =	sadd.s32 $0x16800, s5;
	s12 =	sshll.u32 s2, $0x1;
	s14 =	smul.u32 $0x500, s2  }
0xa: {  	s9 =	smul.u32 $0x27800, s6;
	s11 =	sshll.u32 s6, $0x5;
	s29 =	ssub.s32 $0x2, s6  }
0xb: {  	_ =	strace $0x8000004D;
	s11 =	sor.u32 s12, s11;
	s6 =	sshrl.u32 s29, $0x1  }
0xc: {  	s15 =	sshrl.u32 s31, $0x3;
	s7 =	sadd.s32 s7, s9;
	s30 =	smul.u32 $0x280, s11  }
0xd: {  	s9 =	sshrl.u32 s26, $0x2;
	s11 =	smul.u32 $0x1400, s11;
	s13 =	ssub.s32 s29, s6  }
0xe: {  	s28 =	sadd.s32 s7, s5;
	s5 =	sadd.s32 s9, s1;
	s12 =	smax.u32 s13, $0x1  }
0xf: {  	s6 =	sadd.s32 $0x13800, s5;
	s11 =	sshrl.u32 s11, $0x3;
	s7 =	sadd.s32 s8, s30  }
0x10: {  	s13 =	sadd.s32 $0xC00, s5;
	s11 =	sadd.s32 s8, s11;
	s8 =	sadd.s32 s10, s14  }
0x11: {  	s10 =	sadd.s32 s10, s15;
	s14 =	sadd.s32 $0x1800, s5;
	s15 =	sadd.s32 $0x2400, s5  }
0x12: {  	v0 =	vimm.f32 $0.0e+00;
	s9 =	sadd.s32 $0x280, s11;
	s10 =	sadd.s32 $0x280, s10;
	s11 =	sadd.s32 $0x6A800, s28  }
.LBB2_1:
0x13: {  	[tilespmem:$0xA800] =	vst v0  }
0x14: {  	[tilespmem:$0xA810] =	vst v0  }
0x15: {  	[tilespmem:$0xA820] =	vst v0  }
0x16: {  	[tilespmem:$0xA830] =	vst v0  }
0x17: {  	[tilespmem:$0xA840] =	vst v0  }
0x18: {  	[tilespmem:$0xA850] =	vst v0  }
0x19: {  	[tilespmem:$0xA860] =	vst v0  }
0x1a: {  	[tilespmem:$0xA870] =	vst v0  }
0x1b: {  	[tilespmem:$0xA880] =	vst v0  }
0x1c: {  	[tilespmem:$0xA890] =	vst v0  }
0x1d: {  	[tilespmem:$0xA8A0] =	vst v0  }
0x1e: {  	[tilespmem:$0xA8B0] =	vst v0  }
0x1f: {  	[tilespmem:$0xA8C0] =	vst v0  }
0x20: {  	[tilespmem:$0xA8D0] =	vst v0  }
0x21: {  	[tilespmem:$0xA8E0] =	vst v0  }
0x22: {  	[tilespmem:$0xA8F0] =	vst v0  }
0x23: {  	[tilespmem:$0xA900] =	vst v0  }
0x24: {  	[tilespmem:$0xA910] =	vst v0  }
0x25: {  	[tilespmem:$0xA920] =	vst v0  }
0x26: {  	[tilespmem:$0xA930] =	vst v0  }
0x27: {  	[tilespmem:$0xA940] =	vst v0  }
0x28: {  	[tilespmem:$0xA950] =	vst v0  }
0x29: {  	[tilespmem:$0xA960] =	vst v0  }
0x2a: {  	[tilespmem:$0xA970] =	vst v0  }
0x2b: {  	[tilespmem:$0xA980] =	vst v0  }
0x2c: {  	[tilespmem:$0xA990] =	vst v0  }
0x2d: {  	[tilespmem:$0xA9A0] =	vst v0  }
0x2e: {  	[tilespmem:$0xA9B0] =	vst v0  }
0x2f: {  	[tilespmem:$0xA9C0] =	vst v0  }
0x30: {  	[tilespmem:$0xA9D0] =	vst v0  }
0x31: {  	[tilespmem:$0xA9E0] =	vst v0  }
0x32: {  	[tilespmem:$0xA9F0] =	vst v0  }
0x33: {  	[tilespmem:$0xAA00] =	vst v0  }
0x34: {  	[tilespmem:$0xAA10] =	vst v0  }
0x35: {  	[tilespmem:$0xAA20] =	vst v0  }
0x36: {  	[tilespmem:$0xAA30] =	vst v0  }
0x37: {  	[tilespmem:$0xAA40] =	vst v0  }
0x38: {  	[tilespmem:$0xAA50] =	vst v0  }
0x39: {  	[tilespmem:$0xAA60] =	vst v0  }
0x3a: {  	[tilespmem:$0xAA70] =	vst v0  }
0x3b: {  	[tilespmem:$0xAA80] =	vst v0  }
0x3c: {  	[tilespmem:$0xAA90] =	vst v0  }
0x3d: {  	[tilespmem:$0xAAA0] =	vst v0  }
0x3e: {  	[tilespmem:$0xAAB0] =	vst v0  }
0x3f: {  	[tilespmem:$0xAAC0] =	vst v0  }
0x40: {  	[tilespmem:$0xAAD0] =	vst v0  }
0x41: {  	[tilespmem:$0xAAE0] =	vst v0  }
0x42: {  	[tilespmem:$0xAAF0] =	vst v0  }
0x43: {  	[tilespmem:$0xAB00] =	vst v0  }
0x44: {  	[tilespmem:$0xAB10] =	vst v0  }
0x45: {  	[tilespmem:$0xAB20] =	vst v0  }
0x46: {  	[tilespmem:$0xAB30] =	vst v0  }
0x47: {  	[tilespmem:$0xAB40] =	vst v0  }
0x48: {  	[tilespmem:$0xAB50] =	vst v0  }
0x49: {  	[tilespmem:$0xAB60] =	vst v0  }
0x4a: {  	[tilespmem:$0xAB70] =	vst v0  }
0x4b: {  	[tilespmem:$0xAB80] =	vst v0  }
0x4c: {  	[tilespmem:$0xAB90] =	vst v0  }
0x4d: {  	[tilespmem:$0xABA0] =	vst v0  }
0x4e: {  	[tilespmem:$0xABB0] =	vst v0  }
0x4f: {  	[tilespmem:$0xABC0] =	vst v0  }
0x50: {  	[tilespmem:$0xABD0] =	vst v0  }
0x51: {  	[tilespmem:$0xABE0] =	vst v0  }
0x52: {  	[tilespmem:$0xABF0] =	vst v0  }
0x53: {  	[tilespmem:$0xAC00] =	vst v0  }
0x54: {  	[tilespmem:$0xAC10] =	vst v0  }
0x55: {  	[tilespmem:$0xAC20] =	vst v0  }
0x56: {  	[tilespmem:$0xAC30] =	vst v0  }
0x57: {  	[tilespmem:$0xAC40] =	vst v0  }
0x58: {  	[tilespmem:$0xAC50] =	vst v0  }
0x59: {  	[tilespmem:$0xAC60] =	vst v0  }
0x5a: {  	[tilespmem:$0xAC70] =	vst v0  }
0x5b: {  	[tilespmem:$0xAC80] =	vst v0  }
0x5c: {  	[tilespmem:$0xAC90] =	vst v0  }
0x5d: {  	[tilespmem:$0xACA0] =	vst v0  }
0x5e: {  	[tilespmem:$0xACB0] =	vst v0  }
0x5f: {  	[tilespmem:$0xACC0] =	vst v0  }
0x60: {  	[tilespmem:$0xACD0] =	vst v0  }
0x61: {  	[tilespmem:$0xACE0] =	vst v0  }
0x62: {  	[tilespmem:$0xACF0] =	vst v0  }
0x63: {  	[tilespmem:$0xAD00] =	vst v0  }
0x64: {  	[tilespmem:$0xAD10] =	vst v0  }
0x65: {  	[tilespmem:$0xAD20] =	vst v0  }
0x66: {  	[tilespmem:$0xAD30] =	vst v0  }
0x67: {  	[tilespmem:$0xAD40] =	vst v0  }
0x68: {  	[tilespmem:$0xAD50] =	vst v0  }
0x69: {  	[tilespmem:$0xAD60] =	vst v0  }
0x6a: {  	[tilespmem:$0xAD70] =	vst v0  }
0x6b: {  	[tilespmem:$0xAD80] =	vst v0  }
0x6c: {  	[tilespmem:$0xAD90] =	vst v0  }
0x6d: {  	[tilespmem:$0xADA0] =	vst v0  }
0x6e: {  	[tilespmem:$0xADB0] =	vst v0  }
0x6f: {  	[tilespmem:$0xADC0] =	vst v0  }
0x70: {  	[tilespmem:$0xADD0] =	vst v0  }
0x71: {  	[tilespmem:$0xADE0] =	vst v0  }
0x72: {  	[tilespmem:$0xADF0] =	vst v0  }
0x73: {  	[tilespmem:$0xAE00] =	vst v0  }
0x74: {  	[tilespmem:$0xAE10] =	vst v0  }
0x75: {  	[tilespmem:$0xAE20] =	vst v0  }
0x76: {  	[tilespmem:$0xAE30] =	vst v0  }
0x77: {  	[tilespmem:$0xAE40] =	vst v0  }
0x78: {  	[tilespmem:$0xAE50] =	vst v0  }
0x79: {  	[tilespmem:$0xAE60] =	vst v0  }
0x7a: {  	[tilespmem:$0xAE70] =	vst v0  }
0x7b: {  	[tilespmem:$0xAE80] =	vst v0  }
0x7c: {  	[tilespmem:$0xAE90] =	vst v0  }
0x7d: {  	[tilespmem:$0xAEA0] =	vst v0  }
0x7e: {  	[tilespmem:$0xAEB0] =	vst v0  }
0x7f: {  	[tilespmem:$0xAEC0] =	vst v0  }
0x80: {  	[tilespmem:$0xAED0] =	vst v0  }
0x81: {  	[tilespmem:$0xAEE0] =	vst v0  }
0x82: {  	[tilespmem:$0xAEF0] =	vst v0  }
0x83: {  	[tilespmem:$0xAF00] =	vst v0  }
0x84: {  	[tilespmem:$0xAF10] =	vst v0  }
0x85: {  	[tilespmem:$0xAF20] =	vst v0  }
0x86: {  	[tilespmem:$0xAF30] =	vst v0  }
0x87: {  	[tilespmem:$0xAF40] =	vst v0  }
0x88: {  	[tilespmem:$0xAF50] =	vst v0  }
0x89: {  	[tilespmem:$0xAF60] =	vst v0  }
0x8a: {  	[tilespmem:$0xAF70] =	vst v0  }
0x8b: {  	[tilespmem:$0xAF80] =	vst v0  }
0x8c: {  	[tilespmem:$0xAF90] =	vst v0  }
0x8d: {  	[tilespmem:$0xAFA0] =	vst v0  }
0x8e: {  	[tilespmem:$0xAFB0] =	vst v0  }
0x8f: {  	[tilespmem:$0xAFC0] =	vst v0  }
0x90: {  	[tilespmem:$0xAFD0] =	vst v0  }
0x91: {  	[tilespmem:$0xAFE0] =	vst v0  }
0x92: {  	[tilespmem:$0xAFF0] =	vst v0  }
0x93: {  	[tilespmem:$0xB000] =	vst v0  }
0x94: {  	[tilespmem:$0xB010] =	vst v0  }
0x95: {  	[tilespmem:$0xB020] =	vst v0  }
0x96: {  	[tilespmem:$0xB030] =	vst v0  }
0x97: {  	[tilespmem:$0xB040] =	vst v0  }
0x98: {  	[tilespmem:$0xB050] =	vst v0  }
0x99: {  	[tilespmem:$0xB060] =	vst v0  }
0x9a: {  	[tilespmem:$0xB070] =	vst v0  }
0x9b: {  	[tilespmem:$0xB080] =	vst v0  }
0x9c: {  	[tilespmem:$0xB090] =	vst v0  }
0x9d: {  	[tilespmem:$0xB0A0] =	vst v0  }
0x9e: {  	[tilespmem:$0xB0B0] =	vst v0  }
0x9f: {  	[tilespmem:$0xB0C0] =	vst v0  }
0xa0: {  	[tilespmem:$0xB0D0] =	vst v0  }
0xa1: {  	[tilespmem:$0xB0E0] =	vst v0  }
0xa2: {  	[tilespmem:$0xB0F0] =	vst v0  }
0xa3: {  	[tilespmem:$0xB100] =	vst v0  }
0xa4: {  	[tilespmem:$0xB110] =	vst v0  }
0xa5: {  	[tilespmem:$0xB120] =	vst v0  }
0xa6: {  	[tilespmem:$0xB130] =	vst v0  }
0xa7: {  	[tilespmem:$0xB140] =	vst v0  }
0xa8: {  	[tilespmem:$0xB150] =	vst v0  }
0xa9: {  	[tilespmem:$0xB160] =	vst v0  }
0xaa: {  	[tilespmem:$0xB170] =	vst v0  }
0xab: {  	[tilespmem:$0xB180] =	vst v0  }
0xac: {  	[tilespmem:$0xB190] =	vst v0  }
0xad: {  	[tilespmem:$0xB1A0] =	vst v0  }
0xae: {  	[tilespmem:$0xB1B0] =	vst v0  }
0xaf: {  	[tilespmem:$0xB1C0] =	vst v0  }
0xb0: {  	[tilespmem:$0xB1D0] =	vst v0  }
0xb1: {  	[tilespmem:$0xB1E0] =	vst v0  }
0xb2: {  	[tilespmem:$0xB1F0] =	vst v0  }
0xb3: {  	[tilespmem:$0xB200] =	vst v0  }
0xb4: {  	[tilespmem:$0xB210] =	vst v0  }
0xb5: {  	[tilespmem:$0xB220] =	vst v0  }
0xb6: {  	[tilespmem:$0xB230] =	vst v0  }
0xb7: {  	[tilespmem:$0xB240] =	vst v0  }
0xb8: {  	[tilespmem:$0xB250] =	vst v0  }
0xb9: {  	[tilespmem:$0xB260] =	vst v0  }
0xba: {  	[tilespmem:$0xB270] =	vst v0  }
0xbb: {  	[tilespmem:$0xB280] =	vst v0  }
0xbc: {  	[tilespmem:$0xB290] =	vst v0  }
0xbd: {  	[tilespmem:$0xB2A0] =	vst v0  }
0xbe: {  	[tilespmem:$0xB2B0] =	vst v0  }
0xbf: {  	[tilespmem:$0xB2C0] =	vst v0  }
0xc0: {  	[tilespmem:$0xB2D0] =	vst v0  }
0xc1: {  	[tilespmem:$0xB2E0] =	vst v0  }
0xc2: {  	[tilespmem:$0xB2F0] =	vst v0  }
0xc3: {  	[tilespmem:$0xB300] =	vst v0  }
0xc4: {  	[tilespmem:$0xB310] =	vst v0  }
0xc5: {  	[tilespmem:$0xB320] =	vst v0  }
0xc6: {  	[tilespmem:$0xB330] =	vst v0  }
0xc7: {  	[tilespmem:$0xB340] =	vst v0  }
0xc8: {  	[tilespmem:$0xB350] =	vst v0  }
0xc9: {  	[tilespmem:$0xB360] =	vst v0  }
0xca: {  	[tilespmem:$0xB370] =	vst v0  }
0xcb: {  	[tilespmem:$0xB380] =	vst v0  }
0xcc: {  	[tilespmem:$0xB390] =	vst v0  }
0xcd: {  	[tilespmem:$0xB3A0] =	vst v0  }
0xce: {  	[tilespmem:$0xB3B0] =	vst v0  }
0xcf: {  	[tilespmem:$0xB3C0] =	vst v0  }
0xd0: {  	[tilespmem:$0xB3D0] =	vst v0  }
0xd1: {  	[tilespmem:$0xB3E0] =	vst v0  }
0xd2: {  	[tilespmem:$0xB3F0] =	vst v0  }
0xd3: {  	[spmem:s5] =	stream.linear.scatter [tilespmem:s16], [sflag:$0x3], $0xC00, $0x38;
	[tilespmem:$0x1F000] =	vst v63  }
0xd4: {  	_ = 	snop  }
0xd5: {  	[spmem:s13] =	stream.linear.scatter [tilespmem:s16], [sflag:$0x3], $0xC00, $0x38;
	[tilespmem:$0x1F000] =	vst v63  }
0xd6: {  	_ = 	snop  }
0xd7: {  	[spmem:s14] =	stream.linear.scatter [tilespmem:s16], [sflag:$0x3], $0xC00, $0x38;
	[tilespmem:$0x1F000] =	vst v63  }
0xd8: {  	_ = 	snop  }
0xd9: {  	[spmem:s15] =	stream.linear.scatter [tilespmem:s16], [sflag:$0x3], $0xC00, $0x38;
	[tilespmem:$0x1F000] =	vst v63  }
0xda: {  	s25 =	sadd.s32 $0x3000, s5  }
0xdb: {  	[spmem:s25] =	stream.linear.scatter [tilespmem:s16], [sflag:$0x3], $0xC00, $0x38;
	[tilespmem:$0x1F000] =	vst v63  }
0xdc: {  	s25 =	simm.s32 $0xF000;
	_ =	swait.ge [sflag:s17], $0xC00  }
.LBB2_2:
0xdd: {  	s26 =	sshra.s32 s25, $0x2;
	[sflag:s17] =	ssyncset.done $0x0;
	p0 =	sne.s32 s25, $0x4B000  }
.Ltmp0:
0xde: {  	s26 =	sadd.s32 s26, s5;
	[sflag:s17] =	ssyncadd.s32 $0xFFFFF400;
	(pc) =	sbr.rel @p0 .LBB2_2-.Ltmp0, $3  }
0xdf: {  	[spmem:s26] =	stream.linear.scatter [tilespmem:s16], [sflag:$0x3], $0xC00, $0x38;
	[tilespmem:$0x1F000] =	vst v63  }
0xe0: {  	s25 =	sadd.s32 $0x3000, s25;
	_ =	sdelay $0x1  }
0xe1: {  	_ =	swait.ge [sflag:s17], $0xC00  }
0xe2: {  	[sflag:s17] =	ssyncset.done $0x0  }
0xe3: {  	[sflag:s17] =	ssyncadd.s32 $0xFFFFF400  }
0xe4: {  	[spmem:s6] =	stream.linear.scatter [tilespmem:s16], [sflag:$0x3], $0x400, $0x38;
	[tilespmem:$0x1F000] =	vst v63  }
0xe5: {  	_ = 	snop  }
0xe6: {  	[tilespmem:s3], [sflag:$0x4] =	stream.linear.gather [hbm4b:s7+s3], $0x1400, $0x38;
	[tilespmem:$0x1F000] =	vst v63  }
0xe7: {  	_ =	swait.ge [sflag:s18], $0x1400  }
0xe8: {  	[sflag:s18] =	ssyncset.done $0x0  }
0xe9: {  	s25 =	simm.s32 $0x1400;
	[sflag:s18] =	ssyncadd.s32 $0xFFFFEC00  }
0xea: {  	[tilespmem:s25], [sflag:$0x4] =	stream.linear.gather [hbm4b:s8+s3], $0x1400, $0x38;
	[tilespmem:$0x1F000] =	vst v63  }
0xeb: {  	_ =	swait.ge [sflag:s18], $0x1400  }
0xec: {  	[sflag:s18] =	ssyncset.done $0x0  }
0xed: {  	[sflag:s18] =	ssyncadd.s32 $0xFFFFEC00  }
0xee: {  	[tilespmem:s20], [sflag:$0x1] =	stream.indirect.gather [hbm4b:s4+s19], $0x80, s3, s19, $0xb8;
	[tilespmem:$0x1F000] =	vst v63  }
0xef: {  	_ =	swait.ge [sflag:s17], $0xC00  }
0xf0: {  	[sflag:s17] =	ssyncset.done $0x0  }
0xf1: {  	[sflag:s17] =	ssyncadd.s32 $0xFFFFF400  }
0xf2: {  	_ =	swait.ge [sflag:s17], $0xC00  }
0xf3: {  	[sflag:s17] =	ssyncset.done $0x0  }
0xf4: {  	[sflag:s17] =	ssyncadd.s32 $0xFFFFF400  }
0xf5: {  	_ =	swait.ge [sflag:s17], $0xC00  }
0xf6: {  	[sflag:s17] =	ssyncset.done $0x0  }
0xf7: {  	[sflag:s17] =	ssyncadd.s32 $0xFFFFF400  }
0xf8: {  	_ =	swait.ge [sflag:s17], $0xC00  }
0xf9: {  	[sflag:s17] =	ssyncset.done $0x0  }
0xfa: {  	s26 =	simm.s32 $0x1;
	[sflag:s17] =	ssyncadd.s32 $0xFFFFF400  }
0xfb: {  	s28 =	simm.s32 $0x80;
	s29 =	simm.s32 $0x2;
	_ =	swait.ge [sflag:s17], $0x400  }
0xfc: {  	s26 =	sand.u32 $0x1, s26;
	s29 =	sand.u32 $0x1, s29;
	[sflag:s17] =	ssyncset.done $0x0  }
0xfd: {  	s30 =	sshll.u32 s26, $0xE;
	s26 =	sadd.s32 $0x1, s26;
	[sflag:s17] =	ssyncadd.s32 $0xFFFFFC00  }
0xfe: {  	s0 =	sadd.s32 $0x1, s29;
	s30 =	sor.u32 $0x2800, s30;
	[bflag:$0x0] =	sbarrier.arrive $0xFFFF  }
0xff: {  	[tilespmem:s30], [sflag:s26] =	stream.indirect.gather [hbm4b:s4+s19], $0x80, s28, s19, $0xb8;
	[tilespmem:$0x1F000] =	vst v63  }
0x100: {  	s31 =	simm.s32 $0x2;
	s29 =	sshll.u32 s29, $0xE;
	_ =	swait.ge [sflag:s0], $0x3E80  }
0x101: {  	s29 =	sor.u32 $0x2800, s29;
	s28 =	simm.s32 $0x3;
	[sflag:s0] =	ssyncset.done $0x0  }
0x102: {  	s26 =	simm.s32 $0x100;
	s30 =	sand.u32 $0x1, s31;
	[sflag:s0] =	ssyncadd.s32 $0xFFFFC180  }
0x103: {  	[spmem:s1] =	stream.indirect.scatter.add.f32 [tilespmem:s29], [sflag:$0x4], $0x80, s25, s19, $0xb8;
	[tilespmem:$0x1F000] =	vst v63  }
0x104: {  	s29 =	simm.s32 $0x4;
	s25 =	simm.s32 $0x1480;
	_ =	swait.ge [sflag:s18], $0x3E80  }
.LBB2_4:
0x105: {  	s31 =	sand.u32 $0x1, s28;
	s0 =	sshll.u32 s30, $0xE  }
0x106: {  	[sflag:s18] =	ssyncset.done $0x0;
	s28 =	smov.u32 s29;
	s30 =	sadd.s32 $0x1, s30  }
0x107: {  	p0 =	sne.s32 s29, $0x28;
	s0 =	sor.u32 $0x2800, s0;
	[sflag:s18] =	ssyncadd.s32 $0xFFFFC180  }
0x108: {  	[tilespmem:s0], [sflag:s30] =	stream.indirect.gather [hbm4b:s4+s19], $0x80, s26, s19, $0xb8;
	[tilespmem:$0x1F000] =	vst v63  }
0x109: {  	s0 =	sadd.s32 $0x1, s29;
	s30 =	sadd.s32 $0x1, s31;
	s31 =	sshll.u32 s31, $0xE  }
.Ltmp1:
0x10a: {  	_ =	swait.ge [sflag:s30], $0x3E80;
	(pc) =	sbr.rel @p0 .LBB2_4-.Ltmp1, $4  }
0x10b: {  	s29 =	sor.u32 $0x2800, s31;
	s31 =	sadd.s32 $0xFFFFFFFF, s28;
	[sflag:s30] =	ssyncset.done $0x0  }
0x10c: {  	s26 =	sadd.s32 $0x80, s26;
	[sflag:s30] =	ssyncadd.s32 $0xFFFFC180;
	s30 =	sand.u32 $0x1, s31  }
0x10d: {  	[spmem:s1] =	stream.indirect.scatter.add.f32 [tilespmem:s29], [sflag:$0x4], $0x80, s25, s19, $0xb8;
	[tilespmem:$0x1F000] =	vst v63  }
0x10e: {  	s25 =	sadd.s32 $0x80, s25;
	s29 =	smov.u32 s0;
	_ =	swait.ge [sflag:s18], $0x3E80  }
0x10f: {  	s0 =	sand.u32 $0x1, s28  }
0x110: {  	s28 =	sshll.u32 s30, $0xE;
	[sflag:s18] =	ssyncset.done $0x0;
	s29 =	sadd.s32 $0x1, s30  }
0x111: {  	s28 =	sor.u32 $0x2800, s28;
	[sflag:s18] =	ssyncadd.s32 $0xFFFFC180;
	s31 =	sadd.s32 $0x1, s0  }
0x112: {  	[tilespmem:s28], [sflag:s29] =	stream.indirect.gather [hbm4b:s4+s19], $0x80, s26, s19, $0xb8;
	[tilespmem:$0x1F000] =	vst v63  }
0x113: {  	_ =	swait.ge [sflag:s31], $0x3E80  }
0x114: {  	s0 =	sshll.u32 s0, $0xE;
	[sflag:s31] =	ssyncset.done $0x0  }
0x115: {  	s0 =	sor.u32 $0x2800, s0;
	[sflag:s31] =	ssyncadd.s32 $0xFFFFC180  }
0x116: {  	[spmem:s1] =	stream.indirect.scatter.add.f32 [tilespmem:s0], [sflag:$0x4], $0x80, s25, s19, $0xb8;
	[tilespmem:$0x1F000] =	vst v63  }
0x117: {  	_ =	swait.ge [sflag:s18], $0x3E80  }
0x118: {  	[sflag:s18] =	ssyncset.done $0x0  }
0x119: {  	s0 =	simm.s32 $0x2;
	[sflag:s18] =	ssyncadd.s32 $0xFFFFC180  }
0x11a: {  	_ =	swait.ge [sflag:s0], $0x3E80  }
0x11b: {  	[sflag:s0] =	ssyncset.done $0x0  }
0x11c: {  	[sflag:s0] =	ssyncadd.s32 $0xFFFFC180  }
0x11d: {  	[spmem:s1] =	stream.indirect.scatter.add.f32 [tilespmem:s22], [sflag:$0x4], $0x80, s21, s19, $0xb8;
	[tilespmem:$0x1F000] =	vst v63  }
0x11e: {  	_ =	swait.ge [sflag:s18], $0x3E80  }
0x11f: {  	[sflag:s18] =	ssyncset.done $0x0  }
0x120: {  	[sflag:s18] =	ssyncadd.s32 $0xFFFFC180  }
0x121: {  	[tilespmem:s3], [sflag:$0x4] =	stream.linear.gather [hbm4b:s9+s3], $0x1400, $0x38;
	[tilespmem:$0x1F000] =	vst v63  }
0x122: {  	_ =	swait.ge [sflag:s18], $0x1400  }
0x123: {  	[sflag:s18] =	ssyncset.done $0x0  }
0x124: {  	s31 =	simm.s32 $0x1;
	s25 =	simm.s32 $0x1400;
	[sflag:s18] =	ssyncadd.s32 $0xFFFFEC00  }
0x125: {  	[tilespmem:s25], [sflag:$0x4] =	stream.linear.gather [hbm4b:s10+s3], $0x1400, $0x38;
	[tilespmem:$0x1F000] =	vst v63  }
0x126: {  	s26 =	sand.u32 $0x1, s31;
	_ =	swait.ge [sflag:s18], $0x1400  }
0x127: {  	s28 =	simm.s32 $0x80;
	s29 =	sshll.u32 s26, $0xE;
	[sflag:s18] =	ssyncset.done $0x0  }
0x128: {  	s26 =	sadd.s32 $0x1, s26;
	s0 =	sand.u32 $0x1, s0;
	[sflag:s18] =	ssyncadd.s32 $0xFFFFEC00  }
0x129: {  	[tilespmem:s20], [sflag:$0x1] =	stream.indirect.gather [hbm4b:s4+s19], $0x80, s3, s19, $0xb8;
	[tilespmem:$0x1F000] =	vst v63  }
0x12a: {  	s29 =	sor.u32 $0x2800, s29;
	s31 =	sadd.s32 $0x1, s0;
	s0 =	sshll.u32 s0, $0xE  }
0x12b: {  	[tilespmem:s29], [sflag:s26] =	stream.indirect.gather [hbm4b:s4+s19], $0x80, s28, s19, $0xb8;
	[tilespmem:$0x1F000] =	vst v63  }
0x12c: {  	s0 =	sor.u32 $0x2800, s0;
	_ =	swait.ge [sflag:s31], $0x3E80  }
0x12d: {  	s28 =	simm.s32 $0x3;
	s29 =	simm.s32 $0x4;
	[sflag:s31] =	ssyncset.done $0x0  }
0x12e: {  	s26 =	simm.s32 $0x100;
	[sflag:s31] =	ssyncadd.s32 $0xFFFFC180;
	s31 =	simm.s32 $0x2  }
0x12f: {  	[spmem:s1] =	stream.indirect.scatter.add.f32 [tilespmem:s0], [sflag:$0x4], $0x80, s25, s19, $0xb8;
	[tilespmem:$0x1F000] =	vst v63  }
0x130: {  	s30 =	sand.u32 $0x1, s31;
	s25 =	simm.s32 $0x1480;
	_ =	swait.ge [sflag:s18], $0x3E80  }
.LBB2_6:
0x131: {  	s0 =	sand.u32 $0x1, s28;
	s31 =	sshll.u32 s30, $0xE  }
0x132: {  	[sflag:s18] =	ssyncset.done $0x0;
	s28 =	smov.u32 s29;
	s30 =	sadd.s32 $0x1, s30  }
0x133: {  	p0 =	sne.s32 s29, $0x28;
	s31 =	sor.u32 $0x2800, s31;
	[sflag:s18] =	ssyncadd.s32 $0xFFFFC180  }
0x134: {  	[tilespmem:s31], [sflag:s30] =	stream.indirect.gather [hbm4b:s4+s19], $0x80, s26, s19, $0xb8;
	[tilespmem:$0x1F000] =	vst v63  }
0x135: {  	s31 =	sadd.s32 $0x1, s29;
	s30 =	sadd.s32 $0x1, s0;
	s0 =	sshll.u32 s0, $0xE  }
.Ltmp2:
0x136: {  	_ =	swait.ge [sflag:s30], $0x3E80;
	(pc) =	sbr.rel @p0 .LBB2_6-.Ltmp2, $4  }
0x137: {  	s29 =	sadd.s32 $0xFFFFFFFF, s28;
	s0 =	sor.u32 $0x2800, s0;
	[sflag:s30] =	ssyncset.done $0x0  }
0x138: {  	s26 =	sadd.s32 $0x80, s26;
	[sflag:s30] =	ssyncadd.s32 $0xFFFFC180;
	s30 =	sand.u32 $0x1, s29  }
0x139: {  	[spmem:s1] =	stream.indirect.scatter.add.f32 [tilespmem:s0], [sflag:$0x4], $0x80, s25, s19, $0xb8;
	[tilespmem:$0x1F000] =	vst v63  }
0x13a: {  	s29 =	smov.u32 s31;
	s25 =	sadd.s32 $0x80, s25;
	_ =	swait.ge [sflag:s18], $0x3E80  }
0x13b: {  	s0 =	sand.u32 $0x1, s28;
	s31 =	sshll.u32 s30, $0xE;
	[sflag:s18] =	ssyncset.done $0x0  }
0x13c: {  	s29 =	sadd.s32 $0x1, s30;
	s28 =	sor.u32 $0x2800, s31;
	[sflag:s18] =	ssyncadd.s32 $0xFFFFC180  }
0x13d: {  	[tilespmem:s28], [sflag:s29] =	stream.indirect.gather [hbm4b:s4+s19], $0x80, s26, s19, $0xb8;
	[tilespmem:$0x1F000] =	vst v63  }
0x13e: {  	s29 =	sadd.s32 $0x1, s0  }
0x13f: {  	_ =	swait.ge [sflag:s29], $0x3E80  }
0x140: {  	s0 =	sshll.u32 s0, $0xE;
	[sflag:s29] =	ssyncset.done $0x0  }
0x141: {  	s0 =	sor.u32 $0x2800, s0;
	[sflag:s29] =	ssyncadd.s32 $0xFFFFC180  }
0x142: {  	[spmem:s1] =	stream.indirect.scatter.add.f32 [tilespmem:s0], [sflag:$0x4], $0x80, s25, s19, $0xb8;
	[tilespmem:$0x1F000] =	vst v63  }
0x143: {  	_ =	swait.ge [sflag:s18], $0x3E80  }
0x144: {  	[sflag:s18] =	ssyncset.done $0x0  }
0x145: {  	[sflag:s18] =	ssyncadd.s32 $0xFFFFC180  }
0x146: {  	_ =	swait.ge [sflag:s23], $0x3E80  }
0x147: {  	[sflag:s23] =	ssyncset.done $0x0  }
0x148: {  	[sflag:s23] =	ssyncadd.s32 $0xFFFFC180  }
0x149: {  	[spmem:s1] =	stream.indirect.scatter.add.f32 [tilespmem:s22], [sflag:$0x4], $0x80, s21, s19, $0xb8;
	[tilespmem:$0x1F000] =	vst v63  }
0x14a: {  	_ =	swait.ge [sflag:s18], $0x3E80  }
0x14b: {  	s30 =	sshll.u32 s2, $0x6;
	s24 =	sadd.s32 $0x1, s24;
	[sflag:s18] =	ssyncset.done $0x0  }
0x14c: {  	s31 =	sshrl.u32 s5, $0x3;
	p0 =	sne.s32 s24, s12;
	[sflag:s18] =	ssyncadd.s32 $0xFFFFC180  }
.Ltmp3:
0x14d: {  	s0 =	sor.u32 $0x1C04, s30;
	[bflag:$0x0] =	sbarrier.arrive $0xFFFF;
	(pc) =	sbr.rel @p0 .LBB2_1-.Ltmp3, $4  }
0x14e: {  	[hbm:s11], [sflag:s0] =	dma.local [spmem:s31], $0x2780  }
0x14f: {  	_ =	swait.ge [sflag:s18], $0x2780  }
0x150: {  	[sflag:s18] =	ssyncset.done $0x0  }
0x151: {  	[sflag:s18] =	ssyncadd.s32 $0xFFFFD880  }
0x152: {  	_ =	sfence.sel $0x180000  }
0x153: {  	[bflag:$0x0] =	sbarrier.arrive $0xFFFF  }
0x154: {  	_ =	strace $0x9000004D  }
0x155: {  	[bflag:$0x2] =	sbarrier.arrive $0xFFFF  }
0x156: {  	p0 =	sne.s32 s2, $0x0;
	s0 =	rddreg [dreg:$0x2]  }
0x157: {  	s0 =	sadd.s32 @!p0 $0x100000, s0  }
0x158: {  	[sflag:s0] =	ssyncadd.tile.s32 @!p0 $0x1;
	_ =	shalt  }
.Lfunc_end2:
_tile_overlayer_lowered:
.L_overlay_start_2:
0x159: {  	(tag) =	ssettag $0x2  }
0x15a: {  	s0 =	rddreg [dreg:$0x0];
	s2 =	stileid.u32  }
0x15b: {  	s1 =	rddreg [dreg:$0x1];
	p0 =	sne.s32 s2, $0x0  }
0x15c: {  	s3 =	rddreg [dreg:$0x2];
	[bflag:$0x3] =	sbarrier.arrive $0xFFFF;
	s2 =	simm.s32 @!p0 $0x1C04  }
0x15d: {  	[timem:s3], [sflag:s2] =	dma.local @!p0 [hbm:s0], s1  }
0x15e: {  	s0 =	simm.s32 @!p0 $0x4  }
0x15f: {  	_ =	swait.ge @!p0 [sflag:s0], s1  }
0x160: {  	s1 =	ssub.s32 @!p0 $0x0, s1;
	[sflag:s0] =	ssyncset.done @!p0 $0x0  }
0x161: {  	[sflag:s0] =	ssyncadd.s32 @!p0 s1  }
0x162: {  	[bflag:$0x3] =	sbarrier.arrive $0xFFFF  }
0x163: {  	_ =	shalt  }

// kernel: kernel.8.cloned.1.call-start
scs
__scs_entry_jumppad:
0x0: {  	(pc) =	sbr.rel $0x88, $3  }
0x1: {  	(tag) =	ssettag $0x0;
	lr =	simm.s32 $0x1  }
0x2: {  	[smem:$0x3F99] =	sst lr;
	_ =	strace $0xD0000000  }
0x3: {  	_ = 	snop  }
0x4: {  	_ = 	snop  }
0x5: {  	_ = 	snop  }
0x6: {  	_ = 	snop  }
0x7: {  	_ = 	snop  }
__scs_overlays_trampoline_lowered:
0x8: {  	[smem:$0x3FA8] =	sst s0  }
0x9: {  	[smem:$0x3FA9] =	sst s1  }
0xa: {  	[smem:$0x3FAA] =	sst s2  }
0xb: {  	[smem:$0x3FAB] =	sst s3  }
0xc: {  	[smem:$0x3FAC] =	sst s4  }
0xd: {  	[smem:$0x3FAD] =	sst s5  }
0xe: {  	[smem:$0x3FAE] =	sst s6  }
0xf: {  	[smem:$0x3FAF] =	sst s7  }
0x10: {  	[smem:$0x3FB0] =	sst s8  }
0x11: {  	[smem:$0x3FB1] =	sst s9;
	s0 =	simm.s32 @!p0 $0x0  }
0x12: {  	s1 =	sld [smem:$0x3F97];
	s0 =	simm.s32 @p0 $0x1  }
0x13: {  	[smem:$0x3FB2] =	sst s0;
	s0 =	simm.s32 @!p1 $0x0  }
0x14: {  	s2 =	sld [smem:$0x3F96];
	s0 =	simm.s32 @p1 $0x1  }
0x15: {  	[smem:$0x3FB3] =	sst s0;
	s0 =	simm.s32 @!p2 $0x0  }
0x16: {  	s3 =	sld [smem:$0x3FDB];
	s0 =	simm.s32 @p2 $0x1  }
0x17: {  	s4 =	simm.s32 $0x1BF5;
	[smem:$0x3FB5] =	sst s0  }
0x18: {  	s0 =	sld [smem:$0x3F98];
	_ =	swait.ge [sflag:s4], $0x0  }
0x19: {  	s7 =	sld [smem:$0x3F99]  }
0x1a: {  	s8 =	sadd.s32 $0xFFFFE003, lr  }
0x1b: {  	s9 =	sadd.s32 $0xFFFFFEF7, lr;
	s5 =	simm.s32 $0xFFFFFFFF;
	p2 =	slt.u32 s8, $0xFFFFF086  }
0x1c: {  	p1 =	slt.u32 s9, $0xF7A;
	s5 =	simm.s32 @!p2 $0x0  }
0x1d: {  	s5 =	simm.s32 @p1 $0x1;
	p0 =	seq.s32 s7, s2  }
0x1e: {  	s7 =	smul.u32 @!p0 $0xF7A, s2;
	p2 =	seq.s32 @!p0 s5, $0x0  }
0x1f: {  	s9 =	smul.u32 $0xF7A, s1;
	s8 =	simm.s32 @!p0 $0x1BF5;
	p2 =	por !p2, p0  }
0x20: {  	[sflag:s8] =	ssyncset.s32 @!p0 $0xFFFFF086;
	s6 =	sadd.s32 @!p0 s3, s7;
	s7 =	simm.s32 @!p0 $0x108  }
0x21: {  	s3 =	sadd.s32 s3, s9;
	s6 =	sadd.s32 @!p0 $0x88, s6;
	s7 =	simm.s32 @p2 $0x1082  }
0x22: {  	[simem:s7], [sflag:s8] =	dma.local @!p0 [hbm:s6], $0xF7A  }
0x23: {  	s9 =	sor.u32 $0xD0000000, s2;
	s6 =	simm.s32 $0x108;
	_ =	swait.ge @!p0 [sflag:s8], $0x0  }
0x24: {  	s3 =	sadd.s32 $0x88, s3;
	s6 =	simm.s32 @!p1 $0x1082;
	[sflag:s4] =	ssyncset.s32 $0xFFFFF086  }
0x25: {  	[simem:s6], [sflag:s4] =	dma.local [hbm:s3], $0xF7A  }
0x26: {  	[smem:$0x3F99] =	sst s1;
	(tag) =	ssettag s2;
	_ =	strace s9  }
0x27: {  	s1 =	sld [smem:$0x3FA9]  }
0x28: {  	s2 =	sld [smem:$0x3FAA]  }
0x29: {  	s4 =	sld [smem:$0x3FAC]  }
0x2a: {  	p0 =	seq.s32 s5, $0x0;
	s5 =	sld [smem:$0x3FAD]  }
0x2b: {  	s6 =	sld [smem:$0x3FAE]  }
0x2c: {  	s7 =	sld [smem:$0x3FAF]  }
0x2d: {  	s3 =	simm.s32 $0x108;
	s8 =	sld [smem:$0x3FB0]  }
0x2e: {  	s3 =	simm.s32 @!p0 $0x1082;
	s9 =	sld [smem:$0x3FB1]  }
0x2f: {  	lr =	sadd.s32 s0, s3;
	s0 =	sld [smem:$0x3FA8]  }
0x30: {  	s3 =	sld [smem:$0x3FAB]  }
0x31: {  	[smem:$0x3FB4] =	sst s10  }
0x32: {  	s10 =	sld [smem:$0x3FB2];
	_ =	sdelay $0x3  }
0x33: {  	p0 =	seq.s32 s10, $0x1;
	s10 =	sld [smem:$0x3FB4];
	_ =	sdelay $0x3  }
0x34: {  	[smem:$0x3FB4] =	sst s10  }
0x35: {  	s10 =	sld [smem:$0x3FB3];
	_ =	sdelay $0x3  }
0x36: {  	p1 =	seq.s32 s10, $0x1;
	s10 =	sld [smem:$0x3FB4];
	_ =	sdelay $0x3  }
0x37: {  	[smem:$0x3FB4] =	sst s10  }
0x38: {  	s10 =	sld [smem:$0x3FB5]  }
0x39: {  	_ = 	snop;
	(pc) =	sbr.ind lr, $3  }
0x3a: {  	_ = 	snop  }
0x3b: {  	_ = 	snop  }
0x3c: {  	p2 =	seq.s32 s10, $0x1;
	s10 =	sld [smem:$0x3FB4]  }
0x3d: {  	_ =	shalt  }
0x3e: {  	_ =	shalt  }
0x3f: {  	_ =	shalt  }
0x40: {  	_ =	shalt  }
0x41: {  	_ =	shalt  }
0x42: {  	_ =	shalt  }
0x43: {  	_ =	shalt  }
0x44: {  	_ =	shalt  }
0x45: {  	_ =	shalt  }
0x46: {  	_ =	shalt  }
0x47: {  	_ =	shalt  }
0x48: {  	_ =	shalt  }
0x49: {  	_ =	shalt  }
0x4a: {  	_ =	shalt  }
0x4b: {  	_ =	shalt  }
0x4c: {  	_ =	shalt  }
0x4d: {  	_ =	shalt  }
0x4e: {  	_ =	shalt  }
0x4f: {  	_ =	shalt  }
0x50: {  	_ =	shalt  }
0x51: {  	_ =	shalt  }
0x52: {  	_ =	shalt  }
0x53: {  	_ =	shalt  }
0x54: {  	_ =	shalt  }
0x55: {  	_ =	shalt  }
0x56: {  	_ =	shalt  }
0x57: {  	_ =	shalt  }
0x58: {  	_ =	shalt  }
0x59: {  	_ =	shalt  }
0x5a: {  	_ =	shalt  }
0x5b: {  	_ =	shalt  }
0x5c: {  	_ =	shalt  }
0x5d: {  	_ =	shalt  }
0x5e: {  	_ =	shalt  }
0x5f: {  	_ =	shalt  }
0x60: {  	_ =	shalt  }
0x61: {  	_ =	shalt  }
0x62: {  	_ =	shalt  }
0x63: {  	_ =	shalt  }
0x64: {  	_ =	shalt  }
0x65: {  	_ =	shalt  }
0x66: {  	_ =	shalt  }
0x67: {  	_ =	shalt  }
0x68: {  	_ =	shalt  }
0x69: {  	_ =	shalt  }
0x6a: {  	_ =	shalt  }
0x6b: {  	_ =	shalt  }
0x6c: {  	_ =	shalt  }
0x6d: {  	_ =	shalt  }
0x6e: {  	_ =	shalt  }
0x6f: {  	_ =	shalt  }
0x70: {  	_ =	shalt  }
0x71: {  	_ =	shalt  }
0x72: {  	_ =	shalt  }
0x73: {  	_ =	shalt  }
0x74: {  	_ =	shalt  }
0x75: {  	_ =	shalt  }
0x76: {  	_ =	shalt  }
0x77: {  	_ =	shalt  }
0x78: {  	_ =	shalt  }
0x79: {  	_ =	shalt  }
0x7a: {  	_ =	shalt  }
0x7b: {  	_ =	shalt  }
0x7c: {  	_ =	shalt  }
0x7d: {  	_ =	shalt  }
0x7e: {  	_ =	shalt  }
0x7f: {  	_ =	shalt  }
0x80: {  	_ =	shalt  }
0x81: {  	_ =	shalt  }
0x82: {  	_ =	shalt  }
0x83: {  	_ =	shalt  }
0x84: {  	_ =	shalt  }
0x85: {  	_ =	shalt  }
0x86: {  	_ =	shalt  }
0x87: {  	_ =	shalt  }
.Lfunc_end0:
.L_simem_size_0:
called_computation_lowered:
.L_overlay_start_0:
0x88: {  	s2 =	sld [smem:$0x3FD9]  }
0x89: {  	s3 =	sld [smem:$0x3FFE];
	_ =	sdelay $0x1  }
0x8a: {  	s1 =	srdreg.scid  }
0x8b: {  	s0 =	sand.u32 $0x1, s1  }
0x8c: {  	s16 =	sshll.u32 s0, $0xA;
	s2 =	sadd.s32 s3, s2  }
0x8d: {  	s2 =	sadd.s32 s2, s16  }
0x8e: {  	[smem:$0x3FC0] =	sst s2  }
0x8f: {  	_ = 	snop  }
0x90: {  	(tm) =	ssettm $0x1  }
0x91: {  	s17 =	sld [smem:$0x3FFB];
	_ =	sdelay $0x3  }
0x92: {  	_ =	strace s17  }
0x93: {  	s2 =	sld [smem:$0x3FFC];
	_ =	sdelay $0x3  }
0x94: {  	_ =	strace s2  }
0x95: {  	s2 =	sld [smem:$0x3FFD];
	_ =	sdelay $0x3  }
0x96: {  	_ =	strace s2  }
0x97: {  	_ =	strace $0x8FFFFFFF  }
0x98: {  	s18 =	sld [smem:$0x3FDB];
	_ =	sdelay $0x1  }
0x99: {  	s19 =	simm.s32 $_scs_section_size  }
0x9a: {  	s4 =	simm.s32 $_size__tile_overlayer_lowered;
	s5 =	simm.s32 $_tile_overlayer_lowered  }
0x9b: {  	s22 =	simm.s32 $0x1BFF;
	s21 =	sshll.u32 s5, $0x1;
	s2 =	sadd.s32 s19, s18  }
0x9c: {  	s6 =	simm.s32 $0x0;
	s20 =	sshll.u32 s4, $0x1;
	s4 =	sadd.s32 s21, s2  }
0x9d: {  	[timem:s6], [sflag:s22] =	dma.local [hbm:s4], s20  }
0x9e: {  	_ =	swait.ge [sflag:s22], s20  }
0x9f: {  	s3 =	ssub.s32 $0x0, s20;
	[sflag:s22] =	ssyncset.done $0x0  }
0xa0: {  	[sflag:s22] =	ssyncadd.s32 s3;
	_ =	sdelay $0x1  }
0xa1: {  	s23 =	simm.s32 $0x1B8B  }
0xa2: {  	_ =	swait.ge [sflag:s23], $0x1  }
0xa3: {  	[sflag:s23] =	ssyncset.done $0x0  }
0xa4: {  	s25 =	simm.s32 $0x1B8E;
	s24 =	sld [smem:$0x3FFE];
	[sflag:s23] =	ssyncadd.s32 $0xFFFFFFFF  }
0xa5: {  	s26 =	simm.s32 $execute0_lowered;
	[smem:$0x3FD2] =	sst s25  }
0xa6: {  	s4 =	sshll.u32 s26, $0x1;
	_ =	strace $0x80000046;
	[dreg:$0x1] =	wrdreg $0xFFFFFFFF  }
0xa7: {  	s28 =	simm.s32 $_size_execute0_lowered;
	s2 =	sadd.s32 s2, s4;
	[dreg:$0x0] =	wrdreg $0x0  }
0xa8: {  	s4 =	sshll.u32 s28, $0x1;
	[dreg:$0x2] =	wrdreg s2  }
0xa9: {  	[dreg:$0x3] =	wrdreg s4  }
0xaa: {  	[dreg:$0x4] =	wrdreg $0xC0  }
0xab: {  	_ =	task [dreg:s6], $0x5FFFF  }
0xac: {  	[dreg:$0x1] =	wrdreg $0xFFFFFFFF  }
0xad: {  	[dreg:$0x0] =	wrdreg $0x60  }
0xae: {  	[dreg:$0x2] =	wrdreg s24  }
0xaf: {  	[dreg:$0x3] =	wrdreg $0x7A000  }
0xb0: {  	[dreg:$0x4] =	wrdreg $0x9  }
0xb1: {  	_ =	task.clear_ibuf [dreg:s6], $0x5FFFF;
	_ =	strace $0x90000046  }
0xb2: {  	s29 =	simm.s32 $0x9;
	_ =	strace $0x80000048  }
0xb3: {  	_ =	swait.ge [sflag:s29], $0x1  }
0xb4: {  	[sflag:s29] =	ssyncadd.s32 $0xFFFFFFFF  }
0xb5: {  	_ =	strace $0x90000048  }
0xb6: {  	_ =	sfence  }
0xb7: {  	s30 =	sld [smem:$0x0];
	_ =	sdelay $0x2  }
0xb8: {  	s31 =	sshll.u32 s1, $0xD;
	s1 =	sshrl.u32 s1, $0x2  }
0xb9: {  	s3 =	sand.u32 $0x4000, s31;
	s1 =	sadd.s32 s1, s30  }
0xba: {  	s0 =	sor.u32 s3, s0;
	s1 =	sshll.u32 s1, $0x11  }
0xbb: {  	s0 =	sor.u32 s1, s0  }
0xbc: {  	s0 =	sadd.s32 $0x8F2B, s0  }
0xbd: {  	[sflag:s0] =	ssyncadd.remote.s32 $0x1  }
0xbe: {  	_ =	sfence.sel $0xFFFF  }
0xbf: {  	[dreg:$0x0] =	wrdreg $0xFFFFFFFF;
	(pc) =	sbr.abs _section_cstart, $3  }
0xc0: {  	[dreg:$0x1] =	wrdreg $0xFFFFFFFF  }
0xc1: {  	_ =	task.clear_ibuf [dreg:s6], $0x2FFFF;
	_ =	strace $0x9FFFFFFF  }
0xc2: {  	(tm) =	ssettm $0x7FFFFFFF  }
0xc3: {  	_ =	shalt  }
tec
execute0_lowered:
.L_overlay_start_1:
0x0: {  	(tag) =	ssettag $0x1  }
0x1: {  	s0 =	srdreg.scid;
	s1 =	rddreg [dreg:$0x0]  }
0x2: {  	s8 =	stileid.u32;
	s3 =	rddreg [dreg:$0x1]  }
0x3: {  	s5 =	simm.s32 $0x0;
	s0 =	sand.u32 $0x1, s0;
	s4 =	sshll.u32 s8, $0x7  }
0x4: {  	[smem:$0x7FF] =	sst s5;
	s9 =	smul.u32 $0x500, s8;
	s7 =	sshrl.u32 s8, $0x3  }
0x5: {  	s11 =	smul.u32 $0x5000, s8;
	s2 =	sshll.u32 s0, $0x4;
	s4 =	sand.u32 $0x380, s4  }
0x6: {  	_ =	strace $0x80000047;
	s6 =	sshll.u32 s0, $0x7;
	s2 =	sor.u32 s8, s2  }
0x7: {  	s10 =	smul.u32 $0x50000, s7;
	s0 =	ssub.s32 $0x2, s0;
	s2 =	sshrl.u32 s2, $0x3  }
0x8: {  	s5 =	sor.u32 s6, s9;
	s12 =	sshrl.u32 s0, $0x1;
	s2 =	smul.u32 $0x13C00, s2  }
0x9: {  	s14 =	sshrl.u32 s11, $0x2;
	s6 =	sshrl.u32 s10, $0x2;
	s0 =	ssub.s32 s0, s12  }
0xa: {  	s13 =	sadd.s32 s6, s3;
	s0 =	smax.u32 s0, $0x1;
	s2 =	sor.u32 s4, s2  }
0xb: {  	s15 =	sadd.s32 s4, s13;
	[dreg:$0x15] =	wrdreg s0;
	s2 =	sshrl.u32 s2, $0x3  }
0xc: {  	s5 =	sshrl.u32 s5, $0x3;
	[dreg:$0x4] =	wrdreg s15;
	s2 =	sadd.s32 s2, s1  }
0xd: {  	s1 =	sadd.s32 s5, s1;
	s5 =	sadd.s32 s14, s3;
	s2 =	sadd.s32 $0x2000, s2  }
0xe: {  	s16 =	sadd.s32 $0x80, s5;
	[dreg:$0x3] =	wrdreg s2  }
0xf: {  	s17 =	sadd.s32 $0x100, s5;
	[dreg:$0x5] =	wrdreg s16  }
0x10: {  	s18 =	sadd.s32 $0x180, s5;
	[dreg:$0x6] =	wrdreg s17  }
0x11: {  	s19 =	sadd.s32 $0x200, s5;
	[dreg:$0x7] =	wrdreg s18  }
0x12: {  	s20 =	sadd.s32 $0x280, s5;
	[dreg:$0x8] =	wrdreg s19  }
0x13: {  	s21 =	sadd.s32 $0x300, s5;
	[dreg:$0x9] =	wrdreg s20  }
0x14: {  	s22 =	sadd.s32 $0x380, s5;
	[dreg:$0xa] =	wrdreg s21  }
0x15: {  	s23 =	sadd.s32 $0x14000, s5;
	[dreg:$0xb] =	wrdreg s22  }
0x16: {  	s24 =	sadd.s32 $0x14080, s5;
	[dreg:$0xc] =	wrdreg s23  }
0x17: {  	s25 =	sadd.s32 $0x14100, s5;
	[dreg:$0xd] =	wrdreg s24  }
0x18: {  	s26 =	sadd.s32 $0x14180, s5;
	[dreg:$0xe] =	wrdreg s25  }
0x19: {  	s3 =	sadd.s32 $0x14200, s5;
	[dreg:$0xf] =	wrdreg s26  }
0x1a: {  	s4 =	sadd.s32 $0x14280, s5;
	[dreg:$0x10] =	wrdreg s3  }
0x1b: {  	s6 =	sadd.s32 $0x14300, s5;
	[dreg:$0x11] =	wrdreg s4  }
0x1c: {  	s7 =	sadd.s32 $0x14380, s5;
	[dreg:$0x12] =	wrdreg s6  }
0x1d: {  	s1 =	sadd.s32 $0xBE00, s1;
	[dreg:$0x13] =	wrdreg s7  }
0x1e: {  	s8 =	sadd.s32 $0x400, s5;
	[dreg:$0x14] =	wrdreg s1  }
0x1f: {  	s9 =	sadd.s32 $0x800, s5;
	[dreg:$0x16] =	wrdreg s8  }
0x20: {  	s10 =	sadd.s32 $0xC00, s5;
	[dreg:$0x17] =	wrdreg s9  }
0x21: {  	s11 =	sadd.s32 $0x1000, s5;
	[dreg:$0x18] =	wrdreg s10  }
0x22: {  	s12 =	sadd.s32 $0x480, s5;
	[dreg:$0x19] =	wrdreg s11  }
0x23: {  	s13 =	sadd.s32 $0x880, s5;
	[dreg:$0x1a] =	wrdreg s12  }
0x24: {  	s14 =	sadd.s32 $0xC80, s5;
	[dreg:$0x1b] =	wrdreg s13  }
0x25: {  	s15 =	sadd.s32 $0x1080, s5;
	[dreg:$0x1c] =	wrdreg s14  }
0x26: {  	[dreg:$0x1d] =	wrdreg s15;
	s16 =	sadd.s32 $0x500, s5  }
0x27: {  	s17 =	sadd.s32 $0x900, s5;
	[dreg:$0x1e] =	wrdreg s16  }
0x28: {  	s18 =	sadd.s32 $0xD00, s5;
	[dreg:$0x1f] =	wrdreg s17  }
0x29: {  	s19 =	sadd.s32 $0x1100, s5;
	[smem:$0x7DC] =	sst s18  }
0x2a: {  	s20 =	sadd.s32 $0x580, s5;
	[smem:$0x7DD] =	sst s19  }
0x2b: {  	s21 =	sadd.s32 $0x980, s5;
	[smem:$0x7DE] =	sst s20  }
0x2c: {  	s22 =	sadd.s32 $0xD80, s5;
	[smem:$0x7DF] =	sst s21  }
0x2d: {  	s23 =	sadd.s32 $0x1180, s5;
	[smem:$0x7E0] =	sst s22  }
0x2e: {  	s24 =	sadd.s32 $0x600, s5;
	[smem:$0x7E1] =	sst s23  }
0x2f: {  	s25 =	sadd.s32 $0xA00, s5;
	[smem:$0x7E2] =	sst s24  }
0x30: {  	s26 =	sadd.s32 $0xE00, s5;
	[smem:$0x7E3] =	sst s25  }
0x31: {  	s1 =	sadd.s32 $0x1200, s5;
	[smem:$0x7E4] =	sst s26  }
0x32: {  	s2 =	sadd.s32 $0x680, s5;
	[smem:$0x7E5] =	sst s1  }
0x33: {  	s3 =	sadd.s32 $0xA80, s5;
	[smem:$0x7E6] =	sst s2  }
0x34: {  	s4 =	sadd.s32 $0xE80, s5;
	[smem:$0x7E7] =	sst s3  }
0x35: {  	s6 =	sadd.s32 $0x1280, s5;
	[smem:$0x7E8] =	sst s4  }
0x36: {  	s7 =	sadd.s32 $0x700, s5;
	[smem:$0x7E9] =	sst s6  }
0x37: {  	s8 =	sadd.s32 $0xB00, s5;
	[smem:$0x7EA] =	sst s7  }
0x38: {  	s9 =	sadd.s32 $0xF00, s5;
	[smem:$0x7EB] =	sst s8  }
0x39: {  	s10 =	sadd.s32 $0x1300, s5;
	[smem:$0x7EC] =	sst s9  }
0x3a: {  	s11 =	sadd.s32 $0x780, s5;
	[smem:$0x7ED] =	sst s10  }
0x3b: {  	s12 =	sadd.s32 $0xB80, s5;
	[smem:$0x7EE] =	sst s11  }
0x3c: {  	s28 =	simm.s32 $0x80;
	s13 =	sadd.s32 $0xF80, s5;
	[smem:$0x7EF] =	sst s12  }
0x3d: {  	s29 =	simm.s32 $0x400;
	s14 =	sadd.s32 $0x1380, s5;
	[smem:$0x7F0] =	sst s13  }
0x3e: {  	s30 =	simm.s32 $0x1;
	s15 =	sadd.s32 $0x14400, s5;
	[smem:$0x7F1] =	sst s14  }
0x3f: {  	s31 =	simm.s32 $0x2780;
	[smem:$0x7F2] =	sst s15;
	s16 =	sadd.s32 $0x14800, s5  }
0x40: {  	s17 =	sadd.s32 $0x14C00, s5;
	s18 =	sadd.s32 $0x15000, s5;
	[smem:$0x7F3] =	sst s16  }
0x41: {  	s19 =	sadd.s32 $0x14480, s5;
	s20 =	sadd.s32 $0x14880, s5;
	[smem:$0x7F4] =	sst s17  }
0x42: {  	s21 =	sadd.s32 $0x14C80, s5;
	s22 =	sadd.s32 $0x15080, s5;
	[smem:$0x7F5] =	sst s18  }
0x43: {  	s23 =	sadd.s32 $0x14500, s5;
	s24 =	sadd.s32 $0x14900, s5;
	[smem:$0x7F6] =	sst s19  }
0x44: {  	s25 =	sadd.s32 $0x14D00, s5;
	s26 =	sadd.s32 $0x15100, s5;
	[smem:$0x7F7] =	sst s20  }
0x45: {  	s7 =	sadd.s32 $0x14580, s5;
	s8 =	sadd.s32 $0x14980, s5;
	[smem:$0x7F8] =	sst s21  }
0x46: {  	s9 =	sadd.s32 $0x14D80, s5;
	s10 =	sadd.s32 $0x15180, s5;
	[smem:$0x7F9] =	sst s22  }
0x47: {  	s11 =	sadd.s32 $0x14600, s5;
	s12 =	sadd.s32 $0x14A00, s5;
	[smem:$0x7FA] =	sst s23  }
0x48: {  	s13 =	sadd.s32 $0x14E00, s5;
	s14 =	sadd.s32 $0x15200, s5;
	[smem:$0x7FB] =	sst s24  }
0x49: {  	s15 =	sadd.s32 $0x14680, s5;
	s1 =	simm.s32 $0x0;
	[smem:$0x7FC] =	sst s25  }
0x4a: {  	[smem:$0x7FD] =	sst s26;
	s16 =	sadd.s32 $0x14A80, s5;
	s17 =	sadd.s32 $0x14E80, s5  }
0x4b: {  	s18 =	sadd.s32 $0x15280, s5;
	s19 =	sadd.s32 $0x14700, s5;
	s20 =	sadd.s32 $0x14B00, s5  }
0x4c: {  	s21 =	sadd.s32 $0x14F00, s5;
	s22 =	sadd.s32 $0x15300, s5;
	s23 =	sadd.s32 $0x14780, s5  }
0x4d: {  	v0 =	vimm.f32 $0.0e+00;
	v1 =	vimm.f32 $1.000000000e+00;
	s24 =	sadd.s32 $0x14B80, s5;
	s25 =	sadd.s32 $0x14F80, s5;
	s26 =	sadd.s32 $0x15380, s5  }
.LBB2_1:
0x4e: {  	s0 =	simm.s32 $0x0;
	s2 =	rddreg [dreg:$0x3]  }
0x4f: {  	[tilespmem:s0], [sflag:$0x1] =	stream.strided.gather [hbm4b:s2+s28], $0x2780, s29, s28, $0x38;
	[tilespmem:$0xA200] =	vst v63  }
0x50: {  	_ =	swait.ge [sflag:s30], $0x2780  }
0x51: {  	[sflag:s30] =	ssyncset.done $0x0  }
0x52: {  	s0 =	simm.s32 $0x0;
	s2 =	simm.s32 $0x200;
	[sflag:s30] =	ssyncadd.s32 $0xFFFFD880  }
.LBB2_2:
0x53: {  	p0 =	sne.s32 s2, $0x9E00;
	[tilespmem:s0+$0x27F0] =	vst v0  }
0x54: {  	[tilespmem:s0+$0x2780] =	vst v0  }
0x55: {  	[tilespmem:s0+$0x2790] =	vst v0  }
.Ltmp0:
0x56: {  	[tilespmem:s0+$0x27A0] =	vst v0;
	(pc) =	sbr.rel @p0 .LBB2_2-.Ltmp0, $4  }
0x57: {  	[tilespmem:s0+$0x27B0] =	vst v0  }
0x58: {  	[tilespmem:s0+$0x27C0] =	vst v0  }
0x59: {  	[tilespmem:s0+$0x27D0] =	vst v0  }
0x5a: {  	[tilespmem:s0+$0x27E0] =	vst v0;
	s0 =	sshra.s32 s2, $0x2;
	s2 =	sadd.s32 $0x200, s2  }
0x5b: {  	[tilespmem:s0+$0x27F0] =	vst v0  }
0x5c: {  	[tilespmem:s0+$0x2780] =	vst v0  }
0x5d: {  	[tilespmem:s0+$0x2790] =	vst v0  }
0x5e: {  	[tilespmem:s0+$0x27A0] =	vst v0  }
0x5f: {  	[tilespmem:s0+$0x27B0] =	vst v0  }
0x60: {  	[tilespmem:s0+$0x27C0] =	vst v0  }
0x61: {  	[tilespmem:s0+$0x27D0] =	vst v0  }
0x62: {  	[tilespmem:s0+$0x27E0] =	vst v0;
	s2 =	simm.s32 $0x0;
	s0 =	simm.s32 $0x40  }
.LBB2_4:
0x63: {  	p0 =	sne.s32 s0, $0x9C00;
	v2 =	vld [tilespmem:s2+$0x0];
	_ =	sdelay $0x3  }
.Ltmp1:
0x64: {  	(pc) =	sbr.rel @p0 .LBB2_4-.Ltmp1, $2  }
0x65: {  	_ =	sdelay $0x2  }
0x66: {  	s2 =	sshra.s32 s0, $0x2;
	s0 =	sadd.s32 $0x40, s0;
	[tilespmem:v2+s31+$0x0] =	vst.idx.add.f32.msk $0xffff, v1  }
0x67: {  	v2 =	vld [tilespmem:s2+$0x0];
	_ =	sdelay $0x7  }
0x68: {  	s0 =	rddreg [dreg:$0x4];
	[tilespmem:v2+s31+$0x0] =	vst.idx.add.f32.msk $0xffff, v1  }
0x69: {  	[spmem:s0] =	stream.strided.scatter [tilespmem:s31], [sflag:$0x1], $0x2800, s29, s28, $0x38;
	[tilespmem:$0xA200] =	vst v63  }
0x6a: {  	_ =	swait.ge [sflag:s30], $0x2800  }
0x6b: {  	[sflag:s30] =	ssyncset.done $0x0  }
0x6c: {  	[sflag:s30] =	ssyncadd.s32 $0xFFFFD800  }
0x6d: {  	s3 =	simm.s32 $0x4F80;
	[bflag:$0x0] =	sbarrier.arrive $0xFFFF  }
0x6e: {  	[tilespmem:s3], [sflag:$0x1] =	stream.linear.gather [spmem:s5], $0x80, $0x38;
	[tilespmem:$0xA200] =	vst v63  }
0x6f: {  	s6 =	simm.s32 $0x5380;
	s4 =	rddreg [dreg:$0x16]  }
0x70: {  	[tilespmem:s6], [sflag:$0x1] =	stream.linear.gather [spmem:s4], $0x80, $0x38;
	[tilespmem:$0xA200] =	vst v63  }
0x71: {  	s2 =	rddreg [dreg:$0x17];
	s3 =	simm.s32 $0x5780  }
0x72: {  	[tilespmem:s3], [sflag:$0x1] =	stream.linear.gather [spmem:s2], $0x80, $0x38;
	[tilespmem:$0xA200] =	vst v63  }
0x73: {  	s4 =	rddreg [dreg:$0x18];
	s6 =	simm.s32 $0x5B80  }
0x74: {  	[tilespmem:s6], [sflag:$0x1] =	stream.linear.gather [spmem:s4], $0x80, $0x38;
	[tilespmem:$0xA200] =	vst v63  }
0x75: {  	s2 =	rddreg [dreg:$0x19];
	s3 =	simm.s32 $0x5F80  }
0x76: {  	[tilespmem:s3], [sflag:$0x1] =	stream.linear.gather [spmem:s2], $0x80, $0x38;
	[tilespmem:$0xA200] =	vst v63  }
0x77: {  	_ =	swait.ge [sflag:s30], $0x280  }
0x78: {  	[sflag:s30] =	ssyncset.done $0x0  }
0x79: {  	s6 =	simm.s32 $0x5000;
	s4 =	rddreg [dreg:$0x5];
	[sflag:s30] =	ssyncadd.s32 $0xFFFFFD80  }
0x7a: {  	[tilespmem:s6], [sflag:$0x1] =	stream.linear.gather [spmem:s4], $0x80, $0x38;
	[tilespmem:$0xA200] =	vst v63  }
0x7b: {  	s3 =	simm.s32 $0x5400;
	s2 =	rddreg [dreg:$0x1a]  }
0x7c: {  	[tilespmem:s3], [sflag:$0x1] =	stream.linear.gather [spmem:s2], $0x80, $0x38;
	[tilespmem:$0xA200] =	vst v63  }
0x7d: {  	s4 =	rddreg [dreg:$0x1b];
	s6 =	simm.s32 $0x5800  }
0x7e: {  	[tilespmem:s6], [sflag:$0x1] =	stream.linear.gather [spmem:s4], $0x80, $0x38;
	[tilespmem:$0xA200] =	vst v63  }
0x7f: {  	s2 =	rddreg [dreg:$0x1c];
	s3 =	simm.s32 $0x5C00  }
0x80: {  	[tilespmem:s3], [sflag:$0x1] =	stream.linear.gather [spmem:s2], $0x80, $0x38;
	[tilespmem:$0xA200] =	vst v63  }
0x81: {  	s4 =	rddreg [dreg:$0x1d];
	s6 =	simm.s32 $0x6000  }
0x82: {  	[tilespmem:s6], [sflag:$0x1] =	stream.linear.gather [spmem:s4], $0x80, $0x38;
	[tilespmem:$0xA200] =	vst v63  }
0x83: {  	_ =	swait.ge [sflag:s30], $0x280  }
0x84: {  	[sflag:s30] =	ssyncset.done $0x0;
	s2 =	rddreg [dreg:$0x6]  }
0x85: {  	s3 =	simm.s32 $0x5080;
	s4 =	rddreg [dreg:$0x1e];
	[sflag:s30] =	ssyncadd.s32 $0xFFFFFD80  }
0x86: {  	[tilespmem:s3], [sflag:$0x1] =	stream.linear.gather [spmem:s2], $0x80, $0x38;
	[tilespmem:$0xA200] =	vst v63  }
0x87: {  	s6 =	simm.s32 $0x5480;
	s2 =	rddreg [dreg:$0x1f]  }
0x88: {  	[tilespmem:s6], [sflag:$0x1] =	stream.linear.gather [spmem:s4], $0x80, $0x38;
	[tilespmem:$0xA200] =	vst v63  }
0x89: {  	s3 =	simm.s32 $0x5880;
	s4 =	sld [smem:$0x7DC]  }
0x8a: {  	[tilespmem:s3], [sflag:$0x1] =	stream.linear.gather [spmem:s2], $0x80, $0x38;
	[tilespmem:$0xA200] =	vst v63  }
0x8b: {  	s6 =	simm.s32 $0x5C80;
	s2 =	sld [smem:$0x7DD]  }
0x8c: {  	[tilespmem:s6], [sflag:$0x1] =	stream.linear.gather [spmem:s4], $0x80, $0x38;
	[tilespmem:$0xA200] =	vst v63  }
0x8d: {  	s3 =	simm.s32 $0x6080  }
0x8e: {  	[tilespmem:s3], [sflag:$0x1] =	stream.linear.gather [spmem:s2], $0x80, $0x38;
	[tilespmem:$0xA200] =	vst v63  }
0x8f: {  	_ =	swait.ge [sflag:s30], $0x280  }
0x90: {  	[sflag:s30] =	ssyncset.done $0x0;
	s4 =	rddreg [dreg:$0x7]  }
0x91: {  	s6 =	simm.s32 $0x5100;
	s2 =	sld [smem:$0x7DE];
	[sflag:s30] =	ssyncadd.s32 $0xFFFFFD80  }
0x92: {  	[tilespmem:s6], [sflag:$0x1] =	stream.linear.gather [spmem:s4], $0x80, $0x38;
	[tilespmem:$0xA200] =	vst v63  }
0x93: {  	s3 =	simm.s32 $0x5500;
	s4 =	sld [smem:$0x7DF]  }
0x94: {  	[tilespmem:s3], [sflag:$0x1] =	stream.linear.gather [spmem:s2], $0x80, $0x38;
	[tilespmem:$0xA200] =	vst v63  }
0x95: {  	s6 =	simm.s32 $0x5900;
	s2 =	sld [smem:$0x7E0]  }
0x96: {  	[tilespmem:s6], [sflag:$0x1] =	stream.linear.gather [spmem:s4], $0x80, $0x38;
	[tilespmem:$0xA200] =	vst v63  }
0x97: {  	s3 =	simm.s32 $0x5D00;
	s4 =	sld [smem:$0x7E1]  }
0x98: {  	[tilespmem:s3], [sflag:$0x1] =	stream.linear.gather [spmem:s2], $0x80, $0x38;
	[tilespmem:$0xA200] =	vst v63  }
0x99: {  	s6 =	simm.s32 $0x6100  }
0x9a: {  	[tilespmem:s6], [sflag:$0x1] =	stream.linear.gather [spmem:s4], $0x80, $0x38;
	[tilespmem:$0xA200] =	vst v63  }
0x9b: {  	_ =	swait.ge [sflag:s30], $0x280  }
0x9c: {  	[sflag:s30] =	ssyncset.done $0x0;
	s2 =	rddreg [dreg:$0x8]  }
0x9d: {  	s3 =	simm.s32 $0x5180;
	s4 =	sld [smem:$0x7E2];
	[sflag:s30] =	ssyncadd.s32 $0xFFFFFD80  }
0x9e: {  	[tilespmem:s3], [sflag:$0x1] =	stream.linear.gather [spmem:s2], $0x80, $0x38;
	[tilespmem:$0xA200] =	vst v63  }
0x9f: {  	s6 =	simm.s32 $0x5580;
	s2 =	sld [smem:$0x7E3]  }
0xa0: {  	[tilespmem:s6], [sflag:$0x1] =	stream.linear.gather [spmem:s4], $0x80, $0x38;
	[tilespmem:$0xA200] =	vst v63  }
0xa1: {  	s3 =	simm.s32 $0x5980;
	s4 =	sld [smem:$0x7E4]  }
0xa2: {  	[tilespmem:s3], [sflag:$0x1] =	stream.linear.gather [spmem:s2], $0x80, $0x38;
	[tilespmem:$0xA200] =	vst v63  }
0xa3: {  	s6 =	simm.s32 $0x5D80;
	s2 =	sld [smem:$0x7E5]  }
0xa4: {  	[tilespmem:s6], [sflag:$0x1] =	stream.linear.gather [spmem:s4], $0x80, $0x38;
	[tilespmem:$0xA200] =	vst v63  }
0xa5: {  	s3 =	simm.s32 $0x6180  }
0xa6: {  	[tilespmem:s3], [sflag:$0x1] =	stream.linear.gather [spmem:s2], $0x80, $0x38;
	[tilespmem:$0xA200] =	vst v63  }
0xa7: {  	_ =	swait.ge [sflag:s30], $0x280  }
0xa8: {  	[sflag:s30] =	ssyncset.done $0x0;
	s4 =	rddreg [dreg:$0x9]  }
0xa9: {  	s6 =	simm.s32 $0x5200;
	s2 =	sld [smem:$0x7E6];
	[sflag:s30] =	ssyncadd.s32 $0xFFFFFD80  }
0xaa: {  	[tilespmem:s6], [sflag:$0x1] =	stream.linear.gather [spmem:s4], $0x80, $0x38;
	[tilespmem:$0xA200] =	vst v63  }
0xab: {  	s3 =	simm.s32 $0x5600;
	s4 =	sld [smem:$0x7E7]  }
0xac: {  	[tilespmem:s3], [sflag:$0x1] =	stream.linear.gather [spmem:s2], $0x80, $0x38;
	[tilespmem:$0xA200] =	vst v63  }
0xad: {  	s6 =	simm.s32 $0x5A00;
	s2 =	sld [smem:$0x7E8]  }
0xae: {  	[tilespmem:s6], [sflag:$0x1] =	stream.linear.gather [spmem:s4], $0x80, $0x38;
	[tilespmem:$0xA200] =	vst v63  }
0xaf: {  	s3 =	simm.s32 $0x5E00;
	s4 =	sld [smem:$0x7E9]  }
0xb0: {  	[tilespmem:s3], [sflag:$0x1] =	stream.linear.gather [spmem:s2], $0x80, $0x38;
	[tilespmem:$0xA200] =	vst v63  }
0xb1: {  	s6 =	simm.s32 $0x6200  }
0xb2: {  	[tilespmem:s6], [sflag:$0x1] =	stream.linear.gather [spmem:s4], $0x80, $0x38;
	[tilespmem:$0xA200] =	vst v63  }
0xb3: {  	_ =	swait.ge [sflag:s30], $0x280  }
0xb4: {  	[sflag:s30] =	ssyncset.done $0x0;
	s2 =	rddreg [dreg:$0xa]  }
0xb5: {  	s3 =	simm.s32 $0x5280;
	s4 =	sld [smem:$0x7EA];
	[sflag:s30] =	ssyncadd.s32 $0xFFFFFD80  }
0xb6: {  	[tilespmem:s3], [sflag:$0x1] =	stream.linear.gather [spmem:s2], $0x80, $0x38;
	[tilespmem:$0xA200] =	vst v63  }
0xb7: {  	s6 =	simm.s32 $0x5680;
	s2 =	sld [smem:$0x7EB]  }
0xb8: {  	[tilespmem:s6], [sflag:$0x1] =	stream.linear.gather [spmem:s4], $0x80, $0x38;
	[tilespmem:$0xA200] =	vst v63  }
0xb9: {  	s3 =	simm.s32 $0x5A80;
	s4 =	sld [smem:$0x7EC]  }
0xba: {  	[tilespmem:s3], [sflag:$0x1] =	stream.linear.gather [spmem:s2], $0x80, $0x38;
	[tilespmem:$0xA200] =	vst v63  }
0xbb: {  	s6 =	simm.s32 $0x5E80;
	s2 =	sld [smem:$0x7ED]  }
0xbc: {  	[tilespmem:s6], [sflag:$0x1] =	stream.linear.gather [spmem:s4], $0x80, $0x38;
	[tilespmem:$0xA200] =	vst v63  }
0xbd: {  	s3 =	simm.s32 $0x6280  }
0xbe: {  	[tilespmem:s3], [sflag:$0x1] =	stream.linear.gather [spmem:s2], $0x80, $0x38;
	[tilespmem:$0xA200] =	vst v63  }
0xbf: {  	_ =	swait.ge [sflag:s30], $0x280  }
0xc0: {  	[sflag:s30] =	ssyncset.done $0x0;
	s4 =	rddreg [dreg:$0xb]  }
0xc1: {  	s6 =	simm.s32 $0x5300;
	s2 =	sld [smem:$0x7EE];
	[sflag:s30] =	ssyncadd.s32 $0xFFFFFD80  }
0xc2: {  	[tilespmem:s6], [sflag:$0x1] =	stream.linear.gather [spmem:s4], $0x80, $0x38;
	[tilespmem:$0xA200] =	vst v63  }
0xc3: {  	s3 =	simm.s32 $0x5700;
	s4 =	sld [smem:$0x7EF]  }
0xc4: {  	[tilespmem:s3], [sflag:$0x1] =	stream.linear.gather [spmem:s2], $0x80, $0x38;
	[tilespmem:$0xA200] =	vst v63  }
0xc5: {  	s6 =	simm.s32 $0x5B00;
	s2 =	sld [smem:$0x7F0]  }
0xc6: {  	[tilespmem:s6], [sflag:$0x1] =	stream.linear.gather [spmem:s4], $0x80, $0x38;
	[tilespmem:$0xA200] =	vst v63  }
0xc7: {  	s3 =	simm.s32 $0x5F00;
	s4 =	sld [smem:$0x7F1]  }
0xc8: {  	[tilespmem:s3], [sflag:$0x1] =	stream.linear.gather [spmem:s2], $0x80, $0x38;
	[tilespmem:$0xA200] =	vst v63  }
0xc9: {  	s6 =	simm.s32 $0x6300  }
0xca: {  	[tilespmem:s6], [sflag:$0x1] =	stream.linear.gather [spmem:s4], $0x80, $0x38;
	[tilespmem:$0xA200] =	vst v63  }
0xcb: {  	_ =	swait.ge [sflag:s30], $0x280  }
0xcc: {  	[sflag:s30] =	ssyncset.done $0x0;
	s2 =	rddreg [dreg:$0xc]  }
0xcd: {  	s3 =	simm.s32 $0x6380;
	s4 =	sld [smem:$0x7F2];
	[sflag:s30] =	ssyncadd.s32 $0xFFFFFD80  }
0xce: {  	[tilespmem:s3], [sflag:$0x1] =	stream.linear.gather [spmem:s2], $0x80, $0x38;
	[tilespmem:$0xA200] =	vst v63  }
0xcf: {  	s6 =	simm.s32 $0x6780;
	s2 =	sld [smem:$0x7F3]  }
0xd0: {  	[tilespmem:s6], [sflag:$0x1] =	stream.linear.gather [spmem:s4], $0x80, $0x38;
	[tilespmem:$0xA200] =	vst v63  }
0xd1: {  	s3 =	simm.s32 $0x6B80;
	s4 =	sld [smem:$0x7F4]  }
0xd2: {  	[tilespmem:s3], [sflag:$0x1] =	stream.linear.gather [spmem:s2], $0x80, $0x38;
	[tilespmem:$0xA200] =	vst v63  }
0xd3: {  	s6 =	simm.s32 $0x6F80;
	s2 =	sld [smem:$0x7F5]  }
0xd4: {  	[tilespmem:s6], [sflag:$0x1] =	stream.linear.gather [spmem:s4], $0x80, $0x38;
	[tilespmem:$0xA200] =	vst v63  }
0xd5: {  	s3 =	simm.s32 $0x7380  }
0xd6: {  	[tilespmem:s3], [sflag:$0x1] =	stream.linear.gather [spmem:s2], $0x80, $0x38;
	[tilespmem:$0xA200] =	vst v63  }
0xd7: {  	_ =	swait.ge [sflag:s30], $0x280  }
0xd8: {  	[sflag:s30] =	ssyncset.done $0x0;
	s4 =	rddreg [dreg:$0xd]  }
0xd9: {  	s6 =	simm.s32 $0x6400;
	s2 =	sld [smem:$0x7F6];
	[sflag:s30] =	ssyncadd.s32 $0xFFFFFD80  }
0xda: {  	[tilespmem:s6], [sflag:$0x1] =	stream.linear.gather [spmem:s4], $0x80, $0x38;
	[tilespmem:$0xA200] =	vst v63  }
0xdb: {  	s3 =	simm.s32 $0x6800;
	s4 =	sld [smem:$0x7F7]  }
0xdc: {  	[tilespmem:s3], [sflag:$0x1] =	stream.linear.gather [spmem:s2], $0x80, $0x38;
	[tilespmem:$0xA200] =	vst v63  }
0xdd: {  	s6 =	simm.s32 $0x6C00;
	s2 =	sld [smem:$0x7F8]  }
0xde: {  	[tilespmem:s6], [sflag:$0x1] =	stream.linear.gather [spmem:s4], $0x80, $0x38;
	[tilespmem:$0xA200] =	vst v63  }
0xdf: {  	s3 =	simm.s32 $0x7000;
	s4 =	sld [smem:$0x7F9]  }
0xe0: {  	[tilespmem:s3], [sflag:$0x1] =	stream.linear.gather [spmem:s2], $0x80, $0x38;
	[tilespmem:$0xA200] =	vst v63  }
0xe1: {  	s6 =	simm.s32 $0x7400  }
0xe2: {  	[tilespmem:s6], [sflag:$0x1] =	stream.linear.gather [spmem:s4], $0x80, $0x38;
	[tilespmem:$0xA200] =	vst v63  }
0xe3: {  	_ =	swait.ge [sflag:s30], $0x280  }
0xe4: {  	[sflag:s30] =	ssyncset.done $0x0;
	s2 =	rddreg [dreg:$0xe]  }
0xe5: {  	s3 =	simm.s32 $0x6480;
	s4 =	sld [smem:$0x7FA];
	[sflag:s30] =	ssyncadd.s32 $0xFFFFFD80  }
0xe6: {  	[tilespmem:s3], [sflag:$0x1] =	stream.linear.gather [spmem:s2], $0x80, $0x38;
	[tilespmem:$0xA200] =	vst v63  }
0xe7: {  	s6 =	simm.s32 $0x6880;
	s2 =	sld [smem:$0x7FB]  }
0xe8: {  	[tilespmem:s6], [sflag:$0x1] =	stream.linear.gather [spmem:s4], $0x80, $0x38;
	[tilespmem:$0xA200] =	vst v63  }
0xe9: {  	s3 =	simm.s32 $0x6C80;
	s4 =	sld [smem:$0x7FC]  }
0xea: {  	[tilespmem:s3], [sflag:$0x1] =	stream.linear.gather [spmem:s2], $0x80, $0x38;
	[tilespmem:$0xA200] =	vst v63  }
0xeb: {  	s6 =	simm.s32 $0x7080;
	s2 =	sld [smem:$0x7FD]  }
0xec: {  	[tilespmem:s6], [sflag:$0x1] =	stream.linear.gather [spmem:s4], $0x80, $0x38;
	[tilespmem:$0xA200] =	vst v63  }
0xed: {  	s3 =	simm.s32 $0x7480  }
0xee: {  	[tilespmem:s3], [sflag:$0x1] =	stream.linear.gather [spmem:s2], $0x80, $0x38;
	[tilespmem:$0xA200] =	vst v63  }
0xef: {  	_ =	swait.ge [sflag:s30], $0x280  }
0xf0: {  	[sflag:s30] =	ssyncset.done $0x0  }
0xf1: {  	s6 =	simm.s32 $0x6500;
	s4 =	rddreg [dreg:$0xf];
	[sflag:s30] =	ssyncadd.s32 $0xFFFFFD80  }
0xf2: {  	[tilespmem:s6], [sflag:$0x1] =	stream.linear.gather [spmem:s4], $0x80, $0x38;
	[tilespmem:$0xA200] =	vst v63  }
0xf3: {  	s2 =	simm.s32 $0x6900  }
0xf4: {  	[tilespmem:s2], [sflag:$0x1] =	stream.linear.gather [spmem:s7], $0x80, $0x38;
	[tilespmem:$0xA200] =	vst v63  }
0xf5: {  	s3 =	simm.s32 $0x6D00  }
0xf6: {  	[tilespmem:s3], [sflag:$0x1] =	stream.linear.gather [spmem:s8], $0x80, $0x38;
	[tilespmem:$0xA200] =	vst v63  }
0xf7: {  	s4 =	simm.s32 $0x7100  }
0xf8: {  	[tilespmem:s4], [sflag:$0x1] =	stream.linear.gather [spmem:s9], $0x80, $0x38;
	[tilespmem:$0xA200] =	vst v63  }
0xf9: {  	s6 =	simm.s32 $0x7500  }
0xfa: {  	[tilespmem:s6], [sflag:$0x1] =	stream.linear.gather [spmem:s10], $0x80, $0x38;
	[tilespmem:$0xA200] =	vst v63  }
0xfb: {  	_ =	swait.ge [sflag:s30], $0x280  }
0xfc: {  	[sflag:s30] =	ssyncset.done $0x0  }
0xfd: {  	s3 =	simm.s32 $0x6580;
	s2 =	rddreg [dreg:$0x10];
	[sflag:s30] =	ssyncadd.s32 $0xFFFFFD80  }
0xfe: {  	[tilespmem:s3], [sflag:$0x1] =	stream.linear.gather [spmem:s2], $0x80, $0x38;
	[tilespmem:$0xA200] =	vst v63  }
0xff: {  	s4 =	simm.s32 $0x6980  }
0x100: {  	[tilespmem:s4], [sflag:$0x1] =	stream.linear.gather [spmem:s11], $0x80, $0x38;
	[tilespmem:$0xA200] =	vst v63  }
0x101: {  	s6 =	simm.s32 $0x6D80  }
0x102: {  	[tilespmem:s6], [sflag:$0x1] =	stream.linear.gather [spmem:s12], $0x80, $0x38;
	[tilespmem:$0xA200] =	vst v63  }
0x103: {  	s2 =	simm.s32 $0x7180  }
0x104: {  	[tilespmem:s2], [sflag:$0x1] =	stream.linear.gather [spmem:s13], $0x80, $0x38;
	[tilespmem:$0xA200] =	vst v63  }
0x105: {  	s3 =	simm.s32 $0x7580  }
0x106: {  	[tilespmem:s3], [sflag:$0x1] =	stream.linear.gather [spmem:s14], $0x80, $0x38;
	[tilespmem:$0xA200] =	vst v63  }
0x107: {  	_ =	swait.ge [sflag:s30], $0x280  }
0x108: {  	[sflag:s30] =	ssyncset.done $0x0  }
0x109: {  	s6 =	simm.s32 $0x6600;
	s4 =	rddreg [dreg:$0x11];
	[sflag:s30] =	ssyncadd.s32 $0xFFFFFD80  }
0x10a: {  	[tilespmem:s6], [sflag:$0x1] =	stream.linear.gather [spmem:s4], $0x80, $0x38;
	[tilespmem:$0xA200] =	vst v63  }
0x10b: {  	s2 =	simm.s32 $0x6A00  }
0x10c: {  	[tilespmem:s2], [sflag:$0x1] =	stream.linear.gather [spmem:s15], $0x80, $0x38;
	[tilespmem:$0xA200] =	vst v63  }
0x10d: {  	s3 =	simm.s32 $0x6E00  }
0x10e: {  	[tilespmem:s3], [sflag:$0x1] =	stream.linear.gather [spmem:s16], $0x80, $0x38;
	[tilespmem:$0xA200] =	vst v63  }
0x10f: {  	s4 =	simm.s32 $0x7200  }
0x110: {  	[tilespmem:s4], [sflag:$0x1] =	stream.linear.gather [spmem:s17], $0x80, $0x38;
	[tilespmem:$0xA200] =	vst v63  }
0x111: {  	s6 =	simm.s32 $0x7600  }
0x112: {  	[tilespmem:s6], [sflag:$0x1] =	stream.linear.gather [spmem:s18], $0x80, $0x38;
	[tilespmem:$0xA200] =	vst v63  }
0x113: {  	_ =	swait.ge [sflag:s30], $0x280  }
0x114: {  	[sflag:s30] =	ssyncset.done $0x0  }
0x115: {  	s3 =	simm.s32 $0x6680;
	s2 =	rddreg [dreg:$0x12];
	[sflag:s30] =	ssyncadd.s32 $0xFFFFFD80  }
0x116: {  	[tilespmem:s3], [sflag:$0x1] =	stream.linear.gather [spmem:s2], $0x80, $0x38;
	[tilespmem:$0xA200] =	vst v63  }
0x117: {  	s4 =	simm.s32 $0x6A80  }
0x118: {  	[tilespmem:s4], [sflag:$0x1] =	stream.linear.gather [spmem:s19], $0x80, $0x38;
	[tilespmem:$0xA200] =	vst v63  }
0x119: {  	s6 =	simm.s32 $0x6E80  }
0x11a: {  	[tilespmem:s6], [sflag:$0x1] =	stream.linear.gather [spmem:s20], $0x80, $0x38;
	[tilespmem:$0xA200] =	vst v63  }
0x11b: {  	s2 =	simm.s32 $0x7280  }
0x11c: {  	[tilespmem:s2], [sflag:$0x1] =	stream.linear.gather [spmem:s21], $0x80, $0x38;
	[tilespmem:$0xA200] =	vst v63  }
0x11d: {  	s3 =	simm.s32 $0x7680  }
0x11e: {  	[tilespmem:s3], [sflag:$0x1] =	stream.linear.gather [spmem:s22], $0x80, $0x38;
	[tilespmem:$0xA200] =	vst v63  }
0x11f: {  	_ =	swait.ge [sflag:s30], $0x280  }
0x120: {  	[sflag:s30] =	ssyncset.done $0x0  }
0x121: {  	s6 =	simm.s32 $0x6700;
	s4 =	rddreg [dreg:$0x13];
	[sflag:s30] =	ssyncadd.s32 $0xFFFFFD80  }
0x122: {  	[tilespmem:s6], [sflag:$0x1] =	stream.linear.gather [spmem:s4], $0x80, $0x38;
	[tilespmem:$0xA200] =	vst v63  }
0x123: {  	s3 =	simm.s32 $0x6B00  }
0x124: {  	[tilespmem:s3], [sflag:$0x1] =	stream.linear.gather [spmem:s23], $0x80, $0x38;
	[tilespmem:$0xA200] =	vst v63  }
0x125: {  	s4 =	simm.s32 $0x6F00  }
0x126: {  	[tilespmem:s4], [sflag:$0x1] =	stream.linear.gather [spmem:s24], $0x80, $0x38;
	[tilespmem:$0xA200] =	vst v63  }
0x127: {  	s6 =	simm.s32 $0x7300  }
0x128: {  	[tilespmem:s6], [sflag:$0x1] =	stream.linear.gather [spmem:s25], $0x80, $0x38;
	[tilespmem:$0xA200] =	vst v63  }
0x129: {  	s2 =	simm.s32 $0x7700  }
0x12a: {  	[tilespmem:s2], [sflag:$0x1] =	stream.linear.gather [spmem:s26], $0x80, $0x38;
	[tilespmem:$0xA200] =	vst v63  }
0x12b: {  	s3 =	simm.s32 $0x0;
	_ =	swait.ge [sflag:s30], $0x280  }
0x12c: {  	s0 =	sand.u32 $0x1C00, s3;
	s4 =	sand.u32 $0x70, s3;
	[sflag:s30] =	ssyncset.done $0x0  }
0x12d: {  	s0 =	sor.u32 s4, s0;
	[sflag:s30] =	ssyncadd.s32 $0xFFFFFD80  }
0x12e: {  	v2 =	vld [tilespmem:s0+$0x5000]  }
0x12f: {  	v3 =	vld [tilespmem:s0+$0x4F80];
	_ =	sdelay $0x1  }
0x130: {  	v4 =	vld [tilespmem:s0+$0x5080];
	_ =	sdelay $0x1  }
0x131: {  	v5 =	vld [tilespmem:s0+$0x5100]  }
0x132: {  	v2 =	vadd.f32 v2, v3  }
0x133: {  	v3 =	vld [tilespmem:s0+$0x5180]  }
0x134: {  	v2 =	vadd.f32 v4, v2  }
0x135: {  	v56 =	vld [tilespmem:s0+$0x5200]  }
0x136: {  	v2 =	vadd.f32 v5, v2  }
0x137: {  	v57 =	vld [tilespmem:s0+$0x5280]  }
0x138: {  	v2 =	vadd.f32 v3, v2  }
0x139: {  	v3 =	vld [tilespmem:s0+$0x5300]  }
0x13a: {  	v2 =	vadd.f32 v56, v2  }
0x13b: {  	v58 =	vld [tilespmem:s0+$0x6380]  }
0x13c: {  	v2 =	vadd.f32 v57, v2  }
0x13d: {  	v59 =	vld [tilespmem:s0+$0x6400]  }
0x13e: {  	v2 =	vadd.f32 v3, v2  }
0x13f: {  	v3 =	vld [tilespmem:s0+$0x6480]  }
0x140: {  	v2 =	vadd.f32 v58, v2  }
0x141: {  	v60 =	vld [tilespmem:s0+$0x6500]  }
0x142: {  	v2 =	vadd.f32 v59, v2  }
0x143: {  	v61 =	vld [tilespmem:s0+$0x6580]  }
0x144: {  	v2 =	vadd.f32 v3, v2  }
0x145: {  	v3 =	vld [tilespmem:s0+$0x6600]  }
0x146: {  	v2 =	vadd.f32 v60, v2  }
0x147: {  	v62 =	vld [tilespmem:s0+$0x6680]  }
0x148: {  	v2 =	vadd.f32 v61, v2  }
0x149: {  	v63 =	vld [tilespmem:s0+$0x6700]  }
0x14a: {  	v2 =	vadd.f32 v3, v2;
	_ =	sdelay $0x1  }
0x14b: {  	v2 =	vadd.f32 v62, v2;
	_ =	sdelay $0x1  }
0x14c: {  	s3 =	simm.s32 $0x80;
	s6 =	simm.s32 $0x10;
	v2 =	vadd.f32 v63, v2  }
0x14d: {  	s4 =	sand.u32 $0x1C00, s3;
	s2 =	sand.u32 $0x70, s6;
	s0 =	simm.s32 $0x7780  }
0x14e: {  	s2 =	sor.u32 s2, s4;
	s4 =	simm.s32 $0x20;
	[tilespmem:s0+$0x0] =	vst v2  }
.LBB2_6:
0x14f: {  	p0 =	sne.s32 s4, $0x270;
	v2 =	vld [tilespmem:s2+$0x5000]  }
0x150: {  	v3 =	vld [tilespmem:s2+$0x4F80];
	_ =	sdelay $0x1  }
0x151: {  	v4 =	vld [tilespmem:s2+$0x5080];
	_ =	sdelay $0x1  }
0x152: {  	v5 =	vld [tilespmem:s2+$0x5100]  }
0x153: {  	v2 =	vadd.f32 v2, v3  }
0x154: {  	v3 =	vld [tilespmem:s2+$0x5180]  }
0x155: {  	v2 =	vadd.f32 v4, v2  }
0x156: {  	v4 =	vld [tilespmem:s2+$0x5200]  }
0x157: {  	v2 =	vadd.f32 v5, v2  }
0x158: {  	v5 =	vld [tilespmem:s2+$0x5280]  }
0x159: {  	v2 =	vadd.f32 v3, v2  }
0x15a: {  	v3 =	vld [tilespmem:s2+$0x5300]  }
0x15b: {  	v2 =	vadd.f32 v4, v2  }
0x15c: {  	v4 =	vld [tilespmem:s2+$0x6380]  }
0x15d: {  	v2 =	vadd.f32 v5, v2  }
0x15e: {  	v5 =	vld [tilespmem:s2+$0x6400]  }
0x15f: {  	v2 =	vadd.f32 v3, v2  }
0x160: {  	v3 =	vld [tilespmem:s2+$0x6480]  }
0x161: {  	v2 =	vadd.f32 v4, v2  }
0x162: {  	v4 =	vld [tilespmem:s2+$0x6500]  }
0x163: {  	v2 =	vadd.f32 v5, v2  }
0x164: {  	v5 =	vld [tilespmem:s2+$0x6580]  }
0x165: {  	v2 =	vadd.f32 v3, v2  }
0x166: {  	v3 =	vld [tilespmem:s2+$0x6600]  }
0x167: {  	v2 =	vadd.f32 v4, v2  }
0x168: {  	v4 =	vld [tilespmem:s2+$0x6680]  }
0x169: {  	v2 =	vadd.f32 v5, v2  }
0x16a: {  	v5 =	vld [tilespmem:s2+$0x6700]  }
0x16b: {  	v2 =	vadd.f32 v3, v2;
	_ =	sdelay $0x1  }
.Ltmp2:
0x16c: {  	v2 =	vadd.f32 v4, v2;
	(pc) =	sbr.rel @p0 .LBB2_6-.Ltmp2, $4  }
0x16d: {  	_ = 	snop  }
0x16e: {  	s3 =	sadd.s32 $0x80, s3;
	v2 =	vadd.f32 v5, v2  }
0x16f: {  	s0 =	sadd.s32 $0x10, s0;
	s6 =	sand.u32 $0x1C00, s3;
	s2 =	sand.u32 $0x70, s4  }
0x170: {  	s4 =	sadd.s32 $0x10, s4;
	s2 =	sor.u32 s2, s6;
	[tilespmem:s0+$0x0] =	vst v2  }
0x171: {  	v2 =	vld [tilespmem:s2+$0x5000]  }
0x172: {  	v3 =	vld [tilespmem:s2+$0x4F80];
	_ =	sdelay $0x1  }
0x173: {  	v4 =	vld [tilespmem:s2+$0x5080];
	_ =	sdelay $0x1  }
0x174: {  	v5 =	vld [tilespmem:s2+$0x5100]  }
0x175: {  	v2 =	vadd.f32 v2, v3  }
0x176: {  	v3 =	vld [tilespmem:s2+$0x5180]  }
0x177: {  	v2 =	vadd.f32 v4, v2  }
0x178: {  	v56 =	vld [tilespmem:s2+$0x5200]  }
0x179: {  	v2 =	vadd.f32 v5, v2  }
0x17a: {  	v57 =	vld [tilespmem:s2+$0x5280]  }
0x17b: {  	v2 =	vadd.f32 v3, v2  }
0x17c: {  	v3 =	vld [tilespmem:s2+$0x5300]  }
0x17d: {  	v2 =	vadd.f32 v56, v2  }
0x17e: {  	v58 =	vld [tilespmem:s2+$0x6380]  }
0x17f: {  	v2 =	vadd.f32 v57, v2  }
0x180: {  	v59 =	vld [tilespmem:s2+$0x6400]  }
0x181: {  	v2 =	vadd.f32 v3, v2  }
0x182: {  	v3 =	vld [tilespmem:s2+$0x6480]  }
0x183: {  	v2 =	vadd.f32 v58, v2  }
0x184: {  	v60 =	vld [tilespmem:s2+$0x6500]  }
0x185: {  	v2 =	vadd.f32 v59, v2  }
0x186: {  	v61 =	vld [tilespmem:s2+$0x6580]  }
0x187: {  	v2 =	vadd.f32 v3, v2  }
0x188: {  	v3 =	vld [tilespmem:s2+$0x6600]  }
0x189: {  	v2 =	vadd.f32 v60, v2  }
0x18a: {  	v62 =	vld [tilespmem:s2+$0x6680]  }
0x18b: {  	v2 =	vadd.f32 v61, v2  }
0x18c: {  	v63 =	vld [tilespmem:s2+$0x6700]  }
0x18d: {  	v2 =	vadd.f32 v3, v2;
	_ =	sdelay $0x1  }
0x18e: {  	v2 =	vadd.f32 v62, v2;
	_ =	sdelay $0x1  }
0x18f: {  	v2 =	vadd.f32 v63, v2  }
0x190: {  	s0 =	sadd.s32 $0x10, s0  }
0x191: {  	s4 =	simm.s32 $0x100;
	s3 =	simm.s32 $0x7780;
	s2 =	rddreg [dreg:$0x14];
	[tilespmem:s0+$0x0] =	vst v2  }
0x192: {  	[hbm4b:s2+s28] =	stream.strided.scatter [tilespmem:s3], [sflag:$0x1], $0x280, s4, s28, $0x38;
	[tilespmem:$0xA200] =	vst v63  }
0x193: {  	_ =	swait.ge [sflag:s30], $0x280  }
0x194: {  	s1 =	sadd.s32 $0x1, s1;
	s6 =	rddreg [dreg:$0x15]  }
0x195: {  	p0 =	sne.s32 s1, s6  }
.Ltmp3:
0x196: {  	_ = 	snop;
	(pc) =	sbr.rel @p0 .LBB2_1-.Ltmp3, $3  }
0x197: {  	_ =	sdelay $0x1  }
0x198: {  	[sflag:s30] =	ssyncset.done $0x0  }
0x199: {  	[sflag:s30] =	ssyncadd.s32 $0xFFFFFD80  }
0x19a: {  	_ =	sfence.sel $0x180000  }
0x19b: {  	[bflag:$0x0] =	sbarrier.arrive $0xFFFF  }
0x19c: {  	_ =	strace $0x90000047  }
0x19d: {  	s0 =	stileid.u32;
	[bflag:$0x2] =	sbarrier.arrive $0xFFFF  }
0x19e: {  	p0 =	sne.s32 s0, $0x0;
	s0 =	rddreg [dreg:$0x2]  }
0x19f: {  	s0 =	sadd.s32 @!p0 $0x100000, s0  }
0x1a0: {  	[sflag:s0] =	ssyncadd.tile.s32 @!p0 $0x1;
	_ =	shalt  }
.Lfunc_end2:
_tile_overlayer_lowered:
.L_overlay_start_2:
0x1a1: {  	(tag) =	ssettag $0x2  }
0x1a2: {  	s0 =	rddreg [dreg:$0x0];
	s2 =	stileid.u32  }
0x1a3: {  	s1 =	rddreg [dreg:$0x1];
	p0 =	sne.s32 s2, $0x0  }
0x1a4: {  	s3 =	rddreg [dreg:$0x2];
	[bflag:$0x3] =	sbarrier.arrive $0xFFFF;
	s2 =	simm.s32 @!p0 $0x1C01  }
0x1a5: {  	[timem:s3], [sflag:s2] =	dma.local @!p0 [hbm:s0], s1  }
0x1a6: {  	s0 =	simm.s32 @!p0 $0x1  }
0x1a7: {  	_ =	swait.ge @!p0 [sflag:s0], s1  }
0x1a8: {  	s1 =	ssub.s32 @!p0 $0x0, s1;
	[sflag:s0] =	ssyncset.done @!p0 $0x0  }
0x1a9: {  	[sflag:s0] =	ssyncadd.s32 @!p0 s1  }
0x1aa: {  	[bflag:$0x3] =	sbarrier.arrive $0xFFFF  }
0x1ab: {  	_ =	shalt  }

</sc_bundles>
